<compile_context>
chip_gen: v7x
topology: tpu7x:2x2x1
jax: 0.10.2.dev20260603
libtpu: 0.0.44.dev20260713+nightly
codegen_flags: <defaults>
</compile_context>

<pallas_src>
import functools

import jax
import jax.numpy as jnp
from jax import lax
from jax.experimental import pallas as pl
from jax.experimental.pallas import tpu as pltpu
from jax.experimental.pallas import tpu_sc as plsc

_VOCAB = 100000
_EMBED_DIM = 300
_BATCH = 1024
_CTX = 20
_MAX_NORM = 1.0


def _sc_gather(table, idx_flat):
    info = plsc.get_sparse_core_info()
    nw = info.num_cores * info.num_subcores
    r_total = idx_flat.shape[0]
    b_per_w = r_total // nw
    rpc = 128
    n_chunks = b_per_w // rpc

    mesh = plsc.VectorSubcoreMesh(core_axis_name="c", subcore_axis_name="s")

    @functools.partial(
        pl.kernel,
        mesh=mesh,
        out_type=jax.ShapeDtypeStruct((r_total, 384), jnp.float32),
        scratch_types=[
            pltpu.VMEM((b_per_w,), jnp.int32),
            pltpu.VMEM((2, rpc, 256), jnp.float32),
            pltpu.VMEM((2, rpc, 128), jnp.float32),
            pltpu.SemaphoreType.DMA,
            pltpu.SemaphoreType.DMA,
        ],
    )
    def k(table_hbm, idx_hbm, out_hbm, idx_v, mbuf, tbuf,
          sem_a, sem_b):
        wid = lax.axis_index("s") * info.num_cores + lax.axis_index("c")
        base = wid * b_per_w
        pltpu.sync_copy(idx_hbm.at[pl.ds(base, b_per_w)], idx_v)
        sems = (sem_a, sem_b)

        tail_off = pl.multiple_of(wid * 0 + 256, 128)

        def fire(c):
            s = c % 2
            idx_c = idx_v.at[pl.ds(c * rpc, rpc)]
            return (
                pltpu.async_copy(
                    table_hbm.at[idx_c, pl.ds(0, 256)], mbuf.at[s], sems[s]
                ),
                pltpu.async_copy(
                    table_hbm.at[idx_c, pl.ds(tail_off, 128)],
                    tbuf.at[s],
                    sems[s],
                ),
            )

        pending = fire(0)
        for c in range(n_chunks):
            nxt = fire(c + 1) if c + 1 < n_chunks else None
            for cp in pending:
                cp.wait()
            s = c % 2
            dst = base + c * rpc
            pltpu.sync_copy(mbuf.at[s], out_hbm.at[pl.ds(dst, rpc),
                                                   pl.ds(0, 256)])
            pltpu.sync_copy(tbuf.at[s], out_hbm.at[pl.ds(dst, rpc),
                                                   pl.ds(256, 128)])
            pending = nxt

    return k(table, idx_flat)


def _pool_body(g_ref, x_ref):
    p0 = g_ref[:, :, 0:256]
    p1 = g_ref[:, :, 256:300]
    ss = jnp.sum(p0 * p0, axis=-1, keepdims=True) + jnp.sum(
        p1 * p1, axis=-1, keepdims=True
    )
    norm = jnp.sqrt(ss)
    scale = jnp.where(norm > _MAX_NORM, _MAX_NORM / (norm + 1e-7), 1.0)
    x_ref[...] = jnp.concatenate(
        [jnp.mean(p0 * scale, axis=1), jnp.mean(p1 * scale, axis=1)],
        axis=-1,
    )


def _tc_pool(pieces):
    blk = 128
    grid = (_BATCH // blk,)
    return pl.pallas_call(
        _pool_body,
        grid=grid,
        in_specs=[pl.BlockSpec((blk, _CTX, 384), lambda i: (i, 0, 0))],
        out_specs=pl.BlockSpec((blk, _EMBED_DIM), lambda i: (i, 0)),
        out_shape=jax.ShapeDtypeStruct((_BATCH, _EMBED_DIM), jnp.float32),
    )(pieces)


def _mm_body(x_ref, w_ref, b_ref, o_ref):
    o_ref[...] = (
        lax.dot_general(
            x_ref[...].astype(jnp.bfloat16),
            w_ref[...].astype(jnp.bfloat16),
            (((1,), (1,)), ((), ())),
            preferred_element_type=jnp.float32,
        )
        + b_ref[...]
    )


def _tc_matmul(x, w, b):
    nt = 4096
    grid = (pl.cdiv(_VOCAB, nt),)
    b2 = b.reshape(1, _VOCAB)
    return pl.pallas_call(
        _mm_body,
        grid=grid,
        in_specs=[
            pl.BlockSpec((_BATCH, _EMBED_DIM), lambda i: (0, 0)),
            pl.BlockSpec((nt, _EMBED_DIM), lambda i: (i, 0)),
            pl.BlockSpec((1, nt), lambda i: (0, i)),
        ],
        out_specs=pl.BlockSpec((_BATCH, nt), lambda i: (0, i)),
        out_shape=jax.ShapeDtypeStruct((_BATCH, _VOCAB), jnp.float32),
        compiler_params=pltpu.CompilerParams(
            vmem_limit_bytes=100 * 1024 * 1024
        ),
    )(x, w, b2)


def kernel(inputs_, emb_table, W, b):
    idx_flat = inputs_.reshape(-1).astype(jnp.int32)
    pieces = _sc_gather(emb_table, idx_flat)
    x = _tc_pool(pieces.reshape(_BATCH, _CTX, 384))
    return _tc_matmul(x, W, b)

# --- scband reference (transcript-rebuilt; emitter-appended) ---
"""Pipeline reference for scband-cbow-model-26207890440448 (READ-ONLY COPY).

The authoritative reference and input builder live on the scoring server;
editing this copy changes nothing except your own understanding.
"""

import jax, jax.numpy as jnp
import numpy as np

VOCAB = 100000
EMBED_DIM = 300
BATCH = 1024
CTX = 20
MAX_NORM = 1.0

def setup_inputs(seed: int = 0) -> dict:
    key = jax.random.key(seed)
    k1, k2, k3 = jax.random.split(key, 3)
    inputs_ = jax.random.randint(k1, (BATCH, CTX), 0, VOCAB, dtype=jnp.int64) if jax.config.jax_enable_x64 else jax.random.randint(k1, (BATCH, CTX), 0, VOCAB, dtype=jnp.int32)
    emb_table = jax.random.normal(k2, (VOCAB, EMBED_DIM), dtype=jnp.float32) * 0.05
    W = jax.random.normal(k3, (VOCAB, EMBED_DIM), dtype=jnp.float32) * (1.0 / np.sqrt(EMBED_DIM))
    b = jnp.zeros((VOCAB,), dtype=jnp.float32)
    return {"inputs_": inputs_, "emb_table": emb_table, "W": W, "b": b}

def reference(inputs_, emb_table, W, b):
    # nn.Embedding with max_norm=1: rows are renormalized at lookup time
    # if their L2 norm exceeds max_norm (PyTorch renorm semantics).
    emb = jnp.take(emb_table, inputs_, axis=0)  # [B, CTX, D]
    norms = jnp.linalg.norm(emb, axis=-1, keepdims=True)
    scale = jnp.where(norms > MAX_NORM, MAX_NORM / (norms + 1e-7), 1.0)
    emb = emb * scale
    x = emb.mean(axis=1)          # [B, D]
    logits = x @ W.T + b          # [B, VOCAB]
    return logits

if __name__ == "__main__":
    import jax
    _d = setup_inputs()
    print(jax.jit(kernel)(*tuple(_d.values())))

</pallas_src>

<mosaic_0001>
#map = affine_map<(d0, d1) -> (0, 0)>
#map1 = affine_map<(d0, d1) -> (0)>
module attributes {stable_mosaic.version = 14 : i64} {
  func.func @k(%arg0: i32, %arg1: i32, %arg2: memref<100000x300xf32, #tpu.memory_space<hbm>>, %arg3: memref<20480xi32, #tpu.memory_space<hbm>>, %arg4: memref<20480x384xf32, #tpu.memory_space<hbm>>, %arg5: memref<640xi32, #tpu.memory_space<vmem>>, %arg6: memref<2x128x256xf32, #tpu.memory_space<vmem>>, %arg7: memref<2x128x128xf32, #tpu.memory_space<vmem>>, %arg8: memref<!tpu.dma_semaphore, #tpu.memory_space<semaphore_mem>>, %arg9: memref<!tpu.dma_semaphore, #tpu.memory_space<semaphore_mem>>) attributes {dimension_semantics = [#tpu.dimension_semantics<core_parallel>, #tpu.dimension_semantics<subcore_parallel>], iteration_bounds = array<i64: 2, 16>, scalar_prefetch = 0 : i64, scratch_operands = 5 : i64, tpu.core_type = #tpu.core_type<sc_vector_subcore>, window_params = [{transform_indices = #map}, {transform_indices = #map1}, {transform_indices = #map}]} {
    %mul3A = arith.constant 2 : i32
    %mul3A_0 = arith.muli %arg1, %mul3A : i32
    %add3A = arith.addi %mul3A_0, %arg0 : i32
    %mul3A_1 = arith.constant 640 : i32
    %mul3A_2 = arith.muli %add3A, %mul3A_1 : i32
    "tpu.region"() ({
      %run_scoped3A_214 = tpu.sem_alloc : memref<!tpu.dma_semaphore, #tpu.memory_space<semaphore_mem>>
      %dma_start3A_215 = tpu.memref_slice %arg3[%mul3A_2] : memref<20480xi32, #tpu.memory_space<hbm>> -> memref<640xi32, #tpu.memory_space<hbm>>
      %dma_start3A_216 = tpu.memref_slice %arg3[%mul3A_2] : memref<20480xi32, #tpu.memory_space<hbm>> -> memref<640xi32, #tpu.memory_space<hbm>>
      tpu.enqueue_dma source(%dma_start3A_216 : memref<640xi32, #tpu.memory_space<hbm>>) target(%arg5 : memref<640xi32, #tpu.memory_space<vmem>>) target_semaphore(%run_scoped3A_214 : memref<!tpu.dma_semaphore, #tpu.memory_space<semaphore_mem>>)
      %dma_wait3A_217 = tpu.memref_slice %arg3[%mul3A_2] : memref<20480xi32, #tpu.memory_space<hbm>> -> memref<640xi32, #tpu.memory_space<hbm>>
      %dma_wait3A_218 = tpu.memref_slice %arg3[%mul3A_2] : memref<20480xi32, #tpu.memory_space<hbm>> -> memref<640xi32, #tpu.memory_space<hbm>>
      tpu.wait_dma2 semaphore(%run_scoped3A_214 : memref<!tpu.dma_semaphore, #tpu.memory_space<semaphore_mem>>) src(%dma_wait3A_218 : memref<640xi32, #tpu.memory_space<hbm>>) dst(%arg5 : memref<640xi32, #tpu.memory_space<vmem>>)
      tpu.yield
    }) : () -> ()
    %mul3A_3 = arith.constant 0 : i32
    %mul3A_4 = arith.muli %add3A, %mul3A_3 : i32
    %add3A_5 = arith.constant 256 : i32
    %add3A_6 = arith.addi %mul3A_4, %add3A_5 : i32
    %multiple_of3A = tpu.assume_multiple %add3A_6, 128 : i32
    %dma_start3A = arith.constant 0 : i32
    %dma_start3A_7 = arith.constant 0 : i32
    %dma_start3A_8 = arith.constant 0 : i32
    %dma_start3A_9 = tpu.memref_slice %arg6[%dma_start3A, %dma_start3A_7, %dma_start3A_8] : memref<2x128x256xf32, #tpu.memory_space<vmem>> -> memref<1x128x256xf32, #tpu.memory_space<vmem>>
    %dma_start3A_10 = tpu.memref_squeeze %dma_start3A_9 : memref<1x128x256xf32, #tpu.memory_space<vmem>> -> memref<128x256xf32, #tpu.memory_space<vmem>>
    %dma_start3A_11 = arith.constant 0 : i32
    %dma_start3A_12 = tpu.memref_slice %arg5[%dma_start3A_11] : memref<640xi32, #tpu.memory_space<vmem>> -> memref<128xi32, #tpu.memory_space<vmem>>
    %dma_start3A_13 = arith.constant 0 : i32
    %dma_start3A_14 = arith.constant 0 : i32
    %dma_start3A_15 = tpu.memref_slice %arg2[%dma_start3A_13, %dma_start3A_14] : memref<100000x300xf32, #tpu.memory_space<hbm>> -> memref<100000x256xf32, #tpu.memory_space<hbm>>
    tpu.enqueue_indirect_dma source(%dma_start3A_15 : memref<100000x256xf32, #tpu.memory_space<hbm>>) target(%dma_start3A_10 : memref<128x256xf32, #tpu.memory_space<vmem>>) offsets(%dma_start3A_12 : memref<128xi32, #tpu.memory_space<vmem>>) semaphore(%arg8 : memref<!tpu.dma_semaphore, #tpu.memory_space<semaphore_mem>>)
    %dma_start3A_16 = arith.constant 0 : i32
    %dma_start3A_17 = arith.constant 0 : i32
    %dma_start3A_18 = arith.constant 0 : i32
    %dma_start3A_19 = tpu.memref_slice %arg7[%dma_start3A_16, %dma_start3A_17, %dma_start3A_18] : memref<2x128x128xf32, #tpu.memory_space<vmem>> -> memref<1x128x128xf32, #tpu.memory_space<vmem>>
    %dma_start3A_20 = tpu.memref_squeeze %dma_start3A_19 : memref<1x128x128xf32, #tpu.memory_space<vmem>> -> memref<128x128xf32, #tpu.memory_space<vmem>>
    %dma_start3A_21 = arith.constant 0 : i32
    %dma_start3A_22 = tpu.memref_slice %arg5[%dma_start3A_21] : memref<640xi32, #tpu.memory_space<vmem>> -> memref<128xi32, #tpu.memory_space<vmem>>
    %dma_start3A_23 = arith.constant 0 : i32
    %dma_start3A_24 = tpu.memref_slice %arg2[%dma_start3A_23, %multiple_of3A] : memref<100000x300xf32, #tpu.memory_space<hbm>> -> memref<100000x128xf32, #tpu.memory_space<hbm>>
    tpu.enqueue_indirect_dma source(%dma_start3A_24 : memref<100000x128xf32, #tpu.memory_space<hbm>>) target(%dma_start3A_20 : memref<128x128xf32, #tpu.memory_space<vmem>>) offsets(%dma_start3A_22 : memref<128xi32, #tpu.memory_space<vmem>>) semaphore(%arg8 : memref<!tpu.dma_semaphore, #tpu.memory_space<semaphore_mem>>)
    %dma_start3A_25 = arith.constant 1 : i32
    %dma_start3A_26 = arith.constant 0 : i32
    %dma_start3A_27 = arith.constant 0 : i32
    %dma_start3A_28 = tpu.memref_slice %arg6[%dma_start3A_25, %dma_start3A_26, %dma_start3A_27] : memref<2x128x256xf32, #tpu.memory_space<vmem>> -> memref<1x128x256xf32, #tpu.memory_space<vmem>>
    %dma_start3A_29 = tpu.memref_squeeze %dma_start3A_28 : memref<1x128x256xf32, #tpu.memory_space<vmem>> -> memref<128x256xf32, #tpu.memory_space<vmem>>
    %dma_start3A_30 = arith.constant 128 : i32
    %dma_start3A_31 = tpu.memref_slice %arg5[%dma_start3A_30] : memref<640xi32, #tpu.memory_space<vmem>> -> memref<128xi32, #tpu.memory_space<vmem>>
    %dma_start3A_32 = arith.constant 0 : i32
    %dma_start3A_33 = arith.constant 0 : i32
    %dma_start3A_34 = tpu.memref_slice %arg2[%dma_start3A_32, %dma_start3A_33] : memref<100000x300xf32, #tpu.memory_space<hbm>> -> memref<100000x256xf32, #tpu.memory_space<hbm>>
    tpu.enqueue_indirect_dma source(%dma_start3A_34 : memref<100000x256xf32, #tpu.memory_space<hbm>>) target(%dma_start3A_29 : memref<128x256xf32, #tpu.memory_space<vmem>>) offsets(%dma_start3A_31 : memref<128xi32, #tpu.memory_space<vmem>>) semaphore(%arg9 : memref<!tpu.dma_semaphore, #tpu.memory_space<semaphore_mem>>)
    %dma_start3A_35 = arith.constant 1 : i32
    %dma_start3A_36 = arith.constant 0 : i32
    %dma_start3A_37 = arith.constant 0 : i32
    %dma_start3A_38 = tpu.memref_slice %arg7[%dma_start3A_35, %dma_start3A_36, %dma_start3A_37] : memref<2x128x128xf32, #tpu.memory_space<vmem>> -> memref<1x128x128xf32, #tpu.memory_space<vmem>>
    %dma_start3A_39 = tpu.memref_squeeze %dma_start3A_38 : memref<1x128x128xf32, #tpu.memory_space<vmem>> -> memref<128x128xf32, #tpu.memory_space<vmem>>
    %dma_start3A_40 = arith.constant 128 : i32
    %dma_start3A_41 = tpu.memref_slice %arg5[%dma_start3A_40] : memref<640xi32, #tpu.memory_space<vmem>> -> memref<128xi32, #tpu.memory_space<vmem>>
    %dma_start3A_42 = arith.constant 0 : i32
    %dma_start3A_43 = tpu.memref_slice %arg2[%dma_start3A_42, %multiple_of3A] : memref<100000x300xf32, #tpu.memory_space<hbm>> -> memref<100000x128xf32, #tpu.memory_space<hbm>>
    tpu.enqueue_indirect_dma source(%dma_start3A_43 : memref<100000x128xf32, #tpu.memory_space<hbm>>) target(%dma_start3A_39 : memref<128x128xf32, #tpu.memory_space<vmem>>) offsets(%dma_start3A_41 : memref<128xi32, #tpu.memory_space<vmem>>) semaphore(%arg9 : memref<!tpu.dma_semaphore, #tpu.memory_space<semaphore_mem>>)
    %dma_wait3A = arith.constant 0 : i32
    %dma_wait3A_44 = arith.constant 0 : i32
    %dma_wait3A_45 = arith.constant 0 : i32
    %dma_wait3A_46 = tpu.memref_slice %arg6[%dma_wait3A, %dma_wait3A_44, %dma_wait3A_45] : memref<2x128x256xf32, #tpu.memory_space<vmem>> -> memref<1x128x256xf32, #tpu.memory_space<vmem>>
    %dma_wait3A_47 = tpu.memref_squeeze %dma_wait3A_46 : memref<1x128x256xf32, #tpu.memory_space<vmem>> -> memref<128x256xf32, #tpu.memory_space<vmem>>
    %dma_wait3A_48 = arith.constant 0 : i32
    %dma_wait3A_49 = tpu.memref_slice %arg5[%dma_wait3A_48] : memref<640xi32, #tpu.memory_space<vmem>> -> memref<128xi32, #tpu.memory_space<vmem>>
    %dma_wait3A_50 = arith.constant 0 : i32
    %dma_wait3A_51 = arith.constant 0 : i32
    %dma_wait3A_52 = tpu.memref_slice %arg2[%dma_wait3A_50, %dma_wait3A_51] : memref<100000x300xf32, #tpu.memory_space<hbm>> -> memref<100000x256xf32, #tpu.memory_space<hbm>>
    tpu.wait_indirect_dma semaphore(%arg8 : memref<!tpu.dma_semaphore, #tpu.memory_space<semaphore_mem>>) src(%dma_wait3A_52 : memref<100000x256xf32, #tpu.memory_space<hbm>>) dst(%dma_wait3A_47 : memref<128x256xf32, #tpu.memory_space<vmem>>)
    %dma_wait3A_53 = arith.constant 0 : i32
    %dma_wait3A_54 = arith.constant 0 : i32
    %dma_wait3A_55 = arith.constant 0 : i32
    %dma_wait3A_56 = tpu.memref_slice %arg7[%dma_wait3A_53, %dma_wait3A_54, %dma_wait3A_55] : memref<2x128x128xf32, #tpu.memory_space<vmem>> -> memref<1x128x128xf32, #tpu.memory_space<vmem>>
    %dma_wait3A_57 = tpu.memref_squeeze %dma_wait3A_56 : memref<1x128x128xf32, #tpu.memory_space<vmem>> -> memref<128x128xf32, #tpu.memory_space<vmem>>
    %dma_wait3A_58 = arith.constant 0 : i32
    %dma_wait3A_59 = tpu.memref_slice %arg5[%dma_wait3A_58] : memref<640xi32, #tpu.memory_space<vmem>> -> memref<128xi32, #tpu.memory_space<vmem>>
    %dma_wait3A_60 = arith.constant 0 : i32
    %dma_wait3A_61 = tpu.memref_slice %arg2[%dma_wait3A_60, %multiple_of3A] : memref<100000x300xf32, #tpu.memory_space<hbm>> -> memref<100000x128xf32, #tpu.memory_space<hbm>>
    tpu.wait_indirect_dma semaphore(%arg8 : memref<!tpu.dma_semaphore, #tpu.memory_space<semaphore_mem>>) src(%dma_wait3A_61 : memref<100000x128xf32, #tpu.memory_space<hbm>>) dst(%dma_wait3A_57 : memref<128x128xf32, #tpu.memory_space<vmem>>)
    %add3A_62 = arith.constant 0 : i32
    %add3A_63 = arith.addi %mul3A_2, %add3A_62 : i32
    %run_scoped3A = arith.constant 0 : i32
    "tpu.region"() ({
      %run_scoped3A_214 = tpu.sem_alloc : memref<!tpu.dma_semaphore, #tpu.memory_space<semaphore_mem>>
      %dma_start3A_215 = arith.constant 0 : i32
      %dma_start3A_216 = arith.constant 0 : i32
      %dma_start3A_217 = tpu.memref_slice %arg6[%run_scoped3A, %dma_start3A_215, %dma_start3A_216] : memref<2x128x256xf32, #tpu.memory_space<vmem>> -> memref<1x128x256xf32, #tpu.memory_space<vmem>>
      %dma_start3A_218 = tpu.memref_squeeze %dma_start3A_217 : memref<1x128x256xf32, #tpu.memory_space<vmem>> -> memref<128x256xf32, #tpu.memory_space<vmem>>
      %dma_start3A_219 = arith.constant 0 : i32
      %dma_start3A_220 = tpu.memref_slice %arg4[%add3A_63, %dma_start3A_219] : memref<20480x384xf32, #tpu.memory_space<hbm>> -> memref<128x256xf32, #tpu.memory_space<hbm>>
      %dma_start3A_221 = arith.constant 0 : i32
      %dma_start3A_222 = tpu.memref_slice %arg4[%add3A_63, %dma_start3A_221] : memref<20480x384xf32, #tpu.memory_space<hbm>> -> memref<128x256xf32, #tpu.memory_space<hbm>>
      %dma_start3A_223 = arith.constant 0 : i32
      %dma_start3A_224 = arith.constant 0 : i32
      %dma_start3A_225 = tpu.memref_slice %arg6[%run_scoped3A, %dma_start3A_223, %dma_start3A_224] : memref<2x128x256xf32, #tpu.memory_space<vmem>> -> memref<1x128x256xf32, #tpu.memory_space<vmem>>
      %dma_start3A_226 = tpu.memref_squeeze %dma_start3A_225 : memref<1x128x256xf32, #tpu.memory_space<vmem>> -> memref<128x256xf32, #tpu.memory_space<vmem>>
      tpu.enqueue_dma source(%dma_start3A_226 : memref<128x256xf32, #tpu.memory_space<vmem>>) target(%dma_start3A_222 : memref<128x256xf32, #tpu.memory_space<hbm>>) target_semaphore(%run_scoped3A_214 : memref<!tpu.dma_semaphore, #tpu.memory_space<semaphore_mem>>)
      %dma_wait3A_227 = arith.constant 0 : i32
      %dma_wait3A_228 = arith.constant 0 : i32
      %dma_wait3A_229 = tpu.memref_slice %arg6[%run_scoped3A, %dma_wait3A_227, %dma_wait3A_228] : memref<2x128x256xf32, #tpu.memory_space<vmem>> -> memref<1x128x256xf32, #tpu.memory_space<vmem>>
      %dma_wait3A_230 = tpu.memref_squeeze %dma_wait3A_229 : memref<1x128x256xf32, #tpu.memory_space<vmem>> -> memref<128x256xf32, #tpu.memory_space<vmem>>
      %dma_wait3A_231 = arith.constant 0 : i32
      %dma_wait3A_232 = tpu.memref_slice %arg4[%add3A_63, %dma_wait3A_231] : memref<20480x384xf32, #tpu.memory_space<hbm>> -> memref<128x256xf32, #tpu.memory_space<hbm>>
      %dma_wait3A_233 = arith.constant 0 : i32
      %dma_wait3A_234 = tpu.memref_slice %arg4[%add3A_63, %dma_wait3A_233] : memref<20480x384xf32, #tpu.memory_space<hbm>> -> memref<128x256xf32, #tpu.memory_space<hbm>>
      %dma_wait3A_235 = arith.constant 0 : i32
      %dma_wait3A_236 = arith.constant 0 : i32
      %dma_wait3A_237 = tpu.memref_slice %arg6[%run_scoped3A, %dma_wait3A_235, %dma_wait3A_236] : memref<2x128x256xf32, #tpu.memory_space<vmem>> -> memref<1x128x256xf32, #tpu.memory_space<vmem>>
      %dma_wait3A_238 = tpu.memref_squeeze %dma_wait3A_237 : memref<1x128x256xf32, #tpu.memory_space<vmem>> -> memref<128x256xf32, #tpu.memory_space<vmem>>
      tpu.wait_dma2 semaphore(%run_scoped3A_214 : memref<!tpu.dma_semaphore, #tpu.memory_space<semaphore_mem>>) src(%dma_wait3A_238 : memref<128x256xf32, #tpu.memory_space<vmem>>) dst(%dma_wait3A_234 : memref<128x256xf32, #tpu.memory_space<hbm>>)
      tpu.yield
    }) : () -> ()
    %run_scoped3A_64 = arith.constant 0 : i32
    "tpu.region"() ({
      %run_scoped3A_214 = tpu.sem_alloc : memref<!tpu.dma_semaphore, #tpu.memory_space<semaphore_mem>>
      %dma_start3A_215 = arith.constant 0 : i32
      %dma_start3A_216 = arith.constant 0 : i32
      %dma_start3A_217 = tpu.memref_slice %arg7[%run_scoped3A_64, %dma_start3A_215, %dma_start3A_216] : memref<2x128x128xf32, #tpu.memory_space<vmem>> -> memref<1x128x128xf32, #tpu.memory_space<vmem>>
      %dma_start3A_218 = tpu.memref_squeeze %dma_start3A_217 : memref<1x128x128xf32, #tpu.memory_space<vmem>> -> memref<128x128xf32, #tpu.memory_space<vmem>>
      %dma_start3A_219 = arith.constant 256 : i32
      %dma_start3A_220 = tpu.memref_slice %arg4[%add3A_63, %dma_start3A_219] : memref<20480x384xf32, #tpu.memory_space<hbm>> -> memref<128x128xf32, #tpu.memory_space<hbm>>
      %dma_start3A_221 = arith.constant 256 : i32
      %dma_start3A_222 = tpu.memref_slice %arg4[%add3A_63, %dma_start3A_221] : memref<20480x384xf32, #tpu.memory_space<hbm>> -> memref<128x128xf32, #tpu.memory_space<hbm>>
      %dma_start3A_223 = arith.constant 0 : i32
      %dma_start3A_224 = arith.constant 0 : i32
      %dma_start3A_225 = tpu.memref_slice %arg7[%run_scoped3A_64, %dma_start3A_223, %dma_start3A_224] : memref<2x128x128xf32, #tpu.memory_space<vmem>> -> memref<1x128x128xf32, #tpu.memory_space<vmem>>
      %dma_start3A_226 = tpu.memref_squeeze %dma_start3A_225 : memref<1x128x128xf32, #tpu.memory_space<vmem>> -> memref<128x128xf32, #tpu.memory_space<vmem>>
      tpu.enqueue_dma source(%dma_start3A_226 : memref<128x128xf32, #tpu.memory_space<vmem>>) target(%dma_start3A_222 : memref<128x128xf32, #tpu.memory_space<hbm>>) target_semaphore(%run_scoped3A_214 : memref<!tpu.dma_semaphore, #tpu.memory_space<semaphore_mem>>)
      %dma_wait3A_227 = arith.constant 0 : i32
      %dma_wait3A_228 = arith.constant 0 : i32
      %dma_wait3A_229 = tpu.memref_slice %arg7[%run_scoped3A_64, %dma_wait3A_227, %dma_wait3A_228] : memref<2x128x128xf32, #tpu.memory_space<vmem>> -> memref<1x128x128xf32, #tpu.memory_space<vmem>>
      %dma_wait3A_230 = tpu.memref_squeeze %dma_wait3A_229 : memref<1x128x128xf32, #tpu.memory_space<vmem>> -> memref<128x128xf32, #tpu.memory_space<vmem>>
      %dma_wait3A_231 = arith.constant 256 : i32
      %dma_wait3A_232 = tpu.memref_slice %arg4[%add3A_63, %dma_wait3A_231] : memref<20480x384xf32, #tpu.memory_space<hbm>> -> memref<128x128xf32, #tpu.memory_space<hbm>>
      %dma_wait3A_233 = arith.constant 256 : i32
      %dma_wait3A_234 = tpu.memref_slice %arg4[%add3A_63, %dma_wait3A_233] : memref<20480x384xf32, #tpu.memory_space<hbm>> -> memref<128x128xf32, #tpu.memory_space<hbm>>
      %dma_wait3A_235 = arith.constant 0 : i32
      %dma_wait3A_236 = arith.constant 0 : i32
      %dma_wait3A_237 = tpu.memref_slice %arg7[%run_scoped3A_64, %dma_wait3A_235, %dma_wait3A_236] : memref<2x128x128xf32, #tpu.memory_space<vmem>> -> memref<1x128x128xf32, #tpu.memory_space<vmem>>
      %dma_wait3A_238 = tpu.memref_squeeze %dma_wait3A_237 : memref<1x128x128xf32, #tpu.memory_space<vmem>> -> memref<128x128xf32, #tpu.memory_space<vmem>>
      tpu.wait_dma2 semaphore(%run_scoped3A_214 : memref<!tpu.dma_semaphore, #tpu.memory_space<semaphore_mem>>) src(%dma_wait3A_238 : memref<128x128xf32, #tpu.memory_space<vmem>>) dst(%dma_wait3A_234 : memref<128x128xf32, #tpu.memory_space<hbm>>)
      tpu.yield
    }) : () -> ()
    %dma_start3A_65 = arith.constant 0 : i32
    %dma_start3A_66 = arith.constant 0 : i32
    %dma_start3A_67 = arith.constant 0 : i32
    %dma_start3A_68 = tpu.memref_slice %arg6[%dma_start3A_65, %dma_start3A_66, %dma_start3A_67] : memref<2x128x256xf32, #tpu.memory_space<vmem>> -> memref<1x128x256xf32, #tpu.memory_space<vmem>>
    %dma_start3A_69 = tpu.memref_squeeze %dma_start3A_68 : memref<1x128x256xf32, #tpu.memory_space<vmem>> -> memref<128x256xf32, #tpu.memory_space<vmem>>
    %dma_start3A_70 = arith.constant 256 : i32
    %dma_start3A_71 = tpu.memref_slice %arg5[%dma_start3A_70] : memref<640xi32, #tpu.memory_space<vmem>> -> memref<128xi32, #tpu.memory_space<vmem>>
    %dma_start3A_72 = arith.constant 0 : i32
    %dma_start3A_73 = arith.constant 0 : i32
    %dma_start3A_74 = tpu.memref_slice %arg2[%dma_start3A_72, %dma_start3A_73] : memref<100000x300xf32, #tpu.memory_space<hbm>> -> memref<100000x256xf32, #tpu.memory_space<hbm>>
    tpu.enqueue_indirect_dma source(%dma_start3A_74 : memref<100000x256xf32, #tpu.memory_space<hbm>>) target(%dma_start3A_69 : memref<128x256xf32, #tpu.memory_space<vmem>>) offsets(%dma_start3A_71 : memref<128xi32, #tpu.memory_space<vmem>>) semaphore(%arg8 : memref<!tpu.dma_semaphore, #tpu.memory_space<semaphore_mem>>)
    %dma_start3A_75 = arith.constant 0 : i32
    %dma_start3A_76 = arith.constant 0 : i32
    %dma_start3A_77 = arith.constant 0 : i32
    %dma_start3A_78 = tpu.memref_slice %arg7[%dma_start3A_75, %dma_start3A_76, %dma_start3A_77] : memref<2x128x128xf32, #tpu.memory_space<vmem>> -> memref<1x128x128xf32, #tpu.memory_space<vmem>>
    %dma_start3A_79 = tpu.memref_squeeze %dma_start3A_78 : memref<1x128x128xf32, #tpu.memory_space<vmem>> -> memref<128x128xf32, #tpu.memory_space<vmem>>
    %dma_start3A_80 = arith.constant 256 : i32
    %dma_start3A_81 = tpu.memref_slice %arg5[%dma_start3A_80] : memref<640xi32, #tpu.memory_space<vmem>> -> memref<128xi32, #tpu.memory_space<vmem>>
    %dma_start3A_82 = arith.constant 0 : i32
    %dma_start3A_83 = tpu.memref_slice %arg2[%dma_start3A_82, %multiple_of3A] : memref<100000x300xf32, #tpu.memory_space<hbm>> -> memref<100000x128xf32, #tpu.memory_space<hbm>>
    tpu.enqueue_indirect_dma source(%dma_start3A_83 : memref<100000x128xf32, #tpu.memory_space<hbm>>) target(%dma_start3A_79 : memref<128x128xf32, #tpu.memory_space<vmem>>) offsets(%dma_start3A_81 : memref<128xi32, #tpu.memory_space<vmem>>) semaphore(%arg8 : memref<!tpu.dma_semaphore, #tpu.memory_space<semaphore_mem>>)
    %dma_wait3A_84 = arith.constant 1 : i32
    %dma_wait3A_85 = arith.constant 0 : i32
    %dma_wait3A_86 = arith.constant 0 : i32
    %dma_wait3A_87 = tpu.memref_slice %arg6[%dma_wait3A_84, %dma_wait3A_85, %dma_wait3A_86] : memref<2x128x256xf32, #tpu.memory_space<vmem>> -> memref<1x128x256xf32, #tpu.memory_space<vmem>>
    %dma_wait3A_88 = tpu.memref_squeeze %dma_wait3A_87 : memref<1x128x256xf32, #tpu.memory_space<vmem>> -> memref<128x256xf32, #tpu.memory_space<vmem>>
    %dma_wait3A_89 = arith.constant 128 : i32
    %dma_wait3A_90 = tpu.memref_slice %arg5[%dma_wait3A_89] : memref<640xi32, #tpu.memory_space<vmem>> -> memref<128xi32, #tpu.memory_space<vmem>>
    %dma_wait3A_91 = arith.constant 0 : i32
    %dma_wait3A_92 = arith.constant 0 : i32
    %dma_wait3A_93 = tpu.memref_slice %arg2[%dma_wait3A_91, %dma_wait3A_92] : memref<100000x300xf32, #tpu.memory_space<hbm>> -> memref<100000x256xf32, #tpu.memory_space<hbm>>
    tpu.wait_indirect_dma semaphore(%arg9 : memref<!tpu.dma_semaphore, #tpu.memory_space<semaphore_mem>>) src(%dma_wait3A_93 : memref<100000x256xf32, #tpu.memory_space<hbm>>) dst(%dma_wait3A_88 : memref<128x256xf32, #tpu.memory_space<vmem>>)
    %dma_wait3A_94 = arith.constant 1 : i32
    %dma_wait3A_95 = arith.constant 0 : i32
    %dma_wait3A_96 = arith.constant 0 : i32
    %dma_wait3A_97 = tpu.memref_slice %arg7[%dma_wait3A_94, %dma_wait3A_95, %dma_wait3A_96] : memref<2x128x128xf32, #tpu.memory_space<vmem>> -> memref<1x128x128xf32, #tpu.memory_space<vmem>>
    %dma_wait3A_98 = tpu.memref_squeeze %dma_wait3A_97 : memref<1x128x128xf32, #tpu.memory_space<vmem>> -> memref<128x128xf32, #tpu.memory_space<vmem>>
    %dma_wait3A_99 = arith.constant 128 : i32
    %dma_wait3A_100 = tpu.memref_slice %arg5[%dma_wait3A_99] : memref<640xi32, #tpu.memory_space<vmem>> -> memref<128xi32, #tpu.memory_space<vmem>>
    %dma_wait3A_101 = arith.constant 0 : i32
    %dma_wait3A_102 = tpu.memref_slice %arg2[%dma_wait3A_101, %multiple_of3A] : memref<100000x300xf32, #tpu.memory_space<hbm>> -> memref<100000x128xf32, #tpu.memory_space<hbm>>
    tpu.wait_indirect_dma semaphore(%arg9 : memref<!tpu.dma_semaphore, #tpu.memory_space<semaphore_mem>>) src(%dma_wait3A_102 : memref<100000x128xf32, #tpu.memory_space<hbm>>) dst(%dma_wait3A_98 : memref<128x128xf32, #tpu.memory_space<vmem>>)
    %add3A_103 = arith.constant 128 : i32
    %add3A_104 = arith.addi %mul3A_2, %add3A_103 : i32
    %run_scoped3A_105 = arith.constant 1 : i32
    "tpu.region"() ({
      %run_scoped3A_214 = tpu.sem_alloc : memref<!tpu.dma_semaphore, #tpu.memory_space<semaphore_mem>>
      %dma_start3A_215 = arith.constant 0 : i32
      %dma_start3A_216 = arith.constant 0 : i32
      %dma_start3A_217 = tpu.memref_slice %arg6[%run_scoped3A_105, %dma_start3A_215, %dma_start3A_216] : memref<2x128x256xf32, #tpu.memory_space<vmem>> -> memref<1x128x256xf32, #tpu.memory_space<vmem>>
      %dma_start3A_218 = tpu.memref_squeeze %dma_start3A_217 : memref<1x128x256xf32, #tpu.memory_space<vmem>> -> memref<128x256xf32, #tpu.memory_space<vmem>>
      %dma_start3A_219 = arith.constant 0 : i32
      %dma_start3A_220 = tpu.memref_slice %arg4[%add3A_104, %dma_start3A_219] : memref<20480x384xf32, #tpu.memory_space<hbm>> -> memref<128x256xf32, #tpu.memory_space<hbm>>
      %dma_start3A_221 = arith.constant 0 : i32
      %dma_start3A_222 = tpu.memref_slice %arg4[%add3A_104, %dma_start3A_221] : memref<20480x384xf32, #tpu.memory_space<hbm>> -> memref<128x256xf32, #tpu.memory_space<hbm>>
      %dma_start3A_223 = arith.constant 0 : i32
      %dma_start3A_224 = arith.constant 0 : i32
      %dma_start3A_225 = tpu.memref_slice %arg6[%run_scoped3A_105, %dma_start3A_223, %dma_start3A_224] : memref<2x128x256xf32, #tpu.memory_space<vmem>> -> memref<1x128x256xf32, #tpu.memory_space<vmem>>
      %dma_start3A_226 = tpu.memref_squeeze %dma_start3A_225 : memref<1x128x256xf32, #tpu.memory_space<vmem>> -> memref<128x256xf32, #tpu.memory_space<vmem>>
      tpu.enqueue_dma source(%dma_start3A_226 : memref<128x256xf32, #tpu.memory_space<vmem>>) target(%dma_start3A_222 : memref<128x256xf32, #tpu.memory_space<hbm>>) target_semaphore(%run_scoped3A_214 : memref<!tpu.dma_semaphore, #tpu.memory_space<semaphore_mem>>)
      %dma_wait3A_227 = arith.constant 0 : i32
      %dma_wait3A_228 = arith.constant 0 : i32
      %dma_wait3A_229 = tpu.memref_slice %arg6[%run_scoped3A_105, %dma_wait3A_227, %dma_wait3A_228] : memref<2x128x256xf32, #tpu.memory_space<vmem>> -> memref<1x128x256xf32, #tpu.memory_space<vmem>>
      %dma_wait3A_230 = tpu.memref_squeeze %dma_wait3A_229 : memref<1x128x256xf32, #tpu.memory_space<vmem>> -> memref<128x256xf32, #tpu.memory_space<vmem>>
      %dma_wait3A_231 = arith.constant 0 : i32
      %dma_wait3A_232 = tpu.memref_slice %arg4[%add3A_104, %dma_wait3A_231] : memref<20480x384xf32, #tpu.memory_space<hbm>> -> memref<128x256xf32, #tpu.memory_space<hbm>>
      %dma_wait3A_233 = arith.constant 0 : i32
      %dma_wait3A_234 = tpu.memref_slice %arg4[%add3A_104, %dma_wait3A_233] : memref<20480x384xf32, #tpu.memory_space<hbm>> -> memref<128x256xf32, #tpu.memory_space<hbm>>
      %dma_wait3A_235 = arith.constant 0 : i32
      %dma_wait3A_236 = arith.constant 0 : i32
      %dma_wait3A_237 = tpu.memref_slice %arg6[%run_scoped3A_105, %dma_wait3A_235, %dma_wait3A_236] : memref<2x128x256xf32, #tpu.memory_space<vmem>> -> memref<1x128x256xf32, #tpu.memory_space<vmem>>
      %dma_wait3A_238 = tpu.memref_squeeze %dma_wait3A_237 : memref<1x128x256xf32, #tpu.memory_space<vmem>> -> memref<128x256xf32, #tpu.memory_space<vmem>>
      tpu.wait_dma2 semaphore(%run_scoped3A_214 : memref<!tpu.dma_semaphore, #tpu.memory_space<semaphore_mem>>) src(%dma_wait3A_238 : memref<128x256xf32, #tpu.memory_space<vmem>>) dst(%dma_wait3A_234 : memref<128x256xf32, #tpu.memory_space<hbm>>)
      tpu.yield
    }) : () -> ()
    %run_scoped3A_106 = arith.constant 1 : i32
    "tpu.region"() ({
      %run_scoped3A_214 = tpu.sem_alloc : memref<!tpu.dma_semaphore, #tpu.memory_space<semaphore_mem>>
      %dma_start3A_215 = arith.constant 0 : i32
      %dma_start3A_216 = arith.constant 0 : i32
      %dma_start3A_217 = tpu.memref_slice %arg7[%run_scoped3A_106, %dma_start3A_215, %dma_start3A_216] : memref<2x128x128xf32, #tpu.memory_space<vmem>> -> memref<1x128x128xf32, #tpu.memory_space<vmem>>
      %dma_start3A_218 = tpu.memref_squeeze %dma_start3A_217 : memref<1x128x128xf32, #tpu.memory_space<vmem>> -> memref<128x128xf32, #tpu.memory_space<vmem>>
      %dma_start3A_219 = arith.constant 256 : i32
      %dma_start3A_220 = tpu.memref_slice %arg4[%add3A_104, %dma_start3A_219] : memref<20480x384xf32, #tpu.memory_space<hbm>> -> memref<128x128xf32, #tpu.memory_space<hbm>>
      %dma_start3A_221 = arith.constant 256 : i32
      %dma_start3A_222 = tpu.memref_slice %arg4[%add3A_104, %dma_start3A_221] : memref<20480x384xf32, #tpu.memory_space<hbm>> -> memref<128x128xf32, #tpu.memory_space<hbm>>
      %dma_start3A_223 = arith.constant 0 : i32
      %dma_start3A_224 = arith.constant 0 : i32
      %dma_start3A_225 = tpu.memref_slice %arg7[%run_scoped3A_106, %dma_start3A_223, %dma_start3A_224] : memref<2x128x128xf32, #tpu.memory_space<vmem>> -> memref<1x128x128xf32, #tpu.memory_space<vmem>>
      %dma_start3A_226 = tpu.memref_squeeze %dma_start3A_225 : memref<1x128x128xf32, #tpu.memory_space<vmem>> -> memref<128x128xf32, #tpu.memory_space<vmem>>
      tpu.enqueue_dma source(%dma_start3A_226 : memref<128x128xf32, #tpu.memory_space<vmem>>) target(%dma_start3A_222 : memref<128x128xf32, #tpu.memory_space<hbm>>) target_semaphore(%run_scoped3A_214 : memref<!tpu.dma_semaphore, #tpu.memory_space<semaphore_mem>>)
      %dma_wait3A_227 = arith.constant 0 : i32
      %dma_wait3A_228 = arith.constant 0 : i32
      %dma_wait3A_229 = tpu.memref_slice %arg7[%run_scoped3A_106, %dma_wait3A_227, %dma_wait3A_228] : memref<2x128x128xf32, #tpu.memory_space<vmem>> -> memref<1x128x128xf32, #tpu.memory_space<vmem>>
      %dma_wait3A_230 = tpu.memref_squeeze %dma_wait3A_229 : memref<1x128x128xf32, #tpu.memory_space<vmem>> -> memref<128x128xf32, #tpu.memory_space<vmem>>
      %dma_wait3A_231 = arith.constant 256 : i32
      %dma_wait3A_232 = tpu.memref_slice %arg4[%add3A_104, %dma_wait3A_231] : memref<20480x384xf32, #tpu.memory_space<hbm>> -> memref<128x128xf32, #tpu.memory_space<hbm>>
      %dma_wait3A_233 = arith.constant 256 : i32
      %dma_wait3A_234 = tpu.memref_slice %arg4[%add3A_104, %dma_wait3A_233] : memref<20480x384xf32, #tpu.memory_space<hbm>> -> memref<128x128xf32, #tpu.memory_space<hbm>>
      %dma_wait3A_235 = arith.constant 0 : i32
      %dma_wait3A_236 = arith.constant 0 : i32
      %dma_wait3A_237 = tpu.memref_slice %arg7[%run_scoped3A_106, %dma_wait3A_235, %dma_wait3A_236] : memref<2x128x128xf32, #tpu.memory_space<vmem>> -> memref<1x128x128xf32, #tpu.memory_space<vmem>>
      %dma_wait3A_238 = tpu.memref_squeeze %dma_wait3A_237 : memref<1x128x128xf32, #tpu.memory_space<vmem>> -> memref<128x128xf32, #tpu.memory_space<vmem>>
      tpu.wait_dma2 semaphore(%run_scoped3A_214 : memref<!tpu.dma_semaphore, #tpu.memory_space<semaphore_mem>>) src(%dma_wait3A_238 : memref<128x128xf32, #tpu.memory_space<vmem>>) dst(%dma_wait3A_234 : memref<128x128xf32, #tpu.memory_space<hbm>>)
      tpu.yield
    }) : () -> ()
    %dma_start3A_107 = arith.constant 1 : i32
    %dma_start3A_108 = arith.constant 0 : i32
    %dma_start3A_109 = arith.constant 0 : i32
    %dma_start3A_110 = tpu.memref_slice %arg6[%dma_start3A_107, %dma_start3A_108, %dma_start3A_109] : memref<2x128x256xf32, #tpu.memory_space<vmem>> -> memref<1x128x256xf32, #tpu.memory_space<vmem>>
    %dma_start3A_111 = tpu.memref_squeeze %dma_start3A_110 : memref<1x128x256xf32, #tpu.memory_space<vmem>> -> memref<128x256xf32, #tpu.memory_space<vmem>>
    %dma_start3A_112 = arith.constant 384 : i32
    %dma_start3A_113 = tpu.memref_slice %arg5[%dma_start3A_112] : memref<640xi32, #tpu.memory_space<vmem>> -> memref<128xi32, #tpu.memory_space<vmem>>
    %dma_start3A_114 = arith.constant 0 : i32
    %dma_start3A_115 = arith.constant 0 : i32
    %dma_start3A_116 = tpu.memref_slice %arg2[%dma_start3A_114, %dma_start3A_115] : memref<100000x300xf32, #tpu.memory_space<hbm>> -> memref<100000x256xf32, #tpu.memory_space<hbm>>
    tpu.enqueue_indirect_dma source(%dma_start3A_116 : memref<100000x256xf32, #tpu.memory_space<hbm>>) target(%dma_start3A_111 : memref<128x256xf32, #tpu.memory_space<vmem>>) offsets(%dma_start3A_113 : memref<128xi32, #tpu.memory_space<vmem>>) semaphore(%arg9 : memref<!tpu.dma_semaphore, #tpu.memory_space<semaphore_mem>>)
    %dma_start3A_117 = arith.constant 1 : i32
    %dma_start3A_118 = arith.constant 0 : i32
    %dma_start3A_119 = arith.constant 0 : i32
    %dma_start3A_120 = tpu.memref_slice %arg7[%dma_start3A_117, %dma_start3A_118, %dma_start3A_119] : memref<2x128x128xf32, #tpu.memory_space<vmem>> -> memref<1x128x128xf32, #tpu.memory_space<vmem>>
    %dma_start3A_121 = tpu.memref_squeeze %dma_start3A_120 : memref<1x128x128xf32, #tpu.memory_space<vmem>> -> memref<128x128xf32, #tpu.memory_space<vmem>>
    %dma_start3A_122 = arith.constant 384 : i32
    %dma_start3A_123 = tpu.memref_slice %arg5[%dma_start3A_122] : memref<640xi32, #tpu.memory_space<vmem>> -> memref<128xi32, #tpu.memory_space<vmem>>
    %dma_start3A_124 = arith.constant 0 : i32
    %dma_start3A_125 = tpu.memref_slice %arg2[%dma_start3A_124, %multiple_of3A] : memref<100000x300xf32, #tpu.memory_space<hbm>> -> memref<100000x128xf32, #tpu.memory_space<hbm>>
    tpu.enqueue_indirect_dma source(%dma_start3A_125 : memref<100000x128xf32, #tpu.memory_space<hbm>>) target(%dma_start3A_121 : memref<128x128xf32, #tpu.memory_space<vmem>>) offsets(%dma_start3A_123 : memref<128xi32, #tpu.memory_space<vmem>>) semaphore(%arg9 : memref<!tpu.dma_semaphore, #tpu.memory_space<semaphore_mem>>)
    %dma_wait3A_126 = arith.constant 0 : i32
    %dma_wait3A_127 = arith.constant 0 : i32
    %dma_wait3A_128 = arith.constant 0 : i32
    %dma_wait3A_129 = tpu.memref_slice %arg6[%dma_wait3A_126, %dma_wait3A_127, %dma_wait3A_128] : memref<2x128x256xf32, #tpu.memory_space<vmem>> -> memref<1x128x256xf32, #tpu.memory_space<vmem>>
    %dma_wait3A_130 = tpu.memref_squeeze %dma_wait3A_129 : memref<1x128x256xf32, #tpu.memory_space<vmem>> -> memref<128x256xf32, #tpu.memory_space<vmem>>
    %dma_wait3A_131 = arith.constant 256 : i32
    %dma_wait3A_132 = tpu.memref_slice %arg5[%dma_wait3A_131] : memref<640xi32, #tpu.memory_space<vmem>> -> memref<128xi32, #tpu.memory_space<vmem>>
    %dma_wait3A_133 = arith.constant 0 : i32
    %dma_wait3A_134 = arith.constant 0 : i32
    %dma_wait3A_135 = tpu.memref_slice %arg2[%dma_wait3A_133, %dma_wait3A_134] : memref<100000x300xf32, #tpu.memory_space<hbm>> -> memref<100000x256xf32, #tpu.memory_space<hbm>>
    tpu.wait_indirect_dma semaphore(%arg8 : memref<!tpu.dma_semaphore, #tpu.memory_space<semaphore_mem>>) src(%dma_wait3A_135 : memref<100000x256xf32, #tpu.memory_space<hbm>>) dst(%dma_wait3A_130 : memref<128x256xf32, #tpu.memory_space<vmem>>)
    %dma_wait3A_136 = arith.constant 0 : i32
    %dma_wait3A_137 = arith.constant 0 : i32
    %dma_wait3A_138 = arith.constant 0 : i32
    %dma_wait3A_139 = tpu.memref_slice %arg7[%dma_wait3A_136, %dma_wait3A_137, %dma_wait3A_138] : memref<2x128x128xf32, #tpu.memory_space<vmem>> -> memref<1x128x128xf32, #tpu.memory_space<vmem>>
    %dma_wait3A_140 = tpu.memref_squeeze %dma_wait3A_139 : memref<1x128x128xf32, #tpu.memory_space<vmem>> -> memref<128x128xf32, #tpu.memory_space<vmem>>
    %dma_wait3A_141 = arith.constant 256 : i32
    %dma_wait3A_142 = tpu.memref_slice %arg5[%dma_wait3A_141] : memref<640xi32, #tpu.memory_space<vmem>> -> memref<128xi32, #tpu.memory_space<vmem>>
    %dma_wait3A_143 = arith.constant 0 : i32
    %dma_wait3A_144 = tpu.memref_slice %arg2[%dma_wait3A_143, %multiple_of3A] : memref<100000x300xf32, #tpu.memory_space<hbm>> -> memref<100000x128xf32, #tpu.memory_space<hbm>>
    tpu.wait_indirect_dma semaphore(%arg8 : memref<!tpu.dma_semaphore, #tpu.memory_space<semaphore_mem>>) src(%dma_wait3A_144 : memref<100000x128xf32, #tpu.memory_space<hbm>>) dst(%dma_wait3A_140 : memref<128x128xf32, #tpu.memory_space<vmem>>)
    %add3A_145 = arith.constant 256 : i32
    %add3A_146 = arith.addi %mul3A_2, %add3A_145 : i32
    %run_scoped3A_147 = arith.constant 0 : i32
    "tpu.region"() ({
      %run_scoped3A_214 = tpu.sem_alloc : memref<!tpu.dma_semaphore, #tpu.memory_space<semaphore_mem>>
      %dma_start3A_215 = arith.constant 0 : i32
      %dma_start3A_216 = arith.constant 0 : i32
      %dma_start3A_217 = tpu.memref_slice %arg6[%run_scoped3A_147, %dma_start3A_215, %dma_start3A_216] : memref<2x128x256xf32, #tpu.memory_space<vmem>> -> memref<1x128x256xf32, #tpu.memory_space<vmem>>
      %dma_start3A_218 = tpu.memref_squeeze %dma_start3A_217 : memref<1x128x256xf32, #tpu.memory_space<vmem>> -> memref<128x256xf32, #tpu.memory_space<vmem>>
      %dma_start3A_219 = arith.constant 0 : i32
      %dma_start3A_220 = tpu.memref_slice %arg4[%add3A_146, %dma_start3A_219] : memref<20480x384xf32, #tpu.memory_space<hbm>> -> memref<128x256xf32, #tpu.memory_space<hbm>>
      %dma_start3A_221 = arith.constant 0 : i32
      %dma_start3A_222 = tpu.memref_slice %arg4[%add3A_146, %dma_start3A_221] : memref<20480x384xf32, #tpu.memory_space<hbm>> -> memref<128x256xf32, #tpu.memory_space<hbm>>
      %dma_start3A_223 = arith.constant 0 : i32
      %dma_start3A_224 = arith.constant 0 : i32
      %dma_start3A_225 = tpu.memref_slice %arg6[%run_scoped3A_147, %dma_start3A_223, %dma_start3A_224] : memref<2x128x256xf32, #tpu.memory_space<vmem>> -> memref<1x128x256xf32, #tpu.memory_space<vmem>>
      %dma_start3A_226 = tpu.memref_squeeze %dma_start3A_225 : memref<1x128x256xf32, #tpu.memory_space<vmem>> -> memref<128x256xf32, #tpu.memory_space<vmem>>
      tpu.enqueue_dma source(%dma_start3A_226 : memref<128x256xf32, #tpu.memory_space<vmem>>) target(%dma_start3A_222 : memref<128x256xf32, #tpu.memory_space<hbm>>) target_semaphore(%run_scoped3A_214 : memref<!tpu.dma_semaphore, #tpu.memory_space<semaphore_mem>>)
      %dma_wait3A_227 = arith.constant 0 : i32
      %dma_wait3A_228 = arith.constant 0 : i32
      %dma_wait3A_229 = tpu.memref_slice %arg6[%run_scoped3A_147, %dma_wait3A_227, %dma_wait3A_228] : memref<2x128x256xf32, #tpu.memory_space<vmem>> -> memref<1x128x256xf32, #tpu.memory_space<vmem>>
      %dma_wait3A_230 = tpu.memref_squeeze %dma_wait3A_229 : memref<1x128x256xf32, #tpu.memory_space<vmem>> -> memref<128x256xf32, #tpu.memory_space<vmem>>
      %dma_wait3A_231 = arith.constant 0 : i32
      %dma_wait3A_232 = tpu.memref_slice %arg4[%add3A_146, %dma_wait3A_231] : memref<20480x384xf32, #tpu.memory_space<hbm>> -> memref<128x256xf32, #tpu.memory_space<hbm>>
      %dma_wait3A_233 = arith.constant 0 : i32
      %dma_wait3A_234 = tpu.memref_slice %arg4[%add3A_146, %dma_wait3A_233] : memref<20480x384xf32, #tpu.memory_space<hbm>> -> memref<128x256xf32, #tpu.memory_space<hbm>>
      %dma_wait3A_235 = arith.constant 0 : i32
      %dma_wait3A_236 = arith.constant 0 : i32
      %dma_wait3A_237 = tpu.memref_slice %arg6[%run_scoped3A_147, %dma_wait3A_235, %dma_wait3A_236] : memref<2x128x256xf32, #tpu.memory_space<vmem>> -> memref<1x128x256xf32, #tpu.memory_space<vmem>>
      %dma_wait3A_238 = tpu.memref_squeeze %dma_wait3A_237 : memref<1x128x256xf32, #tpu.memory_space<vmem>> -> memref<128x256xf32, #tpu.memory_space<vmem>>
      tpu.wait_dma2 semaphore(%run_scoped3A_214 : memref<!tpu.dma_semaphore, #tpu.memory_space<semaphore_mem>>) src(%dma_wait3A_238 : memref<128x256xf32, #tpu.memory_space<vmem>>) dst(%dma_wait3A_234 : memref<128x256xf32, #tpu.memory_space<hbm>>)
      tpu.yield
    }) : () -> ()
    %run_scoped3A_148 = arith.constant 0 : i32
    "tpu.region"() ({
      %run_scoped3A_214 = tpu.sem_alloc : memref<!tpu.dma_semaphore, #tpu.memory_space<semaphore_mem>>
      %dma_start3A_215 = arith.constant 0 : i32
      %dma_start3A_216 = arith.constant 0 : i32
      %dma_start3A_217 = tpu.memref_slice %arg7[%run_scoped3A_148, %dma_start3A_215, %dma_start3A_216] : memref<2x128x128xf32, #tpu.memory_space<vmem>> -> memref<1x128x128xf32, #tpu.memory_space<vmem>>
      %dma_start3A_218 = tpu.memref_squeeze %dma_start3A_217 : memref<1x128x128xf32, #tpu.memory_space<vmem>> -> memref<128x128xf32, #tpu.memory_space<vmem>>
      %dma_start3A_219 = arith.constant 256 : i32
      %dma_start3A_220 = tpu.memref_slice %arg4[%add3A_146, %dma_start3A_219] : memref<20480x384xf32, #tpu.memory_space<hbm>> -> memref<128x128xf32, #tpu.memory_space<hbm>>
      %dma_start3A_221 = arith.constant 256 : i32
      %dma_start3A_222 = tpu.memref_slice %arg4[%add3A_146, %dma_start3A_221] : memref<20480x384xf32, #tpu.memory_space<hbm>> -> memref<128x128xf32, #tpu.memory_space<hbm>>
      %dma_start3A_223 = arith.constant 0 : i32
      %dma_start3A_224 = arith.constant 0 : i32
      %dma_start3A_225 = tpu.memref_slice %arg7[%run_scoped3A_148, %dma_start3A_223, %dma_start3A_224] : memref<2x128x128xf32, #tpu.memory_space<vmem>> -> memref<1x128x128xf32, #tpu.memory_space<vmem>>
      %dma_start3A_226 = tpu.memref_squeeze %dma_start3A_225 : memref<1x128x128xf32, #tpu.memory_space<vmem>> -> memref<128x128xf32, #tpu.memory_space<vmem>>
      tpu.enqueue_dma source(%dma_start3A_226 : memref<128x128xf32, #tpu.memory_space<vmem>>) target(%dma_start3A_222 : memref<128x128xf32, #tpu.memory_space<hbm>>) target_semaphore(%run_scoped3A_214 : memref<!tpu.dma_semaphore, #tpu.memory_space<semaphore_mem>>)
      %dma_wait3A_227 = arith.constant 0 : i32
      %dma_wait3A_228 = arith.constant 0 : i32
      %dma_wait3A_229 = tpu.memref_slice %arg7[%run_scoped3A_148, %dma_wait3A_227, %dma_wait3A_228] : memref<2x128x128xf32, #tpu.memory_space<vmem>> -> memref<1x128x128xf32, #tpu.memory_space<vmem>>
      %dma_wait3A_230 = tpu.memref_squeeze %dma_wait3A_229 : memref<1x128x128xf32, #tpu.memory_space<vmem>> -> memref<128x128xf32, #tpu.memory_space<vmem>>
      %dma_wait3A_231 = arith.constant 256 : i32
      %dma_wait3A_232 = tpu.memref_slice %arg4[%add3A_146, %dma_wait3A_231] : memref<20480x384xf32, #tpu.memory_space<hbm>> -> memref<128x128xf32, #tpu.memory_space<hbm>>
      %dma_wait3A_233 = arith.constant 256 : i32
      %dma_wait3A_234 = tpu.memref_slice %arg4[%add3A_146, %dma_wait3A_233] : memref<20480x384xf32, #tpu.memory_space<hbm>> -> memref<128x128xf32, #tpu.memory_space<hbm>>
      %dma_wait3A_235 = arith.constant 0 : i32
      %dma_wait3A_236 = arith.constant 0 : i32
      %dma_wait3A_237 = tpu.memref_slice %arg7[%run_scoped3A_148, %dma_wait3A_235, %dma_wait3A_236] : memref<2x128x128xf32, #tpu.memory_space<vmem>> -> memref<1x128x128xf32, #tpu.memory_space<vmem>>
      %dma_wait3A_238 = tpu.memref_squeeze %dma_wait3A_237 : memref<1x128x128xf32, #tpu.memory_space<vmem>> -> memref<128x128xf32, #tpu.memory_space<vmem>>
      tpu.wait_dma2 semaphore(%run_scoped3A_214 : memref<!tpu.dma_semaphore, #tpu.memory_space<semaphore_mem>>) src(%dma_wait3A_238 : memref<128x128xf32, #tpu.memory_space<vmem>>) dst(%dma_wait3A_234 : memref<128x128xf32, #tpu.memory_space<hbm>>)
      tpu.yield
    }) : () -> ()
    %dma_start3A_149 = arith.constant 0 : i32
    %dma_start3A_150 = arith.constant 0 : i32
    %dma_start3A_151 = arith.constant 0 : i32
    %dma_start3A_152 = tpu.memref_slice %arg6[%dma_start3A_149, %dma_start3A_150, %dma_start3A_151] : memref<2x128x256xf32, #tpu.memory_space<vmem>> -> memref<1x128x256xf32, #tpu.memory_space<vmem>>
    %dma_start3A_153 = tpu.memref_squeeze %dma_start3A_152 : memref<1x128x256xf32, #tpu.memory_space<vmem>> -> memref<128x256xf32, #tpu.memory_space<vmem>>
    %dma_start3A_154 = arith.constant 512 : i32
    %dma_start3A_155 = tpu.memref_slice %arg5[%dma_start3A_154] : memref<640xi32, #tpu.memory_space<vmem>> -> memref<128xi32, #tpu.memory_space<vmem>>
    %dma_start3A_156 = arith.constant 0 : i32
    %dma_start3A_157 = arith.constant 0 : i32
    %dma_start3A_158 = tpu.memref_slice %arg2[%dma_start3A_156, %dma_start3A_157] : memref<100000x300xf32, #tpu.memory_space<hbm>> -> memref<100000x256xf32, #tpu.memory_space<hbm>>
    tpu.enqueue_indirect_dma source(%dma_start3A_158 : memref<100000x256xf32, #tpu.memory_space<hbm>>) target(%dma_start3A_153 : memref<128x256xf32, #tpu.memory_space<vmem>>) offsets(%dma_start3A_155 : memref<128xi32, #tpu.memory_space<vmem>>) semaphore(%arg8 : memref<!tpu.dma_semaphore, #tpu.memory_space<semaphore_mem>>)
    %dma_start3A_159 = arith.constant 0 : i32
    %dma_start3A_160 = arith.constant 0 : i32
    %dma_start3A_161 = arith.constant 0 : i32
    %dma_start3A_162 = tpu.memref_slice %arg7[%dma_start3A_159, %dma_start3A_160, %dma_start3A_161] : memref<2x128x128xf32, #tpu.memory_space<vmem>> -> memref<1x128x128xf32, #tpu.memory_space<vmem>>
    %dma_start3A_163 = tpu.memref_squeeze %dma_start3A_162 : memref<1x128x128xf32, #tpu.memory_space<vmem>> -> memref<128x128xf32, #tpu.memory_space<vmem>>
    %dma_start3A_164 = arith.constant 512 : i32
    %dma_start3A_165 = tpu.memref_slice %arg5[%dma_start3A_164] : memref<640xi32, #tpu.memory_space<vmem>> -> memref<128xi32, #tpu.memory_space<vmem>>
    %dma_start3A_166 = arith.constant 0 : i32
    %dma_start3A_167 = tpu.memref_slice %arg2[%dma_start3A_166, %multiple_of3A] : memref<100000x300xf32, #tpu.memory_space<hbm>> -> memref<100000x128xf32, #tpu.memory_space<hbm>>
    tpu.enqueue_indirect_dma source(%dma_start3A_167 : memref<100000x128xf32, #tpu.memory_space<hbm>>) target(%dma_start3A_163 : memref<128x128xf32, #tpu.memory_space<vmem>>) offsets(%dma_start3A_165 : memref<128xi32, #tpu.memory_space<vmem>>) semaphore(%arg8 : memref<!tpu.dma_semaphore, #tpu.memory_space<semaphore_mem>>)
    %dma_wait3A_168 = arith.constant 1 : i32
    %dma_wait3A_169 = arith.constant 0 : i32
    %dma_wait3A_170 = arith.constant 0 : i32
    %dma_wait3A_171 = tpu.memref_slice %arg6[%dma_wait3A_168, %dma_wait3A_169, %dma_wait3A_170] : memref<2x128x256xf32, #tpu.memory_space<vmem>> -> memref<1x128x256xf32, #tpu.memory_space<vmem>>
    %dma_wait3A_172 = tpu.memref_squeeze %dma_wait3A_171 : memref<1x128x256xf32, #tpu.memory_space<vmem>> -> memref<128x256xf32, #tpu.memory_space<vmem>>
    %dma_wait3A_173 = arith.constant 384 : i32
    %dma_wait3A_174 = tpu.memref_slice %arg5[%dma_wait3A_173] : memref<640xi32, #tpu.memory_space<vmem>> -> memref<128xi32, #tpu.memory_space<vmem>>
    %dma_wait3A_175 = arith.constant 0 : i32
    %dma_wait3A_176 = arith.constant 0 : i32
    %dma_wait3A_177 = tpu.memref_slice %arg2[%dma_wait3A_175, %dma_wait3A_176] : memref<100000x300xf32, #tpu.memory_space<hbm>> -> memref<100000x256xf32, #tpu.memory_space<hbm>>
    tpu.wait_indirect_dma semaphore(%arg9 : memref<!tpu.dma_semaphore, #tpu.memory_space<semaphore_mem>>) src(%dma_wait3A_177 : memref<100000x256xf32, #tpu.memory_space<hbm>>) dst(%dma_wait3A_172 : memref<128x256xf32, #tpu.memory_space<vmem>>)
    %dma_wait3A_178 = arith.constant 1 : i32
    %dma_wait3A_179 = arith.constant 0 : i32
    %dma_wait3A_180 = arith.constant 0 : i32
    %dma_wait3A_181 = tpu.memref_slice %arg7[%dma_wait3A_178, %dma_wait3A_179, %dma_wait3A_180] : memref<2x128x128xf32, #tpu.memory_space<vmem>> -> memref<1x128x128xf32, #tpu.memory_space<vmem>>
    %dma_wait3A_182 = tpu.memref_squeeze %dma_wait3A_181 : memref<1x128x128xf32, #tpu.memory_space<vmem>> -> memref<128x128xf32, #tpu.memory_space<vmem>>
    %dma_wait3A_183 = arith.constant 384 : i32
    %dma_wait3A_184 = tpu.memref_slice %arg5[%dma_wait3A_183] : memref<640xi32, #tpu.memory_space<vmem>> -> memref<128xi32, #tpu.memory_space<vmem>>
    %dma_wait3A_185 = arith.constant 0 : i32
    %dma_wait3A_186 = tpu.memref_slice %arg2[%dma_wait3A_185, %multiple_of3A] : memref<100000x300xf32, #tpu.memory_space<hbm>> -> memref<100000x128xf32, #tpu.memory_space<hbm>>
    tpu.wait_indirect_dma semaphore(%arg9 : memref<!tpu.dma_semaphore, #tpu.memory_space<semaphore_mem>>) src(%dma_wait3A_186 : memref<100000x128xf32, #tpu.memory_space<hbm>>) dst(%dma_wait3A_182 : memref<128x128xf32, #tpu.memory_space<vmem>>)
    %add3A_187 = arith.constant 384 : i32
    %add3A_188 = arith.addi %mul3A_2, %add3A_187 : i32
    %run_scoped3A_189 = arith.constant 1 : i32
    "tpu.region"() ({
      %run_scoped3A_214 = tpu.sem_alloc : memref<!tpu.dma_semaphore, #tpu.memory_space<semaphore_mem>>
      %dma_start3A_215 = arith.constant 0 : i32
      %dma_start3A_216 = arith.constant 0 : i32
      %dma_start3A_217 = tpu.memref_slice %arg6[%run_scoped3A_189, %dma_start3A_215, %dma_start3A_216] : memref<2x128x256xf32, #tpu.memory_space<vmem>> -> memref<1x128x256xf32, #tpu.memory_space<vmem>>
      %dma_start3A_218 = tpu.memref_squeeze %dma_start3A_217 : memref<1x128x256xf32, #tpu.memory_space<vmem>> -> memref<128x256xf32, #tpu.memory_space<vmem>>
      %dma_start3A_219 = arith.constant 0 : i32
      %dma_start3A_220 = tpu.memref_slice %arg4[%add3A_188, %dma_start3A_219] : memref<20480x384xf32, #tpu.memory_space<hbm>> -> memref<128x256xf32, #tpu.memory_space<hbm>>
      %dma_start3A_221 = arith.constant 0 : i32
      %dma_start3A_222 = tpu.memref_slice %arg4[%add3A_188, %dma_start3A_221] : memref<20480x384xf32, #tpu.memory_space<hbm>> -> memref<128x256xf32, #tpu.memory_space<hbm>>
      %dma_start3A_223 = arith.constant 0 : i32
      %dma_start3A_224 = arith.constant 0 : i32
      %dma_start3A_225 = tpu.memref_slice %arg6[%run_scoped3A_189, %dma_start3A_223, %dma_start3A_224] : memref<2x128x256xf32, #tpu.memory_space<vmem>> -> memref<1x128x256xf32, #tpu.memory_space<vmem>>
      %dma_start3A_226 = tpu.memref_squeeze %dma_start3A_225 : memref<1x128x256xf32, #tpu.memory_space<vmem>> -> memref<128x256xf32, #tpu.memory_space<vmem>>
      tpu.enqueue_dma source(%dma_start3A_226 : memref<128x256xf32, #tpu.memory_space<vmem>>) target(%dma_start3A_222 : memref<128x256xf32, #tpu.memory_space<hbm>>) target_semaphore(%run_scoped3A_214 : memref<!tpu.dma_semaphore, #tpu.memory_space<semaphore_mem>>)
      %dma_wait3A_227 = arith.constant 0 : i32
      %dma_wait3A_228 = arith.constant 0 : i32
      %dma_wait3A_229 = tpu.memref_slice %arg6[%run_scoped3A_189, %dma_wait3A_227, %dma_wait3A_228] : memref<2x128x256xf32, #tpu.memory_space<vmem>> -> memref<1x128x256xf32, #tpu.memory_space<vmem>>
      %dma_wait3A_230 = tpu.memref_squeeze %dma_wait3A_229 : memref<1x128x256xf32, #tpu.memory_space<vmem>> -> memref<128x256xf32, #tpu.memory_space<vmem>>
      %dma_wait3A_231 = arith.constant 0 : i32
      %dma_wait3A_232 = tpu.memref_slice %arg4[%add3A_188, %dma_wait3A_231] : memref<20480x384xf32, #tpu.memory_space<hbm>> -> memref<128x256xf32, #tpu.memory_space<hbm>>
      %dma_wait3A_233 = arith.constant 0 : i32
      %dma_wait3A_234 = tpu.memref_slice %arg4[%add3A_188, %dma_wait3A_233] : memref<20480x384xf32, #tpu.memory_space<hbm>> -> memref<128x256xf32, #tpu.memory_space<hbm>>
      %dma_wait3A_235 = arith.constant 0 : i32
      %dma_wait3A_236 = arith.constant 0 : i32
      %dma_wait3A_237 = tpu.memref_slice %arg6[%run_scoped3A_189, %dma_wait3A_235, %dma_wait3A_236] : memref<2x128x256xf32, #tpu.memory_space<vmem>> -> memref<1x128x256xf32, #tpu.memory_space<vmem>>
      %dma_wait3A_238 = tpu.memref_squeeze %dma_wait3A_237 : memref<1x128x256xf32, #tpu.memory_space<vmem>> -> memref<128x256xf32, #tpu.memory_space<vmem>>
      tpu.wait_dma2 semaphore(%run_scoped3A_214 : memref<!tpu.dma_semaphore, #tpu.memory_space<semaphore_mem>>) src(%dma_wait3A_238 : memref<128x256xf32, #tpu.memory_space<vmem>>) dst(%dma_wait3A_234 : memref<128x256xf32, #tpu.memory_space<hbm>>)
      tpu.yield
    }) : () -> ()
    %run_scoped3A_190 = arith.constant 1 : i32
    "tpu.region"() ({
      %run_scoped3A_214 = tpu.sem_alloc : memref<!tpu.dma_semaphore, #tpu.memory_space<semaphore_mem>>
      %dma_start3A_215 = arith.constant 0 : i32
      %dma_start3A_216 = arith.constant 0 : i32
      %dma_start3A_217 = tpu.memref_slice %arg7[%run_scoped3A_190, %dma_start3A_215, %dma_start3A_216] : memref<2x128x128xf32, #tpu.memory_space<vmem>> -> memref<1x128x128xf32, #tpu.memory_space<vmem>>
      %dma_start3A_218 = tpu.memref_squeeze %dma_start3A_217 : memref<1x128x128xf32, #tpu.memory_space<vmem>> -> memref<128x128xf32, #tpu.memory_space<vmem>>
      %dma_start3A_219 = arith.constant 256 : i32
      %dma_start3A_220 = tpu.memref_slice %arg4[%add3A_188, %dma_start3A_219] : memref<20480x384xf32, #tpu.memory_space<hbm>> -> memref<128x128xf32, #tpu.memory_space<hbm>>
      %dma_start3A_221 = arith.constant 256 : i32
      %dma_start3A_222 = tpu.memref_slice %arg4[%add3A_188, %dma_start3A_221] : memref<20480x384xf32, #tpu.memory_space<hbm>> -> memref<128x128xf32, #tpu.memory_space<hbm>>
      %dma_start3A_223 = arith.constant 0 : i32
      %dma_start3A_224 = arith.constant 0 : i32
      %dma_start3A_225 = tpu.memref_slice %arg7[%run_scoped3A_190, %dma_start3A_223, %dma_start3A_224] : memref<2x128x128xf32, #tpu.memory_space<vmem>> -> memref<1x128x128xf32, #tpu.memory_space<vmem>>
      %dma_start3A_226 = tpu.memref_squeeze %dma_start3A_225 : memref<1x128x128xf32, #tpu.memory_space<vmem>> -> memref<128x128xf32, #tpu.memory_space<vmem>>
      tpu.enqueue_dma source(%dma_start3A_226 : memref<128x128xf32, #tpu.memory_space<vmem>>) target(%dma_start3A_222 : memref<128x128xf32, #tpu.memory_space<hbm>>) target_semaphore(%run_scoped3A_214 : memref<!tpu.dma_semaphore, #tpu.memory_space<semaphore_mem>>)
      %dma_wait3A_227 = arith.constant 0 : i32
      %dma_wait3A_228 = arith.constant 0 : i32
      %dma_wait3A_229 = tpu.memref_slice %arg7[%run_scoped3A_190, %dma_wait3A_227, %dma_wait3A_228] : memref<2x128x128xf32, #tpu.memory_space<vmem>> -> memref<1x128x128xf32, #tpu.memory_space<vmem>>
      %dma_wait3A_230 = tpu.memref_squeeze %dma_wait3A_229 : memref<1x128x128xf32, #tpu.memory_space<vmem>> -> memref<128x128xf32, #tpu.memory_space<vmem>>
      %dma_wait3A_231 = arith.constant 256 : i32
      %dma_wait3A_232 = tpu.memref_slice %arg4[%add3A_188, %dma_wait3A_231] : memref<20480x384xf32, #tpu.memory_space<hbm>> -> memref<128x128xf32, #tpu.memory_space<hbm>>
      %dma_wait3A_233 = arith.constant 256 : i32
      %dma_wait3A_234 = tpu.memref_slice %arg4[%add3A_188, %dma_wait3A_233] : memref<20480x384xf32, #tpu.memory_space<hbm>> -> memref<128x128xf32, #tpu.memory_space<hbm>>
      %dma_wait3A_235 = arith.constant 0 : i32
      %dma_wait3A_236 = arith.constant 0 : i32
      %dma_wait3A_237 = tpu.memref_slice %arg7[%run_scoped3A_190, %dma_wait3A_235, %dma_wait3A_236] : memref<2x128x128xf32, #tpu.memory_space<vmem>> -> memref<1x128x128xf32, #tpu.memory_space<vmem>>
      %dma_wait3A_238 = tpu.memref_squeeze %dma_wait3A_237 : memref<1x128x128xf32, #tpu.memory_space<vmem>> -> memref<128x128xf32, #tpu.memory_space<vmem>>
      tpu.wait_dma2 semaphore(%run_scoped3A_214 : memref<!tpu.dma_semaphore, #tpu.memory_space<semaphore_mem>>) src(%dma_wait3A_238 : memref<128x128xf32, #tpu.memory_space<vmem>>) dst(%dma_wait3A_234 : memref<128x128xf32, #tpu.memory_space<hbm>>)
      tpu.yield
    }) : () -> ()
    %dma_wait3A_191 = arith.constant 0 : i32
    %dma_wait3A_192 = arith.constant 0 : i32
    %dma_wait3A_193 = arith.constant 0 : i32
    %dma_wait3A_194 = tpu.memref_slice %arg6[%dma_wait3A_191, %dma_wait3A_192, %dma_wait3A_193] : memref<2x128x256xf32, #tpu.memory_space<vmem>> -> memref<1x128x256xf32, #tpu.memory_space<vmem>>
    %dma_wait3A_195 = tpu.memref_squeeze %dma_wait3A_194 : memref<1x128x256xf32, #tpu.memory_space<vmem>> -> memref<128x256xf32, #tpu.memory_space<vmem>>
    %dma_wait3A_196 = arith.constant 512 : i32
    %dma_wait3A_197 = tpu.memref_slice %arg5[%dma_wait3A_196] : memref<640xi32, #tpu.memory_space<vmem>> -> memref<128xi32, #tpu.memory_space<vmem>>
    %dma_wait3A_198 = arith.constant 0 : i32
    %dma_wait3A_199 = arith.constant 0 : i32
    %dma_wait3A_200 = tpu.memref_slice %arg2[%dma_wait3A_198, %dma_wait3A_199] : memref<100000x300xf32, #tpu.memory_space<hbm>> -> memref<100000x256xf32, #tpu.memory_space<hbm>>
    tpu.wait_indirect_dma semaphore(%arg8 : memref<!tpu.dma_semaphore, #tpu.memory_space<semaphore_mem>>) src(%dma_wait3A_200 : memref<100000x256xf32, #tpu.memory_space<hbm>>) dst(%dma_wait3A_195 : memref<128x256xf32, #tpu.memory_space<vmem>>)
    %dma_wait3A_201 = arith.constant 0 : i32
    %dma_wait3A_202 = arith.constant 0 : i32
    %dma_wait3A_203 = arith.constant 0 : i32
    %dma_wait3A_204 = tpu.memref_slice %arg7[%dma_wait3A_201, %dma_wait3A_202, %dma_wait3A_203] : memref<2x128x128xf32, #tpu.memory_space<vmem>> -> memref<1x128x128xf32, #tpu.memory_space<vmem>>
    %dma_wait3A_205 = tpu.memref_squeeze %dma_wait3A_204 : memref<1x128x128xf32, #tpu.memory_space<vmem>> -> memref<128x128xf32, #tpu.memory_space<vmem>>
    %dma_wait3A_206 = arith.constant 512 : i32
    %dma_wait3A_207 = tpu.memref_slice %arg5[%dma_wait3A_206] : memref<640xi32, #tpu.memory_space<vmem>> -> memref<128xi32, #tpu.memory_space<vmem>>
    %dma_wait3A_208 = arith.constant 0 : i32
    %dma_wait3A_209 = tpu.memref_slice %arg2[%dma_wait3A_208, %multiple_of3A] : memref<100000x300xf32, #tpu.memory_space<hbm>> -> memref<100000x128xf32, #tpu.memory_space<hbm>>
    tpu.wait_indirect_dma semaphore(%arg8 : memref<!tpu.dma_semaphore, #tpu.memory_space<semaphore_mem>>) src(%dma_wait3A_209 : memref<100000x128xf32, #tpu.memory_space<hbm>>) dst(%dma_wait3A_205 : memref<128x128xf32, #tpu.memory_space<vmem>>)
    %add3A_210 = arith.constant 512 : i32
    %add3A_211 = arith.addi %mul3A_2, %add3A_210 : i32
    %run_scoped3A_212 = arith.constant 0 : i32
    "tpu.region"() ({
      %run_scoped3A_214 = tpu.sem_alloc : memref<!tpu.dma_semaphore, #tpu.memory_space<semaphore_mem>>
      %dma_start3A_215 = arith.constant 0 : i32
      %dma_start3A_216 = arith.constant 0 : i32
      %dma_start3A_217 = tpu.memref_slice %arg6[%run_scoped3A_212, %dma_start3A_215, %dma_start3A_216] : memref<2x128x256xf32, #tpu.memory_space<vmem>> -> memref<1x128x256xf32, #tpu.memory_space<vmem>>
      %dma_start3A_218 = tpu.memref_squeeze %dma_start3A_217 : memref<1x128x256xf32, #tpu.memory_space<vmem>> -> memref<128x256xf32, #tpu.memory_space<vmem>>
      %dma_start3A_219 = arith.constant 0 : i32
      %dma_start3A_220 = tpu.memref_slice %arg4[%add3A_211, %dma_start3A_219] : memref<20480x384xf32, #tpu.memory_space<hbm>> -> memref<128x256xf32, #tpu.memory_space<hbm>>
      %dma_start3A_221 = arith.constant 0 : i32
      %dma_start3A_222 = tpu.memref_slice %arg4[%add3A_211, %dma_start3A_221] : memref<20480x384xf32, #tpu.memory_space<hbm>> -> memref<128x256xf32, #tpu.memory_space<hbm>>
      %dma_start3A_223 = arith.constant 0 : i32
      %dma_start3A_224 = arith.constant 0 : i32
      %dma_start3A_225 = tpu.memref_slice %arg6[%run_scoped3A_212, %dma_start3A_223, %dma_start3A_224] : memref<2x128x256xf32, #tpu.memory_space<vmem>> -> memref<1x128x256xf32, #tpu.memory_space<vmem>>
      %dma_start3A_226 = tpu.memref_squeeze %dma_start3A_225 : memref<1x128x256xf32, #tpu.memory_space<vmem>> -> memref<128x256xf32, #tpu.memory_space<vmem>>
      tpu.enqueue_dma source(%dma_start3A_226 : memref<128x256xf32, #tpu.memory_space<vmem>>) target(%dma_start3A_222 : memref<128x256xf32, #tpu.memory_space<hbm>>) target_semaphore(%run_scoped3A_214 : memref<!tpu.dma_semaphore, #tpu.memory_space<semaphore_mem>>)
      %dma_wait3A_227 = arith.constant 0 : i32
      %dma_wait3A_228 = arith.constant 0 : i32
      %dma_wait3A_229 = tpu.memref_slice %arg6[%run_scoped3A_212, %dma_wait3A_227, %dma_wait3A_228] : memref<2x128x256xf32, #tpu.memory_space<vmem>> -> memref<1x128x256xf32, #tpu.memory_space<vmem>>
      %dma_wait3A_230 = tpu.memref_squeeze %dma_wait3A_229 : memref<1x128x256xf32, #tpu.memory_space<vmem>> -> memref<128x256xf32, #tpu.memory_space<vmem>>
      %dma_wait3A_231 = arith.constant 0 : i32
      %dma_wait3A_232 = tpu.memref_slice %arg4[%add3A_211, %dma_wait3A_231] : memref<20480x384xf32, #tpu.memory_space<hbm>> -> memref<128x256xf32, #tpu.memory_space<hbm>>
      %dma_wait3A_233 = arith.constant 0 : i32
      %dma_wait3A_234 = tpu.memref_slice %arg4[%add3A_211, %dma_wait3A_233] : memref<20480x384xf32, #tpu.memory_space<hbm>> -> memref<128x256xf32, #tpu.memory_space<hbm>>
      %dma_wait3A_235 = arith.constant 0 : i32
      %dma_wait3A_236 = arith.constant 0 : i32
      %dma_wait3A_237 = tpu.memref_slice %arg6[%run_scoped3A_212, %dma_wait3A_235, %dma_wait3A_236] : memref<2x128x256xf32, #tpu.memory_space<vmem>> -> memref<1x128x256xf32, #tpu.memory_space<vmem>>
      %dma_wait3A_238 = tpu.memref_squeeze %dma_wait3A_237 : memref<1x128x256xf32, #tpu.memory_space<vmem>> -> memref<128x256xf32, #tpu.memory_space<vmem>>
      tpu.wait_dma2 semaphore(%run_scoped3A_214 : memref<!tpu.dma_semaphore, #tpu.memory_space<semaphore_mem>>) src(%dma_wait3A_238 : memref<128x256xf32, #tpu.memory_space<vmem>>) dst(%dma_wait3A_234 : memref<128x256xf32, #tpu.memory_space<hbm>>)
      tpu.yield
    }) : () -> ()
    %run_scoped3A_213 = arith.constant 0 : i32
    "tpu.region"() ({
      %run_scoped3A_214 = tpu.sem_alloc : memref<!tpu.dma_semaphore, #tpu.memory_space<semaphore_mem>>
      %dma_start3A_215 = arith.constant 0 : i32
      %dma_start3A_216 = arith.constant 0 : i32
      %dma_start3A_217 = tpu.memref_slice %arg7[%run_scoped3A_213, %dma_start3A_215, %dma_start3A_216] : memref<2x128x128xf32, #tpu.memory_space<vmem>> -> memref<1x128x128xf32, #tpu.memory_space<vmem>>
      %dma_start3A_218 = tpu.memref_squeeze %dma_start3A_217 : memref<1x128x128xf32, #tpu.memory_space<vmem>> -> memref<128x128xf32, #tpu.memory_space<vmem>>
      %dma_start3A_219 = arith.constant 256 : i32
      %dma_start3A_220 = tpu.memref_slice %arg4[%add3A_211, %dma_start3A_219] : memref<20480x384xf32, #tpu.memory_space<hbm>> -> memref<128x128xf32, #tpu.memory_space<hbm>>
      %dma_start3A_221 = arith.constant 256 : i32
      %dma_start3A_222 = tpu.memref_slice %arg4[%add3A_211, %dma_start3A_221] : memref<20480x384xf32, #tpu.memory_space<hbm>> -> memref<128x128xf32, #tpu.memory_space<hbm>>
      %dma_start3A_223 = arith.constant 0 : i32
      %dma_start3A_224 = arith.constant 0 : i32
      %dma_start3A_225 = tpu.memref_slice %arg7[%run_scoped3A_213, %dma_start3A_223, %dma_start3A_224] : memref<2x128x128xf32, #tpu.memory_space<vmem>> -> memref<1x128x128xf32, #tpu.memory_space<vmem>>
      %dma_start3A_226 = tpu.memref_squeeze %dma_start3A_225 : memref<1x128x128xf32, #tpu.memory_space<vmem>> -> memref<128x128xf32, #tpu.memory_space<vmem>>
      tpu.enqueue_dma source(%dma_start3A_226 : memref<128x128xf32, #tpu.memory_space<vmem>>) target(%dma_start3A_222 : memref<128x128xf32, #tpu.memory_space<hbm>>) target_semaphore(%run_scoped3A_214 : memref<!tpu.dma_semaphore, #tpu.memory_space<semaphore_mem>>)
      %dma_wait3A_227 = arith.constant 0 : i32
      %dma_wait3A_228 = arith.constant 0 : i32
      %dma_wait3A_229 = tpu.memref_slice %arg7[%run_scoped3A_213, %dma_wait3A_227, %dma_wait3A_228] : memref<2x128x128xf32, #tpu.memory_space<vmem>> -> memref<1x128x128xf32, #tpu.memory_space<vmem>>
      %dma_wait3A_230 = tpu.memref_squeeze %dma_wait3A_229 : memref<1x128x128xf32, #tpu.memory_space<vmem>> -> memref<128x128xf32, #tpu.memory_space<vmem>>
      %dma_wait3A_231 = arith.constant 256 : i32
      %dma_wait3A_232 = tpu.memref_slice %arg4[%add3A_211, %dma_wait3A_231] : memref<20480x384xf32, #tpu.memory_space<hbm>> -> memref<128x128xf32, #tpu.memory_space<hbm>>
      %dma_wait3A_233 = arith.constant 256 : i32
      %dma_wait3A_234 = tpu.memref_slice %arg4[%add3A_211, %dma_wait3A_233] : memref<20480x384xf32, #tpu.memory_space<hbm>> -> memref<128x128xf32, #tpu.memory_space<hbm>>
      %dma_wait3A_235 = arith.constant 0 : i32
      %dma_wait3A_236 = arith.constant 0 : i32
      %dma_wait3A_237 = tpu.memref_slice %arg7[%run_scoped3A_213, %dma_wait3A_235, %dma_wait3A_236] : memref<2x128x128xf32, #tpu.memory_space<vmem>> -> memref<1x128x128xf32, #tpu.memory_space<vmem>>
      %dma_wait3A_238 = tpu.memref_squeeze %dma_wait3A_237 : memref<1x128x128xf32, #tpu.memory_space<vmem>> -> memref<128x128xf32, #tpu.memory_space<vmem>>
      tpu.wait_dma2 semaphore(%run_scoped3A_214 : memref<!tpu.dma_semaphore, #tpu.memory_space<semaphore_mem>>) src(%dma_wait3A_238 : memref<128x128xf32, #tpu.memory_space<vmem>>) dst(%dma_wait3A_234 : memref<128x128xf32, #tpu.memory_space<hbm>>)
      tpu.yield
    }) : () -> ()
    return
  }
}

module attributes {stable_mosaic.version = 14 : i64} {
  func.func @_pool_body(%arg0: i32, %arg1: memref<128x20x384xf32, #tpu.memory_space<vmem>>, %arg2: memref<128x300xf32, #tpu.memory_space<vmem>>) attributes {dimension_semantics = [#tpu.dimension_semantics<arbitrary>], iteration_bounds = array<i64: 8>, scalar_prefetch = 0 : i64, scratch_operands = 0 : i64, tpu.core_type = #tpu.core_type<tc>, window_params = [{transform_indices = @transform_0, window_bounds = array<i64: 128, 20, 384>}, {transform_indices = @transform_1, window_bounds = array<i64: 128, 300>}]} {
    %get3A = arith.constant 0 : index
    %get3A_0 = arith.constant 0 : index
    %get3A_1 = arith.constant 0 : index
    %get3A_2 = vector.load %arg1[%get3A, %get3A_0, %get3A_1] : memref<128x20x384xf32, #tpu.memory_space<vmem>>, vector<128x20x256xf32>
    %get3A_3 = arith.constant 0 : index
    %get3A_4 = arith.constant 0 : index
    %get3A_5 = arith.constant 256 : index
    %get3A_6 = vector.load %arg1[%get3A_3, %get3A_4, %get3A_5] : memref<128x20x384xf32, #tpu.memory_space<vmem>>, vector<128x20x44xf32>
    %mul3A = arith.mulf %get3A_2, %get3A_2 : vector<128x20x256xf32>
    %reduce_sum3A = arith.constant dense<0.000000e+00> : vector<128x20xf32>
    %reduce_sum3A_7 = vector.multi_reduction <add>, %mul3A, %reduce_sum3A [2] : vector<128x20x256xf32> to vector<128x20xf32>
    %broadcast_in_dim3A = vector.shape_cast %reduce_sum3A_7 : vector<128x20xf32> to vector<128x20x1xf32>
    %mul3A_8 = arith.mulf %get3A_6, %get3A_6 : vector<128x20x44xf32>
    %reduce_sum3A_9 = arith.constant dense<0.000000e+00> : vector<128x20xf32>
    %reduce_sum3A_10 = vector.multi_reduction <add>, %mul3A_8, %reduce_sum3A_9 [2] : vector<128x20x44xf32> to vector<128x20xf32>
    %broadcast_in_dim3A_11 = vector.shape_cast %reduce_sum3A_10 : vector<128x20xf32> to vector<128x20x1xf32>
    %add3A = arith.addf %broadcast_in_dim3A, %broadcast_in_dim3A_11 : vector<128x20x1xf32>
    %sqrt3A = math.sqrt %add3A : vector<128x20x1xf32>
    %gt3A = arith.constant 1.000000e+00 : f32
    %gt3A_12 = vector.broadcast %gt3A : f32 to vector<128x20x1xf32>
    %gt3A_13 = arith.cmpf ogt, %sqrt3A, %gt3A_12 : vector<128x20x1xf32>
    %add3A_14 = arith.constant 1.000000e-07 : f32
    %add3A_15 = vector.broadcast %add3A_14 : f32 to vector<128x20x1xf32>
    %add3A_16 = arith.addf %sqrt3A, %add3A_15 : vector<128x20x1xf32>
    %div3A = arith.constant 1.000000e+00 : f32
    %div3A_17 = vector.broadcast %div3A : f32 to vector<128x20x1xf32>
    %div3A_18 = arith.divf %div3A_17, %add3A_16 : vector<128x20x1xf32>
    %jit3A = arith.constant 1.000000e+00 : f32
    %broadcast_in_dim3A_19 = vector.broadcast %jit3A : f32 to vector<128x20x1xf32>
    %select_n3A = arith.select %gt3A_13, %div3A_18, %broadcast_in_dim3A_19 : vector<128x20x1xi1>, vector<128x20x1xf32>
    %mul3A_20 = vector.broadcast %select_n3A : vector<128x20x1xf32> to vector<128x20x256xf32>
    %mul3A_21 = arith.mulf %get3A_2, %mul3A_20 : vector<128x20x256xf32>
    %reduce_sum3A_22 = arith.constant dense<0.000000e+00> : vector<128x256xf32>
    %reduce_sum3A_23 = vector.multi_reduction <add>, %mul3A_21, %reduce_sum3A_22 [1] : vector<128x20x256xf32> to vector<128x256xf32>
    %div3A_24 = arith.constant 2.000000e+01 : f32
    %div3A_25 = vector.broadcast %div3A_24 : f32 to vector<128x256xf32>
    %div3A_26 = arith.divf %reduce_sum3A_23, %div3A_25 : vector<128x256xf32>
    %mul3A_27 = vector.broadcast %select_n3A : vector<128x20x1xf32> to vector<128x20x44xf32>
    %mul3A_28 = arith.mulf %get3A_6, %mul3A_27 : vector<128x20x44xf32>
    %reduce_sum3A_29 = arith.constant dense<0.000000e+00> : vector<128x44xf32>
    %reduce_sum3A_30 = vector.multi_reduction <add>, %mul3A_28, %reduce_sum3A_29 [1] : vector<128x20x44xf32> to vector<128x44xf32>
    %div3A_31 = arith.constant 2.000000e+01 : f32
    %div3A_32 = vector.broadcast %div3A_31 : f32 to vector<128x44xf32>
    %div3A_33 = arith.divf %reduce_sum3A_30, %div3A_32 : vector<128x44xf32>
    %concatenate3A = tpu.concatenate %div3A_26, %div3A_33 in 1 : vector<128x256xf32>, vector<128x44xf32> -> vector<128x300xf32>
    %swap3A = arith.constant 0 : index
    %swap3A_34 = arith.constant 0 : index
    %swap3A_35 = vector.load %arg2[%swap3A, %swap3A_34] : memref<128x300xf32, #tpu.memory_space<vmem>>, vector<128x300xf32>
    tpu.vector_store %arg2[%swap3A, %swap3A_34], %concatenate3A {strides = array<i32>} : memref<128x300xf32, #tpu.memory_space<vmem>>, vector<128x300xf32>,
    return
  }
  func.func @transform_0(%arg0: i32) -> (i32, i32, i32) {
    %c0_i32 = arith.constant 0 : i32
    %c0_i32_0 = arith.constant 0 : i32
    %c0_i32_1 = arith.constant 0 : i32
    return %arg0, %c0_i32, %c0_i32_0 : i32, i32, i32
  }
  func.func @transform_1(%arg0: i32) -> (i32, i32) {
    %c0_i32 = arith.constant 0 : i32
    %c0_i32_0 = arith.constant 0 : i32
    return %arg0, %c0_i32 : i32, i32
  }
}

module attributes {stable_mosaic.version = 14 : i64} {
  func.func @_mm_body(%arg0: i32, %arg1: memref<1024x300xf32, #tpu.memory_space<vmem>>, %arg2: memref<4096x300xf32, #tpu.memory_space<vmem>>, %arg3: memref<1x4096xf32, #tpu.memory_space<vmem>>, %arg4: memref<1024x4096xf32, #tpu.memory_space<vmem>>) attributes {dimension_semantics = [#tpu.dimension_semantics<arbitrary>], iteration_bounds = array<i64: 25>, scalar_prefetch = 0 : i64, scratch_operands = 0 : i64, tpu.core_type = #tpu.core_type<tc>, window_params = [{pipeline_mode = #tpu.pipeline_mode<synchronous>, transform_indices = @transform_0, window_bounds = array<i64: 1024, 300>}, {transform_indices = @transform_1, window_bounds = array<i64: 4096, 300>}, {transform_indices = @transform_2, window_bounds = array<i64: 1, 4096>}, {transform_indices = @transform_3, window_bounds = array<i64: 1024, 4096>}]} {
    %get3A = arith.constant 0 : index
    %get3A_0 = arith.constant 0 : index
    %get3A_1 = vector.load %arg1[%get3A, %get3A_0] : memref<1024x300xf32, #tpu.memory_space<vmem>>, vector<1024x300xf32>
    %convert_element_type3A = arith.truncf %get3A_1 : vector<1024x300xf32> to vector<1024x300xbf16>
    %get3A_2 = arith.constant 0 : index
    %get3A_3 = arith.constant 0 : index
    %get3A_4 = vector.load %arg2[%get3A_2, %get3A_3] : memref<4096x300xf32, #tpu.memory_space<vmem>>, vector<4096x300xf32>
    %convert_element_type3A_5 = arith.truncf %get3A_4 : vector<4096x300xf32> to vector<4096x300xbf16>
    %dot_general3A = arith.constant dense<0.000000e+00> : vector<1024x4096xf32>
    %dot_general3A_6 = tpu.matmul %convert_element_type3A, %convert_element_type3A_5, %dot_general3A {dimension_numbers = #tpu.dot_dimension_numbers<[1], [1], [0], [0], [0, 0, 1, 0], [], []>, transpose_lhs_hint = false} : vector<1024x300xbf16>, vector<4096x300xbf16>, vector<1024x4096xf32> -> vector<1024x4096xf32>
    %get3A_7 = arith.constant 0 : index
    %get3A_8 = arith.constant 0 : index
    %get3A_9 = vector.load %arg3[%get3A_7, %get3A_8] : memref<1x4096xf32, #tpu.memory_space<vmem>>, vector<1x4096xf32>
    %add3A = vector.broadcast %get3A_9 : vector<1x4096xf32> to vector<1024x4096xf32>
    %add3A_10 = arith.addf %dot_general3A_6, %add3A : vector<1024x4096xf32>
    %swap3A = arith.constant 0 : index
    %swap3A_11 = arith.constant 0 : index
    %swap3A_12 = vector.load %arg4[%swap3A, %swap3A_11] : memref<1024x4096xf32, #tpu.memory_space<vmem>>, vector<1024x4096xf32>
    tpu.vector_store %arg4[%swap3A, %swap3A_11], %add3A_10 {strides = array<i32>} : memref<1024x4096xf32, #tpu.memory_space<vmem>>, vector<1024x4096xf32>,
    return
  }
  func.func @transform_0(%arg0: i32) -> (i32, i32) {
    %c0_i32 = arith.constant 0 : i32
    %c0_i32_0 = arith.constant 0 : i32
    %c0_i32_1 = arith.constant 0 : i32
    return %c0_i32, %c0_i32_0 : i32, i32
  }
  func.func @transform_1(%arg0: i32) -> (i32, i32) {
    %c0_i32 = arith.constant 0 : i32
    %c0_i32_0 = arith.constant 0 : i32
    return %arg0, %c0_i32 : i32, i32
  }
  func.func @transform_2(%arg0: i32) -> (i32, i32) {
    %c0_i32 = arith.constant 0 : i32
    %c0_i32_0 = arith.constant 0 : i32
    return %c0_i32, %arg0 : i32, i32
  }
  func.func @transform_3(%arg0: i32) -> (i32, i32) {
    %c0_i32 = arith.constant 0 : i32
    %c0_i32_0 = arith.constant 0 : i32
    return %c0_i32, %arg0 : i32, i32
  }
}

</mosaic_0001>

<sc_bundles>
// kernel: kernel.5.cloned.1.call-start
scs
__scs_entry_jumppad:
0x0: {  	(pc) =	sbr.rel $0x88, $3  }
0x1: {  	(tag) =	ssettag $0x0;
	lr =	simm.s32 $0x1  }
0x2: {  	[smem:$0x3F9D] =	sst lr;
	_ =	strace $0xD0000000  }
0x3: {  	_ = 	snop  }
0x4: {  	_ = 	snop  }
0x5: {  	_ = 	snop  }
0x6: {  	_ = 	snop  }
0x7: {  	_ = 	snop  }
__scs_overlays_trampoline_lowered:
0x8: {  	[smem:$0x3FAC] =	sst s0  }
0x9: {  	[smem:$0x3FAD] =	sst s1  }
0xa: {  	[smem:$0x3FAE] =	sst s2  }
0xb: {  	[smem:$0x3FAF] =	sst s3  }
0xc: {  	[smem:$0x3FB0] =	sst s4  }
0xd: {  	[smem:$0x3FB1] =	sst s5  }
0xe: {  	[smem:$0x3FB2] =	sst s6  }
0xf: {  	[smem:$0x3FB3] =	sst s7  }
0x10: {  	[smem:$0x3FB4] =	sst s8  }
0x11: {  	[smem:$0x3FB5] =	sst s9;
	s0 =	simm.s32 @!p0 $0x0  }
0x12: {  	s1 =	sld [smem:$0x3F9B];
	s0 =	simm.s32 @p0 $0x1  }
0x13: {  	[smem:$0x3FB6] =	sst s0;
	s0 =	simm.s32 @!p1 $0x0  }
0x14: {  	s2 =	sld [smem:$0x3F9A];
	s0 =	simm.s32 @p1 $0x1  }
0x15: {  	[smem:$0x3FB7] =	sst s0;
	s0 =	simm.s32 @!p2 $0x0  }
0x16: {  	s3 =	sld [smem:$0x3FDB];
	s0 =	simm.s32 @p2 $0x1  }
0x17: {  	s4 =	simm.s32 $0x1BF5;
	[smem:$0x3FB9] =	sst s0  }
0x18: {  	s0 =	sld [smem:$0x3F9C];
	_ =	swait.ge [sflag:s4], $0x0  }
0x19: {  	s7 =	sld [smem:$0x3F9D]  }
0x1a: {  	s8 =	sadd.s32 $0xFFFFE003, lr  }
0x1b: {  	s9 =	sadd.s32 $0xFFFFFEF7, lr;
	s5 =	simm.s32 $0xFFFFFFFF;
	p2 =	slt.u32 s8, $0xFFFFF086  }
0x1c: {  	p1 =	slt.u32 s9, $0xF7A;
	s5 =	simm.s32 @!p2 $0x0  }
0x1d: {  	s5 =	simm.s32 @p1 $0x1;
	p0 =	seq.s32 s7, s2  }
0x1e: {  	s7 =	smul.u32 @!p0 $0xF7A, s2;
	p2 =	seq.s32 @!p0 s5, $0x0  }
0x1f: {  	s9 =	smul.u32 $0xF7A, s1;
	s8 =	simm.s32 @!p0 $0x1BF5;
	p2 =	por !p2, p0  }
0x20: {  	[sflag:s8] =	ssyncset.s32 @!p0 $0xFFFFF086;
	s6 =	sadd.s32 @!p0 s3, s7;
	s7 =	simm.s32 @!p0 $0x108  }
0x21: {  	s3 =	sadd.s32 s3, s9;
	s6 =	sadd.s32 @!p0 $0x88, s6;
	s7 =	simm.s32 @p2 $0x1082  }
0x22: {  	[simem:s7], [sflag:s8] =	dma.local @!p0 [hbm:s6], $0xF7A  }
0x23: {  	s9 =	sor.u32 $0xD0000000, s2;
	s6 =	simm.s32 $0x108;
	_ =	swait.ge @!p0 [sflag:s8], $0x0  }
0x24: {  	s3 =	sadd.s32 $0x88, s3;
	s6 =	simm.s32 @!p1 $0x1082;
	[sflag:s4] =	ssyncset.s32 $0xFFFFF086  }
0x25: {  	[simem:s6], [sflag:s4] =	dma.local [hbm:s3], $0xF7A  }
0x26: {  	[smem:$0x3F9D] =	sst s1;
	(tag) =	ssettag s2;
	_ =	strace s9  }
0x27: {  	s1 =	sld [smem:$0x3FAD]  }
0x28: {  	s2 =	sld [smem:$0x3FAE]  }
0x29: {  	s4 =	sld [smem:$0x3FB0]  }
0x2a: {  	p0 =	seq.s32 s5, $0x0;
	s5 =	sld [smem:$0x3FB1]  }
0x2b: {  	s6 =	sld [smem:$0x3FB2]  }
0x2c: {  	s7 =	sld [smem:$0x3FB3]  }
0x2d: {  	s3 =	simm.s32 $0x108;
	s8 =	sld [smem:$0x3FB4]  }
0x2e: {  	s3 =	simm.s32 @!p0 $0x1082;
	s9 =	sld [smem:$0x3FB5]  }
0x2f: {  	lr =	sadd.s32 s0, s3;
	s0 =	sld [smem:$0x3FAC]  }
0x30: {  	s3 =	sld [smem:$0x3FAF]  }
0x31: {  	[smem:$0x3FB8] =	sst s10  }
0x32: {  	s10 =	sld [smem:$0x3FB6];
	_ =	sdelay $0x3  }
0x33: {  	p0 =	seq.s32 s10, $0x1;
	s10 =	sld [smem:$0x3FB8];
	_ =	sdelay $0x3  }
0x34: {  	[smem:$0x3FB8] =	sst s10  }
0x35: {  	s10 =	sld [smem:$0x3FB7];
	_ =	sdelay $0x3  }
0x36: {  	p1 =	seq.s32 s10, $0x1;
	s10 =	sld [smem:$0x3FB8];
	_ =	sdelay $0x3  }
0x37: {  	[smem:$0x3FB8] =	sst s10  }
0x38: {  	s10 =	sld [smem:$0x3FB9]  }
0x39: {  	_ = 	snop;
	(pc) =	sbr.ind lr, $3  }
0x3a: {  	_ = 	snop  }
0x3b: {  	_ = 	snop  }
0x3c: {  	p2 =	seq.s32 s10, $0x1;
	s10 =	sld [smem:$0x3FB8]  }
0x3d: {  	_ =	shalt  }
0x3e: {  	_ =	shalt  }
0x3f: {  	_ =	shalt  }
0x40: {  	_ =	shalt  }
0x41: {  	_ =	shalt  }
0x42: {  	_ =	shalt  }
0x43: {  	_ =	shalt  }
0x44: {  	_ =	shalt  }
0x45: {  	_ =	shalt  }
0x46: {  	_ =	shalt  }
0x47: {  	_ =	shalt  }
0x48: {  	_ =	shalt  }
0x49: {  	_ =	shalt  }
0x4a: {  	_ =	shalt  }
0x4b: {  	_ =	shalt  }
0x4c: {  	_ =	shalt  }
0x4d: {  	_ =	shalt  }
0x4e: {  	_ =	shalt  }
0x4f: {  	_ =	shalt  }
0x50: {  	_ =	shalt  }
0x51: {  	_ =	shalt  }
0x52: {  	_ =	shalt  }
0x53: {  	_ =	shalt  }
0x54: {  	_ =	shalt  }
0x55: {  	_ =	shalt  }
0x56: {  	_ =	shalt  }
0x57: {  	_ =	shalt  }
0x58: {  	_ =	shalt  }
0x59: {  	_ =	shalt  }
0x5a: {  	_ =	shalt  }
0x5b: {  	_ =	shalt  }
0x5c: {  	_ =	shalt  }
0x5d: {  	_ =	shalt  }
0x5e: {  	_ =	shalt  }
0x5f: {  	_ =	shalt  }
0x60: {  	_ =	shalt  }
0x61: {  	_ =	shalt  }
0x62: {  	_ =	shalt  }
0x63: {  	_ =	shalt  }
0x64: {  	_ =	shalt  }
0x65: {  	_ =	shalt  }
0x66: {  	_ =	shalt  }
0x67: {  	_ =	shalt  }
0x68: {  	_ =	shalt  }
0x69: {  	_ =	shalt  }
0x6a: {  	_ =	shalt  }
0x6b: {  	_ =	shalt  }
0x6c: {  	_ =	shalt  }
0x6d: {  	_ =	shalt  }
0x6e: {  	_ =	shalt  }
0x6f: {  	_ =	shalt  }
0x70: {  	_ =	shalt  }
0x71: {  	_ =	shalt  }
0x72: {  	_ =	shalt  }
0x73: {  	_ =	shalt  }
0x74: {  	_ =	shalt  }
0x75: {  	_ =	shalt  }
0x76: {  	_ =	shalt  }
0x77: {  	_ =	shalt  }
0x78: {  	_ =	shalt  }
0x79: {  	_ =	shalt  }
0x7a: {  	_ =	shalt  }
0x7b: {  	_ =	shalt  }
0x7c: {  	_ =	shalt  }
0x7d: {  	_ =	shalt  }
0x7e: {  	_ =	shalt  }
0x7f: {  	_ =	shalt  }
0x80: {  	_ =	shalt  }
0x81: {  	_ =	shalt  }
0x82: {  	_ =	shalt  }
0x83: {  	_ =	shalt  }
0x84: {  	_ =	shalt  }
0x85: {  	_ =	shalt  }
0x86: {  	_ =	shalt  }
0x87: {  	_ =	shalt  }
.Lfunc_end0:
.L_simem_size_0:
called_computation_lowered:
.L_overlay_start_0:
0x88: {  	s2 =	sld [smem:$0x3FD9]  }
0x89: {  	s3 =	sld [smem:$0x3FFE];
	_ =	sdelay $0x1  }
0x8a: {  	s1 =	srdreg.scid  }
0x8b: {  	s0 =	sand.u32 $0x1, s1  }
0x8c: {  	s17 =	sshll.u32 s0, $0xA;
	s2 =	sadd.s32 s3, s2  }
0x8d: {  	s2 =	sadd.s32 s2, s17  }
0x8e: {  	[smem:$0x3FC4] =	sst s2  }
0x8f: {  	_ = 	snop  }
0x90: {  	s2 =	sld [smem:$0x3FD0];
	(tm) =	ssettm $0x1  }
0x91: {  	s18 =	sld [smem:$0x3FFB];
	_ =	sdelay $0x3  }
0x92: {  	_ =	strace s18  }
0x93: {  	s3 =	sld [smem:$0x3FFC];
	_ =	sdelay $0x3  }
0x94: {  	_ =	strace s3  }
0x95: {  	s3 =	sld [smem:$0x3FFD];
	_ =	sdelay $0x3  }
0x96: {  	_ =	strace s3  }
0x97: {  	_ =	strace $0x8FFFFFFF  }
0x98: {  	s19 =	sld [smem:$0x3FDB];
	_ =	sdelay $0x1  }
0x99: {  	s4 =	simm.s32 $_scs_section_size  }
0x9a: {  	s5 =	simm.s32 $_size__tile_overlayer_lowered;
	s6 =	simm.s32 $_tile_overlayer_lowered  }
0x9b: {  	s22 =	simm.s32 $0x1BFF;
	s21 =	sshll.u32 s6, $0x1;
	s3 =	sadd.s32 s4, s19  }
0x9c: {  	s7 =	simm.s32 $0x0;
	s20 =	sshll.u32 s5, $0x1;
	s5 =	sadd.s32 s21, s3  }
0x9d: {  	[timem:s7], [sflag:s22] =	dma.local [hbm:s5], s20  }
0x9e: {  	_ =	swait.ge [sflag:s22], s20  }
0x9f: {  	s4 =	ssub.s32 $0x0, s20;
	[sflag:s22] =	ssyncset.done $0x0  }
0xa0: {  	[sflag:s22] =	ssyncadd.s32 s4;
	_ =	sdelay $0x1  }
0xa1: {  	s23 =	simm.s32 $0x1B8B  }
0xa2: {  	_ =	swait.ge [sflag:s23], $0x1  }
0xa3: {  	[sflag:s23] =	ssyncset.done $0x0  }
0xa4: {  	s25 =	simm.s32 $0x1B8E;
	s24 =	sld [smem:$0x3FFE];
	[sflag:s23] =	ssyncadd.s32 $0xFFFFFFFF  }
0xa5: {  	s26 =	simm.s32 $execute0_lowered;
	[smem:$0x3FD2] =	sst s25  }
0xa6: {  	s5 =	sshll.u32 s26, $0x1;
	_ =	strace $0x80000046;
	[dreg:$0x1] =	wrdreg $0xFFFFFFFF  }
0xa7: {  	s28 =	simm.s32 $_size_execute0_lowered;
	s3 =	sadd.s32 s3, s5;
	[dreg:$0x0] =	wrdreg $0x0  }
0xa8: {  	s5 =	sshll.u32 s28, $0x1;
	[dreg:$0x2] =	wrdreg s3  }
0xa9: {  	[dreg:$0x3] =	wrdreg s5  }
0xaa: {  	[dreg:$0x4] =	wrdreg $0xC0  }
0xab: {  	_ =	task [dreg:s7], $0x5FFFF  }
0xac: {  	[dreg:$0x1] =	wrdreg $0xFFFFFFFF  }
0xad: {  	[dreg:$0x0] =	wrdreg $0x60  }
0xae: {  	[dreg:$0x2] =	wrdreg s2  }
0xaf: {  	[dreg:$0x3] =	wrdreg s24  }
0xb0: {  	[dreg:$0x4] =	wrdreg $0x9  }
0xb1: {  	_ =	task.clear_ibuf [dreg:s7], $0x5FFFF;
	_ =	strace $0x90000046  }
0xb2: {  	s29 =	simm.s32 $0x9;
	_ =	strace $0x80000048  }
0xb3: {  	_ =	swait.ge [sflag:s29], $0x1  }
0xb4: {  	[sflag:s29] =	ssyncadd.s32 $0xFFFFFFFF  }
0xb5: {  	_ =	strace $0x90000048  }
0xb6: {  	_ =	sfence  }
0xb7: {  	s30 =	sld [smem:$0x0];
	_ =	sdelay $0x2  }
0xb8: {  	s31 =	sshll.u32 s1, $0xD;
	s1 =	sshrl.u32 s1, $0x2  }
0xb9: {  	s3 =	sand.u32 $0x4000, s31;
	s1 =	sadd.s32 s1, s30  }
0xba: {  	s0 =	sor.u32 s3, s0;
	s1 =	sshll.u32 s1, $0x11  }
0xbb: {  	s0 =	sor.u32 s1, s0  }
0xbc: {  	s0 =	sadd.s32 $0x8F2B, s0  }
0xbd: {  	[sflag:s0] =	ssyncadd.remote.s32 $0x1  }
0xbe: {  	_ =	sfence.sel $0xFFFF  }
0xbf: {  	[dreg:$0x0] =	wrdreg $0xFFFFFFFF;
	(pc) =	sbr.abs _section_cstart, $3  }
0xc0: {  	[dreg:$0x1] =	wrdreg $0xFFFFFFFF  }
0xc1: {  	_ =	task.clear_ibuf [dreg:s7], $0x2FFFF;
	_ =	strace $0x9FFFFFFF  }
0xc2: {  	(tm) =	ssettm $0x7FFFFFFF  }
0xc3: {  	_ =	shalt  }
tec
execute0_lowered:
.L_overlay_start_1:
0x0: {  	(tag) =	ssettag $0x1  }
0x1: {  	s0 =	srdreg.scid  }
0x2: {  	s1 =	stileid.u32;
	s2 =	rddreg [dreg:$0x0]  }
0x3: {  	s4 =	rddreg [dreg:$0x1];
	s3 =	simm.s32 $0x0;
	s9 =	simm.s32 $0x1  }
0x4: {  	s10 =	simm.s32 $0xC00;
	s0 =	sand.u32 $0x1, s0;
	s1 =	sshll.u32 s1, $0x1  }
0x5: {  	s12 =	simm.s32 $0x2;
	s28 =	simm.s32 $0x14300;
	s1 =	sor.u32 s0, s1  }
0x6: {  	s29 =	simm.s32 $0x14380;
	s30 =	simm.s32 $0x14400;
	s1 =	smul.u32 $0x280, s1  }
0x7: {  	s31 =	simm.s32 $0x14480;
	s8 =	simm.s32 $0x400;
	[smem:$0x7FF] =	sst s3  }
0x8: {  	s6 =	sadd.s32 $0x1200, s4;
	s0 =	ssub.s32 $0x2, s0;
	s1 =	sshrl.u32 s1, $0x3  }
0x9: {  	_ =	strace $0x80000047;
	s25 =	sshrl.u32 s0, $0x1;
	s5 =	sadd.s32 s1, s4  }
0xa: {  	s0 =	ssub.s32 s0, s25;
	s1 =	smul.u32 $0x180, s1;
	s5 =	sadd.s32 $0x800, s5  }
0xb: {  	s25 =	simm.s32 $0xFA80;
	s4 =	sadd.s32 $0x1300, s4;
	[dreg:$0x3] =	wrdreg s5  }
0xc: {  	s15 =	sadd.s32 s6, s1;
	s16 =	sadd.s32 s1, s4;
	s7 =	sadd.s32 $0x1800, s1  }
0xd: {  	s19 =	sadd.s32 $0x3000, s1;
	s22 =	sadd.s32 $0x4800, s1;
	[dreg:$0x4] =	wrdreg s15  }
0xe: {  	s1 =	sadd.s32 $0x6000, s1;
	[dreg:$0x5] =	wrdreg s16;
	s17 =	sadd.s32 s6, s7  }
0xf: {  	s5 =	smax.u32 s0, $0x1;
	s18 =	sadd.s32 s7, s4;
	[dreg:$0x6] =	wrdreg s17  }
0x10: {  	s20 =	sadd.s32 s6, s19;
	s21 =	sadd.s32 s19, s4;
	[dreg:$0x7] =	wrdreg s18  }
0x11: {  	v6 =	vlaneseq.u32;
	v1 =	vimm.s32 $0x7;
	v3 =	vimm.s32 $0x3;
	s23 =	sadd.s32 s6, s22;
	s24 =	sadd.s32 s22, s4;
	[dreg:$0x8] =	wrdreg s20  }
0x12: {  	vm0 =	vmmov $0xffff;
	v5 =	vimm.s32 $0x0;
	vm1 =	vmmov $0x1;
	s26 =	sadd.s32 s6, s1;
	s1 =	sadd.s32 s1, s4;
	[dreg:$0x9] =	wrdreg s21  }
0x13: {  	v7 =	vimm.s32 $0x1;
	v8 =	vimm.s32 $0x2;
	v9 =	vimm.s32 $0x4;
	s4 =	sadd.s32 $0x100, s2;
	s6 =	simm.s32 $0x3;
	[dreg:$0xa] =	wrdreg s23  }
0x14: {  	v10 =	vimm.s32 $0x5;
	v11 =	vimm.s32 $0x6;
	v12 =	vimm.s32 $0x8;
	s15 =	simm.s32 $0xB280;
	s16 =	simm.s32 $0xBA80;
	[dreg:$0xb] =	wrdreg s24  }
0x15: {  	v13 =	vimm.s32 $0x9;
	v14 =	vimm.s32 $0xA;
	v15 =	vimm.s32 $0xB;
	s19 =	simm.s32 $0xD280;
	s22 =	simm.s32 $0xEA80;
	[dreg:$0xc] =	wrdreg s26  }
0x16: {  	v16 =	vimm.s32 $0xC;
	v17 =	vimm.s32 $0xD;
	v18 =	vimm.s32 $0xE;
	s7 =	simm.s32 $0x800;
	[dreg:$0xd] =	wrdreg s1;
	s17 =	simm.s32 $0xC280  }
0x17: {  	v19 =	vimm.s32 $0xF;
	v0 =	vand.u32 $0x7, v6;
	v2 =	vshrl.u32 v6, $0x3;
	s18 =	simm.s32 $0xCA80;
	s20 =	simm.s32 $0xDA80;
	s21 =	simm.s32 $0xE280  }
0x18: {  	v4 =	vor.u32 $0x8, v6;
	v6 =	vmul.u32 $0x8, v6;
	v2 =	vmul.u32 $0x8, v2;
	s24 =	simm.s32 $0xF280;
	s23 =	simm.s32 $0x14580;
	s26 =	simm.s32 $0x14600  }
.LBB2_1:
0x19: {  	s13 =	rddreg [dreg:$0x3]  }
0x1a: {  	[tilespmem:s3], [sflag:$0x3] =	stream.linear.gather [hbm4b:s13+s3], $0x280, $0x38;
	[tilespmem:$0x18280] =	vst v63  }
0x1b: {  	_ =	swait.ge [sflag:s6], $0x280  }
0x1c: {  	[sflag:s6] =	ssyncset.done $0x0  }
0x1d: {  	[sflag:s6] =	ssyncadd.s32 $0xFFFFFD80  }
0x1e: {  	v20 =	vld [tilespmem:$0x0];
	_ =	sdelay $0x4  }
0x1f: {  	v21 =	vshrl.u32 v20, $0x3  }
0x20: {  	v21 =	vmul.u32 $0x18, v21  }
0x21: {  	v20 =	vand.u32 $0x7, v20  }
0x22: {  	v20 =	vor.u32 v20, v21  }
0x23: {  	v21 =	vperm.xlane v20, v0;
	_ =	sdelay $0x1  }
0x24: {  	v20 =	vperm.xlane v20, v4;
	v21 =	vadd.s32 v2, v21;
	_ =	sdelay $0x1  }
0x25: {  	v20 =	vadd.s32 v2, v20;
	_ =	sdelay $0x1  }
0x26: {  	s0 =	simm.s32 $0x280  }
0x27: {  	[tilespmem:s0], [sflag:$0x1] =	stream.indirect_vreg.gather [hbm4b:s2+s3], $0x80, v21, vm0, $0xb8;
	[tilespmem:$0x18280] =	vst v63  }
0x28: {  	s11 =	simm.s32 $0xA80  }
0x29: {  	[tilespmem:s11], [sflag:$0x1] =	stream.indirect_vreg.gather [hbm4b:s2+s3], $0x80, v20, vm0, $0xb8;
	[tilespmem:$0x18280] =	vst v63  }
0x2a: {  	v20 =	vld [tilespmem:$0x10];
	_ =	sdelay $0x4  }
0x2b: {  	v25 =	vshrl.u32 v20, $0x3  }
0x2c: {  	v21 =	vmul.u32 $0x18, v25  }
0x2d: {  	v20 =	vand.u32 $0x7, v20  }
0x2e: {  	v20 =	vor.u32 v20, v21  }
0x2f: {  	v21 =	vperm.xlane v20, v0;
	_ =	sdelay $0x1  }
0x30: {  	v20 =	vperm.xlane v20, v4;
	v21 =	vadd.s32 v2, v21;
	_ =	sdelay $0x1  }
0x31: {  	v20 =	vadd.s32 v2, v20;
	_ =	sdelay $0x1  }
0x32: {  	s13 =	simm.s32 $0x1280  }
0x33: {  	[tilespmem:s13], [sflag:$0x1] =	stream.indirect_vreg.gather [hbm4b:s2+s3], $0x80, v21, vm0, $0xb8;
	[tilespmem:$0x18280] =	vst v63  }
0x34: {  	s14 =	simm.s32 $0x1A80  }
0x35: {  	[tilespmem:s14], [sflag:$0x1] =	stream.indirect_vreg.gather [hbm4b:s2+s3], $0x80, v20, vm0, $0xb8;
	[tilespmem:$0x18280] =	vst v63  }
0x36: {  	v20 =	vld [tilespmem:$0x20];
	_ =	sdelay $0x4  }
0x37: {  	v26 =	vshrl.u32 v20, $0x3  }
0x38: {  	v21 =	vmul.u32 $0x18, v26  }
0x39: {  	v20 =	vand.u32 $0x7, v20  }
0x3a: {  	v20 =	vor.u32 v20, v21  }
0x3b: {  	v21 =	vperm.xlane v20, v0;
	_ =	sdelay $0x1  }
0x3c: {  	v20 =	vperm.xlane v20, v4;
	v21 =	vadd.s32 v2, v21;
	_ =	sdelay $0x1  }
0x3d: {  	v20 =	vadd.s32 v2, v20;
	_ =	sdelay $0x1  }
0x3e: {  	s1 =	simm.s32 $0x2280  }
0x3f: {  	[tilespmem:s1], [sflag:$0x1] =	stream.indirect_vreg.gather [hbm4b:s2+s3], $0x80, v21, vm0, $0xb8;
	[tilespmem:$0x18280] =	vst v63  }
0x40: {  	s11 =	simm.s32 $0x2A80  }
0x41: {  	[tilespmem:s11], [sflag:$0x1] =	stream.indirect_vreg.gather [hbm4b:s2+s3], $0x80, v20, vm0, $0xb8;
	[tilespmem:$0x18280] =	vst v63  }
0x42: {  	v20 =	vld [tilespmem:$0x30];
	_ =	sdelay $0x4  }
0x43: {  	v27 =	vshrl.u32 v20, $0x3  }
0x44: {  	v21 =	vmul.u32 $0x18, v27  }
0x45: {  	v20 =	vand.u32 $0x7, v20  }
0x46: {  	v20 =	vor.u32 v20, v21  }
0x47: {  	v21 =	vperm.xlane v20, v0;
	_ =	sdelay $0x1  }
0x48: {  	v20 =	vperm.xlane v20, v4;
	v21 =	vadd.s32 v2, v21;
	_ =	sdelay $0x1  }
0x49: {  	v20 =	vadd.s32 v2, v20;
	_ =	sdelay $0x1  }
0x4a: {  	s13 =	simm.s32 $0x3280  }
0x4b: {  	[tilespmem:s13], [sflag:$0x1] =	stream.indirect_vreg.gather [hbm4b:s2+s3], $0x80, v21, vm0, $0xb8;
	[tilespmem:$0x18280] =	vst v63  }
0x4c: {  	s14 =	simm.s32 $0x3A80  }
0x4d: {  	[tilespmem:s14], [sflag:$0x1] =	stream.indirect_vreg.gather [hbm4b:s2+s3], $0x80, v20, vm0, $0xb8;
	[tilespmem:$0x18280] =	vst v63  }
0x4e: {  	v20 =	vld [tilespmem:$0x40];
	_ =	sdelay $0x4  }
0x4f: {  	v28 =	vshrl.u32 v20, $0x3  }
0x50: {  	v21 =	vmul.u32 $0x18, v28  }
0x51: {  	v20 =	vand.u32 $0x7, v20  }
0x52: {  	v20 =	vor.u32 v20, v21  }
0x53: {  	v21 =	vperm.xlane v20, v0;
	_ =	sdelay $0x1  }
0x54: {  	v20 =	vperm.xlane v20, v4;
	v21 =	vadd.s32 v2, v21;
	_ =	sdelay $0x1  }
0x55: {  	v20 =	vadd.s32 v2, v20;
	_ =	sdelay $0x1  }
0x56: {  	s1 =	simm.s32 $0x4280  }
0x57: {  	[tilespmem:s1], [sflag:$0x1] =	stream.indirect_vreg.gather [hbm4b:s2+s3], $0x80, v21, vm0, $0xb8;
	[tilespmem:$0x18280] =	vst v63  }
0x58: {  	s11 =	simm.s32 $0x4A80  }
0x59: {  	[tilespmem:s11], [sflag:$0x1] =	stream.indirect_vreg.gather [hbm4b:s2+s3], $0x80, v20, vm0, $0xb8;
	[tilespmem:$0x18280] =	vst v63  }
0x5a: {  	v20 =	vld [tilespmem:$0x50];
	_ =	sdelay $0x4  }
0x5b: {  	v29 =	vshrl.u32 v20, $0x3  }
0x5c: {  	v21 =	vmul.u32 $0x18, v29  }
0x5d: {  	v20 =	vand.u32 $0x7, v20  }
0x5e: {  	v20 =	vor.u32 v20, v21  }
0x5f: {  	v21 =	vperm.xlane v20, v0;
	_ =	sdelay $0x1  }
0x60: {  	v20 =	vperm.xlane v20, v4;
	v21 =	vadd.s32 v2, v21;
	_ =	sdelay $0x1  }
0x61: {  	v20 =	vadd.s32 v2, v20;
	_ =	sdelay $0x1  }
0x62: {  	s13 =	simm.s32 $0x5280  }
0x63: {  	[tilespmem:s13], [sflag:$0x1] =	stream.indirect_vreg.gather [hbm4b:s2+s3], $0x80, v21, vm0, $0xb8;
	[tilespmem:$0x18280] =	vst v63  }
0x64: {  	s14 =	simm.s32 $0x5A80  }
0x65: {  	[tilespmem:s14], [sflag:$0x1] =	stream.indirect_vreg.gather [hbm4b:s2+s3], $0x80, v20, vm0, $0xb8;
	[tilespmem:$0x18280] =	vst v63  }
0x66: {  	v20 =	vld [tilespmem:$0x60];
	_ =	sdelay $0x4  }
0x67: {  	v30 =	vshrl.u32 v20, $0x3  }
0x68: {  	v21 =	vmul.u32 $0x18, v30  }
0x69: {  	v20 =	vand.u32 $0x7, v20  }
0x6a: {  	v20 =	vor.u32 v20, v21  }
0x6b: {  	v21 =	vperm.xlane v20, v0;
	_ =	sdelay $0x1  }
0x6c: {  	v20 =	vperm.xlane v20, v4;
	v21 =	vadd.s32 v2, v21;
	_ =	sdelay $0x1  }
0x6d: {  	v20 =	vadd.s32 v2, v20;
	_ =	sdelay $0x1  }
0x6e: {  	s1 =	simm.s32 $0x6280  }
0x6f: {  	[tilespmem:s1], [sflag:$0x1] =	stream.indirect_vreg.gather [hbm4b:s2+s3], $0x80, v21, vm0, $0xb8;
	[tilespmem:$0x18280] =	vst v63  }
0x70: {  	s11 =	simm.s32 $0x6A80  }
0x71: {  	[tilespmem:s11], [sflag:$0x1] =	stream.indirect_vreg.gather [hbm4b:s2+s3], $0x80, v20, vm0, $0xb8;
	[tilespmem:$0x18280] =	vst v63  }
0x72: {  	v20 =	vld [tilespmem:$0x70];
	_ =	sdelay $0x4  }
0x73: {  	v31 =	vshrl.u32 v20, $0x3  }
0x74: {  	v21 =	vmul.u32 $0x18, v31  }
0x75: {  	v20 =	vand.u32 $0x7, v20  }
0x76: {  	v20 =	vor.u32 v20, v21  }
0x77: {  	v21 =	vperm.xlane v20, v0;
	_ =	sdelay $0x1  }
0x78: {  	v20 =	vperm.xlane v20, v4;
	v21 =	vadd.s32 v2, v21;
	_ =	sdelay $0x1  }
0x79: {  	v20 =	vadd.s32 v2, v20;
	_ =	sdelay $0x1  }
0x7a: {  	s13 =	simm.s32 $0x7280  }
0x7b: {  	[tilespmem:s13], [sflag:$0x1] =	stream.indirect_vreg.gather [hbm4b:s2+s3], $0x80, v21, vm0, $0xb8;
	[tilespmem:$0x18280] =	vst v63  }
0x7c: {  	s14 =	simm.s32 $0x7A80  }
0x7d: {  	[tilespmem:s14], [sflag:$0x1] =	stream.indirect_vreg.gather [hbm4b:s2+s3], $0x80, v20, vm0, $0xb8;
	[tilespmem:$0x18280] =	vst v63  }
0x7e: {  	v20 =	vld [tilespmem:$0x0];
	_ =	sdelay $0x4  }
0x7f: {  	v32 =	vshrl.u32 v20, $0x3  }
0x80: {  	v21 =	vmul.u32 $0x18, v32  }
0x81: {  	v20 =	vand.u32 $0x7, v20  }
0x82: {  	v20 =	vor.u32 v20, v21  }
0x83: {  	v21 =	vperm.xlane v20, v5;
	_ =	sdelay $0x1  }
0x84: {  	v22 =	vperm.xlane v20, v7;
	v21 =	vadd.s32 v6, v21;
	_ =	sdelay $0x1  }
0x85: {  	v23 =	vperm.xlane v20, v8;
	v22 =	vadd.s32 v6, v22;
	_ =	sdelay $0x1  }
0x86: {  	s1 =	simm.s32 $0x10280;
	v24 =	vperm.xlane v20, v3;
	v23 =	vadd.s32 v6, v23  }
0x87: {  	[tilespmem:s1], [sflag:$0x1] =	stream.indirect_vreg.gather [hbm4b:s4+s3], $0x80, v21, vm1, $0xb8;
	[tilespmem:$0x18280] =	vst v63  }
0x88: {  	s11 =	simm.s32 $0x10300;
	v34 =	vperm.xlane v20, v9;
	v33 =	vadd.s32 v6, v24  }
0x89: {  	[tilespmem:s11], [sflag:$0x1] =	stream.indirect_vreg.gather [hbm4b:s4+s3], $0x80, v22, vm1, $0xb8;
	[tilespmem:$0x18280] =	vst v63  }
0x8a: {  	s13 =	simm.s32 $0x10380;
	v36 =	vperm.xlane v20, v10;
	v35 =	vadd.s32 v6, v34  }
0x8b: {  	[tilespmem:s13], [sflag:$0x1] =	stream.indirect_vreg.gather [hbm4b:s4+s3], $0x80, v23, vm1, $0xb8;
	[tilespmem:$0x18280] =	vst v63  }
0x8c: {  	s14 =	simm.s32 $0x10400;
	v38 =	vperm.xlane v20, v11;
	v37 =	vadd.s32 v6, v36  }
0x8d: {  	[tilespmem:s14], [sflag:$0x1] =	stream.indirect_vreg.gather [hbm4b:s4+s3], $0x80, v33, vm1, $0xb8;
	[tilespmem:$0x18280] =	vst v63  }
0x8e: {  	v40 =	vperm.xlane v20, v1;
	v39 =	vadd.s32 v6, v38;
	s1 =	simm.s32 $0x10480  }
0x8f: {  	[tilespmem:s1], [sflag:$0x1] =	stream.indirect_vreg.gather [hbm4b:s4+s3], $0x80, v35, vm1, $0xb8;
	[tilespmem:$0x18280] =	vst v63  }
0x90: {  	v42 =	vperm.xlane v20, v12;
	v41 =	vadd.s32 v6, v40;
	s11 =	simm.s32 $0x10500  }
0x91: {  	[tilespmem:s11], [sflag:$0x1] =	stream.indirect_vreg.gather [hbm4b:s4+s3], $0x80, v37, vm1, $0xb8;
	[tilespmem:$0x18280] =	vst v63  }
0x92: {  	v44 =	vperm.xlane v20, v13;
	v43 =	vadd.s32 v6, v42;
	s13 =	simm.s32 $0x10580  }
0x93: {  	[tilespmem:s13], [sflag:$0x1] =	stream.indirect_vreg.gather [hbm4b:s4+s3], $0x80, v39, vm1, $0xb8;
	[tilespmem:$0x18280] =	vst v63  }
0x94: {  	v46 =	vperm.xlane v20, v14;
	v45 =	vadd.s32 v6, v44;
	s14 =	simm.s32 $0x10600  }
0x95: {  	[tilespmem:s14], [sflag:$0x1] =	stream.indirect_vreg.gather [hbm4b:s4+s3], $0x80, v41, vm1, $0xb8;
	[tilespmem:$0x18280] =	vst v63  }
0x96: {  	v48 =	vperm.xlane v20, v15;
	v47 =	vadd.s32 v6, v46;
	s1 =	simm.s32 $0x10680  }
0x97: {  	[tilespmem:s1], [sflag:$0x1] =	stream.indirect_vreg.gather [hbm4b:s4+s3], $0x80, v43, vm1, $0xb8;
	[tilespmem:$0x18280] =	vst v63  }
0x98: {  	v50 =	vperm.xlane v20, v16;
	v49 =	vadd.s32 v6, v48;
	s11 =	simm.s32 $0x10700  }
0x99: {  	[tilespmem:s11], [sflag:$0x1] =	stream.indirect_vreg.gather [hbm4b:s4+s3], $0x80, v45, vm1, $0xb8;
	[tilespmem:$0x18280] =	vst v63  }
0x9a: {  	v52 =	vperm.xlane v20, v17;
	v51 =	vadd.s32 v6, v50;
	s13 =	simm.s32 $0x10780  }
0x9b: {  	[tilespmem:s13], [sflag:$0x1] =	stream.indirect_vreg.gather [hbm4b:s4+s3], $0x80, v47, vm1, $0xb8;
	[tilespmem:$0x18280] =	vst v63  }
0x9c: {  	v54 =	vperm.xlane v20, v18;
	v53 =	vadd.s32 v6, v52;
	s14 =	simm.s32 $0x10800  }
0x9d: {  	[tilespmem:s14], [sflag:$0x1] =	stream.indirect_vreg.gather [hbm4b:s4+s3], $0x80, v49, vm1, $0xb8;
	[tilespmem:$0x18280] =	vst v63  }
0x9e: {  	v20 =	vperm.xlane v20, v19;
	v55 =	vadd.s32 v6, v54;
	s1 =	simm.s32 $0x10880  }
0x9f: {  	[tilespmem:s1], [sflag:$0x1] =	stream.indirect_vreg.gather [hbm4b:s4+s3], $0x80, v51, vm1, $0xb8;
	[tilespmem:$0x18280] =	vst v63  }
0xa0: {  	v20 =	vadd.s32 v6, v20;
	s11 =	simm.s32 $0x10900  }
0xa1: {  	[tilespmem:s11], [sflag:$0x1] =	stream.indirect_vreg.gather [hbm4b:s4+s3], $0x80, v53, vm1, $0xb8;
	[tilespmem:$0x18280] =	vst v63  }
0xa2: {  	s13 =	simm.s32 $0x10980  }
0xa3: {  	[tilespmem:s13], [sflag:$0x1] =	stream.indirect_vreg.gather [hbm4b:s4+s3], $0x80, v55, vm1, $0xb8;
	[tilespmem:$0x18280] =	vst v63  }
0xa4: {  	s14 =	simm.s32 $0x10A00  }
0xa5: {  	[tilespmem:s14], [sflag:$0x1] =	stream.indirect_vreg.gather [hbm4b:s4+s3], $0x80, v20, vm1, $0xb8;
	[tilespmem:$0x18280] =	vst v63  }
0xa6: {  	v20 =	vld [tilespmem:$0x10];
	_ =	sdelay $0x4  }
0xa7: {  	v56 =	vshrl.u32 v20, $0x3  }
0xa8: {  	v21 =	vmul.u32 $0x18, v56  }
0xa9: {  	v20 =	vand.u32 $0x7, v20  }
0xaa: {  	v20 =	vor.u32 v20, v21  }
0xab: {  	v21 =	vperm.xlane v20, v5;
	_ =	sdelay $0x1  }
0xac: {  	v57 =	vperm.xlane v20, v7;
	v21 =	vadd.s32 v6, v21;
	_ =	sdelay $0x1  }
0xad: {  	v58 =	vperm.xlane v20, v8;
	v22 =	vadd.s32 v6, v57;
	_ =	sdelay $0x1  }
0xae: {  	s1 =	simm.s32 $0x10A80;
	v59 =	vperm.xlane v20, v3;
	v23 =	vadd.s32 v6, v58  }
0xaf: {  	[tilespmem:s1], [sflag:$0x1] =	stream.indirect_vreg.gather [hbm4b:s4+s3], $0x80, v21, vm1, $0xb8;
	[tilespmem:$0x18280] =	vst v63  }
0xb0: {  	s11 =	simm.s32 $0x10B00;
	v61 =	vperm.xlane v20, v9;
	v60 =	vadd.s32 v6, v59  }
0xb1: {  	[tilespmem:s11], [sflag:$0x1] =	stream.indirect_vreg.gather [hbm4b:s4+s3], $0x80, v22, vm1, $0xb8;
	[tilespmem:$0x18280] =	vst v63  }
0xb2: {  	s13 =	simm.s32 $0x10B80;
	v63 =	vperm.xlane v20, v10;
	v62 =	vadd.s32 v6, v61  }
0xb3: {  	[tilespmem:s13], [sflag:$0x1] =	stream.indirect_vreg.gather [hbm4b:s4+s3], $0x80, v23, vm1, $0xb8;
	[tilespmem:$0x18280] =	vst v63  }
0xb4: {  	s14 =	simm.s32 $0x10C00;
	v29 =	vperm.xlane v20, v11;
	v28 =	vadd.s32 v6, v63  }
0xb5: {  	[tilespmem:s14], [sflag:$0x1] =	stream.indirect_vreg.gather [hbm4b:s4+s3], $0x80, v60, vm1, $0xb8;
	[tilespmem:$0x18280] =	vst v63  }
0xb6: {  	v31 =	vperm.xlane v20, v1;
	v30 =	vadd.s32 v6, v29;
	s1 =	simm.s32 $0x10C80  }
0xb7: {  	[tilespmem:s1], [sflag:$0x1] =	stream.indirect_vreg.gather [hbm4b:s4+s3], $0x80, v62, vm1, $0xb8;
	[tilespmem:$0x18280] =	vst v63  }
0xb8: {  	v33 =	vperm.xlane v20, v12;
	v32 =	vadd.s32 v6, v31;
	s11 =	simm.s32 $0x10D00  }
0xb9: {  	[tilespmem:s11], [sflag:$0x1] =	stream.indirect_vreg.gather [hbm4b:s4+s3], $0x80, v28, vm1, $0xb8;
	[tilespmem:$0x18280] =	vst v63  }
0xba: {  	v35 =	vperm.xlane v20, v13;
	v34 =	vadd.s32 v6, v33;
	s13 =	simm.s32 $0x10D80  }
0xbb: {  	[tilespmem:s13], [sflag:$0x1] =	stream.indirect_vreg.gather [hbm4b:s4+s3], $0x80, v30, vm1, $0xb8;
	[tilespmem:$0x18280] =	vst v63  }
0xbc: {  	v37 =	vperm.xlane v20, v14;
	v36 =	vadd.s32 v6, v35;
	s14 =	simm.s32 $0x10E00  }
0xbd: {  	[tilespmem:s14], [sflag:$0x1] =	stream.indirect_vreg.gather [hbm4b:s4+s3], $0x80, v32, vm1, $0xb8;
	[tilespmem:$0x18280] =	vst v63  }
0xbe: {  	v39 =	vperm.xlane v20, v15;
	v38 =	vadd.s32 v6, v37;
	s1 =	simm.s32 $0x10E80  }
0xbf: {  	[tilespmem:s1], [sflag:$0x1] =	stream.indirect_vreg.gather [hbm4b:s4+s3], $0x80, v34, vm1, $0xb8;
	[tilespmem:$0x18280] =	vst v63  }
0xc0: {  	v41 =	vperm.xlane v20, v16;
	v40 =	vadd.s32 v6, v39;
	s11 =	simm.s32 $0x10F00  }
0xc1: {  	[tilespmem:s11], [sflag:$0x1] =	stream.indirect_vreg.gather [hbm4b:s4+s3], $0x80, v36, vm1, $0xb8;
	[tilespmem:$0x18280] =	vst v63  }
0xc2: {  	v43 =	vperm.xlane v20, v17;
	v42 =	vadd.s32 v6, v41;
	s13 =	simm.s32 $0x10F80  }
0xc3: {  	[tilespmem:s13], [sflag:$0x1] =	stream.indirect_vreg.gather [hbm4b:s4+s3], $0x80, v38, vm1, $0xb8;
	[tilespmem:$0x18280] =	vst v63  }
0xc4: {  	v45 =	vperm.xlane v20, v18;
	v44 =	vadd.s32 v6, v43;
	s14 =	simm.s32 $0x11000  }
0xc5: {  	[tilespmem:s14], [sflag:$0x1] =	stream.indirect_vreg.gather [hbm4b:s4+s3], $0x80, v40, vm1, $0xb8;
	[tilespmem:$0x18280] =	vst v63  }
0xc6: {  	v20 =	vperm.xlane v20, v19;
	v46 =	vadd.s32 v6, v45;
	s1 =	simm.s32 $0x11080  }
0xc7: {  	[tilespmem:s1], [sflag:$0x1] =	stream.indirect_vreg.gather [hbm4b:s4+s3], $0x80, v42, vm1, $0xb8;
	[tilespmem:$0x18280] =	vst v63  }
0xc8: {  	v20 =	vadd.s32 v6, v20;
	s11 =	simm.s32 $0x11100  }
0xc9: {  	[tilespmem:s11], [sflag:$0x1] =	stream.indirect_vreg.gather [hbm4b:s4+s3], $0x80, v44, vm1, $0xb8;
	[tilespmem:$0x18280] =	vst v63  }
0xca: {  	s13 =	simm.s32 $0x11180  }
0xcb: {  	[tilespmem:s13], [sflag:$0x1] =	stream.indirect_vreg.gather [hbm4b:s4+s3], $0x80, v46, vm1, $0xb8;
	[tilespmem:$0x18280] =	vst v63  }
0xcc: {  	s14 =	simm.s32 $0x11200  }
0xcd: {  	[tilespmem:s14], [sflag:$0x1] =	stream.indirect_vreg.gather [hbm4b:s4+s3], $0x80, v20, vm1, $0xb8;
	[tilespmem:$0x18280] =	vst v63  }
0xce: {  	v20 =	vld [tilespmem:$0x20];
	_ =	sdelay $0x4  }
0xcf: {  	v47 =	vshrl.u32 v20, $0x3  }
0xd0: {  	v21 =	vmul.u32 $0x18, v47  }
0xd1: {  	v20 =	vand.u32 $0x7, v20  }
0xd2: {  	v20 =	vor.u32 v20, v21  }
0xd3: {  	v21 =	vperm.xlane v20, v5;
	_ =	sdelay $0x1  }
0xd4: {  	v48 =	vperm.xlane v20, v7;
	v21 =	vadd.s32 v6, v21;
	_ =	sdelay $0x1  }
0xd5: {  	v49 =	vperm.xlane v20, v8;
	v22 =	vadd.s32 v6, v48;
	_ =	sdelay $0x1  }
0xd6: {  	s1 =	simm.s32 $0x11280;
	v50 =	vperm.xlane v20, v3;
	v23 =	vadd.s32 v6, v49  }
0xd7: {  	[tilespmem:s1], [sflag:$0x1] =	stream.indirect_vreg.gather [hbm4b:s4+s3], $0x80, v21, vm1, $0xb8;
	[tilespmem:$0x18280] =	vst v63  }
0xd8: {  	s11 =	simm.s32 $0x11300;
	v52 =	vperm.xlane v20, v9;
	v51 =	vadd.s32 v6, v50  }
0xd9: {  	[tilespmem:s11], [sflag:$0x1] =	stream.indirect_vreg.gather [hbm4b:s4+s3], $0x80, v22, vm1, $0xb8;
	[tilespmem:$0x18280] =	vst v63  }
0xda: {  	s13 =	simm.s32 $0x11380;
	v54 =	vperm.xlane v20, v10;
	v53 =	vadd.s32 v6, v52  }
0xdb: {  	[tilespmem:s13], [sflag:$0x1] =	stream.indirect_vreg.gather [hbm4b:s4+s3], $0x80, v23, vm1, $0xb8;
	[tilespmem:$0x18280] =	vst v63  }
0xdc: {  	s14 =	simm.s32 $0x11400;
	v56 =	vperm.xlane v20, v11;
	v55 =	vadd.s32 v6, v54  }
0xdd: {  	[tilespmem:s14], [sflag:$0x1] =	stream.indirect_vreg.gather [hbm4b:s4+s3], $0x80, v51, vm1, $0xb8;
	[tilespmem:$0x18280] =	vst v63  }
0xde: {  	v58 =	vperm.xlane v20, v1;
	v57 =	vadd.s32 v6, v56;
	s1 =	simm.s32 $0x11480  }
0xdf: {  	[tilespmem:s1], [sflag:$0x1] =	stream.indirect_vreg.gather [hbm4b:s4+s3], $0x80, v53, vm1, $0xb8;
	[tilespmem:$0x18280] =	vst v63  }
0xe0: {  	v60 =	vperm.xlane v20, v12;
	v59 =	vadd.s32 v6, v58;
	s11 =	simm.s32 $0x11500  }
0xe1: {  	[tilespmem:s11], [sflag:$0x1] =	stream.indirect_vreg.gather [hbm4b:s4+s3], $0x80, v55, vm1, $0xb8;
	[tilespmem:$0x18280] =	vst v63  }
0xe2: {  	v62 =	vperm.xlane v20, v13;
	v61 =	vadd.s32 v6, v60;
	s13 =	simm.s32 $0x11580  }
0xe3: {  	[tilespmem:s13], [sflag:$0x1] =	stream.indirect_vreg.gather [hbm4b:s4+s3], $0x80, v57, vm1, $0xb8;
	[tilespmem:$0x18280] =	vst v63  }
0xe4: {  	v28 =	vperm.xlane v20, v14;
	v63 =	vadd.s32 v6, v62;
	s14 =	simm.s32 $0x11600  }
0xe5: {  	[tilespmem:s14], [sflag:$0x1] =	stream.indirect_vreg.gather [hbm4b:s4+s3], $0x80, v59, vm1, $0xb8;
	[tilespmem:$0x18280] =	vst v63  }
0xe6: {  	v30 =	vperm.xlane v20, v15;
	v29 =	vadd.s32 v6, v28;
	s1 =	simm.s32 $0x11680  }
0xe7: {  	[tilespmem:s1], [sflag:$0x1] =	stream.indirect_vreg.gather [hbm4b:s4+s3], $0x80, v61, vm1, $0xb8;
	[tilespmem:$0x18280] =	vst v63  }
0xe8: {  	v32 =	vperm.xlane v20, v16;
	v31 =	vadd.s32 v6, v30;
	s11 =	simm.s32 $0x11700  }
0xe9: {  	[tilespmem:s11], [sflag:$0x1] =	stream.indirect_vreg.gather [hbm4b:s4+s3], $0x80, v63, vm1, $0xb8;
	[tilespmem:$0x18280] =	vst v63  }
0xea: {  	v34 =	vperm.xlane v20, v17;
	v33 =	vadd.s32 v6, v32;
	s13 =	simm.s32 $0x11780  }
0xeb: {  	[tilespmem:s13], [sflag:$0x1] =	stream.indirect_vreg.gather [hbm4b:s4+s3], $0x80, v29, vm1, $0xb8;
	[tilespmem:$0x18280] =	vst v63  }
0xec: {  	v36 =	vperm.xlane v20, v18;
	v35 =	vadd.s32 v6, v34;
	s14 =	simm.s32 $0x11800  }
0xed: {  	[tilespmem:s14], [sflag:$0x1] =	stream.indirect_vreg.gather [hbm4b:s4+s3], $0x80, v31, vm1, $0xb8;
	[tilespmem:$0x18280] =	vst v63  }
0xee: {  	v20 =	vperm.xlane v20, v19;
	v37 =	vadd.s32 v6, v36;
	s1 =	simm.s32 $0x11880  }
0xef: {  	[tilespmem:s1], [sflag:$0x1] =	stream.indirect_vreg.gather [hbm4b:s4+s3], $0x80, v33, vm1, $0xb8;
	[tilespmem:$0x18280] =	vst v63  }
0xf0: {  	v20 =	vadd.s32 v6, v20;
	s11 =	simm.s32 $0x11900  }
0xf1: {  	[tilespmem:s11], [sflag:$0x1] =	stream.indirect_vreg.gather [hbm4b:s4+s3], $0x80, v35, vm1, $0xb8;
	[tilespmem:$0x18280] =	vst v63  }
0xf2: {  	s13 =	simm.s32 $0x11980  }
0xf3: {  	[tilespmem:s13], [sflag:$0x1] =	stream.indirect_vreg.gather [hbm4b:s4+s3], $0x80, v37, vm1, $0xb8;
	[tilespmem:$0x18280] =	vst v63  }
0xf4: {  	s14 =	simm.s32 $0x11A00  }
0xf5: {  	[tilespmem:s14], [sflag:$0x1] =	stream.indirect_vreg.gather [hbm4b:s4+s3], $0x80, v20, vm1, $0xb8;
	[tilespmem:$0x18280] =	vst v63  }
0xf6: {  	v20 =	vld [tilespmem:$0x30];
	_ =	sdelay $0x4  }
0xf7: {  	v38 =	vshrl.u32 v20, $0x3  }
0xf8: {  	v21 =	vmul.u32 $0x18, v38  }
0xf9: {  	v20 =	vand.u32 $0x7, v20  }
0xfa: {  	v20 =	vor.u32 v20, v21  }
0xfb: {  	v21 =	vperm.xlane v20, v5;
	_ =	sdelay $0x1  }
0xfc: {  	v39 =	vperm.xlane v20, v7;
	v21 =	vadd.s32 v6, v21;
	_ =	sdelay $0x1  }
0xfd: {  	v40 =	vperm.xlane v20, v8;
	v22 =	vadd.s32 v6, v39;
	_ =	sdelay $0x1  }
0xfe: {  	s1 =	simm.s32 $0x11A80;
	v41 =	vperm.xlane v20, v3;
	v23 =	vadd.s32 v6, v40  }
0xff: {  	[tilespmem:s1], [sflag:$0x1] =	stream.indirect_vreg.gather [hbm4b:s4+s3], $0x80, v21, vm1, $0xb8;
	[tilespmem:$0x18280] =	vst v63  }
0x100: {  	s11 =	simm.s32 $0x11B00;
	v43 =	vperm.xlane v20, v9;
	v42 =	vadd.s32 v6, v41  }
0x101: {  	[tilespmem:s11], [sflag:$0x1] =	stream.indirect_vreg.gather [hbm4b:s4+s3], $0x80, v22, vm1, $0xb8;
	[tilespmem:$0x18280] =	vst v63  }
0x102: {  	s13 =	simm.s32 $0x11B80;
	v45 =	vperm.xlane v20, v10;
	v44 =	vadd.s32 v6, v43  }
0x103: {  	[tilespmem:s13], [sflag:$0x1] =	stream.indirect_vreg.gather [hbm4b:s4+s3], $0x80, v23, vm1, $0xb8;
	[tilespmem:$0x18280] =	vst v63  }
0x104: {  	s14 =	simm.s32 $0x11C00;
	v47 =	vperm.xlane v20, v11;
	v46 =	vadd.s32 v6, v45  }
0x105: {  	[tilespmem:s14], [sflag:$0x1] =	stream.indirect_vreg.gather [hbm4b:s4+s3], $0x80, v42, vm1, $0xb8;
	[tilespmem:$0x18280] =	vst v63  }
0x106: {  	v49 =	vperm.xlane v20, v1;
	v48 =	vadd.s32 v6, v47;
	s1 =	simm.s32 $0x11C80  }
0x107: {  	[tilespmem:s1], [sflag:$0x1] =	stream.indirect_vreg.gather [hbm4b:s4+s3], $0x80, v44, vm1, $0xb8;
	[tilespmem:$0x18280] =	vst v63  }
0x108: {  	v51 =	vperm.xlane v20, v12;
	v50 =	vadd.s32 v6, v49;
	s11 =	simm.s32 $0x11D00  }
0x109: {  	[tilespmem:s11], [sflag:$0x1] =	stream.indirect_vreg.gather [hbm4b:s4+s3], $0x80, v46, vm1, $0xb8;
	[tilespmem:$0x18280] =	vst v63  }
0x10a: {  	v53 =	vperm.xlane v20, v13;
	v52 =	vadd.s32 v6, v51;
	s13 =	simm.s32 $0x11D80  }
0x10b: {  	[tilespmem:s13], [sflag:$0x1] =	stream.indirect_vreg.gather [hbm4b:s4+s3], $0x80, v48, vm1, $0xb8;
	[tilespmem:$0x18280] =	vst v63  }
0x10c: {  	v55 =	vperm.xlane v20, v14;
	v54 =	vadd.s32 v6, v53;
	s14 =	simm.s32 $0x11E00  }
0x10d: {  	[tilespmem:s14], [sflag:$0x1] =	stream.indirect_vreg.gather [hbm4b:s4+s3], $0x80, v50, vm1, $0xb8;
	[tilespmem:$0x18280] =	vst v63  }
0x10e: {  	v57 =	vperm.xlane v20, v15;
	v56 =	vadd.s32 v6, v55;
	s1 =	simm.s32 $0x11E80  }
0x10f: {  	[tilespmem:s1], [sflag:$0x1] =	stream.indirect_vreg.gather [hbm4b:s4+s3], $0x80, v52, vm1, $0xb8;
	[tilespmem:$0x18280] =	vst v63  }
0x110: {  	v59 =	vperm.xlane v20, v16;
	v58 =	vadd.s32 v6, v57;
	s11 =	simm.s32 $0x11F00  }
0x111: {  	[tilespmem:s11], [sflag:$0x1] =	stream.indirect_vreg.gather [hbm4b:s4+s3], $0x80, v54, vm1, $0xb8;
	[tilespmem:$0x18280] =	vst v63  }
0x112: {  	v61 =	vperm.xlane v20, v17;
	v60 =	vadd.s32 v6, v59;
	s13 =	simm.s32 $0x11F80  }
0x113: {  	[tilespmem:s13], [sflag:$0x1] =	stream.indirect_vreg.gather [hbm4b:s4+s3], $0x80, v56, vm1, $0xb8;
	[tilespmem:$0x18280] =	vst v63  }
0x114: {  	v63 =	vperm.xlane v20, v18;
	v62 =	vadd.s32 v6, v61;
	s14 =	simm.s32 $0x12000  }
0x115: {  	[tilespmem:s14], [sflag:$0x1] =	stream.indirect_vreg.gather [hbm4b:s4+s3], $0x80, v58, vm1, $0xb8;
	[tilespmem:$0x18280] =	vst v63  }
0x116: {  	v20 =	vperm.xlane v20, v19;
	v24 =	vadd.s32 v6, v63;
	s1 =	simm.s32 $0x12080  }
0x117: {  	[tilespmem:s1], [sflag:$0x1] =	stream.indirect_vreg.gather [hbm4b:s4+s3], $0x80, v60, vm1, $0xb8;
	[tilespmem:$0x18280] =	vst v63  }
0x118: {  	v20 =	vadd.s32 v6, v20;
	s11 =	simm.s32 $0x12100  }
0x119: {  	[tilespmem:s11], [sflag:$0x1] =	stream.indirect_vreg.gather [hbm4b:s4+s3], $0x80, v62, vm1, $0xb8;
	[tilespmem:$0x18280] =	vst v63  }
0x11a: {  	s13 =	simm.s32 $0x12180  }
0x11b: {  	[tilespmem:s13], [sflag:$0x1] =	stream.indirect_vreg.gather [hbm4b:s4+s3], $0x80, v24, vm1, $0xb8;
	[tilespmem:$0x18280] =	vst v63  }
0x11c: {  	s14 =	simm.s32 $0x12200  }
0x11d: {  	[tilespmem:s14], [sflag:$0x1] =	stream.indirect_vreg.gather [hbm4b:s4+s3], $0x80, v20, vm1, $0xb8;
	[tilespmem:$0x18280] =	vst v63  }
0x11e: {  	v20 =	vld [tilespmem:$0x40];
	_ =	sdelay $0x4  }
0x11f: {  	v25 =	vshrl.u32 v20, $0x3  }
0x120: {  	v21 =	vmul.u32 $0x18, v25  }
0x121: {  	v20 =	vand.u32 $0x7, v20  }
0x122: {  	v20 =	vor.u32 v20, v21  }
0x123: {  	v21 =	vperm.xlane v20, v5;
	_ =	sdelay $0x1  }
0x124: {  	v26 =	vperm.xlane v20, v7;
	v21 =	vadd.s32 v6, v21;
	_ =	sdelay $0x1  }
0x125: {  	v27 =	vperm.xlane v20, v8;
	v22 =	vadd.s32 v6, v26;
	_ =	sdelay $0x1  }
0x126: {  	s1 =	simm.s32 $0x12280;
	v28 =	vperm.xlane v20, v3;
	v23 =	vadd.s32 v6, v27  }
0x127: {  	[tilespmem:s1], [sflag:$0x1] =	stream.indirect_vreg.gather [hbm4b:s4+s3], $0x80, v21, vm1, $0xb8;
	[tilespmem:$0x18280] =	vst v63  }
0x128: {  	s11 =	simm.s32 $0x12300;
	v30 =	vperm.xlane v20, v9;
	v29 =	vadd.s32 v6, v28  }
0x129: {  	[tilespmem:s11], [sflag:$0x1] =	stream.indirect_vreg.gather [hbm4b:s4+s3], $0x80, v22, vm1, $0xb8;
	[tilespmem:$0x18280] =	vst v63  }
0x12a: {  	s13 =	simm.s32 $0x12380;
	v32 =	vperm.xlane v20, v10;
	v31 =	vadd.s32 v6, v30  }
0x12b: {  	[tilespmem:s13], [sflag:$0x1] =	stream.indirect_vreg.gather [hbm4b:s4+s3], $0x80, v23, vm1, $0xb8;
	[tilespmem:$0x18280] =	vst v63  }
0x12c: {  	s14 =	simm.s32 $0x12400;
	v34 =	vperm.xlane v20, v11;
	v33 =	vadd.s32 v6, v32  }
0x12d: {  	[tilespmem:s14], [sflag:$0x1] =	stream.indirect_vreg.gather [hbm4b:s4+s3], $0x80, v29, vm1, $0xb8;
	[tilespmem:$0x18280] =	vst v63  }
0x12e: {  	v36 =	vperm.xlane v20, v1;
	v35 =	vadd.s32 v6, v34;
	s1 =	simm.s32 $0x12480  }
0x12f: {  	[tilespmem:s1], [sflag:$0x1] =	stream.indirect_vreg.gather [hbm4b:s4+s3], $0x80, v31, vm1, $0xb8;
	[tilespmem:$0x18280] =	vst v63  }
0x130: {  	v38 =	vperm.xlane v20, v12;
	v37 =	vadd.s32 v6, v36;
	s11 =	simm.s32 $0x12500  }
0x131: {  	[tilespmem:s11], [sflag:$0x1] =	stream.indirect_vreg.gather [hbm4b:s4+s3], $0x80, v33, vm1, $0xb8;
	[tilespmem:$0x18280] =	vst v63  }
0x132: {  	v40 =	vperm.xlane v20, v13;
	v39 =	vadd.s32 v6, v38;
	s13 =	simm.s32 $0x12580  }
0x133: {  	[tilespmem:s13], [sflag:$0x1] =	stream.indirect_vreg.gather [hbm4b:s4+s3], $0x80, v35, vm1, $0xb8;
	[tilespmem:$0x18280] =	vst v63  }
0x134: {  	v42 =	vperm.xlane v20, v14;
	v41 =	vadd.s32 v6, v40;
	s14 =	simm.s32 $0x12600  }
0x135: {  	[tilespmem:s14], [sflag:$0x1] =	stream.indirect_vreg.gather [hbm4b:s4+s3], $0x80, v37, vm1, $0xb8;
	[tilespmem:$0x18280] =	vst v63  }
0x136: {  	v44 =	vperm.xlane v20, v15;
	v43 =	vadd.s32 v6, v42;
	s1 =	simm.s32 $0x12680  }
0x137: {  	[tilespmem:s1], [sflag:$0x1] =	stream.indirect_vreg.gather [hbm4b:s4+s3], $0x80, v39, vm1, $0xb8;
	[tilespmem:$0x18280] =	vst v63  }
0x138: {  	v46 =	vperm.xlane v20, v16;
	v45 =	vadd.s32 v6, v44;
	s11 =	simm.s32 $0x12700  }
0x139: {  	[tilespmem:s11], [sflag:$0x1] =	stream.indirect_vreg.gather [hbm4b:s4+s3], $0x80, v41, vm1, $0xb8;
	[tilespmem:$0x18280] =	vst v63  }
0x13a: {  	v48 =	vperm.xlane v20, v17;
	v47 =	vadd.s32 v6, v46;
	s13 =	simm.s32 $0x12780  }
0x13b: {  	[tilespmem:s13], [sflag:$0x1] =	stream.indirect_vreg.gather [hbm4b:s4+s3], $0x80, v43, vm1, $0xb8;
	[tilespmem:$0x18280] =	vst v63  }
0x13c: {  	v50 =	vperm.xlane v20, v18;
	v49 =	vadd.s32 v6, v48;
	s14 =	simm.s32 $0x12800  }
0x13d: {  	[tilespmem:s14], [sflag:$0x1] =	stream.indirect_vreg.gather [hbm4b:s4+s3], $0x80, v45, vm1, $0xb8;
	[tilespmem:$0x18280] =	vst v63  }
0x13e: {  	v20 =	vperm.xlane v20, v19;
	v51 =	vadd.s32 v6, v50;
	s1 =	simm.s32 $0x12880  }
0x13f: {  	[tilespmem:s1], [sflag:$0x1] =	stream.indirect_vreg.gather [hbm4b:s4+s3], $0x80, v47, vm1, $0xb8;
	[tilespmem:$0x18280] =	vst v63  }
0x140: {  	v20 =	vadd.s32 v6, v20;
	s11 =	simm.s32 $0x12900  }
0x141: {  	[tilespmem:s11], [sflag:$0x1] =	stream.indirect_vreg.gather [hbm4b:s4+s3], $0x80, v49, vm1, $0xb8;
	[tilespmem:$0x18280] =	vst v63  }
0x142: {  	s13 =	simm.s32 $0x12980  }
0x143: {  	[tilespmem:s13], [sflag:$0x1] =	stream.indirect_vreg.gather [hbm4b:s4+s3], $0x80, v51, vm1, $0xb8;
	[tilespmem:$0x18280] =	vst v63  }
0x144: {  	s14 =	simm.s32 $0x12A00  }
0x145: {  	[tilespmem:s14], [sflag:$0x1] =	stream.indirect_vreg.gather [hbm4b:s4+s3], $0x80, v20, vm1, $0xb8;
	[tilespmem:$0x18280] =	vst v63  }
0x146: {  	v20 =	vld [tilespmem:$0x50];
	_ =	sdelay $0x4  }
0x147: {  	v52 =	vshrl.u32 v20, $0x3  }
0x148: {  	v21 =	vmul.u32 $0x18, v52  }
0x149: {  	v20 =	vand.u32 $0x7, v20  }
0x14a: {  	v20 =	vor.u32 v20, v21  }
0x14b: {  	v21 =	vperm.xlane v20, v5;
	_ =	sdelay $0x1  }
0x14c: {  	v53 =	vperm.xlane v20, v7;
	v21 =	vadd.s32 v6, v21;
	_ =	sdelay $0x1  }
0x14d: {  	v54 =	vperm.xlane v20, v8;
	v22 =	vadd.s32 v6, v53;
	_ =	sdelay $0x1  }
0x14e: {  	s1 =	simm.s32 $0x12A80;
	v55 =	vperm.xlane v20, v3;
	v23 =	vadd.s32 v6, v54  }
0x14f: {  	[tilespmem:s1], [sflag:$0x1] =	stream.indirect_vreg.gather [hbm4b:s4+s3], $0x80, v21, vm1, $0xb8;
	[tilespmem:$0x18280] =	vst v63  }
0x150: {  	s11 =	simm.s32 $0x12B00;
	v57 =	vperm.xlane v20, v9;
	v56 =	vadd.s32 v6, v55  }
0x151: {  	[tilespmem:s11], [sflag:$0x1] =	stream.indirect_vreg.gather [hbm4b:s4+s3], $0x80, v22, vm1, $0xb8;
	[tilespmem:$0x18280] =	vst v63  }
0x152: {  	s13 =	simm.s32 $0x12B80;
	v59 =	vperm.xlane v20, v10;
	v58 =	vadd.s32 v6, v57  }
0x153: {  	[tilespmem:s13], [sflag:$0x1] =	stream.indirect_vreg.gather [hbm4b:s4+s3], $0x80, v23, vm1, $0xb8;
	[tilespmem:$0x18280] =	vst v63  }
0x154: {  	s14 =	simm.s32 $0x12C00;
	v61 =	vperm.xlane v20, v11;
	v60 =	vadd.s32 v6, v59  }
0x155: {  	[tilespmem:s14], [sflag:$0x1] =	stream.indirect_vreg.gather [hbm4b:s4+s3], $0x80, v56, vm1, $0xb8;
	[tilespmem:$0x18280] =	vst v63  }
0x156: {  	v63 =	vperm.xlane v20, v1;
	v62 =	vadd.s32 v6, v61;
	s1 =	simm.s32 $0x12C80  }
0x157: {  	[tilespmem:s1], [sflag:$0x1] =	stream.indirect_vreg.gather [hbm4b:s4+s3], $0x80, v58, vm1, $0xb8;
	[tilespmem:$0x18280] =	vst v63  }
0x158: {  	v29 =	vperm.xlane v20, v12;
	v28 =	vadd.s32 v6, v63;
	s11 =	simm.s32 $0x12D00  }
0x159: {  	[tilespmem:s11], [sflag:$0x1] =	stream.indirect_vreg.gather [hbm4b:s4+s3], $0x80, v60, vm1, $0xb8;
	[tilespmem:$0x18280] =	vst v63  }
0x15a: {  	v31 =	vperm.xlane v20, v13;
	v30 =	vadd.s32 v6, v29;
	s13 =	simm.s32 $0x12D80  }
0x15b: {  	[tilespmem:s13], [sflag:$0x1] =	stream.indirect_vreg.gather [hbm4b:s4+s3], $0x80, v62, vm1, $0xb8;
	[tilespmem:$0x18280] =	vst v63  }
0x15c: {  	v33 =	vperm.xlane v20, v14;
	v32 =	vadd.s32 v6, v31;
	s14 =	simm.s32 $0x12E00  }
0x15d: {  	[tilespmem:s14], [sflag:$0x1] =	stream.indirect_vreg.gather [hbm4b:s4+s3], $0x80, v28, vm1, $0xb8;
	[tilespmem:$0x18280] =	vst v63  }
0x15e: {  	v35 =	vperm.xlane v20, v15;
	v34 =	vadd.s32 v6, v33;
	s1 =	simm.s32 $0x12E80  }
0x15f: {  	[tilespmem:s1], [sflag:$0x1] =	stream.indirect_vreg.gather [hbm4b:s4+s3], $0x80, v30, vm1, $0xb8;
	[tilespmem:$0x18280] =	vst v63  }
0x160: {  	v37 =	vperm.xlane v20, v16;
	v36 =	vadd.s32 v6, v35;
	s11 =	simm.s32 $0x12F00  }
0x161: {  	[tilespmem:s11], [sflag:$0x1] =	stream.indirect_vreg.gather [hbm4b:s4+s3], $0x80, v32, vm1, $0xb8;
	[tilespmem:$0x18280] =	vst v63  }
0x162: {  	v39 =	vperm.xlane v20, v17;
	v38 =	vadd.s32 v6, v37;
	s13 =	simm.s32 $0x12F80  }
0x163: {  	[tilespmem:s13], [sflag:$0x1] =	stream.indirect_vreg.gather [hbm4b:s4+s3], $0x80, v34, vm1, $0xb8;
	[tilespmem:$0x18280] =	vst v63  }
0x164: {  	v41 =	vperm.xlane v20, v18;
	v40 =	vadd.s32 v6, v39;
	s14 =	simm.s32 $0x13000  }
0x165: {  	[tilespmem:s14], [sflag:$0x1] =	stream.indirect_vreg.gather [hbm4b:s4+s3], $0x80, v36, vm1, $0xb8;
	[tilespmem:$0x18280] =	vst v63  }
0x166: {  	v20 =	vperm.xlane v20, v19;
	v42 =	vadd.s32 v6, v41;
	s1 =	simm.s32 $0x13080  }
0x167: {  	[tilespmem:s1], [sflag:$0x1] =	stream.indirect_vreg.gather [hbm4b:s4+s3], $0x80, v38, vm1, $0xb8;
	[tilespmem:$0x18280] =	vst v63  }
0x168: {  	v20 =	vadd.s32 v6, v20;
	s11 =	simm.s32 $0x13100  }
0x169: {  	[tilespmem:s11], [sflag:$0x1] =	stream.indirect_vreg.gather [hbm4b:s4+s3], $0x80, v40, vm1, $0xb8;
	[tilespmem:$0x18280] =	vst v63  }
0x16a: {  	s13 =	simm.s32 $0x13180  }
0x16b: {  	[tilespmem:s13], [sflag:$0x1] =	stream.indirect_vreg.gather [hbm4b:s4+s3], $0x80, v42, vm1, $0xb8;
	[tilespmem:$0x18280] =	vst v63  }
0x16c: {  	s14 =	simm.s32 $0x13200  }
0x16d: {  	[tilespmem:s14], [sflag:$0x1] =	stream.indirect_vreg.gather [hbm4b:s4+s3], $0x80, v20, vm1, $0xb8;
	[tilespmem:$0x18280] =	vst v63  }
0x16e: {  	v20 =	vld [tilespmem:$0x60];
	_ =	sdelay $0x4  }
0x16f: {  	v43 =	vshrl.u32 v20, $0x3  }
0x170: {  	v21 =	vmul.u32 $0x18, v43  }
0x171: {  	v20 =	vand.u32 $0x7, v20  }
0x172: {  	v20 =	vor.u32 v20, v21  }
0x173: {  	v21 =	vperm.xlane v20, v5;
	_ =	sdelay $0x1  }
0x174: {  	v44 =	vperm.xlane v20, v7;
	v21 =	vadd.s32 v6, v21;
	_ =	sdelay $0x1  }
0x175: {  	v45 =	vperm.xlane v20, v8;
	v22 =	vadd.s32 v6, v44;
	_ =	sdelay $0x1  }
0x176: {  	s1 =	simm.s32 $0x13280;
	v46 =	vperm.xlane v20, v3;
	v23 =	vadd.s32 v6, v45  }
0x177: {  	[tilespmem:s1], [sflag:$0x1] =	stream.indirect_vreg.gather [hbm4b:s4+s3], $0x80, v21, vm1, $0xb8;
	[tilespmem:$0x18280] =	vst v63  }
0x178: {  	s11 =	simm.s32 $0x13300;
	v48 =	vperm.xlane v20, v9;
	v47 =	vadd.s32 v6, v46  }
0x179: {  	[tilespmem:s11], [sflag:$0x1] =	stream.indirect_vreg.gather [hbm4b:s4+s3], $0x80, v22, vm1, $0xb8;
	[tilespmem:$0x18280] =	vst v63  }
0x17a: {  	s13 =	simm.s32 $0x13380;
	v50 =	vperm.xlane v20, v10;
	v49 =	vadd.s32 v6, v48  }
0x17b: {  	[tilespmem:s13], [sflag:$0x1] =	stream.indirect_vreg.gather [hbm4b:s4+s3], $0x80, v23, vm1, $0xb8;
	[tilespmem:$0x18280] =	vst v63  }
0x17c: {  	s14 =	simm.s32 $0x13400;
	v52 =	vperm.xlane v20, v11;
	v51 =	vadd.s32 v6, v50  }
0x17d: {  	[tilespmem:s14], [sflag:$0x1] =	stream.indirect_vreg.gather [hbm4b:s4+s3], $0x80, v47, vm1, $0xb8;
	[tilespmem:$0x18280] =	vst v63  }
0x17e: {  	v54 =	vperm.xlane v20, v1;
	v53 =	vadd.s32 v6, v52;
	s1 =	simm.s32 $0x13480  }
0x17f: {  	[tilespmem:s1], [sflag:$0x1] =	stream.indirect_vreg.gather [hbm4b:s4+s3], $0x80, v49, vm1, $0xb8;
	[tilespmem:$0x18280] =	vst v63  }
0x180: {  	v56 =	vperm.xlane v20, v12;
	v55 =	vadd.s32 v6, v54;
	s11 =	simm.s32 $0x13500  }
0x181: {  	[tilespmem:s11], [sflag:$0x1] =	stream.indirect_vreg.gather [hbm4b:s4+s3], $0x80, v51, vm1, $0xb8;
	[tilespmem:$0x18280] =	vst v63  }
0x182: {  	v58 =	vperm.xlane v20, v13;
	v57 =	vadd.s32 v6, v56;
	s13 =	simm.s32 $0x13580  }
0x183: {  	[tilespmem:s13], [sflag:$0x1] =	stream.indirect_vreg.gather [hbm4b:s4+s3], $0x80, v53, vm1, $0xb8;
	[tilespmem:$0x18280] =	vst v63  }
0x184: {  	v60 =	vperm.xlane v20, v14;
	v59 =	vadd.s32 v6, v58;
	s14 =	simm.s32 $0x13600  }
0x185: {  	[tilespmem:s14], [sflag:$0x1] =	stream.indirect_vreg.gather [hbm4b:s4+s3], $0x80, v55, vm1, $0xb8;
	[tilespmem:$0x18280] =	vst v63  }
0x186: {  	v62 =	vperm.xlane v20, v15;
	v61 =	vadd.s32 v6, v60;
	s1 =	simm.s32 $0x13680  }
0x187: {  	[tilespmem:s1], [sflag:$0x1] =	stream.indirect_vreg.gather [hbm4b:s4+s3], $0x80, v57, vm1, $0xb8;
	[tilespmem:$0x18280] =	vst v63  }
0x188: {  	v28 =	vperm.xlane v20, v16;
	v63 =	vadd.s32 v6, v62;
	s11 =	simm.s32 $0x13700  }
0x189: {  	[tilespmem:s11], [sflag:$0x1] =	stream.indirect_vreg.gather [hbm4b:s4+s3], $0x80, v59, vm1, $0xb8;
	[tilespmem:$0x18280] =	vst v63  }
0x18a: {  	v30 =	vperm.xlane v20, v17;
	v29 =	vadd.s32 v6, v28;
	s13 =	simm.s32 $0x13780  }
0x18b: {  	[tilespmem:s13], [sflag:$0x1] =	stream.indirect_vreg.gather [hbm4b:s4+s3], $0x80, v61, vm1, $0xb8;
	[tilespmem:$0x18280] =	vst v63  }
0x18c: {  	v32 =	vperm.xlane v20, v18;
	v31 =	vadd.s32 v6, v30;
	s14 =	simm.s32 $0x13800  }
0x18d: {  	[tilespmem:s14], [sflag:$0x1] =	stream.indirect_vreg.gather [hbm4b:s4+s3], $0x80, v63, vm1, $0xb8;
	[tilespmem:$0x18280] =	vst v63  }
0x18e: {  	v20 =	vperm.xlane v20, v19;
	v33 =	vadd.s32 v6, v32;
	s1 =	simm.s32 $0x13880  }
0x18f: {  	[tilespmem:s1], [sflag:$0x1] =	stream.indirect_vreg.gather [hbm4b:s4+s3], $0x80, v29, vm1, $0xb8;
	[tilespmem:$0x18280] =	vst v63  }
0x190: {  	v20 =	vadd.s32 v6, v20;
	s11 =	simm.s32 $0x13900  }
0x191: {  	[tilespmem:s11], [sflag:$0x1] =	stream.indirect_vreg.gather [hbm4b:s4+s3], $0x80, v31, vm1, $0xb8;
	[tilespmem:$0x18280] =	vst v63  }
0x192: {  	s13 =	simm.s32 $0x13980  }
0x193: {  	[tilespmem:s13], [sflag:$0x1] =	stream.indirect_vreg.gather [hbm4b:s4+s3], $0x80, v33, vm1, $0xb8;
	[tilespmem:$0x18280] =	vst v63  }
0x194: {  	s14 =	simm.s32 $0x13A00  }
0x195: {  	[tilespmem:s14], [sflag:$0x1] =	stream.indirect_vreg.gather [hbm4b:s4+s3], $0x80, v20, vm1, $0xb8;
	[tilespmem:$0x18280] =	vst v63  }
0x196: {  	v20 =	vld [tilespmem:$0x70];
	_ =	sdelay $0x4  }
0x197: {  	v34 =	vshrl.u32 v20, $0x3  }
0x198: {  	v21 =	vmul.u32 $0x18, v34  }
0x199: {  	v20 =	vand.u32 $0x7, v20  }
0x19a: {  	v20 =	vor.u32 v20, v21  }
0x19b: {  	v21 =	vperm.xlane v20, v5;
	_ =	sdelay $0x1  }
0x19c: {  	v35 =	vperm.xlane v20, v7;
	v21 =	vadd.s32 v6, v21;
	_ =	sdelay $0x1  }
0x19d: {  	v36 =	vperm.xlane v20, v8;
	v22 =	vadd.s32 v6, v35;
	_ =	sdelay $0x1  }
0x19e: {  	s1 =	simm.s32 $0x13A80;
	v37 =	vperm.xlane v20, v3;
	v23 =	vadd.s32 v6, v36  }
0x19f: {  	[tilespmem:s1], [sflag:$0x1] =	stream.indirect_vreg.gather [hbm4b:s4+s3], $0x80, v21, vm1, $0xb8;
	[tilespmem:$0x18280] =	vst v63  }
0x1a0: {  	s11 =	simm.s32 $0x13B00;
	v39 =	vperm.xlane v20, v9;
	v38 =	vadd.s32 v6, v37  }
0x1a1: {  	[tilespmem:s11], [sflag:$0x1] =	stream.indirect_vreg.gather [hbm4b:s4+s3], $0x80, v22, vm1, $0xb8;
	[tilespmem:$0x18280] =	vst v63  }
0x1a2: {  	s13 =	simm.s32 $0x13B80;
	v41 =	vperm.xlane v20, v10;
	v40 =	vadd.s32 v6, v39  }
0x1a3: {  	[tilespmem:s13], [sflag:$0x1] =	stream.indirect_vreg.gather [hbm4b:s4+s3], $0x80, v23, vm1, $0xb8;
	[tilespmem:$0x18280] =	vst v63  }
0x1a4: {  	s14 =	simm.s32 $0x13C00;
	v43 =	vperm.xlane v20, v11;
	v42 =	vadd.s32 v6, v41  }
0x1a5: {  	[tilespmem:s14], [sflag:$0x1] =	stream.indirect_vreg.gather [hbm4b:s4+s3], $0x80, v38, vm1, $0xb8;
	[tilespmem:$0x18280] =	vst v63  }
0x1a6: {  	v45 =	vperm.xlane v20, v1;
	v44 =	vadd.s32 v6, v43;
	s1 =	simm.s32 $0x13C80  }
0x1a7: {  	[tilespmem:s1], [sflag:$0x1] =	stream.indirect_vreg.gather [hbm4b:s4+s3], $0x80, v40, vm1, $0xb8;
	[tilespmem:$0x18280] =	vst v63  }
0x1a8: {  	v47 =	vperm.xlane v20, v12;
	v46 =	vadd.s32 v6, v45;
	s11 =	simm.s32 $0x13D00  }
0x1a9: {  	[tilespmem:s11], [sflag:$0x1] =	stream.indirect_vreg.gather [hbm4b:s4+s3], $0x80, v42, vm1, $0xb8;
	[tilespmem:$0x18280] =	vst v63  }
0x1aa: {  	v49 =	vperm.xlane v20, v13;
	v48 =	vadd.s32 v6, v47;
	s13 =	simm.s32 $0x13D80  }
0x1ab: {  	[tilespmem:s13], [sflag:$0x1] =	stream.indirect_vreg.gather [hbm4b:s4+s3], $0x80, v44, vm1, $0xb8;
	[tilespmem:$0x18280] =	vst v63  }
0x1ac: {  	v51 =	vperm.xlane v20, v14;
	v50 =	vadd.s32 v6, v49;
	s14 =	simm.s32 $0x13E00  }
0x1ad: {  	[tilespmem:s14], [sflag:$0x1] =	stream.indirect_vreg.gather [hbm4b:s4+s3], $0x80, v46, vm1, $0xb8;
	[tilespmem:$0x18280] =	vst v63  }
0x1ae: {  	v53 =	vperm.xlane v20, v15;
	v52 =	vadd.s32 v6, v51;
	s1 =	simm.s32 $0x13E80  }
0x1af: {  	[tilespmem:s1], [sflag:$0x1] =	stream.indirect_vreg.gather [hbm4b:s4+s3], $0x80, v48, vm1, $0xb8;
	[tilespmem:$0x18280] =	vst v63  }
0x1b0: {  	v55 =	vperm.xlane v20, v16;
	v54 =	vadd.s32 v6, v53;
	s11 =	simm.s32 $0x13F00  }
0x1b1: {  	[tilespmem:s11], [sflag:$0x1] =	stream.indirect_vreg.gather [hbm4b:s4+s3], $0x80, v50, vm1, $0xb8;
	[tilespmem:$0x18280] =	vst v63  }
0x1b2: {  	v57 =	vperm.xlane v20, v17;
	v56 =	vadd.s32 v6, v55;
	s13 =	simm.s32 $0x13F80  }
0x1b3: {  	[tilespmem:s13], [sflag:$0x1] =	stream.indirect_vreg.gather [hbm4b:s4+s3], $0x80, v52, vm1, $0xb8;
	[tilespmem:$0x18280] =	vst v63  }
0x1b4: {  	v59 =	vperm.xlane v20, v18;
	v58 =	vadd.s32 v6, v57;
	s14 =	simm.s32 $0x14000  }
0x1b5: {  	[tilespmem:s14], [sflag:$0x1] =	stream.indirect_vreg.gather [hbm4b:s4+s3], $0x80, v54, vm1, $0xb8;
	[tilespmem:$0x18280] =	vst v63  }
0x1b6: {  	v20 =	vperm.xlane v20, v19;
	v60 =	vadd.s32 v6, v59;
	s1 =	simm.s32 $0x14080  }
0x1b7: {  	[tilespmem:s1], [sflag:$0x1] =	stream.indirect_vreg.gather [hbm4b:s4+s3], $0x80, v56, vm1, $0xb8;
	[tilespmem:$0x18280] =	vst v63  }
0x1b8: {  	v20 =	vadd.s32 v6, v20;
	s11 =	simm.s32 $0x14100  }
0x1b9: {  	[tilespmem:s11], [sflag:$0x1] =	stream.indirect_vreg.gather [hbm4b:s4+s3], $0x80, v58, vm1, $0xb8;
	[tilespmem:$0x18280] =	vst v63  }
0x1ba: {  	s13 =	simm.s32 $0x14180  }
0x1bb: {  	[tilespmem:s13], [sflag:$0x1] =	stream.indirect_vreg.gather [hbm4b:s4+s3], $0x80, v60, vm1, $0xb8;
	[tilespmem:$0x18280] =	vst v63  }
0x1bc: {  	s14 =	simm.s32 $0x14200  }
0x1bd: {  	[tilespmem:s14], [sflag:$0x1] =	stream.indirect_vreg.gather [hbm4b:s4+s3], $0x80, v20, vm1, $0xb8;
	[tilespmem:$0x18280] =	vst v63  }
0x1be: {  	v20 =	vld [tilespmem:$0x80];
	_ =	sdelay $0x4  }
0x1bf: {  	v61 =	vshrl.u32 v20, $0x3  }
0x1c0: {  	v21 =	vmul.u32 $0x18, v61  }
0x1c1: {  	v20 =	vand.u32 $0x7, v20  }
0x1c2: {  	v20 =	vor.u32 v20, v21  }
0x1c3: {  	v21 =	vperm.xlane v20, v0;
	_ =	sdelay $0x1  }
0x1c4: {  	v20 =	vperm.xlane v20, v4;
	v21 =	vadd.s32 v2, v21;
	_ =	sdelay $0x1  }
0x1c5: {  	v20 =	vadd.s32 v2, v20;
	_ =	sdelay $0x1  }
0x1c6: {  	s1 =	simm.s32 $0x8280  }
0x1c7: {  	[tilespmem:s1], [sflag:$0x2] =	stream.indirect_vreg.gather [hbm4b:s2+s3], $0x80, v21, vm0, $0xb8;
	[tilespmem:$0x18280] =	vst v63  }
0x1c8: {  	s11 =	simm.s32 $0x8A80  }
0x1c9: {  	[tilespmem:s11], [sflag:$0x2] =	stream.indirect_vreg.gather [hbm4b:s2+s3], $0x80, v20, vm0, $0xb8;
	[tilespmem:$0x18280] =	vst v63  }
0x1ca: {  	v20 =	vld [tilespmem:$0x90];
	_ =	sdelay $0x4  }
0x1cb: {  	v62 =	vshrl.u32 v20, $0x3  }
0x1cc: {  	v21 =	vmul.u32 $0x18, v62  }
0x1cd: {  	v20 =	vand.u32 $0x7, v20  }
0x1ce: {  	v20 =	vor.u32 v20, v21  }
0x1cf: {  	v21 =	vperm.xlane v20, v0;
	_ =	sdelay $0x1  }
0x1d0: {  	v20 =	vperm.xlane v20, v4;
	v21 =	vadd.s32 v2, v21;
	_ =	sdelay $0x1  }
0x1d1: {  	v20 =	vadd.s32 v2, v20;
	_ =	sdelay $0x1  }
0x1d2: {  	s13 =	simm.s32 $0x9280  }
0x1d3: {  	[tilespmem:s13], [sflag:$0x2] =	stream.indirect_vreg.gather [hbm4b:s2+s3], $0x80, v21, vm0, $0xb8;
	[tilespmem:$0x18280] =	vst v63  }
0x1d4: {  	s14 =	simm.s32 $0x9A80  }
0x1d5: {  	[tilespmem:s14], [sflag:$0x2] =	stream.indirect_vreg.gather [hbm4b:s2+s3], $0x80, v20, vm0, $0xb8;
	[tilespmem:$0x18280] =	vst v63  }
0x1d6: {  	v20 =	vld [tilespmem:$0xA0];
	_ =	sdelay $0x4  }
0x1d7: {  	v63 =	vshrl.u32 v20, $0x3  }
0x1d8: {  	v21 =	vmul.u32 $0x18, v63  }
0x1d9: {  	v20 =	vand.u32 $0x7, v20  }
0x1da: {  	v20 =	vor.u32 v20, v21  }
0x1db: {  	v21 =	vperm.xlane v20, v0;
	_ =	sdelay $0x1  }
0x1dc: {  	v20 =	vperm.xlane v20, v4;
	v21 =	vadd.s32 v2, v21;
	_ =	sdelay $0x1  }
0x1dd: {  	v20 =	vadd.s32 v2, v20;
	_ =	sdelay $0x1  }
0x1de: {  	s11 =	simm.s32 $0xA280  }
0x1df: {  	[tilespmem:s11], [sflag:$0x2] =	stream.indirect_vreg.gather [hbm4b:s2+s3], $0x80, v21, vm0, $0xb8;
	[tilespmem:$0x18280] =	vst v63  }
0x1e0: {  	s14 =	simm.s32 $0xAA80  }
0x1e1: {  	[tilespmem:s14], [sflag:$0x2] =	stream.indirect_vreg.gather [hbm4b:s2+s3], $0x80, v20, vm0, $0xb8;
	[tilespmem:$0x18280] =	vst v63  }
0x1e2: {  	v20 =	vld [tilespmem:$0xB0];
	_ =	sdelay $0x4  }
0x1e3: {  	v24 =	vshrl.u32 v20, $0x3  }
0x1e4: {  	v21 =	vmul.u32 $0x18, v24  }
0x1e5: {  	v20 =	vand.u32 $0x7, v20  }
0x1e6: {  	v20 =	vor.u32 v20, v21  }
0x1e7: {  	v21 =	vperm.xlane v20, v0;
	_ =	sdelay $0x1  }
0x1e8: {  	v20 =	vperm.xlane v20, v4;
	v21 =	vadd.s32 v2, v21;
	_ =	sdelay $0x1  }
0x1e9: {  	v20 =	vadd.s32 v2, v20;
	_ =	sdelay $0x2  }
0x1ea: {  	[tilespmem:s15], [sflag:$0x2] =	stream.indirect_vreg.gather [hbm4b:s2+s3], $0x80, v21, vm0, $0xb8;
	[tilespmem:$0x18280] =	vst v63  }
0x1eb: {  	_ = 	snop  }
0x1ec: {  	[tilespmem:s16], [sflag:$0x2] =	stream.indirect_vreg.gather [hbm4b:s2+s3], $0x80, v20, vm0, $0xb8;
	[tilespmem:$0x18280] =	vst v63  }
0x1ed: {  	v20 =	vld [tilespmem:$0xC0];
	_ =	sdelay $0x4  }
0x1ee: {  	v25 =	vshrl.u32 v20, $0x3  }
0x1ef: {  	v21 =	vmul.u32 $0x18, v25  }
0x1f0: {  	v20 =	vand.u32 $0x7, v20  }
0x1f1: {  	v20 =	vor.u32 v20, v21  }
0x1f2: {  	v21 =	vperm.xlane v20, v0;
	_ =	sdelay $0x1  }
0x1f3: {  	v20 =	vperm.xlane v20, v4;
	v21 =	vadd.s32 v2, v21;
	_ =	sdelay $0x1  }
0x1f4: {  	v20 =	vadd.s32 v2, v20;
	_ =	sdelay $0x2  }
0x1f5: {  	[tilespmem:s17], [sflag:$0x2] =	stream.indirect_vreg.gather [hbm4b:s2+s3], $0x80, v21, vm0, $0xb8;
	[tilespmem:$0x18280] =	vst v63  }
0x1f6: {  	_ = 	snop  }
0x1f7: {  	[tilespmem:s18], [sflag:$0x2] =	stream.indirect_vreg.gather [hbm4b:s2+s3], $0x80, v20, vm0, $0xb8;
	[tilespmem:$0x18280] =	vst v63  }
0x1f8: {  	v20 =	vld [tilespmem:$0xD0];
	_ =	sdelay $0x4  }
0x1f9: {  	v26 =	vshrl.u32 v20, $0x3  }
0x1fa: {  	v21 =	vmul.u32 $0x18, v26  }
0x1fb: {  	v20 =	vand.u32 $0x7, v20  }
0x1fc: {  	v20 =	vor.u32 v20, v21  }
0x1fd: {  	v21 =	vperm.xlane v20, v0;
	_ =	sdelay $0x1  }
0x1fe: {  	v20 =	vperm.xlane v20, v4;
	v21 =	vadd.s32 v2, v21;
	_ =	sdelay $0x1  }
0x1ff: {  	v20 =	vadd.s32 v2, v20;
	_ =	sdelay $0x2  }
0x200: {  	[tilespmem:s19], [sflag:$0x2] =	stream.indirect_vreg.gather [hbm4b:s2+s3], $0x80, v21, vm0, $0xb8;
	[tilespmem:$0x18280] =	vst v63  }
0x201: {  	_ = 	snop  }
0x202: {  	[tilespmem:s20], [sflag:$0x2] =	stream.indirect_vreg.gather [hbm4b:s2+s3], $0x80, v20, vm0, $0xb8;
	[tilespmem:$0x18280] =	vst v63  }
0x203: {  	v20 =	vld [tilespmem:$0xE0];
	_ =	sdelay $0x4  }
0x204: {  	v27 =	vshrl.u32 v20, $0x3  }
0x205: {  	v21 =	vmul.u32 $0x18, v27  }
0x206: {  	v20 =	vand.u32 $0x7, v20  }
0x207: {  	v20 =	vor.u32 v20, v21  }
0x208: {  	v21 =	vperm.xlane v20, v0;
	_ =	sdelay $0x1  }
0x209: {  	v20 =	vperm.xlane v20, v4;
	v21 =	vadd.s32 v2, v21;
	_ =	sdelay $0x1  }
0x20a: {  	v20 =	vadd.s32 v2, v20;
	_ =	sdelay $0x2  }
0x20b: {  	[tilespmem:s21], [sflag:$0x2] =	stream.indirect_vreg.gather [hbm4b:s2+s3], $0x80, v21, vm0, $0xb8;
	[tilespmem:$0x18280] =	vst v63  }
0x20c: {  	_ = 	snop  }
0x20d: {  	[tilespmem:s22], [sflag:$0x2] =	stream.indirect_vreg.gather [hbm4b:s2+s3], $0x80, v20, vm0, $0xb8;
	[tilespmem:$0x18280] =	vst v63  }
0x20e: {  	v20 =	vld [tilespmem:$0xF0];
	_ =	sdelay $0x4  }
0x20f: {  	v28 =	vshrl.u32 v20, $0x3  }
0x210: {  	v21 =	vmul.u32 $0x18, v28  }
0x211: {  	v20 =	vand.u32 $0x7, v20  }
0x212: {  	v20 =	vor.u32 v20, v21  }
0x213: {  	v21 =	vperm.xlane v20, v0;
	_ =	sdelay $0x1  }
0x214: {  	v20 =	vperm.xlane v20, v4;
	v21 =	vadd.s32 v2, v21;
	_ =	sdelay $0x1  }
0x215: {  	v20 =	vadd.s32 v2, v20;
	_ =	sdelay $0x2  }
0x216: {  	[tilespmem:s24], [sflag:$0x2] =	stream.indirect_vreg.gather [hbm4b:s2+s3], $0x80, v21, vm0, $0xb8;
	[tilespmem:$0x18280] =	vst v63  }
0x217: {  	_ = 	snop  }
0x218: {  	[tilespmem:s25], [sflag:$0x2] =	stream.indirect_vreg.gather [hbm4b:s2+s3], $0x80, v20, vm0, $0xb8;
	[tilespmem:$0x18280] =	vst v63  }
0x219: {  	v20 =	vld [tilespmem:$0x80];
	_ =	sdelay $0x4  }
0x21a: {  	v29 =	vshrl.u32 v20, $0x3  }
0x21b: {  	v21 =	vmul.u32 $0x18, v29  }
0x21c: {  	v20 =	vand.u32 $0x7, v20  }
0x21d: {  	v20 =	vor.u32 v20, v21  }
0x21e: {  	v21 =	vperm.xlane v20, v5;
	_ =	sdelay $0x1  }
0x21f: {  	v30 =	vperm.xlane v20, v7;
	v21 =	vadd.s32 v6, v21;
	_ =	sdelay $0x1  }
0x220: {  	v31 =	vperm.xlane v20, v8;
	v22 =	vadd.s32 v6, v30;
	_ =	sdelay $0x1  }
0x221: {  	s1 =	simm.s32 $0x14280;
	v32 =	vperm.xlane v20, v3;
	v23 =	vadd.s32 v6, v31  }
0x222: {  	[tilespmem:s1], [sflag:$0x2] =	stream.indirect_vreg.gather [hbm4b:s4+s3], $0x80, v21, vm1, $0xb8;
	[tilespmem:$0x18280] =	vst v63  }
0x223: {  	v34 =	vperm.xlane v20, v9;
	v33 =	vadd.s32 v6, v32  }
0x224: {  	[tilespmem:s28], [sflag:$0x2] =	stream.indirect_vreg.gather [hbm4b:s4+s3], $0x80, v22, vm1, $0xb8;
	[tilespmem:$0x18280] =	vst v63  }
0x225: {  	v36 =	vperm.xlane v20, v10;
	v35 =	vadd.s32 v6, v34  }
0x226: {  	[tilespmem:s29], [sflag:$0x2] =	stream.indirect_vreg.gather [hbm4b:s4+s3], $0x80, v23, vm1, $0xb8;
	[tilespmem:$0x18280] =	vst v63  }
0x227: {  	v38 =	vperm.xlane v20, v11;
	v37 =	vadd.s32 v6, v36  }
0x228: {  	[tilespmem:s30], [sflag:$0x2] =	stream.indirect_vreg.gather [hbm4b:s4+s3], $0x80, v33, vm1, $0xb8;
	[tilespmem:$0x18280] =	vst v63  }
0x229: {  	v40 =	vperm.xlane v20, v1;
	v39 =	vadd.s32 v6, v38  }
0x22a: {  	[tilespmem:s31], [sflag:$0x2] =	stream.indirect_vreg.gather [hbm4b:s4+s3], $0x80, v35, vm1, $0xb8;
	[tilespmem:$0x18280] =	vst v63  }
0x22b: {  	s13 =	simm.s32 $0x14500;
	v42 =	vperm.xlane v20, v12;
	v41 =	vadd.s32 v6, v40  }
0x22c: {  	[tilespmem:s13], [sflag:$0x2] =	stream.indirect_vreg.gather [hbm4b:s4+s3], $0x80, v37, vm1, $0xb8;
	[tilespmem:$0x18280] =	vst v63  }
0x22d: {  	v44 =	vperm.xlane v20, v13;
	v43 =	vadd.s32 v6, v42  }
0x22e: {  	[tilespmem:s23], [sflag:$0x2] =	stream.indirect_vreg.gather [hbm4b:s4+s3], $0x80, v39, vm1, $0xb8;
	[tilespmem:$0x18280] =	vst v63  }
0x22f: {  	v46 =	vperm.xlane v20, v14;
	v45 =	vadd.s32 v6, v44  }
0x230: {  	[tilespmem:s26], [sflag:$0x2] =	stream.indirect_vreg.gather [hbm4b:s4+s3], $0x80, v41, vm1, $0xb8;
	[tilespmem:$0x18280] =	vst v63  }
0x231: {  	v48 =	vperm.xlane v20, v15;
	v47 =	vadd.s32 v6, v46;
	s1 =	simm.s32 $0x14680  }
0x232: {  	[tilespmem:s1], [sflag:$0x2] =	stream.indirect_vreg.gather [hbm4b:s4+s3], $0x80, v43, vm1, $0xb8;
	[tilespmem:$0x18280] =	vst v63  }
0x233: {  	v50 =	vperm.xlane v20, v16;
	v49 =	vadd.s32 v6, v48;
	s13 =	simm.s32 $0x14700  }
0x234: {  	[tilespmem:s13], [sflag:$0x2] =	stream.indirect_vreg.gather [hbm4b:s4+s3], $0x80, v45, vm1, $0xb8;
	[tilespmem:$0x18280] =	vst v63  }
0x235: {  	v52 =	vperm.xlane v20, v17;
	v51 =	vadd.s32 v6, v50;
	s1 =	simm.s32 $0x14780  }
0x236: {  	[tilespmem:s1], [sflag:$0x2] =	stream.indirect_vreg.gather [hbm4b:s4+s3], $0x80, v47, vm1, $0xb8;
	[tilespmem:$0x18280] =	vst v63  }
0x237: {  	v54 =	vperm.xlane v20, v18;
	v53 =	vadd.s32 v6, v52;
	s13 =	simm.s32 $0x14800  }
0x238: {  	[tilespmem:s13], [sflag:$0x2] =	stream.indirect_vreg.gather [hbm4b:s4+s3], $0x80, v49, vm1, $0xb8;
	[tilespmem:$0x18280] =	vst v63  }
0x239: {  	v20 =	vperm.xlane v20, v19;
	v55 =	vadd.s32 v6, v54;
	s1 =	simm.s32 $0x14880  }
0x23a: {  	[tilespmem:s1], [sflag:$0x2] =	stream.indirect_vreg.gather [hbm4b:s4+s3], $0x80, v51, vm1, $0xb8;
	[tilespmem:$0x18280] =	vst v63  }
0x23b: {  	v20 =	vadd.s32 v6, v20;
	s13 =	simm.s32 $0x14900  }
0x23c: {  	[tilespmem:s13], [sflag:$0x2] =	stream.indirect_vreg.gather [hbm4b:s4+s3], $0x80, v53, vm1, $0xb8;
	[tilespmem:$0x18280] =	vst v63  }
0x23d: {  	s1 =	simm.s32 $0x14980  }
0x23e: {  	[tilespmem:s1], [sflag:$0x2] =	stream.indirect_vreg.gather [hbm4b:s4+s3], $0x80, v55, vm1, $0xb8;
	[tilespmem:$0x18280] =	vst v63  }
0x23f: {  	s13 =	simm.s32 $0x14A00  }
0x240: {  	[tilespmem:s13], [sflag:$0x2] =	stream.indirect_vreg.gather [hbm4b:s4+s3], $0x80, v20, vm1, $0xb8;
	[tilespmem:$0x18280] =	vst v63  }
0x241: {  	v20 =	vld [tilespmem:$0x90];
	_ =	sdelay $0x4  }
0x242: {  	v56 =	vshrl.u32 v20, $0x3  }
0x243: {  	v21 =	vmul.u32 $0x18, v56  }
0x244: {  	v20 =	vand.u32 $0x7, v20  }
0x245: {  	v20 =	vor.u32 v20, v21  }
0x246: {  	v21 =	vperm.xlane v20, v5;
	_ =	sdelay $0x1  }
0x247: {  	v57 =	vperm.xlane v20, v7;
	v21 =	vadd.s32 v6, v21;
	_ =	sdelay $0x1  }
0x248: {  	v58 =	vperm.xlane v20, v8;
	v22 =	vadd.s32 v6, v57;
	_ =	sdelay $0x1  }
0x249: {  	s1 =	simm.s32 $0x14A80;
	v59 =	vperm.xlane v20, v3;
	v23 =	vadd.s32 v6, v58  }
0x24a: {  	[tilespmem:s1], [sflag:$0x2] =	stream.indirect_vreg.gather [hbm4b:s4+s3], $0x80, v21, vm1, $0xb8;
	[tilespmem:$0x18280] =	vst v63  }
0x24b: {  	s13 =	simm.s32 $0x14B00;
	v61 =	vperm.xlane v20, v9;
	v60 =	vadd.s32 v6, v59  }
0x24c: {  	[tilespmem:s13], [sflag:$0x2] =	stream.indirect_vreg.gather [hbm4b:s4+s3], $0x80, v22, vm1, $0xb8;
	[tilespmem:$0x18280] =	vst v63  }
0x24d: {  	v63 =	vperm.xlane v20, v10;
	v62 =	vadd.s32 v6, v61;
	s1 =	simm.s32 $0x14B80  }
0x24e: {  	[tilespmem:s1], [sflag:$0x2] =	stream.indirect_vreg.gather [hbm4b:s4+s3], $0x80, v23, vm1, $0xb8;
	[tilespmem:$0x18280] =	vst v63  }
0x24f: {  	v29 =	vperm.xlane v20, v11;
	v28 =	vadd.s32 v6, v63;
	s13 =	simm.s32 $0x14C00  }
0x250: {  	[tilespmem:s13], [sflag:$0x2] =	stream.indirect_vreg.gather [hbm4b:s4+s3], $0x80, v60, vm1, $0xb8;
	[tilespmem:$0x18280] =	vst v63  }
0x251: {  	v31 =	vperm.xlane v20, v1;
	v30 =	vadd.s32 v6, v29;
	s1 =	simm.s32 $0x14C80  }
0x252: {  	[tilespmem:s1], [sflag:$0x2] =	stream.indirect_vreg.gather [hbm4b:s4+s3], $0x80, v62, vm1, $0xb8;
	[tilespmem:$0x18280] =	vst v63  }
0x253: {  	v33 =	vperm.xlane v20, v12;
	v32 =	vadd.s32 v6, v31;
	s13 =	simm.s32 $0x14D00  }
0x254: {  	[tilespmem:s13], [sflag:$0x2] =	stream.indirect_vreg.gather [hbm4b:s4+s3], $0x80, v28, vm1, $0xb8;
	[tilespmem:$0x18280] =	vst v63  }
0x255: {  	v35 =	vperm.xlane v20, v13;
	v34 =	vadd.s32 v6, v33;
	s1 =	simm.s32 $0x14D80  }
0x256: {  	[tilespmem:s1], [sflag:$0x2] =	stream.indirect_vreg.gather [hbm4b:s4+s3], $0x80, v30, vm1, $0xb8;
	[tilespmem:$0x18280] =	vst v63  }
0x257: {  	v37 =	vperm.xlane v20, v14;
	v36 =	vadd.s32 v6, v35;
	s13 =	simm.s32 $0x14E00  }
0x258: {  	[tilespmem:s13], [sflag:$0x2] =	stream.indirect_vreg.gather [hbm4b:s4+s3], $0x80, v32, vm1, $0xb8;
	[tilespmem:$0x18280] =	vst v63  }
0x259: {  	v39 =	vperm.xlane v20, v15;
	v38 =	vadd.s32 v6, v37;
	s1 =	simm.s32 $0x14E80  }
0x25a: {  	[tilespmem:s1], [sflag:$0x2] =	stream.indirect_vreg.gather [hbm4b:s4+s3], $0x80, v34, vm1, $0xb8;
	[tilespmem:$0x18280] =	vst v63  }
0x25b: {  	v41 =	vperm.xlane v20, v16;
	v40 =	vadd.s32 v6, v39;
	s13 =	simm.s32 $0x14F00  }
0x25c: {  	[tilespmem:s13], [sflag:$0x2] =	stream.indirect_vreg.gather [hbm4b:s4+s3], $0x80, v36, vm1, $0xb8;
	[tilespmem:$0x18280] =	vst v63  }
0x25d: {  	v43 =	vperm.xlane v20, v17;
	v42 =	vadd.s32 v6, v41;
	s1 =	simm.s32 $0x14F80  }
0x25e: {  	[tilespmem:s1], [sflag:$0x2] =	stream.indirect_vreg.gather [hbm4b:s4+s3], $0x80, v38, vm1, $0xb8;
	[tilespmem:$0x18280] =	vst v63  }
0x25f: {  	v45 =	vperm.xlane v20, v18;
	v44 =	vadd.s32 v6, v43;
	s13 =	simm.s32 $0x15000  }
0x260: {  	[tilespmem:s13], [sflag:$0x2] =	stream.indirect_vreg.gather [hbm4b:s4+s3], $0x80, v40, vm1, $0xb8;
	[tilespmem:$0x18280] =	vst v63  }
0x261: {  	v20 =	vperm.xlane v20, v19;
	v46 =	vadd.s32 v6, v45;
	s1 =	simm.s32 $0x15080  }
0x262: {  	[tilespmem:s1], [sflag:$0x2] =	stream.indirect_vreg.gather [hbm4b:s4+s3], $0x80, v42, vm1, $0xb8;
	[tilespmem:$0x18280] =	vst v63  }
0x263: {  	v20 =	vadd.s32 v6, v20;
	s13 =	simm.s32 $0x15100  }
0x264: {  	[tilespmem:s13], [sflag:$0x2] =	stream.indirect_vreg.gather [hbm4b:s4+s3], $0x80, v44, vm1, $0xb8;
	[tilespmem:$0x18280] =	vst v63  }
0x265: {  	s1 =	simm.s32 $0x15180  }
0x266: {  	[tilespmem:s1], [sflag:$0x2] =	stream.indirect_vreg.gather [hbm4b:s4+s3], $0x80, v46, vm1, $0xb8;
	[tilespmem:$0x18280] =	vst v63  }
0x267: {  	s13 =	simm.s32 $0x15200  }
0x268: {  	[tilespmem:s13], [sflag:$0x2] =	stream.indirect_vreg.gather [hbm4b:s4+s3], $0x80, v20, vm1, $0xb8;
	[tilespmem:$0x18280] =	vst v63  }
0x269: {  	v20 =	vld [tilespmem:$0xA0];
	_ =	sdelay $0x4  }
0x26a: {  	v47 =	vshrl.u32 v20, $0x3  }
0x26b: {  	v21 =	vmul.u32 $0x18, v47  }
0x26c: {  	v20 =	vand.u32 $0x7, v20  }
0x26d: {  	v20 =	vor.u32 v20, v21  }
0x26e: {  	v21 =	vperm.xlane v20, v5;
	_ =	sdelay $0x1  }
0x26f: {  	v48 =	vperm.xlane v20, v7;
	v21 =	vadd.s32 v6, v21;
	_ =	sdelay $0x1  }
0x270: {  	v49 =	vperm.xlane v20, v8;
	v22 =	vadd.s32 v6, v48;
	_ =	sdelay $0x1  }
0x271: {  	s1 =	simm.s32 $0x15280;
	v50 =	vperm.xlane v20, v3;
	v23 =	vadd.s32 v6, v49  }
0x272: {  	[tilespmem:s1], [sflag:$0x2] =	stream.indirect_vreg.gather [hbm4b:s4+s3], $0x80, v21, vm1, $0xb8;
	[tilespmem:$0x18280] =	vst v63  }
0x273: {  	s13 =	simm.s32 $0x15300;
	v52 =	vperm.xlane v20, v9;
	v51 =	vadd.s32 v6, v50  }
0x274: {  	[tilespmem:s13], [sflag:$0x2] =	stream.indirect_vreg.gather [hbm4b:s4+s3], $0x80, v22, vm1, $0xb8;
	[tilespmem:$0x18280] =	vst v63  }
0x275: {  	v54 =	vperm.xlane v20, v10;
	v53 =	vadd.s32 v6, v52;
	s1 =	simm.s32 $0x15380  }
0x276: {  	[tilespmem:s1], [sflag:$0x2] =	stream.indirect_vreg.gather [hbm4b:s4+s3], $0x80, v23, vm1, $0xb8;
	[tilespmem:$0x18280] =	vst v63  }
0x277: {  	v56 =	vperm.xlane v20, v11;
	v55 =	vadd.s32 v6, v54;
	s13 =	simm.s32 $0x15400  }
0x278: {  	[tilespmem:s13], [sflag:$0x2] =	stream.indirect_vreg.gather [hbm4b:s4+s3], $0x80, v51, vm1, $0xb8;
	[tilespmem:$0x18280] =	vst v63  }
0x279: {  	v58 =	vperm.xlane v20, v1;
	v57 =	vadd.s32 v6, v56;
	s1 =	simm.s32 $0x15480  }
0x27a: {  	[tilespmem:s1], [sflag:$0x2] =	stream.indirect_vreg.gather [hbm4b:s4+s3], $0x80, v53, vm1, $0xb8;
	[tilespmem:$0x18280] =	vst v63  }
0x27b: {  	v60 =	vperm.xlane v20, v12;
	v59 =	vadd.s32 v6, v58;
	s13 =	simm.s32 $0x15500  }
0x27c: {  	[tilespmem:s13], [sflag:$0x2] =	stream.indirect_vreg.gather [hbm4b:s4+s3], $0x80, v55, vm1, $0xb8;
	[tilespmem:$0x18280] =	vst v63  }
0x27d: {  	v62 =	vperm.xlane v20, v13;
	v61 =	vadd.s32 v6, v60;
	s1 =	simm.s32 $0x15580  }
0x27e: {  	[tilespmem:s1], [sflag:$0x2] =	stream.indirect_vreg.gather [hbm4b:s4+s3], $0x80, v57, vm1, $0xb8;
	[tilespmem:$0x18280] =	vst v63  }
0x27f: {  	v28 =	vperm.xlane v20, v14;
	v63 =	vadd.s32 v6, v62;
	s13 =	simm.s32 $0x15600  }
0x280: {  	[tilespmem:s13], [sflag:$0x2] =	stream.indirect_vreg.gather [hbm4b:s4+s3], $0x80, v59, vm1, $0xb8;
	[tilespmem:$0x18280] =	vst v63  }
0x281: {  	v30 =	vperm.xlane v20, v15;
	v29 =	vadd.s32 v6, v28;
	s1 =	simm.s32 $0x15680  }
0x282: {  	[tilespmem:s1], [sflag:$0x2] =	stream.indirect_vreg.gather [hbm4b:s4+s3], $0x80, v61, vm1, $0xb8;
	[tilespmem:$0x18280] =	vst v63  }
0x283: {  	v32 =	vperm.xlane v20, v16;
	v31 =	vadd.s32 v6, v30;
	s13 =	simm.s32 $0x15700  }
0x284: {  	[tilespmem:s13], [sflag:$0x2] =	stream.indirect_vreg.gather [hbm4b:s4+s3], $0x80, v63, vm1, $0xb8;
	[tilespmem:$0x18280] =	vst v63  }
0x285: {  	v34 =	vperm.xlane v20, v17;
	v33 =	vadd.s32 v6, v32;
	s1 =	simm.s32 $0x15780  }
0x286: {  	[tilespmem:s1], [sflag:$0x2] =	stream.indirect_vreg.gather [hbm4b:s4+s3], $0x80, v29, vm1, $0xb8;
	[tilespmem:$0x18280] =	vst v63  }
0x287: {  	v36 =	vperm.xlane v20, v18;
	v35 =	vadd.s32 v6, v34;
	s13 =	simm.s32 $0x15800  }
0x288: {  	[tilespmem:s13], [sflag:$0x2] =	stream.indirect_vreg.gather [hbm4b:s4+s3], $0x80, v31, vm1, $0xb8;
	[tilespmem:$0x18280] =	vst v63  }
0x289: {  	v20 =	vperm.xlane v20, v19;
	v37 =	vadd.s32 v6, v36;
	s1 =	simm.s32 $0x15880  }
0x28a: {  	[tilespmem:s1], [sflag:$0x2] =	stream.indirect_vreg.gather [hbm4b:s4+s3], $0x80, v33, vm1, $0xb8;
	[tilespmem:$0x18280] =	vst v63  }
0x28b: {  	v20 =	vadd.s32 v6, v20;
	s13 =	simm.s32 $0x15900  }
0x28c: {  	[tilespmem:s13], [sflag:$0x2] =	stream.indirect_vreg.gather [hbm4b:s4+s3], $0x80, v35, vm1, $0xb8;
	[tilespmem:$0x18280] =	vst v63  }
0x28d: {  	s1 =	simm.s32 $0x15980  }
0x28e: {  	[tilespmem:s1], [sflag:$0x2] =	stream.indirect_vreg.gather [hbm4b:s4+s3], $0x80, v37, vm1, $0xb8;
	[tilespmem:$0x18280] =	vst v63  }
0x28f: {  	s13 =	simm.s32 $0x15A00  }
0x290: {  	[tilespmem:s13], [sflag:$0x2] =	stream.indirect_vreg.gather [hbm4b:s4+s3], $0x80, v20, vm1, $0xb8;
	[tilespmem:$0x18280] =	vst v63  }
0x291: {  	v20 =	vld [tilespmem:$0xB0];
	_ =	sdelay $0x4  }
0x292: {  	v38 =	vshrl.u32 v20, $0x3  }
0x293: {  	v21 =	vmul.u32 $0x18, v38  }
0x294: {  	v20 =	vand.u32 $0x7, v20  }
0x295: {  	v20 =	vor.u32 v20, v21  }
0x296: {  	v21 =	vperm.xlane v20, v5;
	_ =	sdelay $0x1  }
0x297: {  	v39 =	vperm.xlane v20, v7;
	v21 =	vadd.s32 v6, v21;
	_ =	sdelay $0x1  }
0x298: {  	v40 =	vperm.xlane v20, v8;
	v22 =	vadd.s32 v6, v39;
	_ =	sdelay $0x1  }
0x299: {  	s1 =	simm.s32 $0x15A80;
	v41 =	vperm.xlane v20, v3;
	v23 =	vadd.s32 v6, v40  }
0x29a: {  	[tilespmem:s1], [sflag:$0x2] =	stream.indirect_vreg.gather [hbm4b:s4+s3], $0x80, v21, vm1, $0xb8;
	[tilespmem:$0x18280] =	vst v63  }
0x29b: {  	s13 =	simm.s32 $0x15B00;
	v43 =	vperm.xlane v20, v9;
	v42 =	vadd.s32 v6, v41  }
0x29c: {  	[tilespmem:s13], [sflag:$0x2] =	stream.indirect_vreg.gather [hbm4b:s4+s3], $0x80, v22, vm1, $0xb8;
	[tilespmem:$0x18280] =	vst v63  }
0x29d: {  	v45 =	vperm.xlane v20, v10;
	v44 =	vadd.s32 v6, v43;
	s1 =	simm.s32 $0x15B80  }
0x29e: {  	[tilespmem:s1], [sflag:$0x2] =	stream.indirect_vreg.gather [hbm4b:s4+s3], $0x80, v23, vm1, $0xb8;
	[tilespmem:$0x18280] =	vst v63  }
0x29f: {  	v47 =	vperm.xlane v20, v11;
	v46 =	vadd.s32 v6, v45;
	s13 =	simm.s32 $0x15C00  }
0x2a0: {  	[tilespmem:s13], [sflag:$0x2] =	stream.indirect_vreg.gather [hbm4b:s4+s3], $0x80, v42, vm1, $0xb8;
	[tilespmem:$0x18280] =	vst v63  }
0x2a1: {  	v49 =	vperm.xlane v20, v1;
	v48 =	vadd.s32 v6, v47;
	s1 =	simm.s32 $0x15C80  }
0x2a2: {  	[tilespmem:s1], [sflag:$0x2] =	stream.indirect_vreg.gather [hbm4b:s4+s3], $0x80, v44, vm1, $0xb8;
	[tilespmem:$0x18280] =	vst v63  }
0x2a3: {  	v51 =	vperm.xlane v20, v12;
	v50 =	vadd.s32 v6, v49;
	s13 =	simm.s32 $0x15D00  }
0x2a4: {  	[tilespmem:s13], [sflag:$0x2] =	stream.indirect_vreg.gather [hbm4b:s4+s3], $0x80, v46, vm1, $0xb8;
	[tilespmem:$0x18280] =	vst v63  }
0x2a5: {  	v53 =	vperm.xlane v20, v13;
	v52 =	vadd.s32 v6, v51;
	s1 =	simm.s32 $0x15D80  }
0x2a6: {  	[tilespmem:s1], [sflag:$0x2] =	stream.indirect_vreg.gather [hbm4b:s4+s3], $0x80, v48, vm1, $0xb8;
	[tilespmem:$0x18280] =	vst v63  }
0x2a7: {  	v55 =	vperm.xlane v20, v14;
	v54 =	vadd.s32 v6, v53;
	s13 =	simm.s32 $0x15E00  }
0x2a8: {  	[tilespmem:s13], [sflag:$0x2] =	stream.indirect_vreg.gather [hbm4b:s4+s3], $0x80, v50, vm1, $0xb8;
	[tilespmem:$0x18280] =	vst v63  }
0x2a9: {  	v57 =	vperm.xlane v20, v15;
	v56 =	vadd.s32 v6, v55;
	s1 =	simm.s32 $0x15E80  }
0x2aa: {  	[tilespmem:s1], [sflag:$0x2] =	stream.indirect_vreg.gather [hbm4b:s4+s3], $0x80, v52, vm1, $0xb8;
	[tilespmem:$0x18280] =	vst v63  }
0x2ab: {  	v59 =	vperm.xlane v20, v16;
	v58 =	vadd.s32 v6, v57;
	s13 =	simm.s32 $0x15F00  }
0x2ac: {  	[tilespmem:s13], [sflag:$0x2] =	stream.indirect_vreg.gather [hbm4b:s4+s3], $0x80, v54, vm1, $0xb8;
	[tilespmem:$0x18280] =	vst v63  }
0x2ad: {  	v61 =	vperm.xlane v20, v17;
	v60 =	vadd.s32 v6, v59;
	s1 =	simm.s32 $0x15F80  }
0x2ae: {  	[tilespmem:s1], [sflag:$0x2] =	stream.indirect_vreg.gather [hbm4b:s4+s3], $0x80, v56, vm1, $0xb8;
	[tilespmem:$0x18280] =	vst v63  }
0x2af: {  	v63 =	vperm.xlane v20, v18;
	v62 =	vadd.s32 v6, v61;
	s13 =	simm.s32 $0x16000  }
0x2b0: {  	[tilespmem:s13], [sflag:$0x2] =	stream.indirect_vreg.gather [hbm4b:s4+s3], $0x80, v58, vm1, $0xb8;
	[tilespmem:$0x18280] =	vst v63  }
0x2b1: {  	v20 =	vperm.xlane v20, v19;
	v24 =	vadd.s32 v6, v63;
	s1 =	simm.s32 $0x16080  }
0x2b2: {  	[tilespmem:s1], [sflag:$0x2] =	stream.indirect_vreg.gather [hbm4b:s4+s3], $0x80, v60, vm1, $0xb8;
	[tilespmem:$0x18280] =	vst v63  }
0x2b3: {  	v20 =	vadd.s32 v6, v20;
	s13 =	simm.s32 $0x16100  }
0x2b4: {  	[tilespmem:s13], [sflag:$0x2] =	stream.indirect_vreg.gather [hbm4b:s4+s3], $0x80, v62, vm1, $0xb8;
	[tilespmem:$0x18280] =	vst v63  }
0x2b5: {  	s1 =	simm.s32 $0x16180  }
0x2b6: {  	[tilespmem:s1], [sflag:$0x2] =	stream.indirect_vreg.gather [hbm4b:s4+s3], $0x80, v24, vm1, $0xb8;
	[tilespmem:$0x18280] =	vst v63  }
0x2b7: {  	s13 =	simm.s32 $0x16200  }
0x2b8: {  	[tilespmem:s13], [sflag:$0x2] =	stream.indirect_vreg.gather [hbm4b:s4+s3], $0x80, v20, vm1, $0xb8;
	[tilespmem:$0x18280] =	vst v63  }
0x2b9: {  	v20 =	vld [tilespmem:$0xC0];
	_ =	sdelay $0x4  }
0x2ba: {  	v25 =	vshrl.u32 v20, $0x3  }
0x2bb: {  	v21 =	vmul.u32 $0x18, v25  }
0x2bc: {  	v20 =	vand.u32 $0x7, v20  }
0x2bd: {  	v20 =	vor.u32 v20, v21  }
0x2be: {  	v21 =	vperm.xlane v20, v5;
	_ =	sdelay $0x1  }
0x2bf: {  	v26 =	vperm.xlane v20, v7;
	v21 =	vadd.s32 v6, v21;
	_ =	sdelay $0x1  }
0x2c0: {  	v27 =	vperm.xlane v20, v8;
	v22 =	vadd.s32 v6, v26;
	_ =	sdelay $0x1  }
0x2c1: {  	s1 =	simm.s32 $0x16280;
	v28 =	vperm.xlane v20, v3;
	v23 =	vadd.s32 v6, v27  }
0x2c2: {  	[tilespmem:s1], [sflag:$0x2] =	stream.indirect_vreg.gather [hbm4b:s4+s3], $0x80, v21, vm1, $0xb8;
	[tilespmem:$0x18280] =	vst v63  }
0x2c3: {  	s13 =	simm.s32 $0x16300;
	v30 =	vperm.xlane v20, v9;
	v29 =	vadd.s32 v6, v28  }
0x2c4: {  	[tilespmem:s13], [sflag:$0x2] =	stream.indirect_vreg.gather [hbm4b:s4+s3], $0x80, v22, vm1, $0xb8;
	[tilespmem:$0x18280] =	vst v63  }
0x2c5: {  	v32 =	vperm.xlane v20, v10;
	v31 =	vadd.s32 v6, v30;
	s1 =	simm.s32 $0x16380  }
0x2c6: {  	[tilespmem:s1], [sflag:$0x2] =	stream.indirect_vreg.gather [hbm4b:s4+s3], $0x80, v23, vm1, $0xb8;
	[tilespmem:$0x18280] =	vst v63  }
0x2c7: {  	v34 =	vperm.xlane v20, v11;
	v33 =	vadd.s32 v6, v32;
	s13 =	simm.s32 $0x16400  }
0x2c8: {  	[tilespmem:s13], [sflag:$0x2] =	stream.indirect_vreg.gather [hbm4b:s4+s3], $0x80, v29, vm1, $0xb8;
	[tilespmem:$0x18280] =	vst v63  }
0x2c9: {  	v36 =	vperm.xlane v20, v1;
	v35 =	vadd.s32 v6, v34;
	s1 =	simm.s32 $0x16480  }
0x2ca: {  	[tilespmem:s1], [sflag:$0x2] =	stream.indirect_vreg.gather [hbm4b:s4+s3], $0x80, v31, vm1, $0xb8;
	[tilespmem:$0x18280] =	vst v63  }
0x2cb: {  	v38 =	vperm.xlane v20, v12;
	v37 =	vadd.s32 v6, v36;
	s13 =	simm.s32 $0x16500  }
0x2cc: {  	[tilespmem:s13], [sflag:$0x2] =	stream.indirect_vreg.gather [hbm4b:s4+s3], $0x80, v33, vm1, $0xb8;
	[tilespmem:$0x18280] =	vst v63  }
0x2cd: {  	v40 =	vperm.xlane v20, v13;
	v39 =	vadd.s32 v6, v38;
	s1 =	simm.s32 $0x16580  }
0x2ce: {  	[tilespmem:s1], [sflag:$0x2] =	stream.indirect_vreg.gather [hbm4b:s4+s3], $0x80, v35, vm1, $0xb8;
	[tilespmem:$0x18280] =	vst v63  }
0x2cf: {  	v42 =	vperm.xlane v20, v14;
	v41 =	vadd.s32 v6, v40;
	s13 =	simm.s32 $0x16600  }
0x2d0: {  	[tilespmem:s13], [sflag:$0x2] =	stream.indirect_vreg.gather [hbm4b:s4+s3], $0x80, v37, vm1, $0xb8;
	[tilespmem:$0x18280] =	vst v63  }
0x2d1: {  	v44 =	vperm.xlane v20, v15;
	v43 =	vadd.s32 v6, v42;
	s1 =	simm.s32 $0x16680  }
0x2d2: {  	[tilespmem:s1], [sflag:$0x2] =	stream.indirect_vreg.gather [hbm4b:s4+s3], $0x80, v39, vm1, $0xb8;
	[tilespmem:$0x18280] =	vst v63  }
0x2d3: {  	v46 =	vperm.xlane v20, v16;
	v45 =	vadd.s32 v6, v44;
	s13 =	simm.s32 $0x16700  }
0x2d4: {  	[tilespmem:s13], [sflag:$0x2] =	stream.indirect_vreg.gather [hbm4b:s4+s3], $0x80, v41, vm1, $0xb8;
	[tilespmem:$0x18280] =	vst v63  }
0x2d5: {  	v48 =	vperm.xlane v20, v17;
	v47 =	vadd.s32 v6, v46;
	s1 =	simm.s32 $0x16780  }
0x2d6: {  	[tilespmem:s1], [sflag:$0x2] =	stream.indirect_vreg.gather [hbm4b:s4+s3], $0x80, v43, vm1, $0xb8;
	[tilespmem:$0x18280] =	vst v63  }
0x2d7: {  	v50 =	vperm.xlane v20, v18;
	v49 =	vadd.s32 v6, v48;
	s13 =	simm.s32 $0x16800  }
0x2d8: {  	[tilespmem:s13], [sflag:$0x2] =	stream.indirect_vreg.gather [hbm4b:s4+s3], $0x80, v45, vm1, $0xb8;
	[tilespmem:$0x18280] =	vst v63  }
0x2d9: {  	v20 =	vperm.xlane v20, v19;
	v51 =	vadd.s32 v6, v50;
	s1 =	simm.s32 $0x16880  }
0x2da: {  	[tilespmem:s1], [sflag:$0x2] =	stream.indirect_vreg.gather [hbm4b:s4+s3], $0x80, v47, vm1, $0xb8;
	[tilespmem:$0x18280] =	vst v63  }
0x2db: {  	v20 =	vadd.s32 v6, v20;
	s13 =	simm.s32 $0x16900  }
0x2dc: {  	[tilespmem:s13], [sflag:$0x2] =	stream.indirect_vreg.gather [hbm4b:s4+s3], $0x80, v49, vm1, $0xb8;
	[tilespmem:$0x18280] =	vst v63  }
0x2dd: {  	s1 =	simm.s32 $0x16980  }
0x2de: {  	[tilespmem:s1], [sflag:$0x2] =	stream.indirect_vreg.gather [hbm4b:s4+s3], $0x80, v51, vm1, $0xb8;
	[tilespmem:$0x18280] =	vst v63  }
0x2df: {  	s13 =	simm.s32 $0x16A00  }
0x2e0: {  	[tilespmem:s13], [sflag:$0x2] =	stream.indirect_vreg.gather [hbm4b:s4+s3], $0x80, v20, vm1, $0xb8;
	[tilespmem:$0x18280] =	vst v63  }
0x2e1: {  	v20 =	vld [tilespmem:$0xD0];
	_ =	sdelay $0x4  }
0x2e2: {  	v52 =	vshrl.u32 v20, $0x3  }
0x2e3: {  	v21 =	vmul.u32 $0x18, v52  }
0x2e4: {  	v20 =	vand.u32 $0x7, v20  }
0x2e5: {  	v20 =	vor.u32 v20, v21  }
0x2e6: {  	v21 =	vperm.xlane v20, v5;
	_ =	sdelay $0x1  }
0x2e7: {  	v53 =	vperm.xlane v20, v7;
	v21 =	vadd.s32 v6, v21;
	_ =	sdelay $0x1  }
0x2e8: {  	v54 =	vperm.xlane v20, v8;
	v22 =	vadd.s32 v6, v53;
	_ =	sdelay $0x1  }
0x2e9: {  	s1 =	simm.s32 $0x16A80;
	v55 =	vperm.xlane v20, v3;
	v23 =	vadd.s32 v6, v54  }
0x2ea: {  	[tilespmem:s1], [sflag:$0x2] =	stream.indirect_vreg.gather [hbm4b:s4+s3], $0x80, v21, vm1, $0xb8;
	[tilespmem:$0x18280] =	vst v63  }
0x2eb: {  	s13 =	simm.s32 $0x16B00;
	v57 =	vperm.xlane v20, v9;
	v56 =	vadd.s32 v6, v55  }
0x2ec: {  	[tilespmem:s13], [sflag:$0x2] =	stream.indirect_vreg.gather [hbm4b:s4+s3], $0x80, v22, vm1, $0xb8;
	[tilespmem:$0x18280] =	vst v63  }
0x2ed: {  	v59 =	vperm.xlane v20, v10;
	v58 =	vadd.s32 v6, v57;
	s1 =	simm.s32 $0x16B80  }
0x2ee: {  	[tilespmem:s1], [sflag:$0x2] =	stream.indirect_vreg.gather [hbm4b:s4+s3], $0x80, v23, vm1, $0xb8;
	[tilespmem:$0x18280] =	vst v63  }
0x2ef: {  	v61 =	vperm.xlane v20, v11;
	v60 =	vadd.s32 v6, v59;
	s13 =	simm.s32 $0x16C00  }
0x2f0: {  	[tilespmem:s13], [sflag:$0x2] =	stream.indirect_vreg.gather [hbm4b:s4+s3], $0x80, v56, vm1, $0xb8;
	[tilespmem:$0x18280] =	vst v63  }
0x2f1: {  	v63 =	vperm.xlane v20, v1;
	v62 =	vadd.s32 v6, v61;
	s1 =	simm.s32 $0x16C80  }
0x2f2: {  	[tilespmem:s1], [sflag:$0x2] =	stream.indirect_vreg.gather [hbm4b:s4+s3], $0x80, v58, vm1, $0xb8;
	[tilespmem:$0x18280] =	vst v63  }
0x2f3: {  	v29 =	vperm.xlane v20, v12;
	v28 =	vadd.s32 v6, v63;
	s13 =	simm.s32 $0x16D00  }
0x2f4: {  	[tilespmem:s13], [sflag:$0x2] =	stream.indirect_vreg.gather [hbm4b:s4+s3], $0x80, v60, vm1, $0xb8;
	[tilespmem:$0x18280] =	vst v63  }
0x2f5: {  	v31 =	vperm.xlane v20, v13;
	v30 =	vadd.s32 v6, v29;
	s1 =	simm.s32 $0x16D80  }
0x2f6: {  	[tilespmem:s1], [sflag:$0x2] =	stream.indirect_vreg.gather [hbm4b:s4+s3], $0x80, v62, vm1, $0xb8;
	[tilespmem:$0x18280] =	vst v63  }
0x2f7: {  	v33 =	vperm.xlane v20, v14;
	v32 =	vadd.s32 v6, v31;
	s13 =	simm.s32 $0x16E00  }
0x2f8: {  	[tilespmem:s13], [sflag:$0x2] =	stream.indirect_vreg.gather [hbm4b:s4+s3], $0x80, v28, vm1, $0xb8;
	[tilespmem:$0x18280] =	vst v63  }
0x2f9: {  	v35 =	vperm.xlane v20, v15;
	v34 =	vadd.s32 v6, v33;
	s1 =	simm.s32 $0x16E80  }
0x2fa: {  	[tilespmem:s1], [sflag:$0x2] =	stream.indirect_vreg.gather [hbm4b:s4+s3], $0x80, v30, vm1, $0xb8;
	[tilespmem:$0x18280] =	vst v63  }
0x2fb: {  	v37 =	vperm.xlane v20, v16;
	v36 =	vadd.s32 v6, v35;
	s13 =	simm.s32 $0x16F00  }
0x2fc: {  	[tilespmem:s13], [sflag:$0x2] =	stream.indirect_vreg.gather [hbm4b:s4+s3], $0x80, v32, vm1, $0xb8;
	[tilespmem:$0x18280] =	vst v63  }
0x2fd: {  	v39 =	vperm.xlane v20, v17;
	v38 =	vadd.s32 v6, v37;
	s1 =	simm.s32 $0x16F80  }
0x2fe: {  	[tilespmem:s1], [sflag:$0x2] =	stream.indirect_vreg.gather [hbm4b:s4+s3], $0x80, v34, vm1, $0xb8;
	[tilespmem:$0x18280] =	vst v63  }
0x2ff: {  	v41 =	vperm.xlane v20, v18;
	v40 =	vadd.s32 v6, v39;
	s13 =	simm.s32 $0x17000  }
0x300: {  	[tilespmem:s13], [sflag:$0x2] =	stream.indirect_vreg.gather [hbm4b:s4+s3], $0x80, v36, vm1, $0xb8;
	[tilespmem:$0x18280] =	vst v63  }
0x301: {  	v20 =	vperm.xlane v20, v19;
	v42 =	vadd.s32 v6, v41;
	s1 =	simm.s32 $0x17080  }
0x302: {  	[tilespmem:s1], [sflag:$0x2] =	stream.indirect_vreg.gather [hbm4b:s4+s3], $0x80, v38, vm1, $0xb8;
	[tilespmem:$0x18280] =	vst v63  }
0x303: {  	v20 =	vadd.s32 v6, v20;
	s13 =	simm.s32 $0x17100  }
0x304: {  	[tilespmem:s13], [sflag:$0x2] =	stream.indirect_vreg.gather [hbm4b:s4+s3], $0x80, v40, vm1, $0xb8;
	[tilespmem:$0x18280] =	vst v63  }
0x305: {  	s1 =	simm.s32 $0x17180  }
0x306: {  	[tilespmem:s1], [sflag:$0x2] =	stream.indirect_vreg.gather [hbm4b:s4+s3], $0x80, v42, vm1, $0xb8;
	[tilespmem:$0x18280] =	vst v63  }
0x307: {  	s13 =	simm.s32 $0x17200  }
0x308: {  	[tilespmem:s13], [sflag:$0x2] =	stream.indirect_vreg.gather [hbm4b:s4+s3], $0x80, v20, vm1, $0xb8;
	[tilespmem:$0x18280] =	vst v63  }
0x309: {  	v20 =	vld [tilespmem:$0xE0];
	_ =	sdelay $0x4  }
0x30a: {  	v43 =	vshrl.u32 v20, $0x3  }
0x30b: {  	v21 =	vmul.u32 $0x18, v43  }
0x30c: {  	v20 =	vand.u32 $0x7, v20  }
0x30d: {  	v20 =	vor.u32 v20, v21  }
0x30e: {  	v21 =	vperm.xlane v20, v5;
	_ =	sdelay $0x1  }
0x30f: {  	v44 =	vperm.xlane v20, v7;
	v21 =	vadd.s32 v6, v21;
	_ =	sdelay $0x1  }
0x310: {  	v45 =	vperm.xlane v20, v8;
	v22 =	vadd.s32 v6, v44;
	_ =	sdelay $0x1  }
0x311: {  	s1 =	simm.s32 $0x17280;
	v46 =	vperm.xlane v20, v3;
	v23 =	vadd.s32 v6, v45  }
0x312: {  	[tilespmem:s1], [sflag:$0x2] =	stream.indirect_vreg.gather [hbm4b:s4+s3], $0x80, v21, vm1, $0xb8;
	[tilespmem:$0x18280] =	vst v63  }
0x313: {  	s13 =	simm.s32 $0x17300;
	v48 =	vperm.xlane v20, v9;
	v47 =	vadd.s32 v6, v46  }
0x314: {  	[tilespmem:s13], [sflag:$0x2] =	stream.indirect_vreg.gather [hbm4b:s4+s3], $0x80, v22, vm1, $0xb8;
	[tilespmem:$0x18280] =	vst v63  }
0x315: {  	v50 =	vperm.xlane v20, v10;
	v49 =	vadd.s32 v6, v48;
	s1 =	simm.s32 $0x17380  }
0x316: {  	[tilespmem:s1], [sflag:$0x2] =	stream.indirect_vreg.gather [hbm4b:s4+s3], $0x80, v23, vm1, $0xb8;
	[tilespmem:$0x18280] =	vst v63  }
0x317: {  	v52 =	vperm.xlane v20, v11;
	v51 =	vadd.s32 v6, v50;
	s13 =	simm.s32 $0x17400  }
0x318: {  	[tilespmem:s13], [sflag:$0x2] =	stream.indirect_vreg.gather [hbm4b:s4+s3], $0x80, v47, vm1, $0xb8;
	[tilespmem:$0x18280] =	vst v63  }
0x319: {  	v54 =	vperm.xlane v20, v1;
	v53 =	vadd.s32 v6, v52;
	s1 =	simm.s32 $0x17480  }
0x31a: {  	[tilespmem:s1], [sflag:$0x2] =	stream.indirect_vreg.gather [hbm4b:s4+s3], $0x80, v49, vm1, $0xb8;
	[tilespmem:$0x18280] =	vst v63  }
0x31b: {  	v56 =	vperm.xlane v20, v12;
	v55 =	vadd.s32 v6, v54;
	s13 =	simm.s32 $0x17500  }
0x31c: {  	[tilespmem:s13], [sflag:$0x2] =	stream.indirect_vreg.gather [hbm4b:s4+s3], $0x80, v51, vm1, $0xb8;
	[tilespmem:$0x18280] =	vst v63  }
0x31d: {  	v58 =	vperm.xlane v20, v13;
	v57 =	vadd.s32 v6, v56;
	s1 =	simm.s32 $0x17580  }
0x31e: {  	[tilespmem:s1], [sflag:$0x2] =	stream.indirect_vreg.gather [hbm4b:s4+s3], $0x80, v53, vm1, $0xb8;
	[tilespmem:$0x18280] =	vst v63  }
0x31f: {  	v60 =	vperm.xlane v20, v14;
	v59 =	vadd.s32 v6, v58;
	s13 =	simm.s32 $0x17600  }
0x320: {  	[tilespmem:s13], [sflag:$0x2] =	stream.indirect_vreg.gather [hbm4b:s4+s3], $0x80, v55, vm1, $0xb8;
	[tilespmem:$0x18280] =	vst v63  }
0x321: {  	v62 =	vperm.xlane v20, v15;
	v61 =	vadd.s32 v6, v60;
	s1 =	simm.s32 $0x17680  }
0x322: {  	[tilespmem:s1], [sflag:$0x2] =	stream.indirect_vreg.gather [hbm4b:s4+s3], $0x80, v57, vm1, $0xb8;
	[tilespmem:$0x18280] =	vst v63  }
0x323: {  	v28 =	vperm.xlane v20, v16;
	v63 =	vadd.s32 v6, v62;
	s13 =	simm.s32 $0x17700  }
0x324: {  	[tilespmem:s13], [sflag:$0x2] =	stream.indirect_vreg.gather [hbm4b:s4+s3], $0x80, v59, vm1, $0xb8;
	[tilespmem:$0x18280] =	vst v63  }
0x325: {  	v30 =	vperm.xlane v20, v17;
	v29 =	vadd.s32 v6, v28;
	s1 =	simm.s32 $0x17780  }
0x326: {  	[tilespmem:s1], [sflag:$0x2] =	stream.indirect_vreg.gather [hbm4b:s4+s3], $0x80, v61, vm1, $0xb8;
	[tilespmem:$0x18280] =	vst v63  }
0x327: {  	v32 =	vperm.xlane v20, v18;
	v31 =	vadd.s32 v6, v30;
	s13 =	simm.s32 $0x17800  }
0x328: {  	[tilespmem:s13], [sflag:$0x2] =	stream.indirect_vreg.gather [hbm4b:s4+s3], $0x80, v63, vm1, $0xb8;
	[tilespmem:$0x18280] =	vst v63  }
0x329: {  	v20 =	vperm.xlane v20, v19;
	v33 =	vadd.s32 v6, v32;
	s1 =	simm.s32 $0x17880  }
0x32a: {  	[tilespmem:s1], [sflag:$0x2] =	stream.indirect_vreg.gather [hbm4b:s4+s3], $0x80, v29, vm1, $0xb8;
	[tilespmem:$0x18280] =	vst v63  }
0x32b: {  	v20 =	vadd.s32 v6, v20;
	s13 =	simm.s32 $0x17900  }
0x32c: {  	[tilespmem:s13], [sflag:$0x2] =	stream.indirect_vreg.gather [hbm4b:s4+s3], $0x80, v31, vm1, $0xb8;
	[tilespmem:$0x18280] =	vst v63  }
0x32d: {  	s1 =	simm.s32 $0x17980  }
0x32e: {  	[tilespmem:s1], [sflag:$0x2] =	stream.indirect_vreg.gather [hbm4b:s4+s3], $0x80, v33, vm1, $0xb8;
	[tilespmem:$0x18280] =	vst v63  }
0x32f: {  	s13 =	simm.s32 $0x17A00  }
0x330: {  	[tilespmem:s13], [sflag:$0x2] =	stream.indirect_vreg.gather [hbm4b:s4+s3], $0x80, v20, vm1, $0xb8;
	[tilespmem:$0x18280] =	vst v63  }
0x331: {  	v20 =	vld [tilespmem:$0xF0];
	_ =	sdelay $0x4  }
0x332: {  	v34 =	vshrl.u32 v20, $0x3  }
0x333: {  	v21 =	vmul.u32 $0x18, v34  }
0x334: {  	v20 =	vand.u32 $0x7, v20  }
0x335: {  	v20 =	vor.u32 v20, v21  }
0x336: {  	v21 =	vperm.xlane v20, v5;
	_ =	sdelay $0x1  }
0x337: {  	v35 =	vperm.xlane v20, v7;
	v21 =	vadd.s32 v6, v21;
	_ =	sdelay $0x1  }
0x338: {  	v36 =	vperm.xlane v20, v8;
	v22 =	vadd.s32 v6, v35;
	_ =	sdelay $0x1  }
0x339: {  	s1 =	simm.s32 $0x17A80;
	v37 =	vperm.xlane v20, v3;
	v23 =	vadd.s32 v6, v36  }
0x33a: {  	[tilespmem:s1], [sflag:$0x2] =	stream.indirect_vreg.gather [hbm4b:s4+s3], $0x80, v21, vm1, $0xb8;
	[tilespmem:$0x18280] =	vst v63  }
0x33b: {  	s13 =	simm.s32 $0x17B00;
	v39 =	vperm.xlane v20, v9;
	v38 =	vadd.s32 v6, v37  }
0x33c: {  	[tilespmem:s13], [sflag:$0x2] =	stream.indirect_vreg.gather [hbm4b:s4+s3], $0x80, v22, vm1, $0xb8;
	[tilespmem:$0x18280] =	vst v63  }
0x33d: {  	v41 =	vperm.xlane v20, v10;
	v40 =	vadd.s32 v6, v39;
	s1 =	simm.s32 $0x17B80  }
0x33e: {  	[tilespmem:s1], [sflag:$0x2] =	stream.indirect_vreg.gather [hbm4b:s4+s3], $0x80, v23, vm1, $0xb8;
	[tilespmem:$0x18280] =	vst v63  }
0x33f: {  	v43 =	vperm.xlane v20, v11;
	v42 =	vadd.s32 v6, v41;
	s13 =	simm.s32 $0x17C00  }
0x340: {  	[tilespmem:s13], [sflag:$0x2] =	stream.indirect_vreg.gather [hbm4b:s4+s3], $0x80, v38, vm1, $0xb8;
	[tilespmem:$0x18280] =	vst v63  }
0x341: {  	v45 =	vperm.xlane v20, v1;
	v44 =	vadd.s32 v6, v43;
	s1 =	simm.s32 $0x17C80  }
0x342: {  	[tilespmem:s1], [sflag:$0x2] =	stream.indirect_vreg.gather [hbm4b:s4+s3], $0x80, v40, vm1, $0xb8;
	[tilespmem:$0x18280] =	vst v63  }
0x343: {  	v47 =	vperm.xlane v20, v12;
	v46 =	vadd.s32 v6, v45;
	s13 =	simm.s32 $0x17D00  }
0x344: {  	[tilespmem:s13], [sflag:$0x2] =	stream.indirect_vreg.gather [hbm4b:s4+s3], $0x80, v42, vm1, $0xb8;
	[tilespmem:$0x18280] =	vst v63  }
0x345: {  	v49 =	vperm.xlane v20, v13;
	v48 =	vadd.s32 v6, v47;
	s1 =	simm.s32 $0x17D80  }
0x346: {  	[tilespmem:s1], [sflag:$0x2] =	stream.indirect_vreg.gather [hbm4b:s4+s3], $0x80, v44, vm1, $0xb8;
	[tilespmem:$0x18280] =	vst v63  }
0x347: {  	v51 =	vperm.xlane v20, v14;
	v50 =	vadd.s32 v6, v49;
	s13 =	simm.s32 $0x17E00  }
0x348: {  	[tilespmem:s13], [sflag:$0x2] =	stream.indirect_vreg.gather [hbm4b:s4+s3], $0x80, v46, vm1, $0xb8;
	[tilespmem:$0x18280] =	vst v63  }
0x349: {  	v53 =	vperm.xlane v20, v15;
	v52 =	vadd.s32 v6, v51;
	s1 =	simm.s32 $0x17E80  }
0x34a: {  	[tilespmem:s1], [sflag:$0x2] =	stream.indirect_vreg.gather [hbm4b:s4+s3], $0x80, v48, vm1, $0xb8;
	[tilespmem:$0x18280] =	vst v63  }
0x34b: {  	v55 =	vperm.xlane v20, v16;
	v54 =	vadd.s32 v6, v53;
	s13 =	simm.s32 $0x17F00  }
0x34c: {  	[tilespmem:s13], [sflag:$0x2] =	stream.indirect_vreg.gather [hbm4b:s4+s3], $0x80, v50, vm1, $0xb8;
	[tilespmem:$0x18280] =	vst v63  }
0x34d: {  	v57 =	vperm.xlane v20, v17;
	v56 =	vadd.s32 v6, v55;
	s1 =	simm.s32 $0x17F80  }
0x34e: {  	[tilespmem:s1], [sflag:$0x2] =	stream.indirect_vreg.gather [hbm4b:s4+s3], $0x80, v52, vm1, $0xb8;
	[tilespmem:$0x18280] =	vst v63  }
0x34f: {  	v59 =	vperm.xlane v20, v18;
	v58 =	vadd.s32 v6, v57;
	s13 =	simm.s32 $0x18000  }
0x350: {  	[tilespmem:s13], [sflag:$0x2] =	stream.indirect_vreg.gather [hbm4b:s4+s3], $0x80, v54, vm1, $0xb8;
	[tilespmem:$0x18280] =	vst v63  }
0x351: {  	v20 =	vperm.xlane v20, v19;
	v60 =	vadd.s32 v6, v59;
	s1 =	simm.s32 $0x18080  }
0x352: {  	[tilespmem:s1], [sflag:$0x2] =	stream.indirect_vreg.gather [hbm4b:s4+s3], $0x80, v56, vm1, $0xb8;
	[tilespmem:$0x18280] =	vst v63  }
0x353: {  	v20 =	vadd.s32 v6, v20;
	s13 =	simm.s32 $0x18100  }
0x354: {  	[tilespmem:s13], [sflag:$0x2] =	stream.indirect_vreg.gather [hbm4b:s4+s3], $0x80, v58, vm1, $0xb8;
	[tilespmem:$0x18280] =	vst v63  }
0x355: {  	s1 =	simm.s32 $0x18180  }
0x356: {  	[tilespmem:s1], [sflag:$0x2] =	stream.indirect_vreg.gather [hbm4b:s4+s3], $0x80, v60, vm1, $0xb8;
	[tilespmem:$0x18280] =	vst v63  }
0x357: {  	s13 =	simm.s32 $0x18200  }
0x358: {  	[tilespmem:s13], [sflag:$0x2] =	stream.indirect_vreg.gather [hbm4b:s4+s3], $0x80, v20, vm1, $0xb8;
	[tilespmem:$0x18280] =	vst v63  }
0x359: {  	_ =	swait.ge [sflag:s9], $0x8000  }
0x35a: {  	[sflag:s9] =	ssyncset.done $0x0  }
0x35b: {  	[sflag:s9] =	ssyncadd.s32 $0xFFFF8000  }
0x35c: {  	_ =	swait.ge [sflag:s9], $0x4000  }
0x35d: {  	[sflag:s9] =	ssyncset.done $0x0  }
0x35e: {  	s0 =	simm.s32 $0x280;
	s1 =	rddreg [dreg:$0x4];
	[sflag:s9] =	ssyncadd.s32 $0xFFFFC000  }
0x35f: {  	[hbm4b:s1+s7] =	stream.strided.scatter [tilespmem:s0], [sflag:$0x3], $0x8000, s10, s7, $0x38;
	[tilespmem:$0x18280] =	vst v63  }
0x360: {  	_ =	swait.ge [sflag:s6], $0x8000  }
0x361: {  	[sflag:s6] =	ssyncset.done $0x0  }
0x362: {  	s1 =	simm.s32 $0x10280;
	s13 =	rddreg [dreg:$0x5];
	[sflag:s6] =	ssyncadd.s32 $0xFFFF8000  }
0x363: {  	[hbm4b:s13+s8] =	stream.strided.scatter [tilespmem:s1], [sflag:$0x3], $0x4000, s10, s8, $0x38;
	[tilespmem:$0x18280] =	vst v63  }
0x364: {  	_ =	swait.ge [sflag:s6], $0x4000  }
0x365: {  	[sflag:s6] =	ssyncset.done $0x0  }
0x366: {  	[sflag:s6] =	ssyncadd.s32 $0xFFFFC000  }
0x367: {  	v20 =	vld [tilespmem:$0x100];
	_ =	sdelay $0x4  }
0x368: {  	v61 =	vshrl.u32 v20, $0x3  }
0x369: {  	v21 =	vmul.u32 $0x18, v61  }
0x36a: {  	v20 =	vand.u32 $0x7, v20  }
0x36b: {  	v20 =	vor.u32 v20, v21  }
0x36c: {  	v21 =	vperm.xlane v20, v0;
	_ =	sdelay $0x1  }
0x36d: {  	v20 =	vperm.xlane v20, v4;
	v21 =	vadd.s32 v2, v21;
	_ =	sdelay $0x1  }
0x36e: {  	v20 =	vadd.s32 v2, v20;
	_ =	sdelay $0x2  }
0x36f: {  	[tilespmem:s0], [sflag:$0x1] =	stream.indirect_vreg.gather [hbm4b:s2+s3], $0x80, v21, vm0, $0xb8;
	[tilespmem:$0x18280] =	vst v63  }
0x370: {  	s13 =	simm.s32 $0xA80  }
0x371: {  	[tilespmem:s13], [sflag:$0x1] =	stream.indirect_vreg.gather [hbm4b:s2+s3], $0x80, v20, vm0, $0xb8;
	[tilespmem:$0x18280] =	vst v63  }
0x372: {  	v20 =	vld [tilespmem:$0x110];
	_ =	sdelay $0x4  }
0x373: {  	v62 =	vshrl.u32 v20, $0x3  }
0x374: {  	v21 =	vmul.u32 $0x18, v62  }
0x375: {  	v20 =	vand.u32 $0x7, v20  }
0x376: {  	v20 =	vor.u32 v20, v21  }
0x377: {  	v21 =	vperm.xlane v20, v0;
	_ =	sdelay $0x1  }
0x378: {  	v20 =	vperm.xlane v20, v4;
	v21 =	vadd.s32 v2, v21;
	_ =	sdelay $0x1  }
0x379: {  	v20 =	vadd.s32 v2, v20;
	_ =	sdelay $0x1  }
0x37a: {  	s13 =	simm.s32 $0x1280  }
0x37b: {  	[tilespmem:s13], [sflag:$0x1] =	stream.indirect_vreg.gather [hbm4b:s2+s3], $0x80, v21, vm0, $0xb8;
	[tilespmem:$0x18280] =	vst v63  }
0x37c: {  	s0 =	simm.s32 $0x1A80  }
0x37d: {  	[tilespmem:s0], [sflag:$0x1] =	stream.indirect_vreg.gather [hbm4b:s2+s3], $0x80, v20, vm0, $0xb8;
	[tilespmem:$0x18280] =	vst v63  }
0x37e: {  	v20 =	vld [tilespmem:$0x120];
	_ =	sdelay $0x4  }
0x37f: {  	v63 =	vshrl.u32 v20, $0x3  }
0x380: {  	v21 =	vmul.u32 $0x18, v63  }
0x381: {  	v20 =	vand.u32 $0x7, v20  }
0x382: {  	v20 =	vor.u32 v20, v21  }
0x383: {  	v21 =	vperm.xlane v20, v0;
	_ =	sdelay $0x1  }
0x384: {  	v20 =	vperm.xlane v20, v4;
	v21 =	vadd.s32 v2, v21;
	_ =	sdelay $0x1  }
0x385: {  	v20 =	vadd.s32 v2, v20;
	_ =	sdelay $0x1  }
0x386: {  	s0 =	simm.s32 $0x2280  }
0x387: {  	[tilespmem:s0], [sflag:$0x1] =	stream.indirect_vreg.gather [hbm4b:s2+s3], $0x80, v21, vm0, $0xb8;
	[tilespmem:$0x18280] =	vst v63  }
0x388: {  	s0 =	simm.s32 $0x2A80  }
0x389: {  	[tilespmem:s0], [sflag:$0x1] =	stream.indirect_vreg.gather [hbm4b:s2+s3], $0x80, v20, vm0, $0xb8;
	[tilespmem:$0x18280] =	vst v63  }
0x38a: {  	v20 =	vld [tilespmem:$0x130];
	_ =	sdelay $0x4  }
0x38b: {  	v24 =	vshrl.u32 v20, $0x3  }
0x38c: {  	v21 =	vmul.u32 $0x18, v24  }
0x38d: {  	v20 =	vand.u32 $0x7, v20  }
0x38e: {  	v20 =	vor.u32 v20, v21  }
0x38f: {  	v21 =	vperm.xlane v20, v0;
	_ =	sdelay $0x1  }
0x390: {  	v20 =	vperm.xlane v20, v4;
	v21 =	vadd.s32 v2, v21;
	_ =	sdelay $0x1  }
0x391: {  	v20 =	vadd.s32 v2, v20;
	_ =	sdelay $0x1  }
0x392: {  	s0 =	simm.s32 $0x3280  }
0x393: {  	[tilespmem:s0], [sflag:$0x1] =	stream.indirect_vreg.gather [hbm4b:s2+s3], $0x80, v21, vm0, $0xb8;
	[tilespmem:$0x18280] =	vst v63  }
0x394: {  	s0 =	simm.s32 $0x3A80  }
0x395: {  	[tilespmem:s0], [sflag:$0x1] =	stream.indirect_vreg.gather [hbm4b:s2+s3], $0x80, v20, vm0, $0xb8;
	[tilespmem:$0x18280] =	vst v63  }
0x396: {  	v20 =	vld [tilespmem:$0x140];
	_ =	sdelay $0x4  }
0x397: {  	v25 =	vshrl.u32 v20, $0x3  }
0x398: {  	v21 =	vmul.u32 $0x18, v25  }
0x399: {  	v20 =	vand.u32 $0x7, v20  }
0x39a: {  	v20 =	vor.u32 v20, v21  }
0x39b: {  	v21 =	vperm.xlane v20, v0;
	_ =	sdelay $0x1  }
0x39c: {  	v20 =	vperm.xlane v20, v4;
	v21 =	vadd.s32 v2, v21;
	_ =	sdelay $0x1  }
0x39d: {  	v20 =	vadd.s32 v2, v20;
	_ =	sdelay $0x1  }
0x39e: {  	s0 =	simm.s32 $0x4280  }
0x39f: {  	[tilespmem:s0], [sflag:$0x1] =	stream.indirect_vreg.gather [hbm4b:s2+s3], $0x80, v21, vm0, $0xb8;
	[tilespmem:$0x18280] =	vst v63  }
0x3a0: {  	s0 =	simm.s32 $0x4A80  }
0x3a1: {  	[tilespmem:s0], [sflag:$0x1] =	stream.indirect_vreg.gather [hbm4b:s2+s3], $0x80, v20, vm0, $0xb8;
	[tilespmem:$0x18280] =	vst v63  }
0x3a2: {  	v20 =	vld [tilespmem:$0x150];
	_ =	sdelay $0x4  }
0x3a3: {  	v26 =	vshrl.u32 v20, $0x3  }
0x3a4: {  	v21 =	vmul.u32 $0x18, v26  }
0x3a5: {  	v20 =	vand.u32 $0x7, v20  }
0x3a6: {  	v20 =	vor.u32 v20, v21  }
0x3a7: {  	v21 =	vperm.xlane v20, v0;
	_ =	sdelay $0x1  }
0x3a8: {  	v20 =	vperm.xlane v20, v4;
	v21 =	vadd.s32 v2, v21;
	_ =	sdelay $0x1  }
0x3a9: {  	v20 =	vadd.s32 v2, v20;
	_ =	sdelay $0x1  }
0x3aa: {  	s0 =	simm.s32 $0x5280  }
0x3ab: {  	[tilespmem:s0], [sflag:$0x1] =	stream.indirect_vreg.gather [hbm4b:s2+s3], $0x80, v21, vm0, $0xb8;
	[tilespmem:$0x18280] =	vst v63  }
0x3ac: {  	s0 =	simm.s32 $0x5A80  }
0x3ad: {  	[tilespmem:s0], [sflag:$0x1] =	stream.indirect_vreg.gather [hbm4b:s2+s3], $0x80, v20, vm0, $0xb8;
	[tilespmem:$0x18280] =	vst v63  }
0x3ae: {  	v20 =	vld [tilespmem:$0x160];
	_ =	sdelay $0x4  }
0x3af: {  	v27 =	vshrl.u32 v20, $0x3  }
0x3b0: {  	v21 =	vmul.u32 $0x18, v27  }
0x3b1: {  	v20 =	vand.u32 $0x7, v20  }
0x3b2: {  	v20 =	vor.u32 v20, v21  }
0x3b3: {  	v21 =	vperm.xlane v20, v0;
	_ =	sdelay $0x1  }
0x3b4: {  	v20 =	vperm.xlane v20, v4;
	v21 =	vadd.s32 v2, v21;
	_ =	sdelay $0x1  }
0x3b5: {  	v20 =	vadd.s32 v2, v20;
	_ =	sdelay $0x1  }
0x3b6: {  	s0 =	simm.s32 $0x6280  }
0x3b7: {  	[tilespmem:s0], [sflag:$0x1] =	stream.indirect_vreg.gather [hbm4b:s2+s3], $0x80, v21, vm0, $0xb8;
	[tilespmem:$0x18280] =	vst v63  }
0x3b8: {  	s0 =	simm.s32 $0x6A80  }
0x3b9: {  	[tilespmem:s0], [sflag:$0x1] =	stream.indirect_vreg.gather [hbm4b:s2+s3], $0x80, v20, vm0, $0xb8;
	[tilespmem:$0x18280] =	vst v63  }
0x3ba: {  	v20 =	vld [tilespmem:$0x170];
	_ =	sdelay $0x4  }
0x3bb: {  	v28 =	vshrl.u32 v20, $0x3  }
0x3bc: {  	v21 =	vmul.u32 $0x18, v28  }
0x3bd: {  	v20 =	vand.u32 $0x7, v20  }
0x3be: {  	v20 =	vor.u32 v20, v21  }
0x3bf: {  	v21 =	vperm.xlane v20, v0;
	_ =	sdelay $0x1  }
0x3c0: {  	v20 =	vperm.xlane v20, v4;
	v21 =	vadd.s32 v2, v21;
	_ =	sdelay $0x1  }
0x3c1: {  	v20 =	vadd.s32 v2, v20;
	_ =	sdelay $0x1  }
0x3c2: {  	s0 =	simm.s32 $0x7280  }
0x3c3: {  	[tilespmem:s0], [sflag:$0x1] =	stream.indirect_vreg.gather [hbm4b:s2+s3], $0x80, v21, vm0, $0xb8;
	[tilespmem:$0x18280] =	vst v63  }
0x3c4: {  	s0 =	simm.s32 $0x7A80  }
0x3c5: {  	[tilespmem:s0], [sflag:$0x1] =	stream.indirect_vreg.gather [hbm4b:s2+s3], $0x80, v20, vm0, $0xb8;
	[tilespmem:$0x18280] =	vst v63  }
0x3c6: {  	v20 =	vld [tilespmem:$0x100];
	_ =	sdelay $0x4  }
0x3c7: {  	v29 =	vshrl.u32 v20, $0x3  }
0x3c8: {  	v21 =	vmul.u32 $0x18, v29  }
0x3c9: {  	v20 =	vand.u32 $0x7, v20  }
0x3ca: {  	v20 =	vor.u32 v20, v21  }
0x3cb: {  	v21 =	vperm.xlane v20, v5;
	_ =	sdelay $0x1  }
0x3cc: {  	v30 =	vperm.xlane v20, v7;
	v21 =	vadd.s32 v6, v21;
	_ =	sdelay $0x1  }
0x3cd: {  	v31 =	vperm.xlane v20, v8;
	v22 =	vadd.s32 v6, v30;
	_ =	sdelay $0x1  }
0x3ce: {  	v32 =	vperm.xlane v20, v3;
	v23 =	vadd.s32 v6, v31  }
0x3cf: {  	[tilespmem:s1], [sflag:$0x1] =	stream.indirect_vreg.gather [hbm4b:s4+s3], $0x80, v21, vm1, $0xb8;
	[tilespmem:$0x18280] =	vst v63  }
0x3d0: {  	s13 =	simm.s32 $0x10300;
	v34 =	vperm.xlane v20, v9;
	v33 =	vadd.s32 v6, v32  }
0x3d1: {  	[tilespmem:s13], [sflag:$0x1] =	stream.indirect_vreg.gather [hbm4b:s4+s3], $0x80, v22, vm1, $0xb8;
	[tilespmem:$0x18280] =	vst v63  }
0x3d2: {  	s0 =	simm.s32 $0x10380;
	v36 =	vperm.xlane v20, v10;
	v35 =	vadd.s32 v6, v34  }
0x3d3: {  	[tilespmem:s0], [sflag:$0x1] =	stream.indirect_vreg.gather [hbm4b:s4+s3], $0x80, v23, vm1, $0xb8;
	[tilespmem:$0x18280] =	vst v63  }
0x3d4: {  	v38 =	vperm.xlane v20, v11;
	v37 =	vadd.s32 v6, v36;
	s13 =	simm.s32 $0x10400  }
0x3d5: {  	[tilespmem:s13], [sflag:$0x1] =	stream.indirect_vreg.gather [hbm4b:s4+s3], $0x80, v33, vm1, $0xb8;
	[tilespmem:$0x18280] =	vst v63  }
0x3d6: {  	v40 =	vperm.xlane v20, v1;
	v39 =	vadd.s32 v6, v38;
	s0 =	simm.s32 $0x10480  }
0x3d7: {  	[tilespmem:s0], [sflag:$0x1] =	stream.indirect_vreg.gather [hbm4b:s4+s3], $0x80, v35, vm1, $0xb8;
	[tilespmem:$0x18280] =	vst v63  }
0x3d8: {  	v42 =	vperm.xlane v20, v12;
	v41 =	vadd.s32 v6, v40;
	s13 =	simm.s32 $0x10500  }
0x3d9: {  	[tilespmem:s13], [sflag:$0x1] =	stream.indirect_vreg.gather [hbm4b:s4+s3], $0x80, v37, vm1, $0xb8;
	[tilespmem:$0x18280] =	vst v63  }
0x3da: {  	v44 =	vperm.xlane v20, v13;
	v43 =	vadd.s32 v6, v42;
	s0 =	simm.s32 $0x10580  }
0x3db: {  	[tilespmem:s0], [sflag:$0x1] =	stream.indirect_vreg.gather [hbm4b:s4+s3], $0x80, v39, vm1, $0xb8;
	[tilespmem:$0x18280] =	vst v63  }
0x3dc: {  	v46 =	vperm.xlane v20, v14;
	v45 =	vadd.s32 v6, v44;
	s13 =	simm.s32 $0x10600  }
0x3dd: {  	[tilespmem:s13], [sflag:$0x1] =	stream.indirect_vreg.gather [hbm4b:s4+s3], $0x80, v41, vm1, $0xb8;
	[tilespmem:$0x18280] =	vst v63  }
0x3de: {  	v48 =	vperm.xlane v20, v15;
	v47 =	vadd.s32 v6, v46;
	s0 =	simm.s32 $0x10680  }
0x3df: {  	[tilespmem:s0], [sflag:$0x1] =	stream.indirect_vreg.gather [hbm4b:s4+s3], $0x80, v43, vm1, $0xb8;
	[tilespmem:$0x18280] =	vst v63  }
0x3e0: {  	v50 =	vperm.xlane v20, v16;
	v49 =	vadd.s32 v6, v48;
	s13 =	simm.s32 $0x10700  }
0x3e1: {  	[tilespmem:s13], [sflag:$0x1] =	stream.indirect_vreg.gather [hbm4b:s4+s3], $0x80, v45, vm1, $0xb8;
	[tilespmem:$0x18280] =	vst v63  }
0x3e2: {  	v52 =	vperm.xlane v20, v17;
	v51 =	vadd.s32 v6, v50;
	s0 =	simm.s32 $0x10780  }
0x3e3: {  	[tilespmem:s0], [sflag:$0x1] =	stream.indirect_vreg.gather [hbm4b:s4+s3], $0x80, v47, vm1, $0xb8;
	[tilespmem:$0x18280] =	vst v63  }
0x3e4: {  	v54 =	vperm.xlane v20, v18;
	v53 =	vadd.s32 v6, v52;
	s13 =	simm.s32 $0x10800  }
0x3e5: {  	[tilespmem:s13], [sflag:$0x1] =	stream.indirect_vreg.gather [hbm4b:s4+s3], $0x80, v49, vm1, $0xb8;
	[tilespmem:$0x18280] =	vst v63  }
0x3e6: {  	v20 =	vperm.xlane v20, v19;
	v55 =	vadd.s32 v6, v54;
	s0 =	simm.s32 $0x10880  }
0x3e7: {  	[tilespmem:s0], [sflag:$0x1] =	stream.indirect_vreg.gather [hbm4b:s4+s3], $0x80, v51, vm1, $0xb8;
	[tilespmem:$0x18280] =	vst v63  }
0x3e8: {  	v20 =	vadd.s32 v6, v20;
	s13 =	simm.s32 $0x10900  }
0x3e9: {  	[tilespmem:s13], [sflag:$0x1] =	stream.indirect_vreg.gather [hbm4b:s4+s3], $0x80, v53, vm1, $0xb8;
	[tilespmem:$0x18280] =	vst v63  }
0x3ea: {  	s1 =	simm.s32 $0x10980  }
0x3eb: {  	[tilespmem:s1], [sflag:$0x1] =	stream.indirect_vreg.gather [hbm4b:s4+s3], $0x80, v55, vm1, $0xb8;
	[tilespmem:$0x18280] =	vst v63  }
0x3ec: {  	s0 =	simm.s32 $0x10A00  }
0x3ed: {  	[tilespmem:s0], [sflag:$0x1] =	stream.indirect_vreg.gather [hbm4b:s4+s3], $0x80, v20, vm1, $0xb8;
	[tilespmem:$0x18280] =	vst v63  }
0x3ee: {  	v20 =	vld [tilespmem:$0x110];
	_ =	sdelay $0x4  }
0x3ef: {  	v56 =	vshrl.u32 v20, $0x3  }
0x3f0: {  	v21 =	vmul.u32 $0x18, v56  }
0x3f1: {  	v20 =	vand.u32 $0x7, v20  }
0x3f2: {  	v20 =	vor.u32 v20, v21  }
0x3f3: {  	v21 =	vperm.xlane v20, v5;
	_ =	sdelay $0x1  }
0x3f4: {  	v57 =	vperm.xlane v20, v7;
	v21 =	vadd.s32 v6, v21;
	_ =	sdelay $0x1  }
0x3f5: {  	v58 =	vperm.xlane v20, v8;
	v22 =	vadd.s32 v6, v57;
	_ =	sdelay $0x1  }
0x3f6: {  	s1 =	simm.s32 $0x10A80;
	v59 =	vperm.xlane v20, v3;
	v23 =	vadd.s32 v6, v58  }
0x3f7: {  	[tilespmem:s1], [sflag:$0x1] =	stream.indirect_vreg.gather [hbm4b:s4+s3], $0x80, v21, vm1, $0xb8;
	[tilespmem:$0x18280] =	vst v63  }
0x3f8: {  	s0 =	simm.s32 $0x10B00;
	v61 =	vperm.xlane v20, v9;
	v60 =	vadd.s32 v6, v59  }
0x3f9: {  	[tilespmem:s0], [sflag:$0x1] =	stream.indirect_vreg.gather [hbm4b:s4+s3], $0x80, v22, vm1, $0xb8;
	[tilespmem:$0x18280] =	vst v63  }
0x3fa: {  	v63 =	vperm.xlane v20, v10;
	v62 =	vadd.s32 v6, v61;
	s1 =	simm.s32 $0x10B80  }
0x3fb: {  	[tilespmem:s1], [sflag:$0x1] =	stream.indirect_vreg.gather [hbm4b:s4+s3], $0x80, v23, vm1, $0xb8;
	[tilespmem:$0x18280] =	vst v63  }
0x3fc: {  	v29 =	vperm.xlane v20, v11;
	v28 =	vadd.s32 v6, v63;
	s0 =	simm.s32 $0x10C00  }
0x3fd: {  	[tilespmem:s0], [sflag:$0x1] =	stream.indirect_vreg.gather [hbm4b:s4+s3], $0x80, v60, vm1, $0xb8;
	[tilespmem:$0x18280] =	vst v63  }
0x3fe: {  	v31 =	vperm.xlane v20, v1;
	v30 =	vadd.s32 v6, v29;
	s1 =	simm.s32 $0x10C80  }
0x3ff: {  	[tilespmem:s1], [sflag:$0x1] =	stream.indirect_vreg.gather [hbm4b:s4+s3], $0x80, v62, vm1, $0xb8;
	[tilespmem:$0x18280] =	vst v63  }
0x400: {  	v33 =	vperm.xlane v20, v12;
	v32 =	vadd.s32 v6, v31;
	s0 =	simm.s32 $0x10D00  }
0x401: {  	[tilespmem:s0], [sflag:$0x1] =	stream.indirect_vreg.gather [hbm4b:s4+s3], $0x80, v28, vm1, $0xb8;
	[tilespmem:$0x18280] =	vst v63  }
0x402: {  	v35 =	vperm.xlane v20, v13;
	v34 =	vadd.s32 v6, v33;
	s1 =	simm.s32 $0x10D80  }
0x403: {  	[tilespmem:s1], [sflag:$0x1] =	stream.indirect_vreg.gather [hbm4b:s4+s3], $0x80, v30, vm1, $0xb8;
	[tilespmem:$0x18280] =	vst v63  }
0x404: {  	v37 =	vperm.xlane v20, v14;
	v36 =	vadd.s32 v6, v35;
	s0 =	simm.s32 $0x10E00  }
0x405: {  	[tilespmem:s0], [sflag:$0x1] =	stream.indirect_vreg.gather [hbm4b:s4+s3], $0x80, v32, vm1, $0xb8;
	[tilespmem:$0x18280] =	vst v63  }
0x406: {  	v39 =	vperm.xlane v20, v15;
	v38 =	vadd.s32 v6, v37;
	s1 =	simm.s32 $0x10E80  }
0x407: {  	[tilespmem:s1], [sflag:$0x1] =	stream.indirect_vreg.gather [hbm4b:s4+s3], $0x80, v34, vm1, $0xb8;
	[tilespmem:$0x18280] =	vst v63  }
0x408: {  	v41 =	vperm.xlane v20, v16;
	v40 =	vadd.s32 v6, v39;
	s0 =	simm.s32 $0x10F00  }
0x409: {  	[tilespmem:s0], [sflag:$0x1] =	stream.indirect_vreg.gather [hbm4b:s4+s3], $0x80, v36, vm1, $0xb8;
	[tilespmem:$0x18280] =	vst v63  }
0x40a: {  	v43 =	vperm.xlane v20, v17;
	v42 =	vadd.s32 v6, v41;
	s1 =	simm.s32 $0x10F80  }
0x40b: {  	[tilespmem:s1], [sflag:$0x1] =	stream.indirect_vreg.gather [hbm4b:s4+s3], $0x80, v38, vm1, $0xb8;
	[tilespmem:$0x18280] =	vst v63  }
0x40c: {  	v45 =	vperm.xlane v20, v18;
	v44 =	vadd.s32 v6, v43;
	s0 =	simm.s32 $0x11000  }
0x40d: {  	[tilespmem:s0], [sflag:$0x1] =	stream.indirect_vreg.gather [hbm4b:s4+s3], $0x80, v40, vm1, $0xb8;
	[tilespmem:$0x18280] =	vst v63  }
0x40e: {  	v20 =	vperm.xlane v20, v19;
	v46 =	vadd.s32 v6, v45;
	s1 =	simm.s32 $0x11080  }
0x40f: {  	[tilespmem:s1], [sflag:$0x1] =	stream.indirect_vreg.gather [hbm4b:s4+s3], $0x80, v42, vm1, $0xb8;
	[tilespmem:$0x18280] =	vst v63  }
0x410: {  	v20 =	vadd.s32 v6, v20;
	s0 =	simm.s32 $0x11100  }
0x411: {  	[tilespmem:s0], [sflag:$0x1] =	stream.indirect_vreg.gather [hbm4b:s4+s3], $0x80, v44, vm1, $0xb8;
	[tilespmem:$0x18280] =	vst v63  }
0x412: {  	s1 =	simm.s32 $0x11180  }
0x413: {  	[tilespmem:s1], [sflag:$0x1] =	stream.indirect_vreg.gather [hbm4b:s4+s3], $0x80, v46, vm1, $0xb8;
	[tilespmem:$0x18280] =	vst v63  }
0x414: {  	s0 =	simm.s32 $0x11200  }
0x415: {  	[tilespmem:s0], [sflag:$0x1] =	stream.indirect_vreg.gather [hbm4b:s4+s3], $0x80, v20, vm1, $0xb8;
	[tilespmem:$0x18280] =	vst v63  }
0x416: {  	v20 =	vld [tilespmem:$0x120];
	_ =	sdelay $0x4  }
0x417: {  	v47 =	vshrl.u32 v20, $0x3  }
0x418: {  	v21 =	vmul.u32 $0x18, v47  }
0x419: {  	v20 =	vand.u32 $0x7, v20  }
0x41a: {  	v20 =	vor.u32 v20, v21  }
0x41b: {  	v21 =	vperm.xlane v20, v5;
	_ =	sdelay $0x1  }
0x41c: {  	v48 =	vperm.xlane v20, v7;
	v21 =	vadd.s32 v6, v21;
	_ =	sdelay $0x1  }
0x41d: {  	v49 =	vperm.xlane v20, v8;
	v22 =	vadd.s32 v6, v48;
	_ =	sdelay $0x1  }
0x41e: {  	s1 =	simm.s32 $0x11280;
	v50 =	vperm.xlane v20, v3;
	v23 =	vadd.s32 v6, v49  }
0x41f: {  	[tilespmem:s1], [sflag:$0x1] =	stream.indirect_vreg.gather [hbm4b:s4+s3], $0x80, v21, vm1, $0xb8;
	[tilespmem:$0x18280] =	vst v63  }
0x420: {  	s0 =	simm.s32 $0x11300;
	v52 =	vperm.xlane v20, v9;
	v51 =	vadd.s32 v6, v50  }
0x421: {  	[tilespmem:s0], [sflag:$0x1] =	stream.indirect_vreg.gather [hbm4b:s4+s3], $0x80, v22, vm1, $0xb8;
	[tilespmem:$0x18280] =	vst v63  }
0x422: {  	v54 =	vperm.xlane v20, v10;
	v53 =	vadd.s32 v6, v52;
	s1 =	simm.s32 $0x11380  }
0x423: {  	[tilespmem:s1], [sflag:$0x1] =	stream.indirect_vreg.gather [hbm4b:s4+s3], $0x80, v23, vm1, $0xb8;
	[tilespmem:$0x18280] =	vst v63  }
0x424: {  	v56 =	vperm.xlane v20, v11;
	v55 =	vadd.s32 v6, v54;
	s0 =	simm.s32 $0x11400  }
0x425: {  	[tilespmem:s0], [sflag:$0x1] =	stream.indirect_vreg.gather [hbm4b:s4+s3], $0x80, v51, vm1, $0xb8;
	[tilespmem:$0x18280] =	vst v63  }
0x426: {  	v58 =	vperm.xlane v20, v1;
	v57 =	vadd.s32 v6, v56;
	s1 =	simm.s32 $0x11480  }
0x427: {  	[tilespmem:s1], [sflag:$0x1] =	stream.indirect_vreg.gather [hbm4b:s4+s3], $0x80, v53, vm1, $0xb8;
	[tilespmem:$0x18280] =	vst v63  }
0x428: {  	v60 =	vperm.xlane v20, v12;
	v59 =	vadd.s32 v6, v58;
	s0 =	simm.s32 $0x11500  }
0x429: {  	[tilespmem:s0], [sflag:$0x1] =	stream.indirect_vreg.gather [hbm4b:s4+s3], $0x80, v55, vm1, $0xb8;
	[tilespmem:$0x18280] =	vst v63  }
0x42a: {  	v62 =	vperm.xlane v20, v13;
	v61 =	vadd.s32 v6, v60;
	s1 =	simm.s32 $0x11580  }
0x42b: {  	[tilespmem:s1], [sflag:$0x1] =	stream.indirect_vreg.gather [hbm4b:s4+s3], $0x80, v57, vm1, $0xb8;
	[tilespmem:$0x18280] =	vst v63  }
0x42c: {  	v28 =	vperm.xlane v20, v14;
	v63 =	vadd.s32 v6, v62;
	s0 =	simm.s32 $0x11600  }
0x42d: {  	[tilespmem:s0], [sflag:$0x1] =	stream.indirect_vreg.gather [hbm4b:s4+s3], $0x80, v59, vm1, $0xb8;
	[tilespmem:$0x18280] =	vst v63  }
0x42e: {  	v30 =	vperm.xlane v20, v15;
	v29 =	vadd.s32 v6, v28;
	s1 =	simm.s32 $0x11680  }
0x42f: {  	[tilespmem:s1], [sflag:$0x1] =	stream.indirect_vreg.gather [hbm4b:s4+s3], $0x80, v61, vm1, $0xb8;
	[tilespmem:$0x18280] =	vst v63  }
0x430: {  	v32 =	vperm.xlane v20, v16;
	v31 =	vadd.s32 v6, v30;
	s0 =	simm.s32 $0x11700  }
0x431: {  	[tilespmem:s0], [sflag:$0x1] =	stream.indirect_vreg.gather [hbm4b:s4+s3], $0x80, v63, vm1, $0xb8;
	[tilespmem:$0x18280] =	vst v63  }
0x432: {  	v34 =	vperm.xlane v20, v17;
	v33 =	vadd.s32 v6, v32;
	s1 =	simm.s32 $0x11780  }
0x433: {  	[tilespmem:s1], [sflag:$0x1] =	stream.indirect_vreg.gather [hbm4b:s4+s3], $0x80, v29, vm1, $0xb8;
	[tilespmem:$0x18280] =	vst v63  }
0x434: {  	v36 =	vperm.xlane v20, v18;
	v35 =	vadd.s32 v6, v34;
	s0 =	simm.s32 $0x11800  }
0x435: {  	[tilespmem:s0], [sflag:$0x1] =	stream.indirect_vreg.gather [hbm4b:s4+s3], $0x80, v31, vm1, $0xb8;
	[tilespmem:$0x18280] =	vst v63  }
0x436: {  	v20 =	vperm.xlane v20, v19;
	v37 =	vadd.s32 v6, v36;
	s1 =	simm.s32 $0x11880  }
0x437: {  	[tilespmem:s1], [sflag:$0x1] =	stream.indirect_vreg.gather [hbm4b:s4+s3], $0x80, v33, vm1, $0xb8;
	[tilespmem:$0x18280] =	vst v63  }
0x438: {  	v20 =	vadd.s32 v6, v20;
	s0 =	simm.s32 $0x11900  }
0x439: {  	[tilespmem:s0], [sflag:$0x1] =	stream.indirect_vreg.gather [hbm4b:s4+s3], $0x80, v35, vm1, $0xb8;
	[tilespmem:$0x18280] =	vst v63  }
0x43a: {  	s1 =	simm.s32 $0x11980  }
0x43b: {  	[tilespmem:s1], [sflag:$0x1] =	stream.indirect_vreg.gather [hbm4b:s4+s3], $0x80, v37, vm1, $0xb8;
	[tilespmem:$0x18280] =	vst v63  }
0x43c: {  	s0 =	simm.s32 $0x11A00  }
0x43d: {  	[tilespmem:s0], [sflag:$0x1] =	stream.indirect_vreg.gather [hbm4b:s4+s3], $0x80, v20, vm1, $0xb8;
	[tilespmem:$0x18280] =	vst v63  }
0x43e: {  	v20 =	vld [tilespmem:$0x130];
	_ =	sdelay $0x4  }
0x43f: {  	v38 =	vshrl.u32 v20, $0x3  }
0x440: {  	v21 =	vmul.u32 $0x18, v38  }
0x441: {  	v20 =	vand.u32 $0x7, v20  }
0x442: {  	v20 =	vor.u32 v20, v21  }
0x443: {  	v21 =	vperm.xlane v20, v5;
	_ =	sdelay $0x1  }
0x444: {  	v39 =	vperm.xlane v20, v7;
	v21 =	vadd.s32 v6, v21;
	_ =	sdelay $0x1  }
0x445: {  	v40 =	vperm.xlane v20, v8;
	v22 =	vadd.s32 v6, v39;
	_ =	sdelay $0x1  }
0x446: {  	s1 =	simm.s32 $0x11A80;
	v41 =	vperm.xlane v20, v3;
	v23 =	vadd.s32 v6, v40  }
0x447: {  	[tilespmem:s1], [sflag:$0x1] =	stream.indirect_vreg.gather [hbm4b:s4+s3], $0x80, v21, vm1, $0xb8;
	[tilespmem:$0x18280] =	vst v63  }
0x448: {  	s0 =	simm.s32 $0x11B00;
	v43 =	vperm.xlane v20, v9;
	v42 =	vadd.s32 v6, v41  }
0x449: {  	[tilespmem:s0], [sflag:$0x1] =	stream.indirect_vreg.gather [hbm4b:s4+s3], $0x80, v22, vm1, $0xb8;
	[tilespmem:$0x18280] =	vst v63  }
0x44a: {  	v45 =	vperm.xlane v20, v10;
	v44 =	vadd.s32 v6, v43;
	s1 =	simm.s32 $0x11B80  }
0x44b: {  	[tilespmem:s1], [sflag:$0x1] =	stream.indirect_vreg.gather [hbm4b:s4+s3], $0x80, v23, vm1, $0xb8;
	[tilespmem:$0x18280] =	vst v63  }
0x44c: {  	v47 =	vperm.xlane v20, v11;
	v46 =	vadd.s32 v6, v45;
	s0 =	simm.s32 $0x11C00  }
0x44d: {  	[tilespmem:s0], [sflag:$0x1] =	stream.indirect_vreg.gather [hbm4b:s4+s3], $0x80, v42, vm1, $0xb8;
	[tilespmem:$0x18280] =	vst v63  }
0x44e: {  	v49 =	vperm.xlane v20, v1;
	v48 =	vadd.s32 v6, v47;
	s1 =	simm.s32 $0x11C80  }
0x44f: {  	[tilespmem:s1], [sflag:$0x1] =	stream.indirect_vreg.gather [hbm4b:s4+s3], $0x80, v44, vm1, $0xb8;
	[tilespmem:$0x18280] =	vst v63  }
0x450: {  	v51 =	vperm.xlane v20, v12;
	v50 =	vadd.s32 v6, v49;
	s0 =	simm.s32 $0x11D00  }
0x451: {  	[tilespmem:s0], [sflag:$0x1] =	stream.indirect_vreg.gather [hbm4b:s4+s3], $0x80, v46, vm1, $0xb8;
	[tilespmem:$0x18280] =	vst v63  }
0x452: {  	v53 =	vperm.xlane v20, v13;
	v52 =	vadd.s32 v6, v51;
	s1 =	simm.s32 $0x11D80  }
0x453: {  	[tilespmem:s1], [sflag:$0x1] =	stream.indirect_vreg.gather [hbm4b:s4+s3], $0x80, v48, vm1, $0xb8;
	[tilespmem:$0x18280] =	vst v63  }
0x454: {  	v55 =	vperm.xlane v20, v14;
	v54 =	vadd.s32 v6, v53;
	s0 =	simm.s32 $0x11E00  }
0x455: {  	[tilespmem:s0], [sflag:$0x1] =	stream.indirect_vreg.gather [hbm4b:s4+s3], $0x80, v50, vm1, $0xb8;
	[tilespmem:$0x18280] =	vst v63  }
0x456: {  	v57 =	vperm.xlane v20, v15;
	v56 =	vadd.s32 v6, v55;
	s1 =	simm.s32 $0x11E80  }
0x457: {  	[tilespmem:s1], [sflag:$0x1] =	stream.indirect_vreg.gather [hbm4b:s4+s3], $0x80, v52, vm1, $0xb8;
	[tilespmem:$0x18280] =	vst v63  }
0x458: {  	v59 =	vperm.xlane v20, v16;
	v58 =	vadd.s32 v6, v57;
	s0 =	simm.s32 $0x11F00  }
0x459: {  	[tilespmem:s0], [sflag:$0x1] =	stream.indirect_vreg.gather [hbm4b:s4+s3], $0x80, v54, vm1, $0xb8;
	[tilespmem:$0x18280] =	vst v63  }
0x45a: {  	v61 =	vperm.xlane v20, v17;
	v60 =	vadd.s32 v6, v59;
	s1 =	simm.s32 $0x11F80  }
0x45b: {  	[tilespmem:s1], [sflag:$0x1] =	stream.indirect_vreg.gather [hbm4b:s4+s3], $0x80, v56, vm1, $0xb8;
	[tilespmem:$0x18280] =	vst v63  }
0x45c: {  	v63 =	vperm.xlane v20, v18;
	v62 =	vadd.s32 v6, v61;
	s0 =	simm.s32 $0x12000  }
0x45d: {  	[tilespmem:s0], [sflag:$0x1] =	stream.indirect_vreg.gather [hbm4b:s4+s3], $0x80, v58, vm1, $0xb8;
	[tilespmem:$0x18280] =	vst v63  }
0x45e: {  	v20 =	vperm.xlane v20, v19;
	v24 =	vadd.s32 v6, v63;
	s1 =	simm.s32 $0x12080  }
0x45f: {  	[tilespmem:s1], [sflag:$0x1] =	stream.indirect_vreg.gather [hbm4b:s4+s3], $0x80, v60, vm1, $0xb8;
	[tilespmem:$0x18280] =	vst v63  }
0x460: {  	v20 =	vadd.s32 v6, v20;
	s0 =	simm.s32 $0x12100  }
0x461: {  	[tilespmem:s0], [sflag:$0x1] =	stream.indirect_vreg.gather [hbm4b:s4+s3], $0x80, v62, vm1, $0xb8;
	[tilespmem:$0x18280] =	vst v63  }
0x462: {  	s1 =	simm.s32 $0x12180  }
0x463: {  	[tilespmem:s1], [sflag:$0x1] =	stream.indirect_vreg.gather [hbm4b:s4+s3], $0x80, v24, vm1, $0xb8;
	[tilespmem:$0x18280] =	vst v63  }
0x464: {  	s0 =	simm.s32 $0x12200  }
0x465: {  	[tilespmem:s0], [sflag:$0x1] =	stream.indirect_vreg.gather [hbm4b:s4+s3], $0x80, v20, vm1, $0xb8;
	[tilespmem:$0x18280] =	vst v63  }
0x466: {  	v20 =	vld [tilespmem:$0x140];
	_ =	sdelay $0x4  }
0x467: {  	v25 =	vshrl.u32 v20, $0x3  }
0x468: {  	v21 =	vmul.u32 $0x18, v25  }
0x469: {  	v20 =	vand.u32 $0x7, v20  }
0x46a: {  	v20 =	vor.u32 v20, v21  }
0x46b: {  	v21 =	vperm.xlane v20, v5;
	_ =	sdelay $0x1  }
0x46c: {  	v26 =	vperm.xlane v20, v7;
	v21 =	vadd.s32 v6, v21;
	_ =	sdelay $0x1  }
0x46d: {  	v27 =	vperm.xlane v20, v8;
	v22 =	vadd.s32 v6, v26;
	_ =	sdelay $0x1  }
0x46e: {  	s1 =	simm.s32 $0x12280;
	v28 =	vperm.xlane v20, v3;
	v23 =	vadd.s32 v6, v27  }
0x46f: {  	[tilespmem:s1], [sflag:$0x1] =	stream.indirect_vreg.gather [hbm4b:s4+s3], $0x80, v21, vm1, $0xb8;
	[tilespmem:$0x18280] =	vst v63  }
0x470: {  	s0 =	simm.s32 $0x12300;
	v30 =	vperm.xlane v20, v9;
	v29 =	vadd.s32 v6, v28  }
0x471: {  	[tilespmem:s0], [sflag:$0x1] =	stream.indirect_vreg.gather [hbm4b:s4+s3], $0x80, v22, vm1, $0xb8;
	[tilespmem:$0x18280] =	vst v63  }
0x472: {  	v32 =	vperm.xlane v20, v10;
	v31 =	vadd.s32 v6, v30;
	s1 =	simm.s32 $0x12380  }
0x473: {  	[tilespmem:s1], [sflag:$0x1] =	stream.indirect_vreg.gather [hbm4b:s4+s3], $0x80, v23, vm1, $0xb8;
	[tilespmem:$0x18280] =	vst v63  }
0x474: {  	v34 =	vperm.xlane v20, v11;
	v33 =	vadd.s32 v6, v32;
	s0 =	simm.s32 $0x12400  }
0x475: {  	[tilespmem:s0], [sflag:$0x1] =	stream.indirect_vreg.gather [hbm4b:s4+s3], $0x80, v29, vm1, $0xb8;
	[tilespmem:$0x18280] =	vst v63  }
0x476: {  	v36 =	vperm.xlane v20, v1;
	v35 =	vadd.s32 v6, v34;
	s1 =	simm.s32 $0x12480  }
0x477: {  	[tilespmem:s1], [sflag:$0x1] =	stream.indirect_vreg.gather [hbm4b:s4+s3], $0x80, v31, vm1, $0xb8;
	[tilespmem:$0x18280] =	vst v63  }
0x478: {  	v38 =	vperm.xlane v20, v12;
	v37 =	vadd.s32 v6, v36;
	s0 =	simm.s32 $0x12500  }
0x479: {  	[tilespmem:s0], [sflag:$0x1] =	stream.indirect_vreg.gather [hbm4b:s4+s3], $0x80, v33, vm1, $0xb8;
	[tilespmem:$0x18280] =	vst v63  }
0x47a: {  	v40 =	vperm.xlane v20, v13;
	v39 =	vadd.s32 v6, v38;
	s1 =	simm.s32 $0x12580  }
0x47b: {  	[tilespmem:s1], [sflag:$0x1] =	stream.indirect_vreg.gather [hbm4b:s4+s3], $0x80, v35, vm1, $0xb8;
	[tilespmem:$0x18280] =	vst v63  }
0x47c: {  	v42 =	vperm.xlane v20, v14;
	v41 =	vadd.s32 v6, v40;
	s0 =	simm.s32 $0x12600  }
0x47d: {  	[tilespmem:s0], [sflag:$0x1] =	stream.indirect_vreg.gather [hbm4b:s4+s3], $0x80, v37, vm1, $0xb8;
	[tilespmem:$0x18280] =	vst v63  }
0x47e: {  	v44 =	vperm.xlane v20, v15;
	v43 =	vadd.s32 v6, v42;
	s1 =	simm.s32 $0x12680  }
0x47f: {  	[tilespmem:s1], [sflag:$0x1] =	stream.indirect_vreg.gather [hbm4b:s4+s3], $0x80, v39, vm1, $0xb8;
	[tilespmem:$0x18280] =	vst v63  }
0x480: {  	v46 =	vperm.xlane v20, v16;
	v45 =	vadd.s32 v6, v44;
	s0 =	simm.s32 $0x12700  }
0x481: {  	[tilespmem:s0], [sflag:$0x1] =	stream.indirect_vreg.gather [hbm4b:s4+s3], $0x80, v41, vm1, $0xb8;
	[tilespmem:$0x18280] =	vst v63  }
0x482: {  	v48 =	vperm.xlane v20, v17;
	v47 =	vadd.s32 v6, v46;
	s1 =	simm.s32 $0x12780  }
0x483: {  	[tilespmem:s1], [sflag:$0x1] =	stream.indirect_vreg.gather [hbm4b:s4+s3], $0x80, v43, vm1, $0xb8;
	[tilespmem:$0x18280] =	vst v63  }
0x484: {  	v50 =	vperm.xlane v20, v18;
	v49 =	vadd.s32 v6, v48;
	s0 =	simm.s32 $0x12800  }
0x485: {  	[tilespmem:s0], [sflag:$0x1] =	stream.indirect_vreg.gather [hbm4b:s4+s3], $0x80, v45, vm1, $0xb8;
	[tilespmem:$0x18280] =	vst v63  }
0x486: {  	v20 =	vperm.xlane v20, v19;
	v51 =	vadd.s32 v6, v50;
	s1 =	simm.s32 $0x12880  }
0x487: {  	[tilespmem:s1], [sflag:$0x1] =	stream.indirect_vreg.gather [hbm4b:s4+s3], $0x80, v47, vm1, $0xb8;
	[tilespmem:$0x18280] =	vst v63  }
0x488: {  	v20 =	vadd.s32 v6, v20;
	s0 =	simm.s32 $0x12900  }
0x489: {  	[tilespmem:s0], [sflag:$0x1] =	stream.indirect_vreg.gather [hbm4b:s4+s3], $0x80, v49, vm1, $0xb8;
	[tilespmem:$0x18280] =	vst v63  }
0x48a: {  	s1 =	simm.s32 $0x12980  }
0x48b: {  	[tilespmem:s1], [sflag:$0x1] =	stream.indirect_vreg.gather [hbm4b:s4+s3], $0x80, v51, vm1, $0xb8;
	[tilespmem:$0x18280] =	vst v63  }
0x48c: {  	s0 =	simm.s32 $0x12A00  }
0x48d: {  	[tilespmem:s0], [sflag:$0x1] =	stream.indirect_vreg.gather [hbm4b:s4+s3], $0x80, v20, vm1, $0xb8;
	[tilespmem:$0x18280] =	vst v63  }
0x48e: {  	v20 =	vld [tilespmem:$0x150];
	_ =	sdelay $0x4  }
0x48f: {  	v52 =	vshrl.u32 v20, $0x3  }
0x490: {  	v21 =	vmul.u32 $0x18, v52  }
0x491: {  	v20 =	vand.u32 $0x7, v20  }
0x492: {  	v20 =	vor.u32 v20, v21  }
0x493: {  	v21 =	vperm.xlane v20, v5;
	_ =	sdelay $0x1  }
0x494: {  	v53 =	vperm.xlane v20, v7;
	v21 =	vadd.s32 v6, v21;
	_ =	sdelay $0x1  }
0x495: {  	v54 =	vperm.xlane v20, v8;
	v22 =	vadd.s32 v6, v53;
	_ =	sdelay $0x1  }
0x496: {  	s1 =	simm.s32 $0x12A80;
	v55 =	vperm.xlane v20, v3;
	v23 =	vadd.s32 v6, v54  }
0x497: {  	[tilespmem:s1], [sflag:$0x1] =	stream.indirect_vreg.gather [hbm4b:s4+s3], $0x80, v21, vm1, $0xb8;
	[tilespmem:$0x18280] =	vst v63  }
0x498: {  	s0 =	simm.s32 $0x12B00;
	v57 =	vperm.xlane v20, v9;
	v56 =	vadd.s32 v6, v55  }
0x499: {  	[tilespmem:s0], [sflag:$0x1] =	stream.indirect_vreg.gather [hbm4b:s4+s3], $0x80, v22, vm1, $0xb8;
	[tilespmem:$0x18280] =	vst v63  }
0x49a: {  	v59 =	vperm.xlane v20, v10;
	v58 =	vadd.s32 v6, v57;
	s1 =	simm.s32 $0x12B80  }
0x49b: {  	[tilespmem:s1], [sflag:$0x1] =	stream.indirect_vreg.gather [hbm4b:s4+s3], $0x80, v23, vm1, $0xb8;
	[tilespmem:$0x18280] =	vst v63  }
0x49c: {  	v61 =	vperm.xlane v20, v11;
	v60 =	vadd.s32 v6, v59;
	s0 =	simm.s32 $0x12C00  }
0x49d: {  	[tilespmem:s0], [sflag:$0x1] =	stream.indirect_vreg.gather [hbm4b:s4+s3], $0x80, v56, vm1, $0xb8;
	[tilespmem:$0x18280] =	vst v63  }
0x49e: {  	v63 =	vperm.xlane v20, v1;
	v62 =	vadd.s32 v6, v61;
	s1 =	simm.s32 $0x12C80  }
0x49f: {  	[tilespmem:s1], [sflag:$0x1] =	stream.indirect_vreg.gather [hbm4b:s4+s3], $0x80, v58, vm1, $0xb8;
	[tilespmem:$0x18280] =	vst v63  }
0x4a0: {  	v29 =	vperm.xlane v20, v12;
	v28 =	vadd.s32 v6, v63;
	s0 =	simm.s32 $0x12D00  }
0x4a1: {  	[tilespmem:s0], [sflag:$0x1] =	stream.indirect_vreg.gather [hbm4b:s4+s3], $0x80, v60, vm1, $0xb8;
	[tilespmem:$0x18280] =	vst v63  }
0x4a2: {  	v31 =	vperm.xlane v20, v13;
	v30 =	vadd.s32 v6, v29;
	s1 =	simm.s32 $0x12D80  }
0x4a3: {  	[tilespmem:s1], [sflag:$0x1] =	stream.indirect_vreg.gather [hbm4b:s4+s3], $0x80, v62, vm1, $0xb8;
	[tilespmem:$0x18280] =	vst v63  }
0x4a4: {  	v33 =	vperm.xlane v20, v14;
	v32 =	vadd.s32 v6, v31;
	s0 =	simm.s32 $0x12E00  }
0x4a5: {  	[tilespmem:s0], [sflag:$0x1] =	stream.indirect_vreg.gather [hbm4b:s4+s3], $0x80, v28, vm1, $0xb8;
	[tilespmem:$0x18280] =	vst v63  }
0x4a6: {  	v35 =	vperm.xlane v20, v15;
	v34 =	vadd.s32 v6, v33;
	s1 =	simm.s32 $0x12E80  }
0x4a7: {  	[tilespmem:s1], [sflag:$0x1] =	stream.indirect_vreg.gather [hbm4b:s4+s3], $0x80, v30, vm1, $0xb8;
	[tilespmem:$0x18280] =	vst v63  }
0x4a8: {  	v37 =	vperm.xlane v20, v16;
	v36 =	vadd.s32 v6, v35;
	s0 =	simm.s32 $0x12F00  }
0x4a9: {  	[tilespmem:s0], [sflag:$0x1] =	stream.indirect_vreg.gather [hbm4b:s4+s3], $0x80, v32, vm1, $0xb8;
	[tilespmem:$0x18280] =	vst v63  }
0x4aa: {  	v39 =	vperm.xlane v20, v17;
	v38 =	vadd.s32 v6, v37;
	s1 =	simm.s32 $0x12F80  }
0x4ab: {  	[tilespmem:s1], [sflag:$0x1] =	stream.indirect_vreg.gather [hbm4b:s4+s3], $0x80, v34, vm1, $0xb8;
	[tilespmem:$0x18280] =	vst v63  }
0x4ac: {  	v41 =	vperm.xlane v20, v18;
	v40 =	vadd.s32 v6, v39;
	s0 =	simm.s32 $0x13000  }
0x4ad: {  	[tilespmem:s0], [sflag:$0x1] =	stream.indirect_vreg.gather [hbm4b:s4+s3], $0x80, v36, vm1, $0xb8;
	[tilespmem:$0x18280] =	vst v63  }
0x4ae: {  	v20 =	vperm.xlane v20, v19;
	v42 =	vadd.s32 v6, v41;
	s1 =	simm.s32 $0x13080  }
0x4af: {  	[tilespmem:s1], [sflag:$0x1] =	stream.indirect_vreg.gather [hbm4b:s4+s3], $0x80, v38, vm1, $0xb8;
	[tilespmem:$0x18280] =	vst v63  }
0x4b0: {  	v20 =	vadd.s32 v6, v20;
	s0 =	simm.s32 $0x13100  }
0x4b1: {  	[tilespmem:s0], [sflag:$0x1] =	stream.indirect_vreg.gather [hbm4b:s4+s3], $0x80, v40, vm1, $0xb8;
	[tilespmem:$0x18280] =	vst v63  }
0x4b2: {  	s1 =	simm.s32 $0x13180  }
0x4b3: {  	[tilespmem:s1], [sflag:$0x1] =	stream.indirect_vreg.gather [hbm4b:s4+s3], $0x80, v42, vm1, $0xb8;
	[tilespmem:$0x18280] =	vst v63  }
0x4b4: {  	s0 =	simm.s32 $0x13200  }
0x4b5: {  	[tilespmem:s0], [sflag:$0x1] =	stream.indirect_vreg.gather [hbm4b:s4+s3], $0x80, v20, vm1, $0xb8;
	[tilespmem:$0x18280] =	vst v63  }
0x4b6: {  	v20 =	vld [tilespmem:$0x160];
	_ =	sdelay $0x4  }
0x4b7: {  	v43 =	vshrl.u32 v20, $0x3  }
0x4b8: {  	v21 =	vmul.u32 $0x18, v43  }
0x4b9: {  	v20 =	vand.u32 $0x7, v20  }
0x4ba: {  	v20 =	vor.u32 v20, v21  }
0x4bb: {  	v21 =	vperm.xlane v20, v5;
	_ =	sdelay $0x1  }
0x4bc: {  	v44 =	vperm.xlane v20, v7;
	v21 =	vadd.s32 v6, v21;
	_ =	sdelay $0x1  }
0x4bd: {  	v45 =	vperm.xlane v20, v8;
	v22 =	vadd.s32 v6, v44;
	_ =	sdelay $0x1  }
0x4be: {  	s1 =	simm.s32 $0x13280;
	v46 =	vperm.xlane v20, v3;
	v23 =	vadd.s32 v6, v45  }
0x4bf: {  	[tilespmem:s1], [sflag:$0x1] =	stream.indirect_vreg.gather [hbm4b:s4+s3], $0x80, v21, vm1, $0xb8;
	[tilespmem:$0x18280] =	vst v63  }
0x4c0: {  	s0 =	simm.s32 $0x13300;
	v48 =	vperm.xlane v20, v9;
	v47 =	vadd.s32 v6, v46  }
0x4c1: {  	[tilespmem:s0], [sflag:$0x1] =	stream.indirect_vreg.gather [hbm4b:s4+s3], $0x80, v22, vm1, $0xb8;
	[tilespmem:$0x18280] =	vst v63  }
0x4c2: {  	v50 =	vperm.xlane v20, v10;
	v49 =	vadd.s32 v6, v48;
	s1 =	simm.s32 $0x13380  }
0x4c3: {  	[tilespmem:s1], [sflag:$0x1] =	stream.indirect_vreg.gather [hbm4b:s4+s3], $0x80, v23, vm1, $0xb8;
	[tilespmem:$0x18280] =	vst v63  }
0x4c4: {  	v52 =	vperm.xlane v20, v11;
	v51 =	vadd.s32 v6, v50;
	s0 =	simm.s32 $0x13400  }
0x4c5: {  	[tilespmem:s0], [sflag:$0x1] =	stream.indirect_vreg.gather [hbm4b:s4+s3], $0x80, v47, vm1, $0xb8;
	[tilespmem:$0x18280] =	vst v63  }
0x4c6: {  	v54 =	vperm.xlane v20, v1;
	v53 =	vadd.s32 v6, v52;
	s1 =	simm.s32 $0x13480  }
0x4c7: {  	[tilespmem:s1], [sflag:$0x1] =	stream.indirect_vreg.gather [hbm4b:s4+s3], $0x80, v49, vm1, $0xb8;
	[tilespmem:$0x18280] =	vst v63  }
0x4c8: {  	v56 =	vperm.xlane v20, v12;
	v55 =	vadd.s32 v6, v54;
	s0 =	simm.s32 $0x13500  }
0x4c9: {  	[tilespmem:s0], [sflag:$0x1] =	stream.indirect_vreg.gather [hbm4b:s4+s3], $0x80, v51, vm1, $0xb8;
	[tilespmem:$0x18280] =	vst v63  }
0x4ca: {  	v58 =	vperm.xlane v20, v13;
	v57 =	vadd.s32 v6, v56;
	s1 =	simm.s32 $0x13580  }
0x4cb: {  	[tilespmem:s1], [sflag:$0x1] =	stream.indirect_vreg.gather [hbm4b:s4+s3], $0x80, v53, vm1, $0xb8;
	[tilespmem:$0x18280] =	vst v63  }
0x4cc: {  	v60 =	vperm.xlane v20, v14;
	v59 =	vadd.s32 v6, v58;
	s0 =	simm.s32 $0x13600  }
0x4cd: {  	[tilespmem:s0], [sflag:$0x1] =	stream.indirect_vreg.gather [hbm4b:s4+s3], $0x80, v55, vm1, $0xb8;
	[tilespmem:$0x18280] =	vst v63  }
0x4ce: {  	v62 =	vperm.xlane v20, v15;
	v61 =	vadd.s32 v6, v60;
	s1 =	simm.s32 $0x13680  }
0x4cf: {  	[tilespmem:s1], [sflag:$0x1] =	stream.indirect_vreg.gather [hbm4b:s4+s3], $0x80, v57, vm1, $0xb8;
	[tilespmem:$0x18280] =	vst v63  }
0x4d0: {  	v28 =	vperm.xlane v20, v16;
	v63 =	vadd.s32 v6, v62;
	s0 =	simm.s32 $0x13700  }
0x4d1: {  	[tilespmem:s0], [sflag:$0x1] =	stream.indirect_vreg.gather [hbm4b:s4+s3], $0x80, v59, vm1, $0xb8;
	[tilespmem:$0x18280] =	vst v63  }
0x4d2: {  	v30 =	vperm.xlane v20, v17;
	v29 =	vadd.s32 v6, v28;
	s1 =	simm.s32 $0x13780  }
0x4d3: {  	[tilespmem:s1], [sflag:$0x1] =	stream.indirect_vreg.gather [hbm4b:s4+s3], $0x80, v61, vm1, $0xb8;
	[tilespmem:$0x18280] =	vst v63  }
0x4d4: {  	v32 =	vperm.xlane v20, v18;
	v31 =	vadd.s32 v6, v30;
	s0 =	simm.s32 $0x13800  }
0x4d5: {  	[tilespmem:s0], [sflag:$0x1] =	stream.indirect_vreg.gather [hbm4b:s4+s3], $0x80, v63, vm1, $0xb8;
	[tilespmem:$0x18280] =	vst v63  }
0x4d6: {  	v20 =	vperm.xlane v20, v19;
	v33 =	vadd.s32 v6, v32;
	s1 =	simm.s32 $0x13880  }
0x4d7: {  	[tilespmem:s1], [sflag:$0x1] =	stream.indirect_vreg.gather [hbm4b:s4+s3], $0x80, v29, vm1, $0xb8;
	[tilespmem:$0x18280] =	vst v63  }
0x4d8: {  	v20 =	vadd.s32 v6, v20;
	s0 =	simm.s32 $0x13900  }
0x4d9: {  	[tilespmem:s0], [sflag:$0x1] =	stream.indirect_vreg.gather [hbm4b:s4+s3], $0x80, v31, vm1, $0xb8;
	[tilespmem:$0x18280] =	vst v63  }
0x4da: {  	s1 =	simm.s32 $0x13980  }
0x4db: {  	[tilespmem:s1], [sflag:$0x1] =	stream.indirect_vreg.gather [hbm4b:s4+s3], $0x80, v33, vm1, $0xb8;
	[tilespmem:$0x18280] =	vst v63  }
0x4dc: {  	s0 =	simm.s32 $0x13A00  }
0x4dd: {  	[tilespmem:s0], [sflag:$0x1] =	stream.indirect_vreg.gather [hbm4b:s4+s3], $0x80, v20, vm1, $0xb8;
	[tilespmem:$0x18280] =	vst v63  }
0x4de: {  	v20 =	vld [tilespmem:$0x170];
	_ =	sdelay $0x4  }
0x4df: {  	v34 =	vshrl.u32 v20, $0x3  }
0x4e0: {  	v21 =	vmul.u32 $0x18, v34  }
0x4e1: {  	v20 =	vand.u32 $0x7, v20  }
0x4e2: {  	v20 =	vor.u32 v20, v21  }
0x4e3: {  	v21 =	vperm.xlane v20, v5;
	_ =	sdelay $0x1  }
0x4e4: {  	v35 =	vperm.xlane v20, v7;
	v21 =	vadd.s32 v6, v21;
	_ =	sdelay $0x1  }
0x4e5: {  	v36 =	vperm.xlane v20, v8;
	v22 =	vadd.s32 v6, v35;
	_ =	sdelay $0x1  }
0x4e6: {  	s1 =	simm.s32 $0x13A80;
	v37 =	vperm.xlane v20, v3;
	v23 =	vadd.s32 v6, v36  }
0x4e7: {  	[tilespmem:s1], [sflag:$0x1] =	stream.indirect_vreg.gather [hbm4b:s4+s3], $0x80, v21, vm1, $0xb8;
	[tilespmem:$0x18280] =	vst v63  }
0x4e8: {  	s0 =	simm.s32 $0x13B00;
	v39 =	vperm.xlane v20, v9;
	v38 =	vadd.s32 v6, v37  }
0x4e9: {  	[tilespmem:s0], [sflag:$0x1] =	stream.indirect_vreg.gather [hbm4b:s4+s3], $0x80, v22, vm1, $0xb8;
	[tilespmem:$0x18280] =	vst v63  }
0x4ea: {  	v41 =	vperm.xlane v20, v10;
	v40 =	vadd.s32 v6, v39;
	s1 =	simm.s32 $0x13B80  }
0x4eb: {  	[tilespmem:s1], [sflag:$0x1] =	stream.indirect_vreg.gather [hbm4b:s4+s3], $0x80, v23, vm1, $0xb8;
	[tilespmem:$0x18280] =	vst v63  }
0x4ec: {  	v43 =	vperm.xlane v20, v11;
	v42 =	vadd.s32 v6, v41;
	s0 =	simm.s32 $0x13C00  }
0x4ed: {  	[tilespmem:s0], [sflag:$0x1] =	stream.indirect_vreg.gather [hbm4b:s4+s3], $0x80, v38, vm1, $0xb8;
	[tilespmem:$0x18280] =	vst v63  }
0x4ee: {  	v45 =	vperm.xlane v20, v1;
	v44 =	vadd.s32 v6, v43;
	s1 =	simm.s32 $0x13C80  }
0x4ef: {  	[tilespmem:s1], [sflag:$0x1] =	stream.indirect_vreg.gather [hbm4b:s4+s3], $0x80, v40, vm1, $0xb8;
	[tilespmem:$0x18280] =	vst v63  }
0x4f0: {  	v47 =	vperm.xlane v20, v12;
	v46 =	vadd.s32 v6, v45;
	s0 =	simm.s32 $0x13D00  }
0x4f1: {  	[tilespmem:s0], [sflag:$0x1] =	stream.indirect_vreg.gather [hbm4b:s4+s3], $0x80, v42, vm1, $0xb8;
	[tilespmem:$0x18280] =	vst v63  }
0x4f2: {  	v49 =	vperm.xlane v20, v13;
	v48 =	vadd.s32 v6, v47;
	s1 =	simm.s32 $0x13D80  }
0x4f3: {  	[tilespmem:s1], [sflag:$0x1] =	stream.indirect_vreg.gather [hbm4b:s4+s3], $0x80, v44, vm1, $0xb8;
	[tilespmem:$0x18280] =	vst v63  }
0x4f4: {  	v51 =	vperm.xlane v20, v14;
	v50 =	vadd.s32 v6, v49;
	s0 =	simm.s32 $0x13E00  }
0x4f5: {  	[tilespmem:s0], [sflag:$0x1] =	stream.indirect_vreg.gather [hbm4b:s4+s3], $0x80, v46, vm1, $0xb8;
	[tilespmem:$0x18280] =	vst v63  }
0x4f6: {  	v53 =	vperm.xlane v20, v15;
	v52 =	vadd.s32 v6, v51;
	s1 =	simm.s32 $0x13E80  }
0x4f7: {  	[tilespmem:s1], [sflag:$0x1] =	stream.indirect_vreg.gather [hbm4b:s4+s3], $0x80, v48, vm1, $0xb8;
	[tilespmem:$0x18280] =	vst v63  }
0x4f8: {  	v55 =	vperm.xlane v20, v16;
	v54 =	vadd.s32 v6, v53;
	s0 =	simm.s32 $0x13F00  }
0x4f9: {  	[tilespmem:s0], [sflag:$0x1] =	stream.indirect_vreg.gather [hbm4b:s4+s3], $0x80, v50, vm1, $0xb8;
	[tilespmem:$0x18280] =	vst v63  }
0x4fa: {  	v57 =	vperm.xlane v20, v17;
	v56 =	vadd.s32 v6, v55;
	s1 =	simm.s32 $0x13F80  }
0x4fb: {  	[tilespmem:s1], [sflag:$0x1] =	stream.indirect_vreg.gather [hbm4b:s4+s3], $0x80, v52, vm1, $0xb8;
	[tilespmem:$0x18280] =	vst v63  }
0x4fc: {  	v59 =	vperm.xlane v20, v18;
	v58 =	vadd.s32 v6, v57;
	s0 =	simm.s32 $0x14000  }
0x4fd: {  	[tilespmem:s0], [sflag:$0x1] =	stream.indirect_vreg.gather [hbm4b:s4+s3], $0x80, v54, vm1, $0xb8;
	[tilespmem:$0x18280] =	vst v63  }
0x4fe: {  	v20 =	vperm.xlane v20, v19;
	v60 =	vadd.s32 v6, v59;
	s1 =	simm.s32 $0x14080  }
0x4ff: {  	[tilespmem:s1], [sflag:$0x1] =	stream.indirect_vreg.gather [hbm4b:s4+s3], $0x80, v56, vm1, $0xb8;
	[tilespmem:$0x18280] =	vst v63  }
0x500: {  	v20 =	vadd.s32 v6, v20;
	s0 =	simm.s32 $0x14100  }
0x501: {  	[tilespmem:s0], [sflag:$0x1] =	stream.indirect_vreg.gather [hbm4b:s4+s3], $0x80, v58, vm1, $0xb8;
	[tilespmem:$0x18280] =	vst v63  }
0x502: {  	s1 =	simm.s32 $0x14180  }
0x503: {  	[tilespmem:s1], [sflag:$0x1] =	stream.indirect_vreg.gather [hbm4b:s4+s3], $0x80, v60, vm1, $0xb8;
	[tilespmem:$0x18280] =	vst v63  }
0x504: {  	s0 =	simm.s32 $0x14200  }
0x505: {  	[tilespmem:s0], [sflag:$0x1] =	stream.indirect_vreg.gather [hbm4b:s4+s3], $0x80, v20, vm1, $0xb8;
	[tilespmem:$0x18280] =	vst v63  }
0x506: {  	_ =	swait.ge [sflag:s12], $0x8000  }
0x507: {  	[sflag:s12] =	ssyncset.done $0x0  }
0x508: {  	[sflag:s12] =	ssyncadd.s32 $0xFFFF8000  }
0x509: {  	_ =	swait.ge [sflag:s12], $0x4000  }
0x50a: {  	[sflag:s12] =	ssyncset.done $0x0  }
0x50b: {  	s0 =	simm.s32 $0x8280;
	s1 =	rddreg [dreg:$0x6];
	[sflag:s12] =	ssyncadd.s32 $0xFFFFC000  }
0x50c: {  	[hbm4b:s1+s7] =	stream.strided.scatter [tilespmem:s0], [sflag:$0x3], $0x8000, s10, s7, $0x38;
	[tilespmem:$0x18280] =	vst v63  }
0x50d: {  	_ =	swait.ge [sflag:s6], $0x8000  }
0x50e: {  	[sflag:s6] =	ssyncset.done $0x0  }
0x50f: {  	s1 =	simm.s32 $0x14280;
	s13 =	rddreg [dreg:$0x7];
	[sflag:s6] =	ssyncadd.s32 $0xFFFF8000  }
0x510: {  	[hbm4b:s13+s8] =	stream.strided.scatter [tilespmem:s1], [sflag:$0x3], $0x4000, s10, s8, $0x38;
	[tilespmem:$0x18280] =	vst v63  }
0x511: {  	_ =	swait.ge [sflag:s6], $0x4000  }
0x512: {  	[sflag:s6] =	ssyncset.done $0x0  }
0x513: {  	[sflag:s6] =	ssyncadd.s32 $0xFFFFC000  }
0x514: {  	v20 =	vld [tilespmem:$0x180];
	_ =	sdelay $0x4  }
0x515: {  	v61 =	vshrl.u32 v20, $0x3  }
0x516: {  	v21 =	vmul.u32 $0x18, v61  }
0x517: {  	v20 =	vand.u32 $0x7, v20  }
0x518: {  	v20 =	vor.u32 v20, v21  }
0x519: {  	v21 =	vperm.xlane v20, v0;
	_ =	sdelay $0x1  }
0x51a: {  	v20 =	vperm.xlane v20, v4;
	v21 =	vadd.s32 v2, v21;
	_ =	sdelay $0x1  }
0x51b: {  	v20 =	vadd.s32 v2, v20;
	_ =	sdelay $0x2  }
0x51c: {  	[tilespmem:s0], [sflag:$0x2] =	stream.indirect_vreg.gather [hbm4b:s2+s3], $0x80, v21, vm0, $0xb8;
	[tilespmem:$0x18280] =	vst v63  }
0x51d: {  	s13 =	simm.s32 $0x8A80  }
0x51e: {  	[tilespmem:s13], [sflag:$0x2] =	stream.indirect_vreg.gather [hbm4b:s2+s3], $0x80, v20, vm0, $0xb8;
	[tilespmem:$0x18280] =	vst v63  }
0x51f: {  	v20 =	vld [tilespmem:$0x190];
	_ =	sdelay $0x4  }
0x520: {  	v62 =	vshrl.u32 v20, $0x3  }
0x521: {  	v21 =	vmul.u32 $0x18, v62  }
0x522: {  	v20 =	vand.u32 $0x7, v20  }
0x523: {  	v20 =	vor.u32 v20, v21  }
0x524: {  	v21 =	vperm.xlane v20, v0;
	_ =	sdelay $0x1  }
0x525: {  	v20 =	vperm.xlane v20, v4;
	v21 =	vadd.s32 v2, v21;
	_ =	sdelay $0x1  }
0x526: {  	v20 =	vadd.s32 v2, v20;
	_ =	sdelay $0x1  }
0x527: {  	s13 =	simm.s32 $0x9280  }
0x528: {  	[tilespmem:s13], [sflag:$0x2] =	stream.indirect_vreg.gather [hbm4b:s2+s3], $0x80, v21, vm0, $0xb8;
	[tilespmem:$0x18280] =	vst v63  }
0x529: {  	s13 =	simm.s32 $0x9A80  }
0x52a: {  	[tilespmem:s13], [sflag:$0x2] =	stream.indirect_vreg.gather [hbm4b:s2+s3], $0x80, v20, vm0, $0xb8;
	[tilespmem:$0x18280] =	vst v63  }
0x52b: {  	v20 =	vld [tilespmem:$0x1A0];
	_ =	sdelay $0x4  }
0x52c: {  	v63 =	vshrl.u32 v20, $0x3  }
0x52d: {  	v21 =	vmul.u32 $0x18, v63  }
0x52e: {  	v20 =	vand.u32 $0x7, v20  }
0x52f: {  	v20 =	vor.u32 v20, v21  }
0x530: {  	v21 =	vperm.xlane v20, v0;
	_ =	sdelay $0x1  }
0x531: {  	v20 =	vperm.xlane v20, v4;
	v21 =	vadd.s32 v2, v21;
	_ =	sdelay $0x1  }
0x532: {  	v20 =	vadd.s32 v2, v20;
	_ =	sdelay $0x2  }
0x533: {  	[tilespmem:s11], [sflag:$0x2] =	stream.indirect_vreg.gather [hbm4b:s2+s3], $0x80, v21, vm0, $0xb8;
	[tilespmem:$0x18280] =	vst v63  }
0x534: {  	_ = 	snop  }
0x535: {  	[tilespmem:s14], [sflag:$0x2] =	stream.indirect_vreg.gather [hbm4b:s2+s3], $0x80, v20, vm0, $0xb8;
	[tilespmem:$0x18280] =	vst v63  }
0x536: {  	v20 =	vld [tilespmem:$0x1B0];
	_ =	sdelay $0x4  }
0x537: {  	v24 =	vshrl.u32 v20, $0x3  }
0x538: {  	v21 =	vmul.u32 $0x18, v24  }
0x539: {  	v20 =	vand.u32 $0x7, v20  }
0x53a: {  	v20 =	vor.u32 v20, v21  }
0x53b: {  	v21 =	vperm.xlane v20, v0;
	_ =	sdelay $0x1  }
0x53c: {  	v20 =	vperm.xlane v20, v4;
	v21 =	vadd.s32 v2, v21;
	_ =	sdelay $0x1  }
0x53d: {  	v20 =	vadd.s32 v2, v20;
	_ =	sdelay $0x2  }
0x53e: {  	[tilespmem:s15], [sflag:$0x2] =	stream.indirect_vreg.gather [hbm4b:s2+s3], $0x80, v21, vm0, $0xb8;
	[tilespmem:$0x18280] =	vst v63  }
0x53f: {  	_ = 	snop  }
0x540: {  	[tilespmem:s16], [sflag:$0x2] =	stream.indirect_vreg.gather [hbm4b:s2+s3], $0x80, v20, vm0, $0xb8;
	[tilespmem:$0x18280] =	vst v63  }
0x541: {  	v20 =	vld [tilespmem:$0x1C0];
	_ =	sdelay $0x4  }
0x542: {  	v25 =	vshrl.u32 v20, $0x3  }
0x543: {  	v21 =	vmul.u32 $0x18, v25  }
0x544: {  	v20 =	vand.u32 $0x7, v20  }
0x545: {  	v20 =	vor.u32 v20, v21  }
0x546: {  	v21 =	vperm.xlane v20, v0;
	_ =	sdelay $0x1  }
0x547: {  	v20 =	vperm.xlane v20, v4;
	v21 =	vadd.s32 v2, v21;
	_ =	sdelay $0x1  }
0x548: {  	v20 =	vadd.s32 v2, v20;
	_ =	sdelay $0x2  }
0x549: {  	[tilespmem:s17], [sflag:$0x2] =	stream.indirect_vreg.gather [hbm4b:s2+s3], $0x80, v21, vm0, $0xb8;
	[tilespmem:$0x18280] =	vst v63  }
0x54a: {  	_ = 	snop  }
0x54b: {  	[tilespmem:s18], [sflag:$0x2] =	stream.indirect_vreg.gather [hbm4b:s2+s3], $0x80, v20, vm0, $0xb8;
	[tilespmem:$0x18280] =	vst v63  }
0x54c: {  	v20 =	vld [tilespmem:$0x1D0];
	_ =	sdelay $0x4  }
0x54d: {  	v26 =	vshrl.u32 v20, $0x3  }
0x54e: {  	v21 =	vmul.u32 $0x18, v26  }
0x54f: {  	v20 =	vand.u32 $0x7, v20  }
0x550: {  	v20 =	vor.u32 v20, v21  }
0x551: {  	v21 =	vperm.xlane v20, v0;
	_ =	sdelay $0x1  }
0x552: {  	v20 =	vperm.xlane v20, v4;
	v21 =	vadd.s32 v2, v21;
	_ =	sdelay $0x1  }
0x553: {  	v20 =	vadd.s32 v2, v20;
	_ =	sdelay $0x2  }
0x554: {  	[tilespmem:s19], [sflag:$0x2] =	stream.indirect_vreg.gather [hbm4b:s2+s3], $0x80, v21, vm0, $0xb8;
	[tilespmem:$0x18280] =	vst v63  }
0x555: {  	_ = 	snop  }
0x556: {  	[tilespmem:s20], [sflag:$0x2] =	stream.indirect_vreg.gather [hbm4b:s2+s3], $0x80, v20, vm0, $0xb8;
	[tilespmem:$0x18280] =	vst v63  }
0x557: {  	v20 =	vld [tilespmem:$0x1E0];
	_ =	sdelay $0x4  }
0x558: {  	v27 =	vshrl.u32 v20, $0x3  }
0x559: {  	v21 =	vmul.u32 $0x18, v27  }
0x55a: {  	v20 =	vand.u32 $0x7, v20  }
0x55b: {  	v20 =	vor.u32 v20, v21  }
0x55c: {  	v21 =	vperm.xlane v20, v0;
	_ =	sdelay $0x1  }
0x55d: {  	v20 =	vperm.xlane v20, v4;
	v21 =	vadd.s32 v2, v21;
	_ =	sdelay $0x1  }
0x55e: {  	v20 =	vadd.s32 v2, v20;
	_ =	sdelay $0x2  }
0x55f: {  	[tilespmem:s21], [sflag:$0x2] =	stream.indirect_vreg.gather [hbm4b:s2+s3], $0x80, v21, vm0, $0xb8;
	[tilespmem:$0x18280] =	vst v63  }
0x560: {  	_ = 	snop  }
0x561: {  	[tilespmem:s22], [sflag:$0x2] =	stream.indirect_vreg.gather [hbm4b:s2+s3], $0x80, v20, vm0, $0xb8;
	[tilespmem:$0x18280] =	vst v63  }
0x562: {  	v20 =	vld [tilespmem:$0x1F0];
	_ =	sdelay $0x4  }
0x563: {  	v28 =	vshrl.u32 v20, $0x3  }
0x564: {  	v21 =	vmul.u32 $0x18, v28  }
0x565: {  	v20 =	vand.u32 $0x7, v20  }
0x566: {  	v20 =	vor.u32 v20, v21  }
0x567: {  	v21 =	vperm.xlane v20, v0;
	_ =	sdelay $0x1  }
0x568: {  	v20 =	vperm.xlane v20, v4;
	v21 =	vadd.s32 v2, v21;
	_ =	sdelay $0x1  }
0x569: {  	v20 =	vadd.s32 v2, v20;
	_ =	sdelay $0x2  }
0x56a: {  	[tilespmem:s24], [sflag:$0x2] =	stream.indirect_vreg.gather [hbm4b:s2+s3], $0x80, v21, vm0, $0xb8;
	[tilespmem:$0x18280] =	vst v63  }
0x56b: {  	_ = 	snop  }
0x56c: {  	[tilespmem:s25], [sflag:$0x2] =	stream.indirect_vreg.gather [hbm4b:s2+s3], $0x80, v20, vm0, $0xb8;
	[tilespmem:$0x18280] =	vst v63  }
0x56d: {  	v20 =	vld [tilespmem:$0x180];
	_ =	sdelay $0x4  }
0x56e: {  	v29 =	vshrl.u32 v20, $0x3  }
0x56f: {  	v21 =	vmul.u32 $0x18, v29  }
0x570: {  	v20 =	vand.u32 $0x7, v20  }
0x571: {  	v20 =	vor.u32 v20, v21  }
0x572: {  	v21 =	vperm.xlane v20, v5;
	_ =	sdelay $0x1  }
0x573: {  	v30 =	vperm.xlane v20, v7;
	v21 =	vadd.s32 v6, v21;
	_ =	sdelay $0x1  }
0x574: {  	v31 =	vperm.xlane v20, v8;
	v22 =	vadd.s32 v6, v30;
	_ =	sdelay $0x1  }
0x575: {  	v32 =	vperm.xlane v20, v3;
	v23 =	vadd.s32 v6, v31  }
0x576: {  	[tilespmem:s1], [sflag:$0x2] =	stream.indirect_vreg.gather [hbm4b:s4+s3], $0x80, v21, vm1, $0xb8;
	[tilespmem:$0x18280] =	vst v63  }
0x577: {  	v34 =	vperm.xlane v20, v9;
	v33 =	vadd.s32 v6, v32  }
0x578: {  	[tilespmem:s28], [sflag:$0x2] =	stream.indirect_vreg.gather [hbm4b:s4+s3], $0x80, v22, vm1, $0xb8;
	[tilespmem:$0x18280] =	vst v63  }
0x579: {  	v36 =	vperm.xlane v20, v10;
	v35 =	vadd.s32 v6, v34  }
0x57a: {  	[tilespmem:s29], [sflag:$0x2] =	stream.indirect_vreg.gather [hbm4b:s4+s3], $0x80, v23, vm1, $0xb8;
	[tilespmem:$0x18280] =	vst v63  }
0x57b: {  	v38 =	vperm.xlane v20, v11;
	v37 =	vadd.s32 v6, v36  }
0x57c: {  	[tilespmem:s30], [sflag:$0x2] =	stream.indirect_vreg.gather [hbm4b:s4+s3], $0x80, v33, vm1, $0xb8;
	[tilespmem:$0x18280] =	vst v63  }
0x57d: {  	v40 =	vperm.xlane v20, v1;
	v39 =	vadd.s32 v6, v38  }
0x57e: {  	[tilespmem:s31], [sflag:$0x2] =	stream.indirect_vreg.gather [hbm4b:s4+s3], $0x80, v35, vm1, $0xb8;
	[tilespmem:$0x18280] =	vst v63  }
0x57f: {  	s13 =	simm.s32 $0x14500;
	v42 =	vperm.xlane v20, v12;
	v41 =	vadd.s32 v6, v40  }
0x580: {  	[tilespmem:s13], [sflag:$0x2] =	stream.indirect_vreg.gather [hbm4b:s4+s3], $0x80, v37, vm1, $0xb8;
	[tilespmem:$0x18280] =	vst v63  }
0x581: {  	v44 =	vperm.xlane v20, v13;
	v43 =	vadd.s32 v6, v42  }
0x582: {  	[tilespmem:s23], [sflag:$0x2] =	stream.indirect_vreg.gather [hbm4b:s4+s3], $0x80, v39, vm1, $0xb8;
	[tilespmem:$0x18280] =	vst v63  }
0x583: {  	v46 =	vperm.xlane v20, v14;
	v45 =	vadd.s32 v6, v44  }
0x584: {  	[tilespmem:s26], [sflag:$0x2] =	stream.indirect_vreg.gather [hbm4b:s4+s3], $0x80, v41, vm1, $0xb8;
	[tilespmem:$0x18280] =	vst v63  }
0x585: {  	s14 =	simm.s32 $0x14680;
	v48 =	vperm.xlane v20, v15;
	v47 =	vadd.s32 v6, v46  }
0x586: {  	[tilespmem:s14], [sflag:$0x2] =	stream.indirect_vreg.gather [hbm4b:s4+s3], $0x80, v43, vm1, $0xb8;
	[tilespmem:$0x18280] =	vst v63  }
0x587: {  	v50 =	vperm.xlane v20, v16;
	v49 =	vadd.s32 v6, v48;
	s1 =	simm.s32 $0x14700  }
0x588: {  	[tilespmem:s1], [sflag:$0x2] =	stream.indirect_vreg.gather [hbm4b:s4+s3], $0x80, v45, vm1, $0xb8;
	[tilespmem:$0x18280] =	vst v63  }
0x589: {  	v52 =	vperm.xlane v20, v17;
	v51 =	vadd.s32 v6, v50;
	s13 =	simm.s32 $0x14780  }
0x58a: {  	[tilespmem:s13], [sflag:$0x2] =	stream.indirect_vreg.gather [hbm4b:s4+s3], $0x80, v47, vm1, $0xb8;
	[tilespmem:$0x18280] =	vst v63  }
0x58b: {  	v54 =	vperm.xlane v20, v18;
	v53 =	vadd.s32 v6, v52;
	s14 =	simm.s32 $0x14800  }
0x58c: {  	[tilespmem:s14], [sflag:$0x2] =	stream.indirect_vreg.gather [hbm4b:s4+s3], $0x80, v49, vm1, $0xb8;
	[tilespmem:$0x18280] =	vst v63  }
0x58d: {  	v20 =	vperm.xlane v20, v19;
	v55 =	vadd.s32 v6, v54;
	s1 =	simm.s32 $0x14880  }
0x58e: {  	[tilespmem:s1], [sflag:$0x2] =	stream.indirect_vreg.gather [hbm4b:s4+s3], $0x80, v51, vm1, $0xb8;
	[tilespmem:$0x18280] =	vst v63  }
0x58f: {  	v20 =	vadd.s32 v6, v20;
	s13 =	simm.s32 $0x14900  }
0x590: {  	[tilespmem:s13], [sflag:$0x2] =	stream.indirect_vreg.gather [hbm4b:s4+s3], $0x80, v53, vm1, $0xb8;
	[tilespmem:$0x18280] =	vst v63  }
0x591: {  	s14 =	simm.s32 $0x14980  }
0x592: {  	[tilespmem:s14], [sflag:$0x2] =	stream.indirect_vreg.gather [hbm4b:s4+s3], $0x80, v55, vm1, $0xb8;
	[tilespmem:$0x18280] =	vst v63  }
0x593: {  	s1 =	simm.s32 $0x14A00  }
0x594: {  	[tilespmem:s1], [sflag:$0x2] =	stream.indirect_vreg.gather [hbm4b:s4+s3], $0x80, v20, vm1, $0xb8;
	[tilespmem:$0x18280] =	vst v63  }
0x595: {  	v20 =	vld [tilespmem:$0x190];
	_ =	sdelay $0x4  }
0x596: {  	v56 =	vshrl.u32 v20, $0x3  }
0x597: {  	v21 =	vmul.u32 $0x18, v56  }
0x598: {  	v20 =	vand.u32 $0x7, v20  }
0x599: {  	v20 =	vor.u32 v20, v21  }
0x59a: {  	v21 =	vperm.xlane v20, v5;
	_ =	sdelay $0x1  }
0x59b: {  	v57 =	vperm.xlane v20, v7;
	v21 =	vadd.s32 v6, v21;
	_ =	sdelay $0x1  }
0x59c: {  	v58 =	vperm.xlane v20, v8;
	v22 =	vadd.s32 v6, v57;
	_ =	sdelay $0x1  }
0x59d: {  	s13 =	simm.s32 $0x14A80;
	v59 =	vperm.xlane v20, v3;
	v23 =	vadd.s32 v6, v58  }
0x59e: {  	[tilespmem:s13], [sflag:$0x2] =	stream.indirect_vreg.gather [hbm4b:s4+s3], $0x80, v21, vm1, $0xb8;
	[tilespmem:$0x18280] =	vst v63  }
0x59f: {  	s14 =	simm.s32 $0x14B00;
	v61 =	vperm.xlane v20, v9;
	v60 =	vadd.s32 v6, v59  }
0x5a0: {  	[tilespmem:s14], [sflag:$0x2] =	stream.indirect_vreg.gather [hbm4b:s4+s3], $0x80, v22, vm1, $0xb8;
	[tilespmem:$0x18280] =	vst v63  }
0x5a1: {  	s1 =	simm.s32 $0x14B80;
	v63 =	vperm.xlane v20, v10;
	v62 =	vadd.s32 v6, v61  }
0x5a2: {  	[tilespmem:s1], [sflag:$0x2] =	stream.indirect_vreg.gather [hbm4b:s4+s3], $0x80, v23, vm1, $0xb8;
	[tilespmem:$0x18280] =	vst v63  }
0x5a3: {  	v29 =	vperm.xlane v20, v11;
	v28 =	vadd.s32 v6, v63;
	s13 =	simm.s32 $0x14C00  }
0x5a4: {  	[tilespmem:s13], [sflag:$0x2] =	stream.indirect_vreg.gather [hbm4b:s4+s3], $0x80, v60, vm1, $0xb8;
	[tilespmem:$0x18280] =	vst v63  }
0x5a5: {  	v31 =	vperm.xlane v20, v1;
	v30 =	vadd.s32 v6, v29;
	s14 =	simm.s32 $0x14C80  }
0x5a6: {  	[tilespmem:s14], [sflag:$0x2] =	stream.indirect_vreg.gather [hbm4b:s4+s3], $0x80, v62, vm1, $0xb8;
	[tilespmem:$0x18280] =	vst v63  }
0x5a7: {  	v33 =	vperm.xlane v20, v12;
	v32 =	vadd.s32 v6, v31;
	s1 =	simm.s32 $0x14D00  }
0x5a8: {  	[tilespmem:s1], [sflag:$0x2] =	stream.indirect_vreg.gather [hbm4b:s4+s3], $0x80, v28, vm1, $0xb8;
	[tilespmem:$0x18280] =	vst v63  }
0x5a9: {  	v35 =	vperm.xlane v20, v13;
	v34 =	vadd.s32 v6, v33;
	s13 =	simm.s32 $0x14D80  }
0x5aa: {  	[tilespmem:s13], [sflag:$0x2] =	stream.indirect_vreg.gather [hbm4b:s4+s3], $0x80, v30, vm1, $0xb8;
	[tilespmem:$0x18280] =	vst v63  }
0x5ab: {  	v37 =	vperm.xlane v20, v14;
	v36 =	vadd.s32 v6, v35;
	s14 =	simm.s32 $0x14E00  }
0x5ac: {  	[tilespmem:s14], [sflag:$0x2] =	stream.indirect_vreg.gather [hbm4b:s4+s3], $0x80, v32, vm1, $0xb8;
	[tilespmem:$0x18280] =	vst v63  }
0x5ad: {  	v39 =	vperm.xlane v20, v15;
	v38 =	vadd.s32 v6, v37;
	s1 =	simm.s32 $0x14E80  }
0x5ae: {  	[tilespmem:s1], [sflag:$0x2] =	stream.indirect_vreg.gather [hbm4b:s4+s3], $0x80, v34, vm1, $0xb8;
	[tilespmem:$0x18280] =	vst v63  }
0x5af: {  	v41 =	vperm.xlane v20, v16;
	v40 =	vadd.s32 v6, v39;
	s13 =	simm.s32 $0x14F00  }
0x5b0: {  	[tilespmem:s13], [sflag:$0x2] =	stream.indirect_vreg.gather [hbm4b:s4+s3], $0x80, v36, vm1, $0xb8;
	[tilespmem:$0x18280] =	vst v63  }
0x5b1: {  	v43 =	vperm.xlane v20, v17;
	v42 =	vadd.s32 v6, v41;
	s14 =	simm.s32 $0x14F80  }
0x5b2: {  	[tilespmem:s14], [sflag:$0x2] =	stream.indirect_vreg.gather [hbm4b:s4+s3], $0x80, v38, vm1, $0xb8;
	[tilespmem:$0x18280] =	vst v63  }
0x5b3: {  	v45 =	vperm.xlane v20, v18;
	v44 =	vadd.s32 v6, v43;
	s1 =	simm.s32 $0x15000  }
0x5b4: {  	[tilespmem:s1], [sflag:$0x2] =	stream.indirect_vreg.gather [hbm4b:s4+s3], $0x80, v40, vm1, $0xb8;
	[tilespmem:$0x18280] =	vst v63  }
0x5b5: {  	v20 =	vperm.xlane v20, v19;
	v46 =	vadd.s32 v6, v45;
	s13 =	simm.s32 $0x15080  }
0x5b6: {  	[tilespmem:s13], [sflag:$0x2] =	stream.indirect_vreg.gather [hbm4b:s4+s3], $0x80, v42, vm1, $0xb8;
	[tilespmem:$0x18280] =	vst v63  }
0x5b7: {  	v20 =	vadd.s32 v6, v20;
	s14 =	simm.s32 $0x15100  }
0x5b8: {  	[tilespmem:s14], [sflag:$0x2] =	stream.indirect_vreg.gather [hbm4b:s4+s3], $0x80, v44, vm1, $0xb8;
	[tilespmem:$0x18280] =	vst v63  }
0x5b9: {  	s1 =	simm.s32 $0x15180  }
0x5ba: {  	[tilespmem:s1], [sflag:$0x2] =	stream.indirect_vreg.gather [hbm4b:s4+s3], $0x80, v46, vm1, $0xb8;
	[tilespmem:$0x18280] =	vst v63  }
0x5bb: {  	s13 =	simm.s32 $0x15200  }
0x5bc: {  	[tilespmem:s13], [sflag:$0x2] =	stream.indirect_vreg.gather [hbm4b:s4+s3], $0x80, v20, vm1, $0xb8;
	[tilespmem:$0x18280] =	vst v63  }
0x5bd: {  	v20 =	vld [tilespmem:$0x1A0];
	_ =	sdelay $0x4  }
0x5be: {  	v47 =	vshrl.u32 v20, $0x3  }
0x5bf: {  	v21 =	vmul.u32 $0x18, v47  }
0x5c0: {  	v20 =	vand.u32 $0x7, v20  }
0x5c1: {  	v20 =	vor.u32 v20, v21  }
0x5c2: {  	v21 =	vperm.xlane v20, v5;
	_ =	sdelay $0x1  }
0x5c3: {  	v48 =	vperm.xlane v20, v7;
	v21 =	vadd.s32 v6, v21;
	_ =	sdelay $0x1  }
0x5c4: {  	v49 =	vperm.xlane v20, v8;
	v22 =	vadd.s32 v6, v48;
	_ =	sdelay $0x1  }
0x5c5: {  	s14 =	simm.s32 $0x15280;
	v50 =	vperm.xlane v20, v3;
	v23 =	vadd.s32 v6, v49  }
0x5c6: {  	[tilespmem:s14], [sflag:$0x2] =	stream.indirect_vreg.gather [hbm4b:s4+s3], $0x80, v21, vm1, $0xb8;
	[tilespmem:$0x18280] =	vst v63  }
0x5c7: {  	s1 =	simm.s32 $0x15300;
	v52 =	vperm.xlane v20, v9;
	v51 =	vadd.s32 v6, v50  }
0x5c8: {  	[tilespmem:s1], [sflag:$0x2] =	stream.indirect_vreg.gather [hbm4b:s4+s3], $0x80, v22, vm1, $0xb8;
	[tilespmem:$0x18280] =	vst v63  }
0x5c9: {  	s13 =	simm.s32 $0x15380;
	v54 =	vperm.xlane v20, v10;
	v53 =	vadd.s32 v6, v52  }
0x5ca: {  	[tilespmem:s13], [sflag:$0x2] =	stream.indirect_vreg.gather [hbm4b:s4+s3], $0x80, v23, vm1, $0xb8;
	[tilespmem:$0x18280] =	vst v63  }
0x5cb: {  	v56 =	vperm.xlane v20, v11;
	v55 =	vadd.s32 v6, v54;
	s14 =	simm.s32 $0x15400  }
0x5cc: {  	[tilespmem:s14], [sflag:$0x2] =	stream.indirect_vreg.gather [hbm4b:s4+s3], $0x80, v51, vm1, $0xb8;
	[tilespmem:$0x18280] =	vst v63  }
0x5cd: {  	v58 =	vperm.xlane v20, v1;
	v57 =	vadd.s32 v6, v56;
	s1 =	simm.s32 $0x15480  }
0x5ce: {  	[tilespmem:s1], [sflag:$0x2] =	stream.indirect_vreg.gather [hbm4b:s4+s3], $0x80, v53, vm1, $0xb8;
	[tilespmem:$0x18280] =	vst v63  }
0x5cf: {  	v60 =	vperm.xlane v20, v12;
	v59 =	vadd.s32 v6, v58;
	s13 =	simm.s32 $0x15500  }
0x5d0: {  	[tilespmem:s13], [sflag:$0x2] =	stream.indirect_vreg.gather [hbm4b:s4+s3], $0x80, v55, vm1, $0xb8;
	[tilespmem:$0x18280] =	vst v63  }
0x5d1: {  	v62 =	vperm.xlane v20, v13;
	v61 =	vadd.s32 v6, v60;
	s14 =	simm.s32 $0x15580  }
0x5d2: {  	[tilespmem:s14], [sflag:$0x2] =	stream.indirect_vreg.gather [hbm4b:s4+s3], $0x80, v57, vm1, $0xb8;
	[tilespmem:$0x18280] =	vst v63  }
0x5d3: {  	v28 =	vperm.xlane v20, v14;
	v63 =	vadd.s32 v6, v62;
	s1 =	simm.s32 $0x15600  }
0x5d4: {  	[tilespmem:s1], [sflag:$0x2] =	stream.indirect_vreg.gather [hbm4b:s4+s3], $0x80, v59, vm1, $0xb8;
	[tilespmem:$0x18280] =	vst v63  }
0x5d5: {  	v30 =	vperm.xlane v20, v15;
	v29 =	vadd.s32 v6, v28;
	s13 =	simm.s32 $0x15680  }
0x5d6: {  	[tilespmem:s13], [sflag:$0x2] =	stream.indirect_vreg.gather [hbm4b:s4+s3], $0x80, v61, vm1, $0xb8;
	[tilespmem:$0x18280] =	vst v63  }
0x5d7: {  	v32 =	vperm.xlane v20, v16;
	v31 =	vadd.s32 v6, v30;
	s14 =	simm.s32 $0x15700  }
0x5d8: {  	[tilespmem:s14], [sflag:$0x2] =	stream.indirect_vreg.gather [hbm4b:s4+s3], $0x80, v63, vm1, $0xb8;
	[tilespmem:$0x18280] =	vst v63  }
0x5d9: {  	v34 =	vperm.xlane v20, v17;
	v33 =	vadd.s32 v6, v32;
	s1 =	simm.s32 $0x15780  }
0x5da: {  	[tilespmem:s1], [sflag:$0x2] =	stream.indirect_vreg.gather [hbm4b:s4+s3], $0x80, v29, vm1, $0xb8;
	[tilespmem:$0x18280] =	vst v63  }
0x5db: {  	v36 =	vperm.xlane v20, v18;
	v35 =	vadd.s32 v6, v34;
	s13 =	simm.s32 $0x15800  }
0x5dc: {  	[tilespmem:s13], [sflag:$0x2] =	stream.indirect_vreg.gather [hbm4b:s4+s3], $0x80, v31, vm1, $0xb8;
	[tilespmem:$0x18280] =	vst v63  }
0x5dd: {  	v20 =	vperm.xlane v20, v19;
	v37 =	vadd.s32 v6, v36;
	s14 =	simm.s32 $0x15880  }
0x5de: {  	[tilespmem:s14], [sflag:$0x2] =	stream.indirect_vreg.gather [hbm4b:s4+s3], $0x80, v33, vm1, $0xb8;
	[tilespmem:$0x18280] =	vst v63  }
0x5df: {  	v20 =	vadd.s32 v6, v20;
	s1 =	simm.s32 $0x15900  }
0x5e0: {  	[tilespmem:s1], [sflag:$0x2] =	stream.indirect_vreg.gather [hbm4b:s4+s3], $0x80, v35, vm1, $0xb8;
	[tilespmem:$0x18280] =	vst v63  }
0x5e1: {  	s13 =	simm.s32 $0x15980  }
0x5e2: {  	[tilespmem:s13], [sflag:$0x2] =	stream.indirect_vreg.gather [hbm4b:s4+s3], $0x80, v37, vm1, $0xb8;
	[tilespmem:$0x18280] =	vst v63  }
0x5e3: {  	s14 =	simm.s32 $0x15A00  }
0x5e4: {  	[tilespmem:s14], [sflag:$0x2] =	stream.indirect_vreg.gather [hbm4b:s4+s3], $0x80, v20, vm1, $0xb8;
	[tilespmem:$0x18280] =	vst v63  }
0x5e5: {  	v20 =	vld [tilespmem:$0x1B0];
	_ =	sdelay $0x4  }
0x5e6: {  	v38 =	vshrl.u32 v20, $0x3  }
0x5e7: {  	v21 =	vmul.u32 $0x18, v38  }
0x5e8: {  	v20 =	vand.u32 $0x7, v20  }
0x5e9: {  	v20 =	vor.u32 v20, v21  }
0x5ea: {  	v21 =	vperm.xlane v20, v5;
	_ =	sdelay $0x1  }
0x5eb: {  	v39 =	vperm.xlane v20, v7;
	v21 =	vadd.s32 v6, v21;
	_ =	sdelay $0x1  }
0x5ec: {  	v40 =	vperm.xlane v20, v8;
	v22 =	vadd.s32 v6, v39;
	_ =	sdelay $0x1  }
0x5ed: {  	s1 =	simm.s32 $0x15A80;
	v41 =	vperm.xlane v20, v3;
	v23 =	vadd.s32 v6, v40  }
0x5ee: {  	[tilespmem:s1], [sflag:$0x2] =	stream.indirect_vreg.gather [hbm4b:s4+s3], $0x80, v21, vm1, $0xb8;
	[tilespmem:$0x18280] =	vst v63  }
0x5ef: {  	s13 =	simm.s32 $0x15B00;
	v43 =	vperm.xlane v20, v9;
	v42 =	vadd.s32 v6, v41  }
0x5f0: {  	[tilespmem:s13], [sflag:$0x2] =	stream.indirect_vreg.gather [hbm4b:s4+s3], $0x80, v22, vm1, $0xb8;
	[tilespmem:$0x18280] =	vst v63  }
0x5f1: {  	s14 =	simm.s32 $0x15B80;
	v45 =	vperm.xlane v20, v10;
	v44 =	vadd.s32 v6, v43  }
0x5f2: {  	[tilespmem:s14], [sflag:$0x2] =	stream.indirect_vreg.gather [hbm4b:s4+s3], $0x80, v23, vm1, $0xb8;
	[tilespmem:$0x18280] =	vst v63  }
0x5f3: {  	v47 =	vperm.xlane v20, v11;
	v46 =	vadd.s32 v6, v45;
	s1 =	simm.s32 $0x15C00  }
0x5f4: {  	[tilespmem:s1], [sflag:$0x2] =	stream.indirect_vreg.gather [hbm4b:s4+s3], $0x80, v42, vm1, $0xb8;
	[tilespmem:$0x18280] =	vst v63  }
0x5f5: {  	v49 =	vperm.xlane v20, v1;
	v48 =	vadd.s32 v6, v47;
	s13 =	simm.s32 $0x15C80  }
0x5f6: {  	[tilespmem:s13], [sflag:$0x2] =	stream.indirect_vreg.gather [hbm4b:s4+s3], $0x80, v44, vm1, $0xb8;
	[tilespmem:$0x18280] =	vst v63  }
0x5f7: {  	v51 =	vperm.xlane v20, v12;
	v50 =	vadd.s32 v6, v49;
	s14 =	simm.s32 $0x15D00  }
0x5f8: {  	[tilespmem:s14], [sflag:$0x2] =	stream.indirect_vreg.gather [hbm4b:s4+s3], $0x80, v46, vm1, $0xb8;
	[tilespmem:$0x18280] =	vst v63  }
0x5f9: {  	v53 =	vperm.xlane v20, v13;
	v52 =	vadd.s32 v6, v51;
	s1 =	simm.s32 $0x15D80  }
0x5fa: {  	[tilespmem:s1], [sflag:$0x2] =	stream.indirect_vreg.gather [hbm4b:s4+s3], $0x80, v48, vm1, $0xb8;
	[tilespmem:$0x18280] =	vst v63  }
0x5fb: {  	v55 =	vperm.xlane v20, v14;
	v54 =	vadd.s32 v6, v53;
	s13 =	simm.s32 $0x15E00  }
0x5fc: {  	[tilespmem:s13], [sflag:$0x2] =	stream.indirect_vreg.gather [hbm4b:s4+s3], $0x80, v50, vm1, $0xb8;
	[tilespmem:$0x18280] =	vst v63  }
0x5fd: {  	v57 =	vperm.xlane v20, v15;
	v56 =	vadd.s32 v6, v55;
	s14 =	simm.s32 $0x15E80  }
0x5fe: {  	[tilespmem:s14], [sflag:$0x2] =	stream.indirect_vreg.gather [hbm4b:s4+s3], $0x80, v52, vm1, $0xb8;
	[tilespmem:$0x18280] =	vst v63  }
0x5ff: {  	v59 =	vperm.xlane v20, v16;
	v58 =	vadd.s32 v6, v57;
	s1 =	simm.s32 $0x15F00  }
0x600: {  	[tilespmem:s1], [sflag:$0x2] =	stream.indirect_vreg.gather [hbm4b:s4+s3], $0x80, v54, vm1, $0xb8;
	[tilespmem:$0x18280] =	vst v63  }
0x601: {  	v61 =	vperm.xlane v20, v17;
	v60 =	vadd.s32 v6, v59;
	s13 =	simm.s32 $0x15F80  }
0x602: {  	[tilespmem:s13], [sflag:$0x2] =	stream.indirect_vreg.gather [hbm4b:s4+s3], $0x80, v56, vm1, $0xb8;
	[tilespmem:$0x18280] =	vst v63  }
0x603: {  	v63 =	vperm.xlane v20, v18;
	v62 =	vadd.s32 v6, v61;
	s14 =	simm.s32 $0x16000  }
0x604: {  	[tilespmem:s14], [sflag:$0x2] =	stream.indirect_vreg.gather [hbm4b:s4+s3], $0x80, v58, vm1, $0xb8;
	[tilespmem:$0x18280] =	vst v63  }
0x605: {  	v20 =	vperm.xlane v20, v19;
	v24 =	vadd.s32 v6, v63;
	s1 =	simm.s32 $0x16080  }
0x606: {  	[tilespmem:s1], [sflag:$0x2] =	stream.indirect_vreg.gather [hbm4b:s4+s3], $0x80, v60, vm1, $0xb8;
	[tilespmem:$0x18280] =	vst v63  }
0x607: {  	v20 =	vadd.s32 v6, v20;
	s13 =	simm.s32 $0x16100  }
0x608: {  	[tilespmem:s13], [sflag:$0x2] =	stream.indirect_vreg.gather [hbm4b:s4+s3], $0x80, v62, vm1, $0xb8;
	[tilespmem:$0x18280] =	vst v63  }
0x609: {  	s14 =	simm.s32 $0x16180  }
0x60a: {  	[tilespmem:s14], [sflag:$0x2] =	stream.indirect_vreg.gather [hbm4b:s4+s3], $0x80, v24, vm1, $0xb8;
	[tilespmem:$0x18280] =	vst v63  }
0x60b: {  	s1 =	simm.s32 $0x16200  }
0x60c: {  	[tilespmem:s1], [sflag:$0x2] =	stream.indirect_vreg.gather [hbm4b:s4+s3], $0x80, v20, vm1, $0xb8;
	[tilespmem:$0x18280] =	vst v63  }
0x60d: {  	v20 =	vld [tilespmem:$0x1C0];
	_ =	sdelay $0x4  }
0x60e: {  	v25 =	vshrl.u32 v20, $0x3  }
0x60f: {  	v21 =	vmul.u32 $0x18, v25  }
0x610: {  	v20 =	vand.u32 $0x7, v20  }
0x611: {  	v20 =	vor.u32 v20, v21  }
0x612: {  	v21 =	vperm.xlane v20, v5;
	_ =	sdelay $0x1  }
0x613: {  	v26 =	vperm.xlane v20, v7;
	v21 =	vadd.s32 v6, v21;
	_ =	sdelay $0x1  }
0x614: {  	v27 =	vperm.xlane v20, v8;
	v22 =	vadd.s32 v6, v26;
	_ =	sdelay $0x1  }
0x615: {  	s13 =	simm.s32 $0x16280;
	v28 =	vperm.xlane v20, v3;
	v23 =	vadd.s32 v6, v27  }
0x616: {  	[tilespmem:s13], [sflag:$0x2] =	stream.indirect_vreg.gather [hbm4b:s4+s3], $0x80, v21, vm1, $0xb8;
	[tilespmem:$0x18280] =	vst v63  }
0x617: {  	s14 =	simm.s32 $0x16300;
	v30 =	vperm.xlane v20, v9;
	v29 =	vadd.s32 v6, v28  }
0x618: {  	[tilespmem:s14], [sflag:$0x2] =	stream.indirect_vreg.gather [hbm4b:s4+s3], $0x80, v22, vm1, $0xb8;
	[tilespmem:$0x18280] =	vst v63  }
0x619: {  	s1 =	simm.s32 $0x16380;
	v32 =	vperm.xlane v20, v10;
	v31 =	vadd.s32 v6, v30  }
0x61a: {  	[tilespmem:s1], [sflag:$0x2] =	stream.indirect_vreg.gather [hbm4b:s4+s3], $0x80, v23, vm1, $0xb8;
	[tilespmem:$0x18280] =	vst v63  }
0x61b: {  	v34 =	vperm.xlane v20, v11;
	v33 =	vadd.s32 v6, v32;
	s13 =	simm.s32 $0x16400  }
0x61c: {  	[tilespmem:s13], [sflag:$0x2] =	stream.indirect_vreg.gather [hbm4b:s4+s3], $0x80, v29, vm1, $0xb8;
	[tilespmem:$0x18280] =	vst v63  }
0x61d: {  	v36 =	vperm.xlane v20, v1;
	v35 =	vadd.s32 v6, v34;
	s14 =	simm.s32 $0x16480  }
0x61e: {  	[tilespmem:s14], [sflag:$0x2] =	stream.indirect_vreg.gather [hbm4b:s4+s3], $0x80, v31, vm1, $0xb8;
	[tilespmem:$0x18280] =	vst v63  }
0x61f: {  	v38 =	vperm.xlane v20, v12;
	v37 =	vadd.s32 v6, v36;
	s1 =	simm.s32 $0x16500  }
0x620: {  	[tilespmem:s1], [sflag:$0x2] =	stream.indirect_vreg.gather [hbm4b:s4+s3], $0x80, v33, vm1, $0xb8;
	[tilespmem:$0x18280] =	vst v63  }
0x621: {  	v40 =	vperm.xlane v20, v13;
	v39 =	vadd.s32 v6, v38;
	s13 =	simm.s32 $0x16580  }
0x622: {  	[tilespmem:s13], [sflag:$0x2] =	stream.indirect_vreg.gather [hbm4b:s4+s3], $0x80, v35, vm1, $0xb8;
	[tilespmem:$0x18280] =	vst v63  }
0x623: {  	v42 =	vperm.xlane v20, v14;
	v41 =	vadd.s32 v6, v40;
	s14 =	simm.s32 $0x16600  }
0x624: {  	[tilespmem:s14], [sflag:$0x2] =	stream.indirect_vreg.gather [hbm4b:s4+s3], $0x80, v37, vm1, $0xb8;
	[tilespmem:$0x18280] =	vst v63  }
0x625: {  	v44 =	vperm.xlane v20, v15;
	v43 =	vadd.s32 v6, v42;
	s1 =	simm.s32 $0x16680  }
0x626: {  	[tilespmem:s1], [sflag:$0x2] =	stream.indirect_vreg.gather [hbm4b:s4+s3], $0x80, v39, vm1, $0xb8;
	[tilespmem:$0x18280] =	vst v63  }
0x627: {  	v46 =	vperm.xlane v20, v16;
	v45 =	vadd.s32 v6, v44;
	s13 =	simm.s32 $0x16700  }
0x628: {  	[tilespmem:s13], [sflag:$0x2] =	stream.indirect_vreg.gather [hbm4b:s4+s3], $0x80, v41, vm1, $0xb8;
	[tilespmem:$0x18280] =	vst v63  }
0x629: {  	v48 =	vperm.xlane v20, v17;
	v47 =	vadd.s32 v6, v46;
	s14 =	simm.s32 $0x16780  }
0x62a: {  	[tilespmem:s14], [sflag:$0x2] =	stream.indirect_vreg.gather [hbm4b:s4+s3], $0x80, v43, vm1, $0xb8;
	[tilespmem:$0x18280] =	vst v63  }
0x62b: {  	v50 =	vperm.xlane v20, v18;
	v49 =	vadd.s32 v6, v48;
	s1 =	simm.s32 $0x16800  }
0x62c: {  	[tilespmem:s1], [sflag:$0x2] =	stream.indirect_vreg.gather [hbm4b:s4+s3], $0x80, v45, vm1, $0xb8;
	[tilespmem:$0x18280] =	vst v63  }
0x62d: {  	v20 =	vperm.xlane v20, v19;
	v51 =	vadd.s32 v6, v50;
	s13 =	simm.s32 $0x16880  }
0x62e: {  	[tilespmem:s13], [sflag:$0x2] =	stream.indirect_vreg.gather [hbm4b:s4+s3], $0x80, v47, vm1, $0xb8;
	[tilespmem:$0x18280] =	vst v63  }
0x62f: {  	v20 =	vadd.s32 v6, v20;
	s14 =	simm.s32 $0x16900  }
0x630: {  	[tilespmem:s14], [sflag:$0x2] =	stream.indirect_vreg.gather [hbm4b:s4+s3], $0x80, v49, vm1, $0xb8;
	[tilespmem:$0x18280] =	vst v63  }
0x631: {  	s1 =	simm.s32 $0x16980  }
0x632: {  	[tilespmem:s1], [sflag:$0x2] =	stream.indirect_vreg.gather [hbm4b:s4+s3], $0x80, v51, vm1, $0xb8;
	[tilespmem:$0x18280] =	vst v63  }
0x633: {  	s13 =	simm.s32 $0x16A00  }
0x634: {  	[tilespmem:s13], [sflag:$0x2] =	stream.indirect_vreg.gather [hbm4b:s4+s3], $0x80, v20, vm1, $0xb8;
	[tilespmem:$0x18280] =	vst v63  }
0x635: {  	v20 =	vld [tilespmem:$0x1D0];
	_ =	sdelay $0x4  }
0x636: {  	v52 =	vshrl.u32 v20, $0x3  }
0x637: {  	v21 =	vmul.u32 $0x18, v52  }
0x638: {  	v20 =	vand.u32 $0x7, v20  }
0x639: {  	v20 =	vor.u32 v20, v21  }
0x63a: {  	v21 =	vperm.xlane v20, v5;
	_ =	sdelay $0x1  }
0x63b: {  	v53 =	vperm.xlane v20, v7;
	v21 =	vadd.s32 v6, v21;
	_ =	sdelay $0x1  }
0x63c: {  	v54 =	vperm.xlane v20, v8;
	v22 =	vadd.s32 v6, v53;
	_ =	sdelay $0x1  }
0x63d: {  	s14 =	simm.s32 $0x16A80;
	v55 =	vperm.xlane v20, v3;
	v23 =	vadd.s32 v6, v54  }
0x63e: {  	[tilespmem:s14], [sflag:$0x2] =	stream.indirect_vreg.gather [hbm4b:s4+s3], $0x80, v21, vm1, $0xb8;
	[tilespmem:$0x18280] =	vst v63  }
0x63f: {  	s1 =	simm.s32 $0x16B00;
	v57 =	vperm.xlane v20, v9;
	v56 =	vadd.s32 v6, v55  }
0x640: {  	[tilespmem:s1], [sflag:$0x2] =	stream.indirect_vreg.gather [hbm4b:s4+s3], $0x80, v22, vm1, $0xb8;
	[tilespmem:$0x18280] =	vst v63  }
0x641: {  	s13 =	simm.s32 $0x16B80;
	v59 =	vperm.xlane v20, v10;
	v58 =	vadd.s32 v6, v57  }
0x642: {  	[tilespmem:s13], [sflag:$0x2] =	stream.indirect_vreg.gather [hbm4b:s4+s3], $0x80, v23, vm1, $0xb8;
	[tilespmem:$0x18280] =	vst v63  }
0x643: {  	v61 =	vperm.xlane v20, v11;
	v60 =	vadd.s32 v6, v59;
	s14 =	simm.s32 $0x16C00  }
0x644: {  	[tilespmem:s14], [sflag:$0x2] =	stream.indirect_vreg.gather [hbm4b:s4+s3], $0x80, v56, vm1, $0xb8;
	[tilespmem:$0x18280] =	vst v63  }
0x645: {  	v63 =	vperm.xlane v20, v1;
	v62 =	vadd.s32 v6, v61;
	s1 =	simm.s32 $0x16C80  }
0x646: {  	[tilespmem:s1], [sflag:$0x2] =	stream.indirect_vreg.gather [hbm4b:s4+s3], $0x80, v58, vm1, $0xb8;
	[tilespmem:$0x18280] =	vst v63  }
0x647: {  	v29 =	vperm.xlane v20, v12;
	v28 =	vadd.s32 v6, v63;
	s13 =	simm.s32 $0x16D00  }
0x648: {  	[tilespmem:s13], [sflag:$0x2] =	stream.indirect_vreg.gather [hbm4b:s4+s3], $0x80, v60, vm1, $0xb8;
	[tilespmem:$0x18280] =	vst v63  }
0x649: {  	v31 =	vperm.xlane v20, v13;
	v30 =	vadd.s32 v6, v29;
	s14 =	simm.s32 $0x16D80  }
0x64a: {  	[tilespmem:s14], [sflag:$0x2] =	stream.indirect_vreg.gather [hbm4b:s4+s3], $0x80, v62, vm1, $0xb8;
	[tilespmem:$0x18280] =	vst v63  }
0x64b: {  	v33 =	vperm.xlane v20, v14;
	v32 =	vadd.s32 v6, v31;
	s1 =	simm.s32 $0x16E00  }
0x64c: {  	[tilespmem:s1], [sflag:$0x2] =	stream.indirect_vreg.gather [hbm4b:s4+s3], $0x80, v28, vm1, $0xb8;
	[tilespmem:$0x18280] =	vst v63  }
0x64d: {  	v35 =	vperm.xlane v20, v15;
	v34 =	vadd.s32 v6, v33;
	s13 =	simm.s32 $0x16E80  }
0x64e: {  	[tilespmem:s13], [sflag:$0x2] =	stream.indirect_vreg.gather [hbm4b:s4+s3], $0x80, v30, vm1, $0xb8;
	[tilespmem:$0x18280] =	vst v63  }
0x64f: {  	v37 =	vperm.xlane v20, v16;
	v36 =	vadd.s32 v6, v35;
	s14 =	simm.s32 $0x16F00  }
0x650: {  	[tilespmem:s14], [sflag:$0x2] =	stream.indirect_vreg.gather [hbm4b:s4+s3], $0x80, v32, vm1, $0xb8;
	[tilespmem:$0x18280] =	vst v63  }
0x651: {  	v39 =	vperm.xlane v20, v17;
	v38 =	vadd.s32 v6, v37;
	s1 =	simm.s32 $0x16F80  }
0x652: {  	[tilespmem:s1], [sflag:$0x2] =	stream.indirect_vreg.gather [hbm4b:s4+s3], $0x80, v34, vm1, $0xb8;
	[tilespmem:$0x18280] =	vst v63  }
0x653: {  	v41 =	vperm.xlane v20, v18;
	v40 =	vadd.s32 v6, v39;
	s13 =	simm.s32 $0x17000  }
0x654: {  	[tilespmem:s13], [sflag:$0x2] =	stream.indirect_vreg.gather [hbm4b:s4+s3], $0x80, v36, vm1, $0xb8;
	[tilespmem:$0x18280] =	vst v63  }
0x655: {  	v20 =	vperm.xlane v20, v19;
	v42 =	vadd.s32 v6, v41;
	s14 =	simm.s32 $0x17080  }
0x656: {  	[tilespmem:s14], [sflag:$0x2] =	stream.indirect_vreg.gather [hbm4b:s4+s3], $0x80, v38, vm1, $0xb8;
	[tilespmem:$0x18280] =	vst v63  }
0x657: {  	v20 =	vadd.s32 v6, v20;
	s1 =	simm.s32 $0x17100  }
0x658: {  	[tilespmem:s1], [sflag:$0x2] =	stream.indirect_vreg.gather [hbm4b:s4+s3], $0x80, v40, vm1, $0xb8;
	[tilespmem:$0x18280] =	vst v63  }
0x659: {  	s13 =	simm.s32 $0x17180  }
0x65a: {  	[tilespmem:s13], [sflag:$0x2] =	stream.indirect_vreg.gather [hbm4b:s4+s3], $0x80, v42, vm1, $0xb8;
	[tilespmem:$0x18280] =	vst v63  }
0x65b: {  	s14 =	simm.s32 $0x17200  }
0x65c: {  	[tilespmem:s14], [sflag:$0x2] =	stream.indirect_vreg.gather [hbm4b:s4+s3], $0x80, v20, vm1, $0xb8;
	[tilespmem:$0x18280] =	vst v63  }
0x65d: {  	v20 =	vld [tilespmem:$0x1E0];
	_ =	sdelay $0x4  }
0x65e: {  	v43 =	vshrl.u32 v20, $0x3  }
0x65f: {  	v21 =	vmul.u32 $0x18, v43  }
0x660: {  	v20 =	vand.u32 $0x7, v20  }
0x661: {  	v20 =	vor.u32 v20, v21  }
0x662: {  	v21 =	vperm.xlane v20, v5;
	_ =	sdelay $0x1  }
0x663: {  	v44 =	vperm.xlane v20, v7;
	v21 =	vadd.s32 v6, v21;
	_ =	sdelay $0x1  }
0x664: {  	v45 =	vperm.xlane v20, v8;
	v22 =	vadd.s32 v6, v44;
	_ =	sdelay $0x1  }
0x665: {  	s1 =	simm.s32 $0x17280;
	v46 =	vperm.xlane v20, v3;
	v23 =	vadd.s32 v6, v45  }
0x666: {  	[tilespmem:s1], [sflag:$0x2] =	stream.indirect_vreg.gather [hbm4b:s4+s3], $0x80, v21, vm1, $0xb8;
	[tilespmem:$0x18280] =	vst v63  }
0x667: {  	s13 =	simm.s32 $0x17300;
	v48 =	vperm.xlane v20, v9;
	v47 =	vadd.s32 v6, v46  }
0x668: {  	[tilespmem:s13], [sflag:$0x2] =	stream.indirect_vreg.gather [hbm4b:s4+s3], $0x80, v22, vm1, $0xb8;
	[tilespmem:$0x18280] =	vst v63  }
0x669: {  	s14 =	simm.s32 $0x17380;
	v50 =	vperm.xlane v20, v10;
	v49 =	vadd.s32 v6, v48  }
0x66a: {  	[tilespmem:s14], [sflag:$0x2] =	stream.indirect_vreg.gather [hbm4b:s4+s3], $0x80, v23, vm1, $0xb8;
	[tilespmem:$0x18280] =	vst v63  }
0x66b: {  	v52 =	vperm.xlane v20, v11;
	v51 =	vadd.s32 v6, v50;
	s1 =	simm.s32 $0x17400  }
0x66c: {  	[tilespmem:s1], [sflag:$0x2] =	stream.indirect_vreg.gather [hbm4b:s4+s3], $0x80, v47, vm1, $0xb8;
	[tilespmem:$0x18280] =	vst v63  }
0x66d: {  	v54 =	vperm.xlane v20, v1;
	v53 =	vadd.s32 v6, v52;
	s13 =	simm.s32 $0x17480  }
0x66e: {  	[tilespmem:s13], [sflag:$0x2] =	stream.indirect_vreg.gather [hbm4b:s4+s3], $0x80, v49, vm1, $0xb8;
	[tilespmem:$0x18280] =	vst v63  }
0x66f: {  	v56 =	vperm.xlane v20, v12;
	v55 =	vadd.s32 v6, v54;
	s14 =	simm.s32 $0x17500  }
0x670: {  	[tilespmem:s14], [sflag:$0x2] =	stream.indirect_vreg.gather [hbm4b:s4+s3], $0x80, v51, vm1, $0xb8;
	[tilespmem:$0x18280] =	vst v63  }
0x671: {  	v58 =	vperm.xlane v20, v13;
	v57 =	vadd.s32 v6, v56;
	s1 =	simm.s32 $0x17580  }
0x672: {  	[tilespmem:s1], [sflag:$0x2] =	stream.indirect_vreg.gather [hbm4b:s4+s3], $0x80, v53, vm1, $0xb8;
	[tilespmem:$0x18280] =	vst v63  }
0x673: {  	v60 =	vperm.xlane v20, v14;
	v59 =	vadd.s32 v6, v58;
	s13 =	simm.s32 $0x17600  }
0x674: {  	[tilespmem:s13], [sflag:$0x2] =	stream.indirect_vreg.gather [hbm4b:s4+s3], $0x80, v55, vm1, $0xb8;
	[tilespmem:$0x18280] =	vst v63  }
0x675: {  	v62 =	vperm.xlane v20, v15;
	v61 =	vadd.s32 v6, v60;
	s14 =	simm.s32 $0x17680  }
0x676: {  	[tilespmem:s14], [sflag:$0x2] =	stream.indirect_vreg.gather [hbm4b:s4+s3], $0x80, v57, vm1, $0xb8;
	[tilespmem:$0x18280] =	vst v63  }
0x677: {  	v28 =	vperm.xlane v20, v16;
	v63 =	vadd.s32 v6, v62;
	s1 =	simm.s32 $0x17700  }
0x678: {  	[tilespmem:s1], [sflag:$0x2] =	stream.indirect_vreg.gather [hbm4b:s4+s3], $0x80, v59, vm1, $0xb8;
	[tilespmem:$0x18280] =	vst v63  }
0x679: {  	v30 =	vperm.xlane v20, v17;
	v29 =	vadd.s32 v6, v28;
	s13 =	simm.s32 $0x17780  }
0x67a: {  	[tilespmem:s13], [sflag:$0x2] =	stream.indirect_vreg.gather [hbm4b:s4+s3], $0x80, v61, vm1, $0xb8;
	[tilespmem:$0x18280] =	vst v63  }
0x67b: {  	v32 =	vperm.xlane v20, v18;
	v31 =	vadd.s32 v6, v30;
	s14 =	simm.s32 $0x17800  }
0x67c: {  	[tilespmem:s14], [sflag:$0x2] =	stream.indirect_vreg.gather [hbm4b:s4+s3], $0x80, v63, vm1, $0xb8;
	[tilespmem:$0x18280] =	vst v63  }
0x67d: {  	v20 =	vperm.xlane v20, v19;
	v33 =	vadd.s32 v6, v32;
	s1 =	simm.s32 $0x17880  }
0x67e: {  	[tilespmem:s1], [sflag:$0x2] =	stream.indirect_vreg.gather [hbm4b:s4+s3], $0x80, v29, vm1, $0xb8;
	[tilespmem:$0x18280] =	vst v63  }
0x67f: {  	v20 =	vadd.s32 v6, v20;
	s13 =	simm.s32 $0x17900  }
0x680: {  	[tilespmem:s13], [sflag:$0x2] =	stream.indirect_vreg.gather [hbm4b:s4+s3], $0x80, v31, vm1, $0xb8;
	[tilespmem:$0x18280] =	vst v63  }
0x681: {  	s14 =	simm.s32 $0x17980  }
0x682: {  	[tilespmem:s14], [sflag:$0x2] =	stream.indirect_vreg.gather [hbm4b:s4+s3], $0x80, v33, vm1, $0xb8;
	[tilespmem:$0x18280] =	vst v63  }
0x683: {  	s1 =	simm.s32 $0x17A00  }
0x684: {  	[tilespmem:s1], [sflag:$0x2] =	stream.indirect_vreg.gather [hbm4b:s4+s3], $0x80, v20, vm1, $0xb8;
	[tilespmem:$0x18280] =	vst v63  }
0x685: {  	v20 =	vld [tilespmem:$0x1F0];
	_ =	sdelay $0x4  }
0x686: {  	v34 =	vshrl.u32 v20, $0x3  }
0x687: {  	v21 =	vmul.u32 $0x18, v34  }
0x688: {  	v20 =	vand.u32 $0x7, v20  }
0x689: {  	v20 =	vor.u32 v20, v21  }
0x68a: {  	v21 =	vperm.xlane v20, v5;
	_ =	sdelay $0x1  }
0x68b: {  	v35 =	vperm.xlane v20, v7;
	v21 =	vadd.s32 v6, v21;
	_ =	sdelay $0x1  }
0x68c: {  	v36 =	vperm.xlane v20, v8;
	v22 =	vadd.s32 v6, v35;
	_ =	sdelay $0x1  }
0x68d: {  	s13 =	simm.s32 $0x17A80;
	v37 =	vperm.xlane v20, v3;
	v23 =	vadd.s32 v6, v36  }
0x68e: {  	[tilespmem:s13], [sflag:$0x2] =	stream.indirect_vreg.gather [hbm4b:s4+s3], $0x80, v21, vm1, $0xb8;
	[tilespmem:$0x18280] =	vst v63  }
0x68f: {  	s14 =	simm.s32 $0x17B00;
	v39 =	vperm.xlane v20, v9;
	v38 =	vadd.s32 v6, v37  }
0x690: {  	[tilespmem:s14], [sflag:$0x2] =	stream.indirect_vreg.gather [hbm4b:s4+s3], $0x80, v22, vm1, $0xb8;
	[tilespmem:$0x18280] =	vst v63  }
0x691: {  	s1 =	simm.s32 $0x17B80;
	v41 =	vperm.xlane v20, v10;
	v40 =	vadd.s32 v6, v39  }
0x692: {  	[tilespmem:s1], [sflag:$0x2] =	stream.indirect_vreg.gather [hbm4b:s4+s3], $0x80, v23, vm1, $0xb8;
	[tilespmem:$0x18280] =	vst v63  }
0x693: {  	v43 =	vperm.xlane v20, v11;
	v42 =	vadd.s32 v6, v41;
	s13 =	simm.s32 $0x17C00  }
0x694: {  	[tilespmem:s13], [sflag:$0x2] =	stream.indirect_vreg.gather [hbm4b:s4+s3], $0x80, v38, vm1, $0xb8;
	[tilespmem:$0x18280] =	vst v63  }
0x695: {  	v45 =	vperm.xlane v20, v1;
	v44 =	vadd.s32 v6, v43;
	s14 =	simm.s32 $0x17C80  }
0x696: {  	[tilespmem:s14], [sflag:$0x2] =	stream.indirect_vreg.gather [hbm4b:s4+s3], $0x80, v40, vm1, $0xb8;
	[tilespmem:$0x18280] =	vst v63  }
0x697: {  	v47 =	vperm.xlane v20, v12;
	v46 =	vadd.s32 v6, v45;
	s1 =	simm.s32 $0x17D00  }
0x698: {  	[tilespmem:s1], [sflag:$0x2] =	stream.indirect_vreg.gather [hbm4b:s4+s3], $0x80, v42, vm1, $0xb8;
	[tilespmem:$0x18280] =	vst v63  }
0x699: {  	v49 =	vperm.xlane v20, v13;
	v48 =	vadd.s32 v6, v47;
	s13 =	simm.s32 $0x17D80  }
0x69a: {  	[tilespmem:s13], [sflag:$0x2] =	stream.indirect_vreg.gather [hbm4b:s4+s3], $0x80, v44, vm1, $0xb8;
	[tilespmem:$0x18280] =	vst v63  }
0x69b: {  	v51 =	vperm.xlane v20, v14;
	v50 =	vadd.s32 v6, v49;
	s14 =	simm.s32 $0x17E00  }
0x69c: {  	[tilespmem:s14], [sflag:$0x2] =	stream.indirect_vreg.gather [hbm4b:s4+s3], $0x80, v46, vm1, $0xb8;
	[tilespmem:$0x18280] =	vst v63  }
0x69d: {  	v53 =	vperm.xlane v20, v15;
	v52 =	vadd.s32 v6, v51;
	s1 =	simm.s32 $0x17E80  }
0x69e: {  	[tilespmem:s1], [sflag:$0x2] =	stream.indirect_vreg.gather [hbm4b:s4+s3], $0x80, v48, vm1, $0xb8;
	[tilespmem:$0x18280] =	vst v63  }
0x69f: {  	v55 =	vperm.xlane v20, v16;
	v54 =	vadd.s32 v6, v53;
	s13 =	simm.s32 $0x17F00  }
0x6a0: {  	[tilespmem:s13], [sflag:$0x2] =	stream.indirect_vreg.gather [hbm4b:s4+s3], $0x80, v50, vm1, $0xb8;
	[tilespmem:$0x18280] =	vst v63  }
0x6a1: {  	v57 =	vperm.xlane v20, v17;
	v56 =	vadd.s32 v6, v55;
	s14 =	simm.s32 $0x17F80  }
0x6a2: {  	[tilespmem:s14], [sflag:$0x2] =	stream.indirect_vreg.gather [hbm4b:s4+s3], $0x80, v52, vm1, $0xb8;
	[tilespmem:$0x18280] =	vst v63  }
0x6a3: {  	v59 =	vperm.xlane v20, v18;
	v58 =	vadd.s32 v6, v57;
	s1 =	simm.s32 $0x18000  }
0x6a4: {  	[tilespmem:s1], [sflag:$0x2] =	stream.indirect_vreg.gather [hbm4b:s4+s3], $0x80, v54, vm1, $0xb8;
	[tilespmem:$0x18280] =	vst v63  }
0x6a5: {  	v20 =	vperm.xlane v20, v19;
	v60 =	vadd.s32 v6, v59;
	s13 =	simm.s32 $0x18080  }
0x6a6: {  	[tilespmem:s13], [sflag:$0x2] =	stream.indirect_vreg.gather [hbm4b:s4+s3], $0x80, v56, vm1, $0xb8;
	[tilespmem:$0x18280] =	vst v63  }
0x6a7: {  	v20 =	vadd.s32 v6, v20;
	s14 =	simm.s32 $0x18100  }
0x6a8: {  	[tilespmem:s14], [sflag:$0x2] =	stream.indirect_vreg.gather [hbm4b:s4+s3], $0x80, v58, vm1, $0xb8;
	[tilespmem:$0x18280] =	vst v63  }
0x6a9: {  	s1 =	simm.s32 $0x18180  }
0x6aa: {  	[tilespmem:s1], [sflag:$0x2] =	stream.indirect_vreg.gather [hbm4b:s4+s3], $0x80, v60, vm1, $0xb8;
	[tilespmem:$0x18280] =	vst v63  }
0x6ab: {  	s13 =	simm.s32 $0x18200  }
0x6ac: {  	[tilespmem:s13], [sflag:$0x2] =	stream.indirect_vreg.gather [hbm4b:s4+s3], $0x80, v20, vm1, $0xb8;
	[tilespmem:$0x18280] =	vst v63  }
0x6ad: {  	_ =	swait.ge [sflag:s9], $0x8000  }
0x6ae: {  	[sflag:s9] =	ssyncset.done $0x0  }
0x6af: {  	[sflag:s9] =	ssyncadd.s32 $0xFFFF8000  }
0x6b0: {  	_ =	swait.ge [sflag:s9], $0x4000  }
0x6b1: {  	[sflag:s9] =	ssyncset.done $0x0  }
0x6b2: {  	s0 =	simm.s32 $0x280;
	s14 =	rddreg [dreg:$0x8];
	[sflag:s9] =	ssyncadd.s32 $0xFFFFC000  }
0x6b3: {  	[hbm4b:s14+s7] =	stream.strided.scatter [tilespmem:s0], [sflag:$0x3], $0x8000, s10, s7, $0x38;
	[tilespmem:$0x18280] =	vst v63  }
0x6b4: {  	_ =	swait.ge [sflag:s6], $0x8000  }
0x6b5: {  	[sflag:s6] =	ssyncset.done $0x0  }
0x6b6: {  	s14 =	simm.s32 $0x10280;
	s1 =	rddreg [dreg:$0x9];
	[sflag:s6] =	ssyncadd.s32 $0xFFFF8000  }
0x6b7: {  	[hbm4b:s1+s8] =	stream.strided.scatter [tilespmem:s14], [sflag:$0x3], $0x4000, s10, s8, $0x38;
	[tilespmem:$0x18280] =	vst v63  }
0x6b8: {  	_ =	swait.ge [sflag:s6], $0x4000  }
0x6b9: {  	[sflag:s6] =	ssyncset.done $0x0  }
0x6ba: {  	[sflag:s6] =	ssyncadd.s32 $0xFFFFC000  }
0x6bb: {  	v20 =	vld [tilespmem:$0x200];
	_ =	sdelay $0x4  }
0x6bc: {  	v61 =	vshrl.u32 v20, $0x3  }
0x6bd: {  	v21 =	vmul.u32 $0x18, v61  }
0x6be: {  	v20 =	vand.u32 $0x7, v20  }
0x6bf: {  	v20 =	vor.u32 v20, v21  }
0x6c0: {  	v21 =	vperm.xlane v20, v0;
	_ =	sdelay $0x1  }
0x6c1: {  	v20 =	vperm.xlane v20, v4;
	v21 =	vadd.s32 v2, v21;
	_ =	sdelay $0x1  }
0x6c2: {  	v20 =	vadd.s32 v2, v20;
	_ =	sdelay $0x2  }
0x6c3: {  	[tilespmem:s0], [sflag:$0x1] =	stream.indirect_vreg.gather [hbm4b:s2+s3], $0x80, v21, vm0, $0xb8;
	[tilespmem:$0x18280] =	vst v63  }
0x6c4: {  	s13 =	simm.s32 $0xA80  }
0x6c5: {  	[tilespmem:s13], [sflag:$0x1] =	stream.indirect_vreg.gather [hbm4b:s2+s3], $0x80, v20, vm0, $0xb8;
	[tilespmem:$0x18280] =	vst v63  }
0x6c6: {  	v20 =	vld [tilespmem:$0x210];
	_ =	sdelay $0x4  }
0x6c7: {  	v62 =	vshrl.u32 v20, $0x3  }
0x6c8: {  	v21 =	vmul.u32 $0x18, v62  }
0x6c9: {  	v20 =	vand.u32 $0x7, v20  }
0x6ca: {  	v20 =	vor.u32 v20, v21  }
0x6cb: {  	v21 =	vperm.xlane v20, v0;
	_ =	sdelay $0x1  }
0x6cc: {  	v20 =	vperm.xlane v20, v4;
	v21 =	vadd.s32 v2, v21;
	_ =	sdelay $0x1  }
0x6cd: {  	v20 =	vadd.s32 v2, v20;
	_ =	sdelay $0x1  }
0x6ce: {  	s13 =	simm.s32 $0x1280  }
0x6cf: {  	[tilespmem:s13], [sflag:$0x1] =	stream.indirect_vreg.gather [hbm4b:s2+s3], $0x80, v21, vm0, $0xb8;
	[tilespmem:$0x18280] =	vst v63  }
0x6d0: {  	s13 =	simm.s32 $0x1A80  }
0x6d1: {  	[tilespmem:s13], [sflag:$0x1] =	stream.indirect_vreg.gather [hbm4b:s2+s3], $0x80, v20, vm0, $0xb8;
	[tilespmem:$0x18280] =	vst v63  }
0x6d2: {  	v20 =	vld [tilespmem:$0x220];
	_ =	sdelay $0x4  }
0x6d3: {  	v63 =	vshrl.u32 v20, $0x3  }
0x6d4: {  	v21 =	vmul.u32 $0x18, v63  }
0x6d5: {  	v20 =	vand.u32 $0x7, v20  }
0x6d6: {  	v20 =	vor.u32 v20, v21  }
0x6d7: {  	v21 =	vperm.xlane v20, v0;
	_ =	sdelay $0x1  }
0x6d8: {  	v20 =	vperm.xlane v20, v4;
	v21 =	vadd.s32 v2, v21;
	_ =	sdelay $0x1  }
0x6d9: {  	v20 =	vadd.s32 v2, v20;
	_ =	sdelay $0x1  }
0x6da: {  	s13 =	simm.s32 $0x2280  }
0x6db: {  	[tilespmem:s13], [sflag:$0x1] =	stream.indirect_vreg.gather [hbm4b:s2+s3], $0x80, v21, vm0, $0xb8;
	[tilespmem:$0x18280] =	vst v63  }
0x6dc: {  	s13 =	simm.s32 $0x2A80  }
0x6dd: {  	[tilespmem:s13], [sflag:$0x1] =	stream.indirect_vreg.gather [hbm4b:s2+s3], $0x80, v20, vm0, $0xb8;
	[tilespmem:$0x18280] =	vst v63  }
0x6de: {  	v20 =	vld [tilespmem:$0x230];
	_ =	sdelay $0x4  }
0x6df: {  	v24 =	vshrl.u32 v20, $0x3  }
0x6e0: {  	v21 =	vmul.u32 $0x18, v24  }
0x6e1: {  	v20 =	vand.u32 $0x7, v20  }
0x6e2: {  	v20 =	vor.u32 v20, v21  }
0x6e3: {  	v21 =	vperm.xlane v20, v0;
	_ =	sdelay $0x1  }
0x6e4: {  	v20 =	vperm.xlane v20, v4;
	v21 =	vadd.s32 v2, v21;
	_ =	sdelay $0x1  }
0x6e5: {  	v20 =	vadd.s32 v2, v20;
	_ =	sdelay $0x1  }
0x6e6: {  	s13 =	simm.s32 $0x3280  }
0x6e7: {  	[tilespmem:s13], [sflag:$0x1] =	stream.indirect_vreg.gather [hbm4b:s2+s3], $0x80, v21, vm0, $0xb8;
	[tilespmem:$0x18280] =	vst v63  }
0x6e8: {  	s13 =	simm.s32 $0x3A80  }
0x6e9: {  	[tilespmem:s13], [sflag:$0x1] =	stream.indirect_vreg.gather [hbm4b:s2+s3], $0x80, v20, vm0, $0xb8;
	[tilespmem:$0x18280] =	vst v63  }
0x6ea: {  	v20 =	vld [tilespmem:$0x240];
	_ =	sdelay $0x4  }
0x6eb: {  	v25 =	vshrl.u32 v20, $0x3  }
0x6ec: {  	v21 =	vmul.u32 $0x18, v25  }
0x6ed: {  	v20 =	vand.u32 $0x7, v20  }
0x6ee: {  	v20 =	vor.u32 v20, v21  }
0x6ef: {  	v21 =	vperm.xlane v20, v0;
	_ =	sdelay $0x1  }
0x6f0: {  	v20 =	vperm.xlane v20, v4;
	v21 =	vadd.s32 v2, v21;
	_ =	sdelay $0x1  }
0x6f1: {  	v20 =	vadd.s32 v2, v20;
	_ =	sdelay $0x1  }
0x6f2: {  	s13 =	simm.s32 $0x4280  }
0x6f3: {  	[tilespmem:s13], [sflag:$0x1] =	stream.indirect_vreg.gather [hbm4b:s2+s3], $0x80, v21, vm0, $0xb8;
	[tilespmem:$0x18280] =	vst v63  }
0x6f4: {  	s13 =	simm.s32 $0x4A80  }
0x6f5: {  	[tilespmem:s13], [sflag:$0x1] =	stream.indirect_vreg.gather [hbm4b:s2+s3], $0x80, v20, vm0, $0xb8;
	[tilespmem:$0x18280] =	vst v63  }
0x6f6: {  	v20 =	vld [tilespmem:$0x250];
	_ =	sdelay $0x4  }
0x6f7: {  	v26 =	vshrl.u32 v20, $0x3  }
0x6f8: {  	v21 =	vmul.u32 $0x18, v26  }
0x6f9: {  	v20 =	vand.u32 $0x7, v20  }
0x6fa: {  	v20 =	vor.u32 v20, v21  }
0x6fb: {  	v21 =	vperm.xlane v20, v0;
	_ =	sdelay $0x1  }
0x6fc: {  	v20 =	vperm.xlane v20, v4;
	v21 =	vadd.s32 v2, v21;
	_ =	sdelay $0x1  }
0x6fd: {  	v20 =	vadd.s32 v2, v20;
	_ =	sdelay $0x1  }
0x6fe: {  	s13 =	simm.s32 $0x5280  }
0x6ff: {  	[tilespmem:s13], [sflag:$0x1] =	stream.indirect_vreg.gather [hbm4b:s2+s3], $0x80, v21, vm0, $0xb8;
	[tilespmem:$0x18280] =	vst v63  }
0x700: {  	s13 =	simm.s32 $0x5A80  }
0x701: {  	[tilespmem:s13], [sflag:$0x1] =	stream.indirect_vreg.gather [hbm4b:s2+s3], $0x80, v20, vm0, $0xb8;
	[tilespmem:$0x18280] =	vst v63  }
0x702: {  	v20 =	vld [tilespmem:$0x260];
	_ =	sdelay $0x4  }
0x703: {  	v27 =	vshrl.u32 v20, $0x3  }
0x704: {  	v21 =	vmul.u32 $0x18, v27  }
0x705: {  	v20 =	vand.u32 $0x7, v20  }
0x706: {  	v20 =	vor.u32 v20, v21  }
0x707: {  	v21 =	vperm.xlane v20, v0;
	_ =	sdelay $0x1  }
0x708: {  	v20 =	vperm.xlane v20, v4;
	v21 =	vadd.s32 v2, v21;
	_ =	sdelay $0x1  }
0x709: {  	v20 =	vadd.s32 v2, v20;
	_ =	sdelay $0x1  }
0x70a: {  	s13 =	simm.s32 $0x6280  }
0x70b: {  	[tilespmem:s13], [sflag:$0x1] =	stream.indirect_vreg.gather [hbm4b:s2+s3], $0x80, v21, vm0, $0xb8;
	[tilespmem:$0x18280] =	vst v63  }
0x70c: {  	s13 =	simm.s32 $0x6A80  }
0x70d: {  	[tilespmem:s13], [sflag:$0x1] =	stream.indirect_vreg.gather [hbm4b:s2+s3], $0x80, v20, vm0, $0xb8;
	[tilespmem:$0x18280] =	vst v63  }
0x70e: {  	v20 =	vld [tilespmem:$0x270];
	_ =	sdelay $0x4  }
0x70f: {  	v28 =	vshrl.u32 v20, $0x3  }
0x710: {  	v21 =	vmul.u32 $0x18, v28  }
0x711: {  	v20 =	vand.u32 $0x7, v20  }
0x712: {  	v20 =	vor.u32 v20, v21  }
0x713: {  	v21 =	vperm.xlane v20, v0;
	_ =	sdelay $0x1  }
0x714: {  	v20 =	vperm.xlane v20, v4;
	v21 =	vadd.s32 v2, v21;
	_ =	sdelay $0x1  }
0x715: {  	v20 =	vadd.s32 v2, v20;
	_ =	sdelay $0x1  }
0x716: {  	s13 =	simm.s32 $0x7280  }
0x717: {  	[tilespmem:s13], [sflag:$0x1] =	stream.indirect_vreg.gather [hbm4b:s2+s3], $0x80, v21, vm0, $0xb8;
	[tilespmem:$0x18280] =	vst v63  }
0x718: {  	s13 =	simm.s32 $0x7A80  }
0x719: {  	[tilespmem:s13], [sflag:$0x1] =	stream.indirect_vreg.gather [hbm4b:s2+s3], $0x80, v20, vm0, $0xb8;
	[tilespmem:$0x18280] =	vst v63  }
0x71a: {  	v20 =	vld [tilespmem:$0x200];
	_ =	sdelay $0x4  }
0x71b: {  	v29 =	vshrl.u32 v20, $0x3  }
0x71c: {  	v21 =	vmul.u32 $0x18, v29  }
0x71d: {  	v20 =	vand.u32 $0x7, v20  }
0x71e: {  	v20 =	vor.u32 v20, v21  }
0x71f: {  	v21 =	vperm.xlane v20, v5;
	_ =	sdelay $0x1  }
0x720: {  	v30 =	vperm.xlane v20, v7;
	v21 =	vadd.s32 v6, v21;
	_ =	sdelay $0x1  }
0x721: {  	v31 =	vperm.xlane v20, v8;
	v22 =	vadd.s32 v6, v30;
	_ =	sdelay $0x1  }
0x722: {  	v32 =	vperm.xlane v20, v3;
	v23 =	vadd.s32 v6, v31  }
0x723: {  	[tilespmem:s14], [sflag:$0x1] =	stream.indirect_vreg.gather [hbm4b:s4+s3], $0x80, v21, vm1, $0xb8;
	[tilespmem:$0x18280] =	vst v63  }
0x724: {  	s13 =	simm.s32 $0x10300;
	v34 =	vperm.xlane v20, v9;
	v33 =	vadd.s32 v6, v32  }
0x725: {  	[tilespmem:s13], [sflag:$0x1] =	stream.indirect_vreg.gather [hbm4b:s4+s3], $0x80, v22, vm1, $0xb8;
	[tilespmem:$0x18280] =	vst v63  }
0x726: {  	v36 =	vperm.xlane v20, v10;
	v35 =	vadd.s32 v6, v34;
	s13 =	simm.s32 $0x10380  }
0x727: {  	[tilespmem:s13], [sflag:$0x1] =	stream.indirect_vreg.gather [hbm4b:s4+s3], $0x80, v23, vm1, $0xb8;
	[tilespmem:$0x18280] =	vst v63  }
0x728: {  	v38 =	vperm.xlane v20, v11;
	v37 =	vadd.s32 v6, v36;
	s13 =	simm.s32 $0x10400  }
0x729: {  	[tilespmem:s13], [sflag:$0x1] =	stream.indirect_vreg.gather [hbm4b:s4+s3], $0x80, v33, vm1, $0xb8;
	[tilespmem:$0x18280] =	vst v63  }
0x72a: {  	v40 =	vperm.xlane v20, v1;
	v39 =	vadd.s32 v6, v38;
	s13 =	simm.s32 $0x10480  }
0x72b: {  	[tilespmem:s13], [sflag:$0x1] =	stream.indirect_vreg.gather [hbm4b:s4+s3], $0x80, v35, vm1, $0xb8;
	[tilespmem:$0x18280] =	vst v63  }
0x72c: {  	v42 =	vperm.xlane v20, v12;
	v41 =	vadd.s32 v6, v40;
	s13 =	simm.s32 $0x10500  }
0x72d: {  	[tilespmem:s13], [sflag:$0x1] =	stream.indirect_vreg.gather [hbm4b:s4+s3], $0x80, v37, vm1, $0xb8;
	[tilespmem:$0x18280] =	vst v63  }
0x72e: {  	v44 =	vperm.xlane v20, v13;
	v43 =	vadd.s32 v6, v42;
	s13 =	simm.s32 $0x10580  }
0x72f: {  	[tilespmem:s13], [sflag:$0x1] =	stream.indirect_vreg.gather [hbm4b:s4+s3], $0x80, v39, vm1, $0xb8;
	[tilespmem:$0x18280] =	vst v63  }
0x730: {  	v46 =	vperm.xlane v20, v14;
	v45 =	vadd.s32 v6, v44;
	s13 =	simm.s32 $0x10600  }
0x731: {  	[tilespmem:s13], [sflag:$0x1] =	stream.indirect_vreg.gather [hbm4b:s4+s3], $0x80, v41, vm1, $0xb8;
	[tilespmem:$0x18280] =	vst v63  }
0x732: {  	v48 =	vperm.xlane v20, v15;
	v47 =	vadd.s32 v6, v46;
	s13 =	simm.s32 $0x10680  }
0x733: {  	[tilespmem:s13], [sflag:$0x1] =	stream.indirect_vreg.gather [hbm4b:s4+s3], $0x80, v43, vm1, $0xb8;
	[tilespmem:$0x18280] =	vst v63  }
0x734: {  	v50 =	vperm.xlane v20, v16;
	v49 =	vadd.s32 v6, v48;
	s13 =	simm.s32 $0x10700  }
0x735: {  	[tilespmem:s13], [sflag:$0x1] =	stream.indirect_vreg.gather [hbm4b:s4+s3], $0x80, v45, vm1, $0xb8;
	[tilespmem:$0x18280] =	vst v63  }
0x736: {  	v52 =	vperm.xlane v20, v17;
	v51 =	vadd.s32 v6, v50;
	s13 =	simm.s32 $0x10780  }
0x737: {  	[tilespmem:s13], [sflag:$0x1] =	stream.indirect_vreg.gather [hbm4b:s4+s3], $0x80, v47, vm1, $0xb8;
	[tilespmem:$0x18280] =	vst v63  }
0x738: {  	v54 =	vperm.xlane v20, v18;
	v53 =	vadd.s32 v6, v52;
	s13 =	simm.s32 $0x10800  }
0x739: {  	[tilespmem:s13], [sflag:$0x1] =	stream.indirect_vreg.gather [hbm4b:s4+s3], $0x80, v49, vm1, $0xb8;
	[tilespmem:$0x18280] =	vst v63  }
0x73a: {  	v20 =	vperm.xlane v20, v19;
	v55 =	vadd.s32 v6, v54;
	s13 =	simm.s32 $0x10880  }
0x73b: {  	[tilespmem:s13], [sflag:$0x1] =	stream.indirect_vreg.gather [hbm4b:s4+s3], $0x80, v51, vm1, $0xb8;
	[tilespmem:$0x18280] =	vst v63  }
0x73c: {  	v20 =	vadd.s32 v6, v20;
	s13 =	simm.s32 $0x10900  }
0x73d: {  	[tilespmem:s13], [sflag:$0x1] =	stream.indirect_vreg.gather [hbm4b:s4+s3], $0x80, v53, vm1, $0xb8;
	[tilespmem:$0x18280] =	vst v63  }
0x73e: {  	s13 =	simm.s32 $0x10980  }
0x73f: {  	[tilespmem:s13], [sflag:$0x1] =	stream.indirect_vreg.gather [hbm4b:s4+s3], $0x80, v55, vm1, $0xb8;
	[tilespmem:$0x18280] =	vst v63  }
0x740: {  	s13 =	simm.s32 $0x10A00  }
0x741: {  	[tilespmem:s13], [sflag:$0x1] =	stream.indirect_vreg.gather [hbm4b:s4+s3], $0x80, v20, vm1, $0xb8;
	[tilespmem:$0x18280] =	vst v63  }
0x742: {  	v20 =	vld [tilespmem:$0x210];
	_ =	sdelay $0x4  }
0x743: {  	v56 =	vshrl.u32 v20, $0x3  }
0x744: {  	v21 =	vmul.u32 $0x18, v56  }
0x745: {  	v20 =	vand.u32 $0x7, v20  }
0x746: {  	v20 =	vor.u32 v20, v21  }
0x747: {  	v21 =	vperm.xlane v20, v5;
	_ =	sdelay $0x1  }
0x748: {  	v57 =	vperm.xlane v20, v7;
	v21 =	vadd.s32 v6, v21;
	_ =	sdelay $0x1  }
0x749: {  	v58 =	vperm.xlane v20, v8;
	v22 =	vadd.s32 v6, v57;
	_ =	sdelay $0x1  }
0x74a: {  	s13 =	simm.s32 $0x10A80;
	v59 =	vperm.xlane v20, v3;
	v23 =	vadd.s32 v6, v58  }
0x74b: {  	[tilespmem:s13], [sflag:$0x1] =	stream.indirect_vreg.gather [hbm4b:s4+s3], $0x80, v21, vm1, $0xb8;
	[tilespmem:$0x18280] =	vst v63  }
0x74c: {  	v61 =	vperm.xlane v20, v9;
	v60 =	vadd.s32 v6, v59;
	s13 =	simm.s32 $0x10B00  }
0x74d: {  	[tilespmem:s13], [sflag:$0x1] =	stream.indirect_vreg.gather [hbm4b:s4+s3], $0x80, v22, vm1, $0xb8;
	[tilespmem:$0x18280] =	vst v63  }
0x74e: {  	v63 =	vperm.xlane v20, v10;
	v62 =	vadd.s32 v6, v61;
	s13 =	simm.s32 $0x10B80  }
0x74f: {  	[tilespmem:s13], [sflag:$0x1] =	stream.indirect_vreg.gather [hbm4b:s4+s3], $0x80, v23, vm1, $0xb8;
	[tilespmem:$0x18280] =	vst v63  }
0x750: {  	v29 =	vperm.xlane v20, v11;
	v28 =	vadd.s32 v6, v63;
	s13 =	simm.s32 $0x10C00  }
0x751: {  	[tilespmem:s13], [sflag:$0x1] =	stream.indirect_vreg.gather [hbm4b:s4+s3], $0x80, v60, vm1, $0xb8;
	[tilespmem:$0x18280] =	vst v63  }
0x752: {  	v31 =	vperm.xlane v20, v1;
	v30 =	vadd.s32 v6, v29;
	s13 =	simm.s32 $0x10C80  }
0x753: {  	[tilespmem:s13], [sflag:$0x1] =	stream.indirect_vreg.gather [hbm4b:s4+s3], $0x80, v62, vm1, $0xb8;
	[tilespmem:$0x18280] =	vst v63  }
0x754: {  	v33 =	vperm.xlane v20, v12;
	v32 =	vadd.s32 v6, v31;
	s13 =	simm.s32 $0x10D00  }
0x755: {  	[tilespmem:s13], [sflag:$0x1] =	stream.indirect_vreg.gather [hbm4b:s4+s3], $0x80, v28, vm1, $0xb8;
	[tilespmem:$0x18280] =	vst v63  }
0x756: {  	v35 =	vperm.xlane v20, v13;
	v34 =	vadd.s32 v6, v33;
	s13 =	simm.s32 $0x10D80  }
0x757: {  	[tilespmem:s13], [sflag:$0x1] =	stream.indirect_vreg.gather [hbm4b:s4+s3], $0x80, v30, vm1, $0xb8;
	[tilespmem:$0x18280] =	vst v63  }
0x758: {  	v37 =	vperm.xlane v20, v14;
	v36 =	vadd.s32 v6, v35;
	s13 =	simm.s32 $0x10E00  }
0x759: {  	[tilespmem:s13], [sflag:$0x1] =	stream.indirect_vreg.gather [hbm4b:s4+s3], $0x80, v32, vm1, $0xb8;
	[tilespmem:$0x18280] =	vst v63  }
0x75a: {  	v39 =	vperm.xlane v20, v15;
	v38 =	vadd.s32 v6, v37;
	s13 =	simm.s32 $0x10E80  }
0x75b: {  	[tilespmem:s13], [sflag:$0x1] =	stream.indirect_vreg.gather [hbm4b:s4+s3], $0x80, v34, vm1, $0xb8;
	[tilespmem:$0x18280] =	vst v63  }
0x75c: {  	v41 =	vperm.xlane v20, v16;
	v40 =	vadd.s32 v6, v39;
	s13 =	simm.s32 $0x10F00  }
0x75d: {  	[tilespmem:s13], [sflag:$0x1] =	stream.indirect_vreg.gather [hbm4b:s4+s3], $0x80, v36, vm1, $0xb8;
	[tilespmem:$0x18280] =	vst v63  }
0x75e: {  	v43 =	vperm.xlane v20, v17;
	v42 =	vadd.s32 v6, v41;
	s13 =	simm.s32 $0x10F80  }
0x75f: {  	[tilespmem:s13], [sflag:$0x1] =	stream.indirect_vreg.gather [hbm4b:s4+s3], $0x80, v38, vm1, $0xb8;
	[tilespmem:$0x18280] =	vst v63  }
0x760: {  	v45 =	vperm.xlane v20, v18;
	v44 =	vadd.s32 v6, v43;
	s13 =	simm.s32 $0x11000  }
0x761: {  	[tilespmem:s13], [sflag:$0x1] =	stream.indirect_vreg.gather [hbm4b:s4+s3], $0x80, v40, vm1, $0xb8;
	[tilespmem:$0x18280] =	vst v63  }
0x762: {  	v20 =	vperm.xlane v20, v19;
	v46 =	vadd.s32 v6, v45;
	s13 =	simm.s32 $0x11080  }
0x763: {  	[tilespmem:s13], [sflag:$0x1] =	stream.indirect_vreg.gather [hbm4b:s4+s3], $0x80, v42, vm1, $0xb8;
	[tilespmem:$0x18280] =	vst v63  }
0x764: {  	v20 =	vadd.s32 v6, v20;
	s13 =	simm.s32 $0x11100  }
0x765: {  	[tilespmem:s13], [sflag:$0x1] =	stream.indirect_vreg.gather [hbm4b:s4+s3], $0x80, v44, vm1, $0xb8;
	[tilespmem:$0x18280] =	vst v63  }
0x766: {  	s13 =	simm.s32 $0x11180  }
0x767: {  	[tilespmem:s13], [sflag:$0x1] =	stream.indirect_vreg.gather [hbm4b:s4+s3], $0x80, v46, vm1, $0xb8;
	[tilespmem:$0x18280] =	vst v63  }
0x768: {  	s13 =	simm.s32 $0x11200  }
0x769: {  	[tilespmem:s13], [sflag:$0x1] =	stream.indirect_vreg.gather [hbm4b:s4+s3], $0x80, v20, vm1, $0xb8;
	[tilespmem:$0x18280] =	vst v63  }
0x76a: {  	v20 =	vld [tilespmem:$0x220];
	_ =	sdelay $0x4  }
0x76b: {  	v47 =	vshrl.u32 v20, $0x3  }
0x76c: {  	v21 =	vmul.u32 $0x18, v47  }
0x76d: {  	v20 =	vand.u32 $0x7, v20  }
0x76e: {  	v20 =	vor.u32 v20, v21  }
0x76f: {  	v21 =	vperm.xlane v20, v5;
	_ =	sdelay $0x1  }
0x770: {  	v48 =	vperm.xlane v20, v7;
	v21 =	vadd.s32 v6, v21;
	_ =	sdelay $0x1  }
0x771: {  	v49 =	vperm.xlane v20, v8;
	v22 =	vadd.s32 v6, v48;
	_ =	sdelay $0x1  }
0x772: {  	s13 =	simm.s32 $0x11280;
	v50 =	vperm.xlane v20, v3;
	v23 =	vadd.s32 v6, v49  }
0x773: {  	[tilespmem:s13], [sflag:$0x1] =	stream.indirect_vreg.gather [hbm4b:s4+s3], $0x80, v21, vm1, $0xb8;
	[tilespmem:$0x18280] =	vst v63  }
0x774: {  	v52 =	vperm.xlane v20, v9;
	v51 =	vadd.s32 v6, v50;
	s13 =	simm.s32 $0x11300  }
0x775: {  	[tilespmem:s13], [sflag:$0x1] =	stream.indirect_vreg.gather [hbm4b:s4+s3], $0x80, v22, vm1, $0xb8;
	[tilespmem:$0x18280] =	vst v63  }
0x776: {  	v54 =	vperm.xlane v20, v10;
	v53 =	vadd.s32 v6, v52;
	s13 =	simm.s32 $0x11380  }
0x777: {  	[tilespmem:s13], [sflag:$0x1] =	stream.indirect_vreg.gather [hbm4b:s4+s3], $0x80, v23, vm1, $0xb8;
	[tilespmem:$0x18280] =	vst v63  }
0x778: {  	v56 =	vperm.xlane v20, v11;
	v55 =	vadd.s32 v6, v54;
	s13 =	simm.s32 $0x11400  }
0x779: {  	[tilespmem:s13], [sflag:$0x1] =	stream.indirect_vreg.gather [hbm4b:s4+s3], $0x80, v51, vm1, $0xb8;
	[tilespmem:$0x18280] =	vst v63  }
0x77a: {  	v58 =	vperm.xlane v20, v1;
	v57 =	vadd.s32 v6, v56;
	s13 =	simm.s32 $0x11480  }
0x77b: {  	[tilespmem:s13], [sflag:$0x1] =	stream.indirect_vreg.gather [hbm4b:s4+s3], $0x80, v53, vm1, $0xb8;
	[tilespmem:$0x18280] =	vst v63  }
0x77c: {  	v60 =	vperm.xlane v20, v12;
	v59 =	vadd.s32 v6, v58;
	s13 =	simm.s32 $0x11500  }
0x77d: {  	[tilespmem:s13], [sflag:$0x1] =	stream.indirect_vreg.gather [hbm4b:s4+s3], $0x80, v55, vm1, $0xb8;
	[tilespmem:$0x18280] =	vst v63  }
0x77e: {  	v62 =	vperm.xlane v20, v13;
	v61 =	vadd.s32 v6, v60;
	s13 =	simm.s32 $0x11580  }
0x77f: {  	[tilespmem:s13], [sflag:$0x1] =	stream.indirect_vreg.gather [hbm4b:s4+s3], $0x80, v57, vm1, $0xb8;
	[tilespmem:$0x18280] =	vst v63  }
0x780: {  	v28 =	vperm.xlane v20, v14;
	v63 =	vadd.s32 v6, v62;
	s13 =	simm.s32 $0x11600  }
0x781: {  	[tilespmem:s13], [sflag:$0x1] =	stream.indirect_vreg.gather [hbm4b:s4+s3], $0x80, v59, vm1, $0xb8;
	[tilespmem:$0x18280] =	vst v63  }
0x782: {  	v30 =	vperm.xlane v20, v15;
	v29 =	vadd.s32 v6, v28;
	s13 =	simm.s32 $0x11680  }
0x783: {  	[tilespmem:s13], [sflag:$0x1] =	stream.indirect_vreg.gather [hbm4b:s4+s3], $0x80, v61, vm1, $0xb8;
	[tilespmem:$0x18280] =	vst v63  }
0x784: {  	v32 =	vperm.xlane v20, v16;
	v31 =	vadd.s32 v6, v30;
	s13 =	simm.s32 $0x11700  }
0x785: {  	[tilespmem:s13], [sflag:$0x1] =	stream.indirect_vreg.gather [hbm4b:s4+s3], $0x80, v63, vm1, $0xb8;
	[tilespmem:$0x18280] =	vst v63  }
0x786: {  	v34 =	vperm.xlane v20, v17;
	v33 =	vadd.s32 v6, v32;
	s13 =	simm.s32 $0x11780  }
0x787: {  	[tilespmem:s13], [sflag:$0x1] =	stream.indirect_vreg.gather [hbm4b:s4+s3], $0x80, v29, vm1, $0xb8;
	[tilespmem:$0x18280] =	vst v63  }
0x788: {  	v36 =	vperm.xlane v20, v18;
	v35 =	vadd.s32 v6, v34;
	s13 =	simm.s32 $0x11800  }
0x789: {  	[tilespmem:s13], [sflag:$0x1] =	stream.indirect_vreg.gather [hbm4b:s4+s3], $0x80, v31, vm1, $0xb8;
	[tilespmem:$0x18280] =	vst v63  }
0x78a: {  	v20 =	vperm.xlane v20, v19;
	v37 =	vadd.s32 v6, v36;
	s13 =	simm.s32 $0x11880  }
0x78b: {  	[tilespmem:s13], [sflag:$0x1] =	stream.indirect_vreg.gather [hbm4b:s4+s3], $0x80, v33, vm1, $0xb8;
	[tilespmem:$0x18280] =	vst v63  }
0x78c: {  	v20 =	vadd.s32 v6, v20;
	s13 =	simm.s32 $0x11900  }
0x78d: {  	[tilespmem:s13], [sflag:$0x1] =	stream.indirect_vreg.gather [hbm4b:s4+s3], $0x80, v35, vm1, $0xb8;
	[tilespmem:$0x18280] =	vst v63  }
0x78e: {  	s13 =	simm.s32 $0x11980  }
0x78f: {  	[tilespmem:s13], [sflag:$0x1] =	stream.indirect_vreg.gather [hbm4b:s4+s3], $0x80, v37, vm1, $0xb8;
	[tilespmem:$0x18280] =	vst v63  }
0x790: {  	s13 =	simm.s32 $0x11A00  }
0x791: {  	[tilespmem:s13], [sflag:$0x1] =	stream.indirect_vreg.gather [hbm4b:s4+s3], $0x80, v20, vm1, $0xb8;
	[tilespmem:$0x18280] =	vst v63  }
0x792: {  	v20 =	vld [tilespmem:$0x230];
	_ =	sdelay $0x4  }
0x793: {  	v38 =	vshrl.u32 v20, $0x3  }
0x794: {  	v21 =	vmul.u32 $0x18, v38  }
0x795: {  	v20 =	vand.u32 $0x7, v20  }
0x796: {  	v20 =	vor.u32 v20, v21  }
0x797: {  	v21 =	vperm.xlane v20, v5;
	_ =	sdelay $0x1  }
0x798: {  	v39 =	vperm.xlane v20, v7;
	v21 =	vadd.s32 v6, v21;
	_ =	sdelay $0x1  }
0x799: {  	v40 =	vperm.xlane v20, v8;
	v22 =	vadd.s32 v6, v39;
	_ =	sdelay $0x1  }
0x79a: {  	s13 =	simm.s32 $0x11A80;
	v41 =	vperm.xlane v20, v3;
	v23 =	vadd.s32 v6, v40  }
0x79b: {  	[tilespmem:s13], [sflag:$0x1] =	stream.indirect_vreg.gather [hbm4b:s4+s3], $0x80, v21, vm1, $0xb8;
	[tilespmem:$0x18280] =	vst v63  }
0x79c: {  	v43 =	vperm.xlane v20, v9;
	v42 =	vadd.s32 v6, v41;
	s13 =	simm.s32 $0x11B00  }
0x79d: {  	[tilespmem:s13], [sflag:$0x1] =	stream.indirect_vreg.gather [hbm4b:s4+s3], $0x80, v22, vm1, $0xb8;
	[tilespmem:$0x18280] =	vst v63  }
0x79e: {  	v45 =	vperm.xlane v20, v10;
	v44 =	vadd.s32 v6, v43;
	s13 =	simm.s32 $0x11B80  }
0x79f: {  	[tilespmem:s13], [sflag:$0x1] =	stream.indirect_vreg.gather [hbm4b:s4+s3], $0x80, v23, vm1, $0xb8;
	[tilespmem:$0x18280] =	vst v63  }
0x7a0: {  	v47 =	vperm.xlane v20, v11;
	v46 =	vadd.s32 v6, v45;
	s13 =	simm.s32 $0x11C00  }
0x7a1: {  	[tilespmem:s13], [sflag:$0x1] =	stream.indirect_vreg.gather [hbm4b:s4+s3], $0x80, v42, vm1, $0xb8;
	[tilespmem:$0x18280] =	vst v63  }
0x7a2: {  	v49 =	vperm.xlane v20, v1;
	v48 =	vadd.s32 v6, v47;
	s13 =	simm.s32 $0x11C80  }
0x7a3: {  	[tilespmem:s13], [sflag:$0x1] =	stream.indirect_vreg.gather [hbm4b:s4+s3], $0x80, v44, vm1, $0xb8;
	[tilespmem:$0x18280] =	vst v63  }
0x7a4: {  	v51 =	vperm.xlane v20, v12;
	v50 =	vadd.s32 v6, v49;
	s13 =	simm.s32 $0x11D00  }
0x7a5: {  	[tilespmem:s13], [sflag:$0x1] =	stream.indirect_vreg.gather [hbm4b:s4+s3], $0x80, v46, vm1, $0xb8;
	[tilespmem:$0x18280] =	vst v63  }
0x7a6: {  	v53 =	vperm.xlane v20, v13;
	v52 =	vadd.s32 v6, v51;
	s13 =	simm.s32 $0x11D80  }
0x7a7: {  	[tilespmem:s13], [sflag:$0x1] =	stream.indirect_vreg.gather [hbm4b:s4+s3], $0x80, v48, vm1, $0xb8;
	[tilespmem:$0x18280] =	vst v63  }
0x7a8: {  	v55 =	vperm.xlane v20, v14;
	v54 =	vadd.s32 v6, v53;
	s13 =	simm.s32 $0x11E00  }
0x7a9: {  	[tilespmem:s13], [sflag:$0x1] =	stream.indirect_vreg.gather [hbm4b:s4+s3], $0x80, v50, vm1, $0xb8;
	[tilespmem:$0x18280] =	vst v63  }
0x7aa: {  	v57 =	vperm.xlane v20, v15;
	v56 =	vadd.s32 v6, v55;
	s13 =	simm.s32 $0x11E80  }
0x7ab: {  	[tilespmem:s13], [sflag:$0x1] =	stream.indirect_vreg.gather [hbm4b:s4+s3], $0x80, v52, vm1, $0xb8;
	[tilespmem:$0x18280] =	vst v63  }
0x7ac: {  	v59 =	vperm.xlane v20, v16;
	v58 =	vadd.s32 v6, v57;
	s13 =	simm.s32 $0x11F00  }
0x7ad: {  	[tilespmem:s13], [sflag:$0x1] =	stream.indirect_vreg.gather [hbm4b:s4+s3], $0x80, v54, vm1, $0xb8;
	[tilespmem:$0x18280] =	vst v63  }
0x7ae: {  	v61 =	vperm.xlane v20, v17;
	v60 =	vadd.s32 v6, v59;
	s13 =	simm.s32 $0x11F80  }
0x7af: {  	[tilespmem:s13], [sflag:$0x1] =	stream.indirect_vreg.gather [hbm4b:s4+s3], $0x80, v56, vm1, $0xb8;
	[tilespmem:$0x18280] =	vst v63  }
0x7b0: {  	v63 =	vperm.xlane v20, v18;
	v62 =	vadd.s32 v6, v61;
	s13 =	simm.s32 $0x12000  }
0x7b1: {  	[tilespmem:s13], [sflag:$0x1] =	stream.indirect_vreg.gather [hbm4b:s4+s3], $0x80, v58, vm1, $0xb8;
	[tilespmem:$0x18280] =	vst v63  }
0x7b2: {  	v20 =	vperm.xlane v20, v19;
	v27 =	vadd.s32 v6, v63;
	s13 =	simm.s32 $0x12080  }
0x7b3: {  	[tilespmem:s13], [sflag:$0x1] =	stream.indirect_vreg.gather [hbm4b:s4+s3], $0x80, v60, vm1, $0xb8;
	[tilespmem:$0x18280] =	vst v63  }
0x7b4: {  	v20 =	vadd.s32 v6, v20;
	s13 =	simm.s32 $0x12100  }
0x7b5: {  	[tilespmem:s13], [sflag:$0x1] =	stream.indirect_vreg.gather [hbm4b:s4+s3], $0x80, v62, vm1, $0xb8;
	[tilespmem:$0x18280] =	vst v63  }
0x7b6: {  	s13 =	simm.s32 $0x12180  }
0x7b7: {  	[tilespmem:s13], [sflag:$0x1] =	stream.indirect_vreg.gather [hbm4b:s4+s3], $0x80, v27, vm1, $0xb8;
	[tilespmem:$0x18280] =	vst v63  }
0x7b8: {  	s13 =	simm.s32 $0x12200  }
0x7b9: {  	[tilespmem:s13], [sflag:$0x1] =	stream.indirect_vreg.gather [hbm4b:s4+s3], $0x80, v20, vm1, $0xb8;
	[tilespmem:$0x18280] =	vst v63  }
0x7ba: {  	v20 =	vld [tilespmem:$0x240];
	_ =	sdelay $0x4  }
0x7bb: {  	v28 =	vshrl.u32 v20, $0x3  }
0x7bc: {  	v21 =	vmul.u32 $0x18, v28  }
0x7bd: {  	v20 =	vand.u32 $0x7, v20  }
0x7be: {  	v20 =	vor.u32 v20, v21  }
0x7bf: {  	v21 =	vperm.xlane v20, v5;
	_ =	sdelay $0x1  }
0x7c0: {  	v29 =	vperm.xlane v20, v7;
	v21 =	vadd.s32 v6, v21;
	_ =	sdelay $0x1  }
0x7c1: {  	v30 =	vperm.xlane v20, v8;
	v22 =	vadd.s32 v6, v29;
	_ =	sdelay $0x1  }
0x7c2: {  	s13 =	simm.s32 $0x12280;
	v31 =	vperm.xlane v20, v3;
	v23 =	vadd.s32 v6, v30  }
0x7c3: {  	[tilespmem:s13], [sflag:$0x1] =	stream.indirect_vreg.gather [hbm4b:s4+s3], $0x80, v21, vm1, $0xb8;
	[tilespmem:$0x18280] =	vst v63  }
0x7c4: {  	v33 =	vperm.xlane v20, v9;
	v32 =	vadd.s32 v6, v31;
	s13 =	simm.s32 $0x12300  }
0x7c5: {  	[tilespmem:s13], [sflag:$0x1] =	stream.indirect_vreg.gather [hbm4b:s4+s3], $0x80, v22, vm1, $0xb8;
	[tilespmem:$0x18280] =	vst v63  }
0x7c6: {  	v35 =	vperm.xlane v20, v10;
	v34 =	vadd.s32 v6, v33;
	s13 =	simm.s32 $0x12380  }
0x7c7: {  	[tilespmem:s13], [sflag:$0x1] =	stream.indirect_vreg.gather [hbm4b:s4+s3], $0x80, v23, vm1, $0xb8;
	[tilespmem:$0x18280] =	vst v63  }
0x7c8: {  	v37 =	vperm.xlane v20, v11;
	v36 =	vadd.s32 v6, v35;
	s13 =	simm.s32 $0x12400  }
0x7c9: {  	[tilespmem:s13], [sflag:$0x1] =	stream.indirect_vreg.gather [hbm4b:s4+s3], $0x80, v32, vm1, $0xb8;
	[tilespmem:$0x18280] =	vst v63  }
0x7ca: {  	v39 =	vperm.xlane v20, v1;
	v38 =	vadd.s32 v6, v37;
	s13 =	simm.s32 $0x12480  }
0x7cb: {  	[tilespmem:s13], [sflag:$0x1] =	stream.indirect_vreg.gather [hbm4b:s4+s3], $0x80, v34, vm1, $0xb8;
	[tilespmem:$0x18280] =	vst v63  }
0x7cc: {  	v41 =	vperm.xlane v20, v12;
	v40 =	vadd.s32 v6, v39;
	s13 =	simm.s32 $0x12500  }
0x7cd: {  	[tilespmem:s13], [sflag:$0x1] =	stream.indirect_vreg.gather [hbm4b:s4+s3], $0x80, v36, vm1, $0xb8;
	[tilespmem:$0x18280] =	vst v63  }
0x7ce: {  	v43 =	vperm.xlane v20, v13;
	v42 =	vadd.s32 v6, v41;
	s13 =	simm.s32 $0x12580  }
0x7cf: {  	[tilespmem:s13], [sflag:$0x1] =	stream.indirect_vreg.gather [hbm4b:s4+s3], $0x80, v38, vm1, $0xb8;
	[tilespmem:$0x18280] =	vst v63  }
0x7d0: {  	v45 =	vperm.xlane v20, v14;
	v44 =	vadd.s32 v6, v43;
	s13 =	simm.s32 $0x12600  }
0x7d1: {  	[tilespmem:s13], [sflag:$0x1] =	stream.indirect_vreg.gather [hbm4b:s4+s3], $0x80, v40, vm1, $0xb8;
	[tilespmem:$0x18280] =	vst v63  }
0x7d2: {  	v47 =	vperm.xlane v20, v15;
	v46 =	vadd.s32 v6, v45;
	s13 =	simm.s32 $0x12680  }
0x7d3: {  	[tilespmem:s13], [sflag:$0x1] =	stream.indirect_vreg.gather [hbm4b:s4+s3], $0x80, v42, vm1, $0xb8;
	[tilespmem:$0x18280] =	vst v63  }
0x7d4: {  	v49 =	vperm.xlane v20, v16;
	v48 =	vadd.s32 v6, v47;
	s13 =	simm.s32 $0x12700  }
0x7d5: {  	[tilespmem:s13], [sflag:$0x1] =	stream.indirect_vreg.gather [hbm4b:s4+s3], $0x80, v44, vm1, $0xb8;
	[tilespmem:$0x18280] =	vst v63  }
0x7d6: {  	v51 =	vperm.xlane v20, v17;
	v50 =	vadd.s32 v6, v49;
	s13 =	simm.s32 $0x12780  }
0x7d7: {  	[tilespmem:s13], [sflag:$0x1] =	stream.indirect_vreg.gather [hbm4b:s4+s3], $0x80, v46, vm1, $0xb8;
	[tilespmem:$0x18280] =	vst v63  }
0x7d8: {  	v53 =	vperm.xlane v20, v18;
	v52 =	vadd.s32 v6, v51;
	s13 =	simm.s32 $0x12800  }
0x7d9: {  	[tilespmem:s13], [sflag:$0x1] =	stream.indirect_vreg.gather [hbm4b:s4+s3], $0x80, v48, vm1, $0xb8;
	[tilespmem:$0x18280] =	vst v63  }
0x7da: {  	v20 =	vperm.xlane v20, v19;
	v54 =	vadd.s32 v6, v53;
	s13 =	simm.s32 $0x12880  }
0x7db: {  	[tilespmem:s13], [sflag:$0x1] =	stream.indirect_vreg.gather [hbm4b:s4+s3], $0x80, v50, vm1, $0xb8;
	[tilespmem:$0x18280] =	vst v63  }
0x7dc: {  	v20 =	vadd.s32 v6, v20;
	s13 =	simm.s32 $0x12900  }
0x7dd: {  	[tilespmem:s13], [sflag:$0x1] =	stream.indirect_vreg.gather [hbm4b:s4+s3], $0x80, v52, vm1, $0xb8;
	[tilespmem:$0x18280] =	vst v63  }
0x7de: {  	s13 =	simm.s32 $0x12980  }
0x7df: {  	[tilespmem:s13], [sflag:$0x1] =	stream.indirect_vreg.gather [hbm4b:s4+s3], $0x80, v54, vm1, $0xb8;
	[tilespmem:$0x18280] =	vst v63  }
0x7e0: {  	s13 =	simm.s32 $0x12A00  }
0x7e1: {  	[tilespmem:s13], [sflag:$0x1] =	stream.indirect_vreg.gather [hbm4b:s4+s3], $0x80, v20, vm1, $0xb8;
	[tilespmem:$0x18280] =	vst v63  }
0x7e2: {  	v20 =	vld [tilespmem:$0x250];
	_ =	sdelay $0x4  }
0x7e3: {  	v55 =	vshrl.u32 v20, $0x3  }
0x7e4: {  	v21 =	vmul.u32 $0x18, v55  }
0x7e5: {  	v20 =	vand.u32 $0x7, v20  }
0x7e6: {  	v20 =	vor.u32 v20, v21  }
0x7e7: {  	v21 =	vperm.xlane v20, v5;
	_ =	sdelay $0x1  }
0x7e8: {  	v56 =	vperm.xlane v20, v7;
	v21 =	vadd.s32 v6, v21;
	_ =	sdelay $0x1  }
0x7e9: {  	v57 =	vperm.xlane v20, v8;
	v22 =	vadd.s32 v6, v56;
	_ =	sdelay $0x1  }
0x7ea: {  	s13 =	simm.s32 $0x12A80;
	v58 =	vperm.xlane v20, v3;
	v23 =	vadd.s32 v6, v57  }
0x7eb: {  	[tilespmem:s13], [sflag:$0x1] =	stream.indirect_vreg.gather [hbm4b:s4+s3], $0x80, v21, vm1, $0xb8;
	[tilespmem:$0x18280] =	vst v63  }
0x7ec: {  	v60 =	vperm.xlane v20, v9;
	v59 =	vadd.s32 v6, v58;
	s13 =	simm.s32 $0x12B00  }
0x7ed: {  	[tilespmem:s13], [sflag:$0x1] =	stream.indirect_vreg.gather [hbm4b:s4+s3], $0x80, v22, vm1, $0xb8;
	[tilespmem:$0x18280] =	vst v63  }
0x7ee: {  	v62 =	vperm.xlane v20, v10;
	v61 =	vadd.s32 v6, v60;
	s13 =	simm.s32 $0x12B80  }
0x7ef: {  	[tilespmem:s13], [sflag:$0x1] =	stream.indirect_vreg.gather [hbm4b:s4+s3], $0x80, v23, vm1, $0xb8;
	[tilespmem:$0x18280] =	vst v63  }
0x7f0: {  	v28 =	vperm.xlane v20, v11;
	v63 =	vadd.s32 v6, v62;
	s13 =	simm.s32 $0x12C00  }
0x7f1: {  	[tilespmem:s13], [sflag:$0x1] =	stream.indirect_vreg.gather [hbm4b:s4+s3], $0x80, v59, vm1, $0xb8;
	[tilespmem:$0x18280] =	vst v63  }
0x7f2: {  	v30 =	vperm.xlane v20, v1;
	v29 =	vadd.s32 v6, v28;
	s13 =	simm.s32 $0x12C80  }
0x7f3: {  	[tilespmem:s13], [sflag:$0x1] =	stream.indirect_vreg.gather [hbm4b:s4+s3], $0x80, v61, vm1, $0xb8;
	[tilespmem:$0x18280] =	vst v63  }
0x7f4: {  	v32 =	vperm.xlane v20, v12;
	v31 =	vadd.s32 v6, v30;
	s13 =	simm.s32 $0x12D00  }
0x7f5: {  	[tilespmem:s13], [sflag:$0x1] =	stream.indirect_vreg.gather [hbm4b:s4+s3], $0x80, v63, vm1, $0xb8;
	[tilespmem:$0x18280] =	vst v63  }
0x7f6: {  	v34 =	vperm.xlane v20, v13;
	v33 =	vadd.s32 v6, v32;
	s13 =	simm.s32 $0x12D80  }
0x7f7: {  	[tilespmem:s13], [sflag:$0x1] =	stream.indirect_vreg.gather [hbm4b:s4+s3], $0x80, v29, vm1, $0xb8;
	[tilespmem:$0x18280] =	vst v63  }
0x7f8: {  	v36 =	vperm.xlane v20, v14;
	v35 =	vadd.s32 v6, v34;
	s13 =	simm.s32 $0x12E00  }
0x7f9: {  	[tilespmem:s13], [sflag:$0x1] =	stream.indirect_vreg.gather [hbm4b:s4+s3], $0x80, v31, vm1, $0xb8;
	[tilespmem:$0x18280] =	vst v63  }
0x7fa: {  	v38 =	vperm.xlane v20, v15;
	v37 =	vadd.s32 v6, v36;
	s13 =	simm.s32 $0x12E80  }
0x7fb: {  	[tilespmem:s13], [sflag:$0x1] =	stream.indirect_vreg.gather [hbm4b:s4+s3], $0x80, v33, vm1, $0xb8;
	[tilespmem:$0x18280] =	vst v63  }
0x7fc: {  	v40 =	vperm.xlane v20, v16;
	v39 =	vadd.s32 v6, v38;
	s13 =	simm.s32 $0x12F00  }
0x7fd: {  	[tilespmem:s13], [sflag:$0x1] =	stream.indirect_vreg.gather [hbm4b:s4+s3], $0x80, v35, vm1, $0xb8;
	[tilespmem:$0x18280] =	vst v63  }
0x7fe: {  	v42 =	vperm.xlane v20, v17;
	v41 =	vadd.s32 v6, v40;
	s13 =	simm.s32 $0x12F80  }
0x7ff: {  	[tilespmem:s13], [sflag:$0x1] =	stream.indirect_vreg.gather [hbm4b:s4+s3], $0x80, v37, vm1, $0xb8;
	[tilespmem:$0x18280] =	vst v63  }
0x800: {  	v44 =	vperm.xlane v20, v18;
	v43 =	vadd.s32 v6, v42;
	s13 =	simm.s32 $0x13000  }
0x801: {  	[tilespmem:s13], [sflag:$0x1] =	stream.indirect_vreg.gather [hbm4b:s4+s3], $0x80, v39, vm1, $0xb8;
	[tilespmem:$0x18280] =	vst v63  }
0x802: {  	v20 =	vperm.xlane v20, v19;
	v45 =	vadd.s32 v6, v44;
	s13 =	simm.s32 $0x13080  }
0x803: {  	[tilespmem:s13], [sflag:$0x1] =	stream.indirect_vreg.gather [hbm4b:s4+s3], $0x80, v41, vm1, $0xb8;
	[tilespmem:$0x18280] =	vst v63  }
0x804: {  	v20 =	vadd.s32 v6, v20;
	s13 =	simm.s32 $0x13100  }
0x805: {  	[tilespmem:s13], [sflag:$0x1] =	stream.indirect_vreg.gather [hbm4b:s4+s3], $0x80, v43, vm1, $0xb8;
	[tilespmem:$0x18280] =	vst v63  }
0x806: {  	s13 =	simm.s32 $0x13180  }
0x807: {  	[tilespmem:s13], [sflag:$0x1] =	stream.indirect_vreg.gather [hbm4b:s4+s3], $0x80, v45, vm1, $0xb8;
	[tilespmem:$0x18280] =	vst v63  }
0x808: {  	s13 =	simm.s32 $0x13200  }
0x809: {  	[tilespmem:s13], [sflag:$0x1] =	stream.indirect_vreg.gather [hbm4b:s4+s3], $0x80, v20, vm1, $0xb8;
	[tilespmem:$0x18280] =	vst v63  }
0x80a: {  	v20 =	vld [tilespmem:$0x260];
	_ =	sdelay $0x4  }
0x80b: {  	v46 =	vshrl.u32 v20, $0x3  }
0x80c: {  	v21 =	vmul.u32 $0x18, v46  }
0x80d: {  	v20 =	vand.u32 $0x7, v20  }
0x80e: {  	v20 =	vor.u32 v20, v21  }
0x80f: {  	v21 =	vperm.xlane v20, v5;
	_ =	sdelay $0x1  }
0x810: {  	v47 =	vperm.xlane v20, v7;
	v21 =	vadd.s32 v6, v21;
	_ =	sdelay $0x1  }
0x811: {  	v48 =	vperm.xlane v20, v8;
	v22 =	vadd.s32 v6, v47;
	_ =	sdelay $0x1  }
0x812: {  	s13 =	simm.s32 $0x13280;
	v49 =	vperm.xlane v20, v3;
	v23 =	vadd.s32 v6, v48  }
0x813: {  	[tilespmem:s13], [sflag:$0x1] =	stream.indirect_vreg.gather [hbm4b:s4+s3], $0x80, v21, vm1, $0xb8;
	[tilespmem:$0x18280] =	vst v63  }
0x814: {  	v51 =	vperm.xlane v20, v9;
	v50 =	vadd.s32 v6, v49;
	s13 =	simm.s32 $0x13300  }
0x815: {  	[tilespmem:s13], [sflag:$0x1] =	stream.indirect_vreg.gather [hbm4b:s4+s3], $0x80, v22, vm1, $0xb8;
	[tilespmem:$0x18280] =	vst v63  }
0x816: {  	v53 =	vperm.xlane v20, v10;
	v52 =	vadd.s32 v6, v51;
	s13 =	simm.s32 $0x13380  }
0x817: {  	[tilespmem:s13], [sflag:$0x1] =	stream.indirect_vreg.gather [hbm4b:s4+s3], $0x80, v23, vm1, $0xb8;
	[tilespmem:$0x18280] =	vst v63  }
0x818: {  	v55 =	vperm.xlane v20, v11;
	v54 =	vadd.s32 v6, v53;
	s13 =	simm.s32 $0x13400  }
0x819: {  	[tilespmem:s13], [sflag:$0x1] =	stream.indirect_vreg.gather [hbm4b:s4+s3], $0x80, v50, vm1, $0xb8;
	[tilespmem:$0x18280] =	vst v63  }
0x81a: {  	v57 =	vperm.xlane v20, v1;
	v56 =	vadd.s32 v6, v55;
	s13 =	simm.s32 $0x13480  }
0x81b: {  	[tilespmem:s13], [sflag:$0x1] =	stream.indirect_vreg.gather [hbm4b:s4+s3], $0x80, v52, vm1, $0xb8;
	[tilespmem:$0x18280] =	vst v63  }
0x81c: {  	v59 =	vperm.xlane v20, v12;
	v58 =	vadd.s32 v6, v57;
	s13 =	simm.s32 $0x13500  }
0x81d: {  	[tilespmem:s13], [sflag:$0x1] =	stream.indirect_vreg.gather [hbm4b:s4+s3], $0x80, v54, vm1, $0xb8;
	[tilespmem:$0x18280] =	vst v63  }
0x81e: {  	v61 =	vperm.xlane v20, v13;
	v60 =	vadd.s32 v6, v59;
	s13 =	simm.s32 $0x13580  }
0x81f: {  	[tilespmem:s13], [sflag:$0x1] =	stream.indirect_vreg.gather [hbm4b:s4+s3], $0x80, v56, vm1, $0xb8;
	[tilespmem:$0x18280] =	vst v63  }
0x820: {  	v63 =	vperm.xlane v20, v14;
	v62 =	vadd.s32 v6, v61;
	s13 =	simm.s32 $0x13600  }
0x821: {  	[tilespmem:s13], [sflag:$0x1] =	stream.indirect_vreg.gather [hbm4b:s4+s3], $0x80, v58, vm1, $0xb8;
	[tilespmem:$0x18280] =	vst v63  }
0x822: {  	v29 =	vperm.xlane v20, v15;
	v28 =	vadd.s32 v6, v63;
	s13 =	simm.s32 $0x13680  }
0x823: {  	[tilespmem:s13], [sflag:$0x1] =	stream.indirect_vreg.gather [hbm4b:s4+s3], $0x80, v60, vm1, $0xb8;
	[tilespmem:$0x18280] =	vst v63  }
0x824: {  	v31 =	vperm.xlane v20, v16;
	v30 =	vadd.s32 v6, v29;
	s13 =	simm.s32 $0x13700  }
0x825: {  	[tilespmem:s13], [sflag:$0x1] =	stream.indirect_vreg.gather [hbm4b:s4+s3], $0x80, v62, vm1, $0xb8;
	[tilespmem:$0x18280] =	vst v63  }
0x826: {  	v33 =	vperm.xlane v20, v17;
	v32 =	vadd.s32 v6, v31;
	s13 =	simm.s32 $0x13780  }
0x827: {  	[tilespmem:s13], [sflag:$0x1] =	stream.indirect_vreg.gather [hbm4b:s4+s3], $0x80, v28, vm1, $0xb8;
	[tilespmem:$0x18280] =	vst v63  }
0x828: {  	v35 =	vperm.xlane v20, v18;
	v34 =	vadd.s32 v6, v33;
	s13 =	simm.s32 $0x13800  }
0x829: {  	[tilespmem:s13], [sflag:$0x1] =	stream.indirect_vreg.gather [hbm4b:s4+s3], $0x80, v30, vm1, $0xb8;
	[tilespmem:$0x18280] =	vst v63  }
0x82a: {  	v20 =	vperm.xlane v20, v19;
	v36 =	vadd.s32 v6, v35;
	s13 =	simm.s32 $0x13880  }
0x82b: {  	[tilespmem:s13], [sflag:$0x1] =	stream.indirect_vreg.gather [hbm4b:s4+s3], $0x80, v32, vm1, $0xb8;
	[tilespmem:$0x18280] =	vst v63  }
0x82c: {  	v20 =	vadd.s32 v6, v20;
	s13 =	simm.s32 $0x13900  }
0x82d: {  	[tilespmem:s13], [sflag:$0x1] =	stream.indirect_vreg.gather [hbm4b:s4+s3], $0x80, v34, vm1, $0xb8;
	[tilespmem:$0x18280] =	vst v63  }
0x82e: {  	s13 =	simm.s32 $0x13980  }
0x82f: {  	[tilespmem:s13], [sflag:$0x1] =	stream.indirect_vreg.gather [hbm4b:s4+s3], $0x80, v36, vm1, $0xb8;
	[tilespmem:$0x18280] =	vst v63  }
0x830: {  	s13 =	simm.s32 $0x13A00  }
0x831: {  	[tilespmem:s13], [sflag:$0x1] =	stream.indirect_vreg.gather [hbm4b:s4+s3], $0x80, v20, vm1, $0xb8;
	[tilespmem:$0x18280] =	vst v63  }
0x832: {  	v20 =	vld [tilespmem:$0x270];
	_ =	sdelay $0x4  }
0x833: {  	v37 =	vshrl.u32 v20, $0x3  }
0x834: {  	v21 =	vmul.u32 $0x18, v37  }
0x835: {  	v20 =	vand.u32 $0x7, v20  }
0x836: {  	v20 =	vor.u32 v20, v21  }
0x837: {  	v21 =	vperm.xlane v20, v5;
	_ =	sdelay $0x1  }
0x838: {  	v38 =	vperm.xlane v20, v7;
	v21 =	vadd.s32 v6, v21;
	_ =	sdelay $0x1  }
0x839: {  	v39 =	vperm.xlane v20, v8;
	v22 =	vadd.s32 v6, v38;
	_ =	sdelay $0x1  }
0x83a: {  	s13 =	simm.s32 $0x13A80;
	v40 =	vperm.xlane v20, v3;
	v23 =	vadd.s32 v6, v39  }
0x83b: {  	[tilespmem:s13], [sflag:$0x1] =	stream.indirect_vreg.gather [hbm4b:s4+s3], $0x80, v21, vm1, $0xb8;
	[tilespmem:$0x18280] =	vst v63  }
0x83c: {  	v42 =	vperm.xlane v20, v9;
	v41 =	vadd.s32 v6, v40;
	s13 =	simm.s32 $0x13B00  }
0x83d: {  	[tilespmem:s13], [sflag:$0x1] =	stream.indirect_vreg.gather [hbm4b:s4+s3], $0x80, v22, vm1, $0xb8;
	[tilespmem:$0x18280] =	vst v63  }
0x83e: {  	v44 =	vperm.xlane v20, v10;
	v43 =	vadd.s32 v6, v42;
	s13 =	simm.s32 $0x13B80  }
0x83f: {  	[tilespmem:s13], [sflag:$0x1] =	stream.indirect_vreg.gather [hbm4b:s4+s3], $0x80, v23, vm1, $0xb8;
	[tilespmem:$0x18280] =	vst v63  }
0x840: {  	v46 =	vperm.xlane v20, v11;
	v45 =	vadd.s32 v6, v44;
	s13 =	simm.s32 $0x13C00  }
0x841: {  	[tilespmem:s13], [sflag:$0x1] =	stream.indirect_vreg.gather [hbm4b:s4+s3], $0x80, v41, vm1, $0xb8;
	[tilespmem:$0x18280] =	vst v63  }
0x842: {  	v48 =	vperm.xlane v20, v1;
	v47 =	vadd.s32 v6, v46;
	s13 =	simm.s32 $0x13C80  }
0x843: {  	[tilespmem:s13], [sflag:$0x1] =	stream.indirect_vreg.gather [hbm4b:s4+s3], $0x80, v43, vm1, $0xb8;
	[tilespmem:$0x18280] =	vst v63  }
0x844: {  	v50 =	vperm.xlane v20, v12;
	v49 =	vadd.s32 v6, v48;
	s13 =	simm.s32 $0x13D00  }
0x845: {  	[tilespmem:s13], [sflag:$0x1] =	stream.indirect_vreg.gather [hbm4b:s4+s3], $0x80, v45, vm1, $0xb8;
	[tilespmem:$0x18280] =	vst v63  }
0x846: {  	v52 =	vperm.xlane v20, v13;
	v51 =	vadd.s32 v6, v50;
	s13 =	simm.s32 $0x13D80  }
0x847: {  	[tilespmem:s13], [sflag:$0x1] =	stream.indirect_vreg.gather [hbm4b:s4+s3], $0x80, v47, vm1, $0xb8;
	[tilespmem:$0x18280] =	vst v63  }
0x848: {  	v54 =	vperm.xlane v20, v14;
	v53 =	vadd.s32 v6, v52;
	s13 =	simm.s32 $0x13E00  }
0x849: {  	[tilespmem:s13], [sflag:$0x1] =	stream.indirect_vreg.gather [hbm4b:s4+s3], $0x80, v49, vm1, $0xb8;
	[tilespmem:$0x18280] =	vst v63  }
0x84a: {  	v56 =	vperm.xlane v20, v15;
	v55 =	vadd.s32 v6, v54;
	s13 =	simm.s32 $0x13E80  }
0x84b: {  	[tilespmem:s13], [sflag:$0x1] =	stream.indirect_vreg.gather [hbm4b:s4+s3], $0x80, v51, vm1, $0xb8;
	[tilespmem:$0x18280] =	vst v63  }
0x84c: {  	v58 =	vperm.xlane v20, v16;
	v57 =	vadd.s32 v6, v56;
	s13 =	simm.s32 $0x13F00  }
0x84d: {  	[tilespmem:s13], [sflag:$0x1] =	stream.indirect_vreg.gather [hbm4b:s4+s3], $0x80, v53, vm1, $0xb8;
	[tilespmem:$0x18280] =	vst v63  }
0x84e: {  	v60 =	vperm.xlane v20, v17;
	v59 =	vadd.s32 v6, v58;
	s13 =	simm.s32 $0x13F80  }
0x84f: {  	[tilespmem:s13], [sflag:$0x1] =	stream.indirect_vreg.gather [hbm4b:s4+s3], $0x80, v55, vm1, $0xb8;
	[tilespmem:$0x18280] =	vst v63  }
0x850: {  	v62 =	vperm.xlane v20, v18;
	v61 =	vadd.s32 v6, v60;
	s13 =	simm.s32 $0x14000  }
0x851: {  	[tilespmem:s13], [sflag:$0x1] =	stream.indirect_vreg.gather [hbm4b:s4+s3], $0x80, v57, vm1, $0xb8;
	[tilespmem:$0x18280] =	vst v63  }
0x852: {  	v20 =	vperm.xlane v20, v19;
	v63 =	vadd.s32 v6, v62;
	s13 =	simm.s32 $0x14080  }
0x853: {  	[tilespmem:s13], [sflag:$0x1] =	stream.indirect_vreg.gather [hbm4b:s4+s3], $0x80, v59, vm1, $0xb8;
	[tilespmem:$0x18280] =	vst v63  }
0x854: {  	v20 =	vadd.s32 v6, v20;
	s13 =	simm.s32 $0x14100  }
0x855: {  	[tilespmem:s13], [sflag:$0x1] =	stream.indirect_vreg.gather [hbm4b:s4+s3], $0x80, v61, vm1, $0xb8;
	[tilespmem:$0x18280] =	vst v63  }
0x856: {  	s13 =	simm.s32 $0x14180  }
0x857: {  	[tilespmem:s13], [sflag:$0x1] =	stream.indirect_vreg.gather [hbm4b:s4+s3], $0x80, v63, vm1, $0xb8;
	[tilespmem:$0x18280] =	vst v63  }
0x858: {  	s13 =	simm.s32 $0x14200  }
0x859: {  	[tilespmem:s13], [sflag:$0x1] =	stream.indirect_vreg.gather [hbm4b:s4+s3], $0x80, v20, vm1, $0xb8;
	[tilespmem:$0x18280] =	vst v63  }
0x85a: {  	_ =	swait.ge [sflag:s12], $0x8000  }
0x85b: {  	[sflag:s12] =	ssyncset.done $0x0  }
0x85c: {  	[sflag:s12] =	ssyncadd.s32 $0xFFFF8000  }
0x85d: {  	_ =	swait.ge [sflag:s12], $0x4000  }
0x85e: {  	[sflag:s12] =	ssyncset.done $0x0  }
0x85f: {  	s0 =	simm.s32 $0x8280;
	s13 =	rddreg [dreg:$0xa];
	[sflag:s12] =	ssyncadd.s32 $0xFFFFC000  }
0x860: {  	[hbm4b:s13+s7] =	stream.strided.scatter [tilespmem:s0], [sflag:$0x3], $0x8000, s10, s7, $0x38;
	[tilespmem:$0x18280] =	vst v63  }
0x861: {  	_ =	swait.ge [sflag:s6], $0x8000  }
0x862: {  	[sflag:s6] =	ssyncset.done $0x0  }
0x863: {  	s11 =	simm.s32 $0x14280;
	s0 =	rddreg [dreg:$0xb];
	[sflag:s6] =	ssyncadd.s32 $0xFFFF8000  }
0x864: {  	[hbm4b:s0+s8] =	stream.strided.scatter [tilespmem:s11], [sflag:$0x3], $0x4000, s10, s8, $0x38;
	[tilespmem:$0x18280] =	vst v63  }
0x865: {  	_ =	swait.ge [sflag:s6], $0x4000  }
0x866: {  	[sflag:s6] =	ssyncset.done $0x0  }
0x867: {  	[sflag:s6] =	ssyncadd.s32 $0xFFFFC000  }
0x868: {  	_ =	swait.ge [sflag:s9], $0x8000  }
0x869: {  	[sflag:s9] =	ssyncset.done $0x0  }
0x86a: {  	[sflag:s9] =	ssyncadd.s32 $0xFFFF8000  }
0x86b: {  	_ =	swait.ge [sflag:s9], $0x4000  }
0x86c: {  	[sflag:s9] =	ssyncset.done $0x0  }
0x86d: {  	s1 =	simm.s32 $0x280;
	s0 =	rddreg [dreg:$0xc];
	[sflag:s9] =	ssyncadd.s32 $0xFFFFC000  }
0x86e: {  	[hbm4b:s0+s7] =	stream.strided.scatter [tilespmem:s1], [sflag:$0x3], $0x8000, s10, s7, $0x38;
	[tilespmem:$0x18280] =	vst v63  }
0x86f: {  	_ =	swait.ge [sflag:s6], $0x8000  }
0x870: {  	p0 =	sne.s32 s5, $0x1;
	s14 =	simm.s32 $0x10280;
	[sflag:s6] =	ssyncset.done $0x0  }
.Ltmp0:
0x871: {  	s11 =	rddreg [dreg:$0xd];
	[sflag:s6] =	ssyncadd.s32 $0xFFFF8000;
	(pc) =	sbr.rel @p0 .LBB2_1-.Ltmp0, $4  }
0x872: {  	[hbm4b:s11+s8] =	stream.strided.scatter [tilespmem:s14], [sflag:$0x3], $0x4000, s10, s8, $0x38;
	[tilespmem:$0x18280] =	vst v63  }
0x873: {  	_ =	swait.ge [sflag:s6], $0x4000  }
0x874: {  	[sflag:s6] =	ssyncset.done $0x0  }
0x875: {  	s5 =	sadd.s32 $0xFFFFFFFF, s5;
	[sflag:s6] =	ssyncadd.s32 $0xFFFFC000  }
0x876: {  	_ =	sfence.sel $0x180000  }
0x877: {  	[bflag:$0x0] =	sbarrier.arrive $0xFFFF  }
0x878: {  	_ =	strace $0x90000047  }
0x879: {  	s0 =	stileid.u32;
	[bflag:$0x2] =	sbarrier.arrive $0xFFFF  }
0x87a: {  	p0 =	sne.s32 s0, $0x0;
	s0 =	rddreg [dreg:$0x2]  }
0x87b: {  	s0 =	sadd.s32 @!p0 $0x100000, s0  }
0x87c: {  	[sflag:s0] =	ssyncadd.tile.s32 @!p0 $0x1;
	_ =	shalt  }
.Lfunc_end2:
_tile_overlayer_lowered:
.L_overlay_start_2:
0x87d: {  	(tag) =	ssettag $0x2  }
0x87e: {  	s0 =	rddreg [dreg:$0x0];
	s2 =	stileid.u32  }
0x87f: {  	s1 =	rddreg [dreg:$0x1];
	p0 =	sne.s32 s2, $0x0  }
0x880: {  	s3 =	rddreg [dreg:$0x2];
	[bflag:$0x3] =	sbarrier.arrive $0xFFFF;
	s2 =	simm.s32 @!p0 $0x1C03  }
0x881: {  	[timem:s3], [sflag:s2] =	dma.local @!p0 [hbm:s0], s1  }
0x882: {  	s0 =	simm.s32 @!p0 $0x3  }
0x883: {  	_ =	swait.ge @!p0 [sflag:s0], s1  }
0x884: {  	s1 =	ssub.s32 @!p0 $0x0, s1;
	[sflag:s0] =	ssyncset.done @!p0 $0x0  }
0x885: {  	[sflag:s0] =	ssyncadd.s32 @!p0 s1  }
0x886: {  	[bflag:$0x3] =	sbarrier.arrive $0xFFFF  }
0x887: {  	_ =	shalt  }

</sc_bundles>
